<compile_context>
chip_gen: v7x
topology: tpu7x:2x2x1
jax: 0.10.2.dev20260603
libtpu: 0.0.44.dev20260713+nightly
codegen_flags: <defaults>
</compile_context>

<pallas_src>
import functools

import jax
import jax.numpy as jnp
from jax import lax
from jax.experimental import pallas as pl
from jax.experimental.pallas import tpu as pltpu
from jax.experimental.pallas import tpu_sc as plsc

_D = 128
_M = 32
_N = 10000
_ITERS = 3

_TOT = _N * _M
_K = 5
_CH = 80


_NB = 5


def _sc_gather(x, idx3):
    info = plsc.get_sparse_core_info()
    nw = info.num_cores * info.num_subcores
    n_ch = idx3.shape[1]
    rows = nw * n_ch * _CH
    assert n_ch % _NB == 0

    mesh = plsc.VectorSubcoreMesh(core_axis_name="c", subcore_axis_name="s")

    @functools.partial(
        pl.kernel,
        mesh=mesh,
        out_type=jax.ShapeDtypeStruct((rows, _D), x.dtype),
        scratch_types=[
            pltpu.VMEM((n_ch, _CH), jnp.int32),
            pltpu.VMEM((_NB, _CH, _D), x.dtype),
            pltpu.SemaphoreType.DMA((_NB,)),
            pltpu.SemaphoreType.DMA((_NB,)),
        ],
    )
    def k(x_hbm, idx_hbm, z_hbm, idx_v, rows_v, gs, ws):
        wid = lax.axis_index("s") * info.num_cores + lax.axis_index("c")
        chunk0 = wid * n_ch
        pltpu.sync_copy(idx_hbm.at[wid], idx_v)

        def gather(j, b):
            return pltpu.make_async_copy(
                x_hbm.at[idx_v.at[j]], rows_v.at[b], gs.at[b])

        def wback(j, b):
            return pltpu.make_async_copy(
                rows_v.at[b], z_hbm.at[pl.ds((chunk0 + j) * _CH, _CH)],
                ws.at[b])

        for b in range(_NB - 1):
            gather(b, b).start()

        def outer(t, carry):
            for b in range(_NB):
                j = t * _NB + b
                jn = j + _NB - 1
                bn = (b + _NB - 1) % _NB

                @pl.when(jn < n_ch)
                def _():
                    @pl.when(j > 0)
                    def _():
                        wback(j - 1, bn).wait()
                    gather(jn, bn).start()

                gather(j, b).wait()
                wback(j, b).start()
            return carry

        lax.fori_loop(0, n_ch // _NB, outer, 0)
        for b in range(_NB):
            wback(n_ch - _NB + b, b).wait()

    return k(x, idx3)


_B = 400


def _routing_body(z_ref, x_ref, o_ref):
    b = _B
    zf = z_ref[...].astype(jnp.float32)
    xb = x_ref[...]

    ones = jnp.ones((_D, _D), jnp.float32)

    s = jnp.dot(zf * zf, ones)
    zf = zf * lax.rsqrt(jnp.maximum(s, 1e-24))
    sx = jnp.dot(xb * xb, ones)
    xb = xb * lax.rsqrt(jnp.maximum(sx, 1e-24))

    z = zf.reshape(b, _M, _D)

    u = jnp.sum(z, axis=1) * (1.0 / _M) + xb

    for it in range(1, _ITERS):
        n2 = jnp.dot(u * u, ones)
        u = u * (n2 * lax.rsqrt(jnp.maximum(n2, 1e-24)) / (n2 + 1.0))

        t = z * u[:, None, :]
        d = jnp.dot(t.reshape(b * _M, _D), ones).reshape(b, _M, _D)
        e = jnp.exp(d)
        num = jnp.sum(e * z, axis=1)
        den = jnp.sum(e, axis=1)
        u = num / den + xb

    o_ref[...] = u


def _tc_routing(z, x):
    n = x.shape[0]
    return pl.pallas_call(
        _routing_body,
        grid=(n // _B,),
        in_specs=[
            pl.BlockSpec((_B * _M, _D), lambda i: (i, 0)),
            pl.BlockSpec((_B, _D), lambda i: (i, 0)),
        ],
        out_specs=pl.BlockSpec((_B, _D), lambda i: (i, 0)),
        out_shape=jax.ShapeDtypeStruct((n, _D), jnp.float32),
    )(z, x)


def kernel(x, x_nb):
    idx = jnp.where(x_nb == 0, _N - 1, x_nb - 1).astype(jnp.int32)
    ns = _N // _K
    outs = []
    for s in range(_K):
        idx3 = idx[s * ns:(s + 1) * ns].reshape(32, ns * _M // (32 * _CH), _CH)
        z = _sc_gather(x, idx3)
        outs.append(_tc_routing(z, x[s * ns:(s + 1) * ns]))
    return jnp.concatenate(outs, axis=0)

# --- scband reference (transcript-rebuilt; emitter-appended) ---
"""Pipeline reference for scband-neighbor-routing-agg-53927609368716 (READ-ONLY COPY).

The authoritative reference and input builder live on the scoring server;
editing this copy changes nothing except your own understanding.
"""

import jax, jax.numpy as jnp
import numpy as np

HIDDEN_SIZE = 128
ROUTING_ITER = 3
N = 10000
M = 32

def _l2norm(v, axis):
    nrm = jnp.linalg.norm(v, axis=axis, keepdims=True)
    return v / jnp.maximum(nrm, 1e-12)

def setup_inputs(seed: int = 0) -> dict:
    key = jax.random.key(seed)
    k1, k2 = jax.random.split(key)
    x = jax.random.normal(k1, (N, HIDDEN_SIZE), dtype=jnp.float32)
    x_nb = jax.random.randint(k2, (N, M), 0, N, dtype=jnp.int32)
    return {"x": x, "x_nb": x_nb}

def reference(x, x_nb):
    n, m = x_nb.shape
    d = HIDDEN_SIZE
    x = _l2norm(x, axis=1)
    # gather neighbor features (1-indexed in original module, negative wraps like torch)
    z = x[x_nb - 1]  # (n, m, d)
    u = None
    for clus_iter in range(ROUTING_ITER):
        if u is None:
            p = jnp.zeros((n, m), dtype=x.dtype)
        else:
            p = jnp.sum(z * u.reshape(n, 1, d), axis=2)
        p = jax.nn.softmax(p, axis=1)
        u = jnp.sum(z * p.reshape(n, m, 1), axis=1)
        u = u + x.reshape(n, d)
        if clus_iter < ROUTING_ITER - 1:
            nrm = jnp.linalg.norm(u, axis=1)
            squash = nrm ** 2 / (nrm ** 2 + 1)
            u = squash[:, None] * _l2norm(u, axis=1)
    return u.reshape(n, d)

if __name__ == "__main__":
    import jax
    _d = setup_inputs()
    print(jax.jit(kernel)(*tuple(_d.values())))

</pallas_src>

<mosaic_0001>
#map = affine_map<(d0, d1) -> (0, 0)>
#map1 = affine_map<(d0, d1) -> (0, 0, 0)>
module attributes {stable_mosaic.version = 14 : i64} {
  func.func @k(%arg0: i32, %arg1: i32, %arg2: memref<10000x128xf32, #tpu.memory_space<hbm>>, %arg3: memref<32x25x80xi32, #tpu.memory_space<hbm>>, %arg4: memref<64000x128xf32, #tpu.memory_space<hbm>>, %arg5: memref<25x80xi32, #tpu.memory_space<vmem>>, %arg6: memref<5x80x128xf32, #tpu.memory_space<vmem>>, %arg7: memref<5x!tpu.dma_semaphore, #tpu.memory_space<semaphore_mem>>, %arg8: memref<5x!tpu.dma_semaphore, #tpu.memory_space<semaphore_mem>>) attributes {dimension_semantics = [#tpu.dimension_semantics<core_parallel>, #tpu.dimension_semantics<subcore_parallel>], iteration_bounds = array<i64: 2, 16>, scalar_prefetch = 0 : i64, scratch_operands = 4 : i64, tpu.core_type = #tpu.core_type<sc_vector_subcore>, window_params = [{transform_indices = #map}, {transform_indices = #map1}, {transform_indices = #map}]} {
    %mul3A = arith.constant 2 : i32
    %mul3A_0 = arith.muli %arg1, %mul3A : i32
    %add3A = arith.addi %mul3A_0, %arg0 : i32
    %mul3A_1 = arith.constant 25 : i32
    %mul3A_2 = arith.muli %add3A, %mul3A_1 : i32
    "tpu.region"() ({
      %run_scoped3A = tpu.sem_alloc : memref<!tpu.dma_semaphore, #tpu.memory_space<semaphore_mem>>
      %dma_start3A_166 = arith.constant 0 : i32
      %dma_start3A_167 = arith.constant 0 : i32
      %dma_start3A_168 = tpu.memref_slice %arg3[%add3A, %dma_start3A_166, %dma_start3A_167] : memref<32x25x80xi32, #tpu.memory_space<hbm>> -> memref<1x25x80xi32, #tpu.memory_space<hbm>>
      %dma_start3A_169 = tpu.memref_squeeze %dma_start3A_168 : memref<1x25x80xi32, #tpu.memory_space<hbm>> -> memref<25x80xi32, #tpu.memory_space<hbm>>
      %dma_start3A_170 = arith.constant 0 : i32
      %dma_start3A_171 = arith.constant 0 : i32
      %dma_start3A_172 = tpu.memref_slice %arg3[%add3A, %dma_start3A_170, %dma_start3A_171] : memref<32x25x80xi32, #tpu.memory_space<hbm>> -> memref<1x25x80xi32, #tpu.memory_space<hbm>>
      %dma_start3A_173 = tpu.memref_squeeze %dma_start3A_172 : memref<1x25x80xi32, #tpu.memory_space<hbm>> -> memref<25x80xi32, #tpu.memory_space<hbm>>
      tpu.enqueue_dma source(%dma_start3A_173 : memref<25x80xi32, #tpu.memory_space<hbm>>) target(%arg5 : memref<25x80xi32, #tpu.memory_space<vmem>>) target_semaphore(%run_scoped3A : memref<!tpu.dma_semaphore, #tpu.memory_space<semaphore_mem>>)
      %dma_wait3A_174 = arith.constant 0 : i32
      %dma_wait3A_175 = arith.constant 0 : i32
      %dma_wait3A_176 = tpu.memref_slice %arg3[%add3A, %dma_wait3A_174, %dma_wait3A_175] : memref<32x25x80xi32, #tpu.memory_space<hbm>> -> memref<1x25x80xi32, #tpu.memory_space<hbm>>
      %dma_wait3A_177 = tpu.memref_squeeze %dma_wait3A_176 : memref<1x25x80xi32, #tpu.memory_space<hbm>> -> memref<25x80xi32, #tpu.memory_space<hbm>>
      %dma_wait3A_178 = arith.constant 0 : i32
      %dma_wait3A_179 = arith.constant 0 : i32
      %dma_wait3A_180 = tpu.memref_slice %arg3[%add3A, %dma_wait3A_178, %dma_wait3A_179] : memref<32x25x80xi32, #tpu.memory_space<hbm>> -> memref<1x25x80xi32, #tpu.memory_space<hbm>>
      %dma_wait3A_181 = tpu.memref_squeeze %dma_wait3A_180 : memref<1x25x80xi32, #tpu.memory_space<hbm>> -> memref<25x80xi32, #tpu.memory_space<hbm>>
      tpu.wait_dma2 semaphore(%run_scoped3A : memref<!tpu.dma_semaphore, #tpu.memory_space<semaphore_mem>>) src(%dma_wait3A_181 : memref<25x80xi32, #tpu.memory_space<hbm>>) dst(%arg5 : memref<25x80xi32, #tpu.memory_space<vmem>>)
      tpu.yield
    }) : () -> ()
    %dma_start3A = arith.constant 0 : i32
    %dma_start3A_3 = arith.constant 0 : i32
    %dma_start3A_4 = arith.constant 0 : i32
    %dma_start3A_5 = arith.constant 0 : i32
    %dma_start3A_6 = arith.constant 0 : i32
    %dma_start3A_7 = tpu.memref_slice %arg6[%dma_start3A_3, %dma_start3A_5, %dma_start3A_6] : memref<5x80x128xf32, #tpu.memory_space<vmem>> -> memref<1x80x128xf32, #tpu.memory_space<vmem>>
    %dma_start3A_8 = tpu.memref_squeeze %dma_start3A_7 : memref<1x80x128xf32, #tpu.memory_space<vmem>> -> memref<80x128xf32, #tpu.memory_space<vmem>>
    %dma_start3A_9 = arith.constant 0 : i32
    %dma_start3A_10 = tpu.memref_slice %arg5[%dma_start3A, %dma_start3A_9] : memref<25x80xi32, #tpu.memory_space<vmem>> -> memref<1x80xi32, #tpu.memory_space<vmem>>
    %dma_start3A_11 = tpu.memref_squeeze %dma_start3A_10 : memref<1x80xi32, #tpu.memory_space<vmem>> -> memref<80xi32, #tpu.memory_space<vmem>>
    %dma_start3A_12 = arith.constant 0 : i32
    %dma_start3A_13 = arith.constant 0 : i32
    %dma_start3A_14 = tpu.memref_slice %arg2[%dma_start3A_12, %dma_start3A_13] : memref<10000x128xf32, #tpu.memory_space<hbm>> -> memref<10000x128xf32, #tpu.memory_space<hbm>>
    %dma_start3A_15 = tpu.memref_slice %arg7[%dma_start3A_4] : memref<5x!tpu.dma_semaphore, #tpu.memory_space<semaphore_mem>> -> memref<1x!tpu.dma_semaphore, #tpu.memory_space<semaphore_mem>>
    %dma_start3A_16 = tpu.memref_squeeze %dma_start3A_15 : memref<1x!tpu.dma_semaphore, #tpu.memory_space<semaphore_mem>> -> memref<!tpu.dma_semaphore, #tpu.memory_space<semaphore_mem>>
    tpu.enqueue_indirect_dma source(%dma_start3A_14 : memref<10000x128xf32, #tpu.memory_space<hbm>>) target(%dma_start3A_8 : memref<80x128xf32, #tpu.memory_space<vmem>>) offsets(%dma_start3A_11 : memref<80xi32, #tpu.memory_space<vmem>>) semaphore(%dma_start3A_16 : memref<!tpu.dma_semaphore, #tpu.memory_space<semaphore_mem>>)
    %dma_start3A_17 = arith.constant 1 : i32
    %dma_start3A_18 = arith.constant 1 : i32
    %dma_start3A_19 = arith.constant 1 : i32
    %dma_start3A_20 = arith.constant 0 : i32
    %dma_start3A_21 = arith.constant 0 : i32
    %dma_start3A_22 = tpu.memref_slice %arg6[%dma_start3A_18, %dma_start3A_20, %dma_start3A_21] : memref<5x80x128xf32, #tpu.memory_space<vmem>> -> memref<1x80x128xf32, #tpu.memory_space<vmem>>
    %dma_start3A_23 = tpu.memref_squeeze %dma_start3A_22 : memref<1x80x128xf32, #tpu.memory_space<vmem>> -> memref<80x128xf32, #tpu.memory_space<vmem>>
    %dma_start3A_24 = arith.constant 0 : i32
    %dma_start3A_25 = tpu.memref_slice %arg5[%dma_start3A_17, %dma_start3A_24] : memref<25x80xi32, #tpu.memory_space<vmem>> -> memref<1x80xi32, #tpu.memory_space<vmem>>
    %dma_start3A_26 = tpu.memref_squeeze %dma_start3A_25 : memref<1x80xi32, #tpu.memory_space<vmem>> -> memref<80xi32, #tpu.memory_space<vmem>>
    %dma_start3A_27 = arith.constant 0 : i32
    %dma_start3A_28 = arith.constant 0 : i32
    %dma_start3A_29 = tpu.memref_slice %arg2[%dma_start3A_27, %dma_start3A_28] : memref<10000x128xf32, #tpu.memory_space<hbm>> -> memref<10000x128xf32, #tpu.memory_space<hbm>>
    %dma_start3A_30 = tpu.memref_slice %arg7[%dma_start3A_19] : memref<5x!tpu.dma_semaphore, #tpu.memory_space<semaphore_mem>> -> memref<1x!tpu.dma_semaphore, #tpu.memory_space<semaphore_mem>>
    %dma_start3A_31 = tpu.memref_squeeze %dma_start3A_30 : memref<1x!tpu.dma_semaphore, #tpu.memory_space<semaphore_mem>> -> memref<!tpu.dma_semaphore, #tpu.memory_space<semaphore_mem>>
    tpu.enqueue_indirect_dma source(%dma_start3A_29 : memref<10000x128xf32, #tpu.memory_space<hbm>>) target(%dma_start3A_23 : memref<80x128xf32, #tpu.memory_space<vmem>>) offsets(%dma_start3A_26 : memref<80xi32, #tpu.memory_space<vmem>>) semaphore(%dma_start3A_31 : memref<!tpu.dma_semaphore, #tpu.memory_space<semaphore_mem>>)
    %dma_start3A_32 = arith.constant 2 : i32
    %dma_start3A_33 = arith.constant 2 : i32
    %dma_start3A_34 = arith.constant 2 : i32
    %dma_start3A_35 = arith.constant 0 : i32
    %dma_start3A_36 = arith.constant 0 : i32
    %dma_start3A_37 = tpu.memref_slice %arg6[%dma_start3A_33, %dma_start3A_35, %dma_start3A_36] : memref<5x80x128xf32, #tpu.memory_space<vmem>> -> memref<1x80x128xf32, #tpu.memory_space<vmem>>
    %dma_start3A_38 = tpu.memref_squeeze %dma_start3A_37 : memref<1x80x128xf32, #tpu.memory_space<vmem>> -> memref<80x128xf32, #tpu.memory_space<vmem>>
    %dma_start3A_39 = arith.constant 0 : i32
    %dma_start3A_40 = tpu.memref_slice %arg5[%dma_start3A_32, %dma_start3A_39] : memref<25x80xi32, #tpu.memory_space<vmem>> -> memref<1x80xi32, #tpu.memory_space<vmem>>
    %dma_start3A_41 = tpu.memref_squeeze %dma_start3A_40 : memref<1x80xi32, #tpu.memory_space<vmem>> -> memref<80xi32, #tpu.memory_space<vmem>>
    %dma_start3A_42 = arith.constant 0 : i32
    %dma_start3A_43 = arith.constant 0 : i32
    %dma_start3A_44 = tpu.memref_slice %arg2[%dma_start3A_42, %dma_start3A_43] : memref<10000x128xf32, #tpu.memory_space<hbm>> -> memref<10000x128xf32, #tpu.memory_space<hbm>>
    %dma_start3A_45 = tpu.memref_slice %arg7[%dma_start3A_34] : memref<5x!tpu.dma_semaphore, #tpu.memory_space<semaphore_mem>> -> memref<1x!tpu.dma_semaphore, #tpu.memory_space<semaphore_mem>>
    %dma_start3A_46 = tpu.memref_squeeze %dma_start3A_45 : memref<1x!tpu.dma_semaphore, #tpu.memory_space<semaphore_mem>> -> memref<!tpu.dma_semaphore, #tpu.memory_space<semaphore_mem>>
    tpu.enqueue_indirect_dma source(%dma_start3A_44 : memref<10000x128xf32, #tpu.memory_space<hbm>>) target(%dma_start3A_38 : memref<80x128xf32, #tpu.memory_space<vmem>>) offsets(%dma_start3A_41 : memref<80xi32, #tpu.memory_space<vmem>>) semaphore(%dma_start3A_46 : memref<!tpu.dma_semaphore, #tpu.memory_space<semaphore_mem>>)
    %dma_start3A_47 = arith.constant 3 : i32
    %dma_start3A_48 = arith.constant 3 : i32
    %dma_start3A_49 = arith.constant 3 : i32
    %dma_start3A_50 = arith.constant 0 : i32
    %dma_start3A_51 = arith.constant 0 : i32
    %dma_start3A_52 = tpu.memref_slice %arg6[%dma_start3A_48, %dma_start3A_50, %dma_start3A_51] : memref<5x80x128xf32, #tpu.memory_space<vmem>> -> memref<1x80x128xf32, #tpu.memory_space<vmem>>
    %dma_start3A_53 = tpu.memref_squeeze %dma_start3A_52 : memref<1x80x128xf32, #tpu.memory_space<vmem>> -> memref<80x128xf32, #tpu.memory_space<vmem>>
    %dma_start3A_54 = arith.constant 0 : i32
    %dma_start3A_55 = tpu.memref_slice %arg5[%dma_start3A_47, %dma_start3A_54] : memref<25x80xi32, #tpu.memory_space<vmem>> -> memref<1x80xi32, #tpu.memory_space<vmem>>
    %dma_start3A_56 = tpu.memref_squeeze %dma_start3A_55 : memref<1x80xi32, #tpu.memory_space<vmem>> -> memref<80xi32, #tpu.memory_space<vmem>>
    %dma_start3A_57 = arith.constant 0 : i32
    %dma_start3A_58 = arith.constant 0 : i32
    %dma_start3A_59 = tpu.memref_slice %arg2[%dma_start3A_57, %dma_start3A_58] : memref<10000x128xf32, #tpu.memory_space<hbm>> -> memref<10000x128xf32, #tpu.memory_space<hbm>>
    %dma_start3A_60 = tpu.memref_slice %arg7[%dma_start3A_49] : memref<5x!tpu.dma_semaphore, #tpu.memory_space<semaphore_mem>> -> memref<1x!tpu.dma_semaphore, #tpu.memory_space<semaphore_mem>>
    %dma_start3A_61 = tpu.memref_squeeze %dma_start3A_60 : memref<1x!tpu.dma_semaphore, #tpu.memory_space<semaphore_mem>> -> memref<!tpu.dma_semaphore, #tpu.memory_space<semaphore_mem>>
    tpu.enqueue_indirect_dma source(%dma_start3A_59 : memref<10000x128xf32, #tpu.memory_space<hbm>>) target(%dma_start3A_53 : memref<80x128xf32, #tpu.memory_space<vmem>>) offsets(%dma_start3A_56 : memref<80xi32, #tpu.memory_space<vmem>>) semaphore(%dma_start3A_61 : memref<!tpu.dma_semaphore, #tpu.memory_space<semaphore_mem>>)
    %scan3A = arith.constant 0 : i32
    %scan3A_62 = arith.constant 0 : i32
    %scan3A_63 = arith.constant 5 : i32
    %scan3A_64 = arith.addi %scan3A_62, %scan3A_63 : i32
    %scan3A_65 = arith.constant 1 : i32
    scf.for %scan3A_166 = %scan3A_62 to %scan3A_64 step %scan3A_65  : i32 {
      %mul3A_167 = arith.constant 5 : i32
      %mul3A_168 = arith.muli %scan3A_166, %mul3A_167 : i32
      %add3A_169 = arith.constant 0 : i32
      %add3A_170 = arith.addi %mul3A_168, %add3A_169 : i32
      %add3A_171 = arith.constant 5 : i32
      %add3A_172 = arith.addi %add3A_170, %add3A_171 : i32
      %sub3A = arith.constant 1 : i32
      %sub3A_173 = arith.subi %add3A_172, %sub3A : i32
      %lt3A = arith.constant 25 : i32
      %lt3A_174 = arith.cmpi slt, %sub3A_173, %lt3A : i32
      %convert_element_type3A = arith.extui %lt3A_174 : i1 to i32
      %cond3A = arith.constant 0 : i32
      %cond3A_175 = arith.cmpi ne, %convert_element_type3A, %cond3A : i32
      scf.if %cond3A_175 {
        %gt3A = arith.constant 0 : i32
        %gt3A_393 = arith.cmpi sgt, %add3A_170, %gt3A : i32
        %convert_element_type3A_394 = arith.extui %gt3A_393 : i1 to i32
        %cond3A_395 = arith.constant 0 : i32
        %cond3A_396 = arith.cmpi ne, %convert_element_type3A_394, %cond3A_395 : i32
        scf.if %cond3A_396 {
          %sub3A_411 = arith.constant 1 : i32
          %sub3A_412 = arith.subi %add3A_170, %sub3A_411 : i32
          %add3A_413 = arith.addi %mul3A_2, %sub3A_412 : i32
          %mul3A_414 = arith.constant 80 : i32
          %mul3A_415 = arith.muli %add3A_413, %mul3A_414 : i32
          %dma_wait3A_416 = arith.constant 4 : i32
          %dma_wait3A_417 = arith.constant 4 : i32
          %dma_wait3A_418 = arith.constant 0 : i32
          %dma_wait3A_419 = arith.constant 0 : i32
          %dma_wait3A_420 = tpu.memref_slice %arg6[%dma_wait3A_416, %dma_wait3A_418, %dma_wait3A_419] : memref<5x80x128xf32, #tpu.memory_space<vmem>> -> memref<1x80x128xf32, #tpu.memory_space<vmem>>
          %dma_wait3A_421 = tpu.memref_squeeze %dma_wait3A_420 : memref<1x80x128xf32, #tpu.memory_space<vmem>> -> memref<80x128xf32, #tpu.memory_space<vmem>>
          %dma_wait3A_422 = arith.constant 0 : i32
          %dma_wait3A_423 = tpu.memref_slice %arg4[%mul3A_415, %dma_wait3A_422] : memref<64000x128xf32, #tpu.memory_space<hbm>> -> memref<80x128xf32, #tpu.memory_space<hbm>>
          %dma_wait3A_424 = tpu.memref_slice %arg8[%dma_wait3A_417] : memref<5x!tpu.dma_semaphore, #tpu.memory_space<semaphore_mem>> -> memref<1x!tpu.dma_semaphore, #tpu.memory_space<semaphore_mem>>
          %dma_wait3A_425 = tpu.memref_squeeze %dma_wait3A_424 : memref<1x!tpu.dma_semaphore, #tpu.memory_space<semaphore_mem>> -> memref<!tpu.dma_semaphore, #tpu.memory_space<semaphore_mem>>
          %dma_wait3A_426 = arith.constant 0 : i32
          %dma_wait3A_427 = tpu.memref_slice %arg4[%mul3A_415, %dma_wait3A_426] : memref<64000x128xf32, #tpu.memory_space<hbm>> -> memref<80x128xf32, #tpu.memory_space<hbm>>
          %dma_wait3A_428 = arith.constant 0 : i32
          %dma_wait3A_429 = arith.constant 0 : i32
          %dma_wait3A_430 = tpu.memref_slice %arg6[%dma_wait3A_416, %dma_wait3A_428, %dma_wait3A_429] : memref<5x80x128xf32, #tpu.memory_space<vmem>> -> memref<1x80x128xf32, #tpu.memory_space<vmem>>
          %dma_wait3A_431 = tpu.memref_squeeze %dma_wait3A_430 : memref<1x80x128xf32, #tpu.memory_space<vmem>> -> memref<80x128xf32, #tpu.memory_space<vmem>>
          tpu.wait_dma2 semaphore(%dma_wait3A_425 : memref<!tpu.dma_semaphore, #tpu.memory_space<semaphore_mem>>) src(%dma_wait3A_431 : memref<80x128xf32, #tpu.memory_space<vmem>>) dst(%dma_wait3A_427 : memref<80x128xf32, #tpu.memory_space<hbm>>)
        } else {
        }
        %dma_start3A_397 = arith.constant 4 : i32
        %dma_start3A_398 = arith.constant 4 : i32
        %dma_start3A_399 = arith.constant 0 : i32
        %dma_start3A_400 = arith.constant 0 : i32
        %dma_start3A_401 = tpu.memref_slice %arg6[%dma_start3A_397, %dma_start3A_399, %dma_start3A_400] : memref<5x80x128xf32, #tpu.memory_space<vmem>> -> memref<1x80x128xf32, #tpu.memory_space<vmem>>
        %dma_start3A_402 = tpu.memref_squeeze %dma_start3A_401 : memref<1x80x128xf32, #tpu.memory_space<vmem>> -> memref<80x128xf32, #tpu.memory_space<vmem>>
        %dma_start3A_403 = arith.constant 0 : i32
        %dma_start3A_404 = tpu.memref_slice %arg5[%sub3A_173, %dma_start3A_403] : memref<25x80xi32, #tpu.memory_space<vmem>> -> memref<1x80xi32, #tpu.memory_space<vmem>>
        %dma_start3A_405 = tpu.memref_squeeze %dma_start3A_404 : memref<1x80xi32, #tpu.memory_space<vmem>> -> memref<80xi32, #tpu.memory_space<vmem>>
        %dma_start3A_406 = arith.constant 0 : i32
        %dma_start3A_407 = arith.constant 0 : i32
        %dma_start3A_408 = tpu.memref_slice %arg2[%dma_start3A_406, %dma_start3A_407] : memref<10000x128xf32, #tpu.memory_space<hbm>> -> memref<10000x128xf32, #tpu.memory_space<hbm>>
        %dma_start3A_409 = tpu.memref_slice %arg7[%dma_start3A_398] : memref<5x!tpu.dma_semaphore, #tpu.memory_space<semaphore_mem>> -> memref<1x!tpu.dma_semaphore, #tpu.memory_space<semaphore_mem>>
        %dma_start3A_410 = tpu.memref_squeeze %dma_start3A_409 : memref<1x!tpu.dma_semaphore, #tpu.memory_space<semaphore_mem>> -> memref<!tpu.dma_semaphore, #tpu.memory_space<semaphore_mem>>
        tpu.enqueue_indirect_dma source(%dma_start3A_408 : memref<10000x128xf32, #tpu.memory_space<hbm>>) target(%dma_start3A_402 : memref<80x128xf32, #tpu.memory_space<vmem>>) offsets(%dma_start3A_405 : memref<80xi32, #tpu.memory_space<vmem>>) semaphore(%dma_start3A_410 : memref<!tpu.dma_semaphore, #tpu.memory_space<semaphore_mem>>)
      } else {
      }
      %dma_wait3A_176 = arith.constant 0 : i32
      %dma_wait3A_177 = arith.constant 0 : i32
      %dma_wait3A_178 = arith.constant 0 : i32
      %dma_wait3A_179 = arith.constant 0 : i32
      %dma_wait3A_180 = tpu.memref_slice %arg6[%dma_wait3A_176, %dma_wait3A_178, %dma_wait3A_179] : memref<5x80x128xf32, #tpu.memory_space<vmem>> -> memref<1x80x128xf32, #tpu.memory_space<vmem>>
      %dma_wait3A_181 = tpu.memref_squeeze %dma_wait3A_180 : memref<1x80x128xf32, #tpu.memory_space<vmem>> -> memref<80x128xf32, #tpu.memory_space<vmem>>
      %dma_wait3A_182 = arith.constant 0 : i32
      %dma_wait3A_183 = tpu.memref_slice %arg5[%add3A_170, %dma_wait3A_182] : memref<25x80xi32, #tpu.memory_space<vmem>> -> memref<1x80xi32, #tpu.memory_space<vmem>>
      %dma_wait3A_184 = tpu.memref_squeeze %dma_wait3A_183 : memref<1x80xi32, #tpu.memory_space<vmem>> -> memref<80xi32, #tpu.memory_space<vmem>>
      %dma_wait3A_185 = arith.constant 0 : i32
      %dma_wait3A_186 = arith.constant 0 : i32
      %dma_wait3A_187 = tpu.memref_slice %arg2[%dma_wait3A_185, %dma_wait3A_186] : memref<10000x128xf32, #tpu.memory_space<hbm>> -> memref<10000x128xf32, #tpu.memory_space<hbm>>
      %dma_wait3A_188 = tpu.memref_slice %arg7[%dma_wait3A_177] : memref<5x!tpu.dma_semaphore, #tpu.memory_space<semaphore_mem>> -> memref<1x!tpu.dma_semaphore, #tpu.memory_space<semaphore_mem>>
      %dma_wait3A_189 = tpu.memref_squeeze %dma_wait3A_188 : memref<1x!tpu.dma_semaphore, #tpu.memory_space<semaphore_mem>> -> memref<!tpu.dma_semaphore, #tpu.memory_space<semaphore_mem>>
      tpu.wait_indirect_dma semaphore(%dma_wait3A_189 : memref<!tpu.dma_semaphore, #tpu.memory_space<semaphore_mem>>) src(%dma_wait3A_187 : memref<10000x128xf32, #tpu.memory_space<hbm>>) dst(%dma_wait3A_181 : memref<80x128xf32, #tpu.memory_space<vmem>>)
      %add3A_190 = arith.addi %mul3A_2, %add3A_170 : i32
      %mul3A_191 = arith.constant 80 : i32
      %mul3A_192 = arith.muli %add3A_190, %mul3A_191 : i32
      %dma_start3A_193 = arith.constant 0 : i32
      %dma_start3A_194 = arith.constant 0 : i32
      %dma_start3A_195 = arith.constant 0 : i32
      %dma_start3A_196 = arith.constant 0 : i32
      %dma_start3A_197 = tpu.memref_slice %arg6[%dma_start3A_193, %dma_start3A_195, %dma_start3A_196] : memref<5x80x128xf32, #tpu.memory_space<vmem>> -> memref<1x80x128xf32, #tpu.memory_space<vmem>>
      %dma_start3A_198 = tpu.memref_squeeze %dma_start3A_197 : memref<1x80x128xf32, #tpu.memory_space<vmem>> -> memref<80x128xf32, #tpu.memory_space<vmem>>
      %dma_start3A_199 = arith.constant 0 : i32
      %dma_start3A_200 = tpu.memref_slice %arg4[%mul3A_192, %dma_start3A_199] : memref<64000x128xf32, #tpu.memory_space<hbm>> -> memref<80x128xf32, #tpu.memory_space<hbm>>
      %dma_start3A_201 = tpu.memref_slice %arg8[%dma_start3A_194] : memref<5x!tpu.dma_semaphore, #tpu.memory_space<semaphore_mem>> -> memref<1x!tpu.dma_semaphore, #tpu.memory_space<semaphore_mem>>
      %dma_start3A_202 = tpu.memref_squeeze %dma_start3A_201 : memref<1x!tpu.dma_semaphore, #tpu.memory_space<semaphore_mem>> -> memref<!tpu.dma_semaphore, #tpu.memory_space<semaphore_mem>>
      %dma_start3A_203 = arith.constant 0 : i32
      %dma_start3A_204 = tpu.memref_slice %arg4[%mul3A_192, %dma_start3A_203] : memref<64000x128xf32, #tpu.memory_space<hbm>> -> memref<80x128xf32, #tpu.memory_space<hbm>>
      %dma_start3A_205 = arith.constant 0 : i32
      %dma_start3A_206 = arith.constant 0 : i32
      %dma_start3A_207 = tpu.memref_slice %arg6[%dma_start3A_193, %dma_start3A_205, %dma_start3A_206] : memref<5x80x128xf32, #tpu.memory_space<vmem>> -> memref<1x80x128xf32, #tpu.memory_space<vmem>>
      %dma_start3A_208 = tpu.memref_squeeze %dma_start3A_207 : memref<1x80x128xf32, #tpu.memory_space<vmem>> -> memref<80x128xf32, #tpu.memory_space<vmem>>
      tpu.enqueue_dma source(%dma_start3A_208 : memref<80x128xf32, #tpu.memory_space<vmem>>) target(%dma_start3A_204 : memref<80x128xf32, #tpu.memory_space<hbm>>) target_semaphore(%dma_start3A_202 : memref<!tpu.dma_semaphore, #tpu.memory_space<semaphore_mem>>)
      %mul3A_209 = arith.constant 5 : i32
      %mul3A_210 = arith.muli %scan3A_166, %mul3A_209 : i32
      %add3A_211 = arith.constant 1 : i32
      %add3A_212 = arith.addi %mul3A_210, %add3A_211 : i32
      %add3A_213 = arith.constant 5 : i32
      %add3A_214 = arith.addi %add3A_212, %add3A_213 : i32
      %sub3A_215 = arith.constant 1 : i32
      %sub3A_216 = arith.subi %add3A_214, %sub3A_215 : i32
      %lt3A_217 = arith.constant 25 : i32
      %lt3A_218 = arith.cmpi slt, %sub3A_216, %lt3A_217 : i32
      %convert_element_type3A_219 = arith.extui %lt3A_218 : i1 to i32
      %cond3A_220 = arith.constant 0 : i32
      %cond3A_221 = arith.cmpi ne, %convert_element_type3A_219, %cond3A_220 : i32
      scf.if %cond3A_221 {
        %gt3A = arith.constant 0 : i32
        %gt3A_393 = arith.cmpi sgt, %add3A_212, %gt3A : i32
        %convert_element_type3A_394 = arith.extui %gt3A_393 : i1 to i32
        %cond3A_395 = arith.constant 0 : i32
        %cond3A_396 = arith.cmpi ne, %convert_element_type3A_394, %cond3A_395 : i32
        scf.if %cond3A_396 {
          %sub3A_411 = arith.constant 1 : i32
          %sub3A_412 = arith.subi %add3A_212, %sub3A_411 : i32
          %add3A_413 = arith.addi %mul3A_2, %sub3A_412 : i32
          %mul3A_414 = arith.constant 80 : i32
          %mul3A_415 = arith.muli %add3A_413, %mul3A_414 : i32
          %dma_wait3A_416 = arith.constant 0 : i32
          %dma_wait3A_417 = arith.constant 0 : i32
          %dma_wait3A_418 = arith.constant 0 : i32
          %dma_wait3A_419 = arith.constant 0 : i32
          %dma_wait3A_420 = tpu.memref_slice %arg6[%dma_wait3A_416, %dma_wait3A_418, %dma_wait3A_419] : memref<5x80x128xf32, #tpu.memory_space<vmem>> -> memref<1x80x128xf32, #tpu.memory_space<vmem>>
          %dma_wait3A_421 = tpu.memref_squeeze %dma_wait3A_420 : memref<1x80x128xf32, #tpu.memory_space<vmem>> -> memref<80x128xf32, #tpu.memory_space<vmem>>
          %dma_wait3A_422 = arith.constant 0 : i32
          %dma_wait3A_423 = tpu.memref_slice %arg4[%mul3A_415, %dma_wait3A_422] : memref<64000x128xf32, #tpu.memory_space<hbm>> -> memref<80x128xf32, #tpu.memory_space<hbm>>
          %dma_wait3A_424 = tpu.memref_slice %arg8[%dma_wait3A_417] : memref<5x!tpu.dma_semaphore, #tpu.memory_space<semaphore_mem>> -> memref<1x!tpu.dma_semaphore, #tpu.memory_space<semaphore_mem>>
          %dma_wait3A_425 = tpu.memref_squeeze %dma_wait3A_424 : memref<1x!tpu.dma_semaphore, #tpu.memory_space<semaphore_mem>> -> memref<!tpu.dma_semaphore, #tpu.memory_space<semaphore_mem>>
          %dma_wait3A_426 = arith.constant 0 : i32
          %dma_wait3A_427 = tpu.memref_slice %arg4[%mul3A_415, %dma_wait3A_426] : memref<64000x128xf32, #tpu.memory_space<hbm>> -> memref<80x128xf32, #tpu.memory_space<hbm>>
          %dma_wait3A_428 = arith.constant 0 : i32
          %dma_wait3A_429 = arith.constant 0 : i32
          %dma_wait3A_430 = tpu.memref_slice %arg6[%dma_wait3A_416, %dma_wait3A_428, %dma_wait3A_429] : memref<5x80x128xf32, #tpu.memory_space<vmem>> -> memref<1x80x128xf32, #tpu.memory_space<vmem>>
          %dma_wait3A_431 = tpu.memref_squeeze %dma_wait3A_430 : memref<1x80x128xf32, #tpu.memory_space<vmem>> -> memref<80x128xf32, #tpu.memory_space<vmem>>
          tpu.wait_dma2 semaphore(%dma_wait3A_425 : memref<!tpu.dma_semaphore, #tpu.memory_space<semaphore_mem>>) src(%dma_wait3A_431 : memref<80x128xf32, #tpu.memory_space<vmem>>) dst(%dma_wait3A_427 : memref<80x128xf32, #tpu.memory_space<hbm>>)
        } else {
        }
        %dma_start3A_397 = arith.constant 0 : i32
        %dma_start3A_398 = arith.constant 0 : i32
        %dma_start3A_399 = arith.constant 0 : i32
        %dma_start3A_400 = arith.constant 0 : i32
        %dma_start3A_401 = tpu.memref_slice %arg6[%dma_start3A_397, %dma_start3A_399, %dma_start3A_400] : memref<5x80x128xf32, #tpu.memory_space<vmem>> -> memref<1x80x128xf32, #tpu.memory_space<vmem>>
        %dma_start3A_402 = tpu.memref_squeeze %dma_start3A_401 : memref<1x80x128xf32, #tpu.memory_space<vmem>> -> memref<80x128xf32, #tpu.memory_space<vmem>>
        %dma_start3A_403 = arith.constant 0 : i32
        %dma_start3A_404 = tpu.memref_slice %arg5[%sub3A_216, %dma_start3A_403] : memref<25x80xi32, #tpu.memory_space<vmem>> -> memref<1x80xi32, #tpu.memory_space<vmem>>
        %dma_start3A_405 = tpu.memref_squeeze %dma_start3A_404 : memref<1x80xi32, #tpu.memory_space<vmem>> -> memref<80xi32, #tpu.memory_space<vmem>>
        %dma_start3A_406 = arith.constant 0 : i32
        %dma_start3A_407 = arith.constant 0 : i32
        %dma_start3A_408 = tpu.memref_slice %arg2[%dma_start3A_406, %dma_start3A_407] : memref<10000x128xf32, #tpu.memory_space<hbm>> -> memref<10000x128xf32, #tpu.memory_space<hbm>>
        %dma_start3A_409 = tpu.memref_slice %arg7[%dma_start3A_398] : memref<5x!tpu.dma_semaphore, #tpu.memory_space<semaphore_mem>> -> memref<1x!tpu.dma_semaphore, #tpu.memory_space<semaphore_mem>>
        %dma_start3A_410 = tpu.memref_squeeze %dma_start3A_409 : memref<1x!tpu.dma_semaphore, #tpu.memory_space<semaphore_mem>> -> memref<!tpu.dma_semaphore, #tpu.memory_space<semaphore_mem>>
        tpu.enqueue_indirect_dma source(%dma_start3A_408 : memref<10000x128xf32, #tpu.memory_space<hbm>>) target(%dma_start3A_402 : memref<80x128xf32, #tpu.memory_space<vmem>>) offsets(%dma_start3A_405 : memref<80xi32, #tpu.memory_space<vmem>>) semaphore(%dma_start3A_410 : memref<!tpu.dma_semaphore, #tpu.memory_space<semaphore_mem>>)
      } else {
      }
      %dma_wait3A_222 = arith.constant 1 : i32
      %dma_wait3A_223 = arith.constant 1 : i32
      %dma_wait3A_224 = arith.constant 0 : i32
      %dma_wait3A_225 = arith.constant 0 : i32
      %dma_wait3A_226 = tpu.memref_slice %arg6[%dma_wait3A_222, %dma_wait3A_224, %dma_wait3A_225] : memref<5x80x128xf32, #tpu.memory_space<vmem>> -> memref<1x80x128xf32, #tpu.memory_space<vmem>>
      %dma_wait3A_227 = tpu.memref_squeeze %dma_wait3A_226 : memref<1x80x128xf32, #tpu.memory_space<vmem>> -> memref<80x128xf32, #tpu.memory_space<vmem>>
      %dma_wait3A_228 = arith.constant 0 : i32
      %dma_wait3A_229 = tpu.memref_slice %arg5[%add3A_212, %dma_wait3A_228] : memref<25x80xi32, #tpu.memory_space<vmem>> -> memref<1x80xi32, #tpu.memory_space<vmem>>
      %dma_wait3A_230 = tpu.memref_squeeze %dma_wait3A_229 : memref<1x80xi32, #tpu.memory_space<vmem>> -> memref<80xi32, #tpu.memory_space<vmem>>
      %dma_wait3A_231 = arith.constant 0 : i32
      %dma_wait3A_232 = arith.constant 0 : i32
      %dma_wait3A_233 = tpu.memref_slice %arg2[%dma_wait3A_231, %dma_wait3A_232] : memref<10000x128xf32, #tpu.memory_space<hbm>> -> memref<10000x128xf32, #tpu.memory_space<hbm>>
      %dma_wait3A_234 = tpu.memref_slice %arg7[%dma_wait3A_223] : memref<5x!tpu.dma_semaphore, #tpu.memory_space<semaphore_mem>> -> memref<1x!tpu.dma_semaphore, #tpu.memory_space<semaphore_mem>>
      %dma_wait3A_235 = tpu.memref_squeeze %dma_wait3A_234 : memref<1x!tpu.dma_semaphore, #tpu.memory_space<semaphore_mem>> -> memref<!tpu.dma_semaphore, #tpu.memory_space<semaphore_mem>>
      tpu.wait_indirect_dma semaphore(%dma_wait3A_235 : memref<!tpu.dma_semaphore, #tpu.memory_space<semaphore_mem>>) src(%dma_wait3A_233 : memref<10000x128xf32, #tpu.memory_space<hbm>>) dst(%dma_wait3A_227 : memref<80x128xf32, #tpu.memory_space<vmem>>)
      %add3A_236 = arith.addi %mul3A_2, %add3A_212 : i32
      %mul3A_237 = arith.constant 80 : i32
      %mul3A_238 = arith.muli %add3A_236, %mul3A_237 : i32
      %dma_start3A_239 = arith.constant 1 : i32
      %dma_start3A_240 = arith.constant 1 : i32
      %dma_start3A_241 = arith.constant 0 : i32
      %dma_start3A_242 = arith.constant 0 : i32
      %dma_start3A_243 = tpu.memref_slice %arg6[%dma_start3A_239, %dma_start3A_241, %dma_start3A_242] : memref<5x80x128xf32, #tpu.memory_space<vmem>> -> memref<1x80x128xf32, #tpu.memory_space<vmem>>
      %dma_start3A_244 = tpu.memref_squeeze %dma_start3A_243 : memref<1x80x128xf32, #tpu.memory_space<vmem>> -> memref<80x128xf32, #tpu.memory_space<vmem>>
      %dma_start3A_245 = arith.constant 0 : i32
      %dma_start3A_246 = tpu.memref_slice %arg4[%mul3A_238, %dma_start3A_245] : memref<64000x128xf32, #tpu.memory_space<hbm>> -> memref<80x128xf32, #tpu.memory_space<hbm>>
      %dma_start3A_247 = tpu.memref_slice %arg8[%dma_start3A_240] : memref<5x!tpu.dma_semaphore, #tpu.memory_space<semaphore_mem>> -> memref<1x!tpu.dma_semaphore, #tpu.memory_space<semaphore_mem>>
      %dma_start3A_248 = tpu.memref_squeeze %dma_start3A_247 : memref<1x!tpu.dma_semaphore, #tpu.memory_space<semaphore_mem>> -> memref<!tpu.dma_semaphore, #tpu.memory_space<semaphore_mem>>
      %dma_start3A_249 = arith.constant 0 : i32
      %dma_start3A_250 = tpu.memref_slice %arg4[%mul3A_238, %dma_start3A_249] : memref<64000x128xf32, #tpu.memory_space<hbm>> -> memref<80x128xf32, #tpu.memory_space<hbm>>
      %dma_start3A_251 = arith.constant 0 : i32
      %dma_start3A_252 = arith.constant 0 : i32
      %dma_start3A_253 = tpu.memref_slice %arg6[%dma_start3A_239, %dma_start3A_251, %dma_start3A_252] : memref<5x80x128xf32, #tpu.memory_space<vmem>> -> memref<1x80x128xf32, #tpu.memory_space<vmem>>
      %dma_start3A_254 = tpu.memref_squeeze %dma_start3A_253 : memref<1x80x128xf32, #tpu.memory_space<vmem>> -> memref<80x128xf32, #tpu.memory_space<vmem>>
      tpu.enqueue_dma source(%dma_start3A_254 : memref<80x128xf32, #tpu.memory_space<vmem>>) target(%dma_start3A_250 : memref<80x128xf32, #tpu.memory_space<hbm>>) target_semaphore(%dma_start3A_248 : memref<!tpu.dma_semaphore, #tpu.memory_space<semaphore_mem>>)
      %mul3A_255 = arith.constant 5 : i32
      %mul3A_256 = arith.muli %scan3A_166, %mul3A_255 : i32
      %add3A_257 = arith.constant 2 : i32
      %add3A_258 = arith.addi %mul3A_256, %add3A_257 : i32
      %add3A_259 = arith.constant 5 : i32
      %add3A_260 = arith.addi %add3A_258, %add3A_259 : i32
      %sub3A_261 = arith.constant 1 : i32
      %sub3A_262 = arith.subi %add3A_260, %sub3A_261 : i32
      %lt3A_263 = arith.constant 25 : i32
      %lt3A_264 = arith.cmpi slt, %sub3A_262, %lt3A_263 : i32
      %convert_element_type3A_265 = arith.extui %lt3A_264 : i1 to i32
      %cond3A_266 = arith.constant 0 : i32
      %cond3A_267 = arith.cmpi ne, %convert_element_type3A_265, %cond3A_266 : i32
      scf.if %cond3A_267 {
        %gt3A = arith.constant 0 : i32
        %gt3A_393 = arith.cmpi sgt, %add3A_258, %gt3A : i32
        %convert_element_type3A_394 = arith.extui %gt3A_393 : i1 to i32
        %cond3A_395 = arith.constant 0 : i32
        %cond3A_396 = arith.cmpi ne, %convert_element_type3A_394, %cond3A_395 : i32
        scf.if %cond3A_396 {
          %sub3A_411 = arith.constant 1 : i32
          %sub3A_412 = arith.subi %add3A_258, %sub3A_411 : i32
          %add3A_413 = arith.addi %mul3A_2, %sub3A_412 : i32
          %mul3A_414 = arith.constant 80 : i32
          %mul3A_415 = arith.muli %add3A_413, %mul3A_414 : i32
          %dma_wait3A_416 = arith.constant 1 : i32
          %dma_wait3A_417 = arith.constant 1 : i32
          %dma_wait3A_418 = arith.constant 0 : i32
          %dma_wait3A_419 = arith.constant 0 : i32
          %dma_wait3A_420 = tpu.memref_slice %arg6[%dma_wait3A_416, %dma_wait3A_418, %dma_wait3A_419] : memref<5x80x128xf32, #tpu.memory_space<vmem>> -> memref<1x80x128xf32, #tpu.memory_space<vmem>>
          %dma_wait3A_421 = tpu.memref_squeeze %dma_wait3A_420 : memref<1x80x128xf32, #tpu.memory_space<vmem>> -> memref<80x128xf32, #tpu.memory_space<vmem>>
          %dma_wait3A_422 = arith.constant 0 : i32
          %dma_wait3A_423 = tpu.memref_slice %arg4[%mul3A_415, %dma_wait3A_422] : memref<64000x128xf32, #tpu.memory_space<hbm>> -> memref<80x128xf32, #tpu.memory_space<hbm>>
          %dma_wait3A_424 = tpu.memref_slice %arg8[%dma_wait3A_417] : memref<5x!tpu.dma_semaphore, #tpu.memory_space<semaphore_mem>> -> memref<1x!tpu.dma_semaphore, #tpu.memory_space<semaphore_mem>>
          %dma_wait3A_425 = tpu.memref_squeeze %dma_wait3A_424 : memref<1x!tpu.dma_semaphore, #tpu.memory_space<semaphore_mem>> -> memref<!tpu.dma_semaphore, #tpu.memory_space<semaphore_mem>>
          %dma_wait3A_426 = arith.constant 0 : i32
          %dma_wait3A_427 = tpu.memref_slice %arg4[%mul3A_415, %dma_wait3A_426] : memref<64000x128xf32, #tpu.memory_space<hbm>> -> memref<80x128xf32, #tpu.memory_space<hbm>>
          %dma_wait3A_428 = arith.constant 0 : i32
          %dma_wait3A_429 = arith.constant 0 : i32
          %dma_wait3A_430 = tpu.memref_slice %arg6[%dma_wait3A_416, %dma_wait3A_428, %dma_wait3A_429] : memref<5x80x128xf32, #tpu.memory_space<vmem>> -> memref<1x80x128xf32, #tpu.memory_space<vmem>>
          %dma_wait3A_431 = tpu.memref_squeeze %dma_wait3A_430 : memref<1x80x128xf32, #tpu.memory_space<vmem>> -> memref<80x128xf32, #tpu.memory_space<vmem>>
          tpu.wait_dma2 semaphore(%dma_wait3A_425 : memref<!tpu.dma_semaphore, #tpu.memory_space<semaphore_mem>>) src(%dma_wait3A_431 : memref<80x128xf32, #tpu.memory_space<vmem>>) dst(%dma_wait3A_427 : memref<80x128xf32, #tpu.memory_space<hbm>>)
        } else {
        }
        %dma_start3A_397 = arith.constant 1 : i32
        %dma_start3A_398 = arith.constant 1 : i32
        %dma_start3A_399 = arith.constant 0 : i32
        %dma_start3A_400 = arith.constant 0 : i32
        %dma_start3A_401 = tpu.memref_slice %arg6[%dma_start3A_397, %dma_start3A_399, %dma_start3A_400] : memref<5x80x128xf32, #tpu.memory_space<vmem>> -> memref<1x80x128xf32, #tpu.memory_space<vmem>>
        %dma_start3A_402 = tpu.memref_squeeze %dma_start3A_401 : memref<1x80x128xf32, #tpu.memory_space<vmem>> -> memref<80x128xf32, #tpu.memory_space<vmem>>
        %dma_start3A_403 = arith.constant 0 : i32
        %dma_start3A_404 = tpu.memref_slice %arg5[%sub3A_262, %dma_start3A_403] : memref<25x80xi32, #tpu.memory_space<vmem>> -> memref<1x80xi32, #tpu.memory_space<vmem>>
        %dma_start3A_405 = tpu.memref_squeeze %dma_start3A_404 : memref<1x80xi32, #tpu.memory_space<vmem>> -> memref<80xi32, #tpu.memory_space<vmem>>
        %dma_start3A_406 = arith.constant 0 : i32
        %dma_start3A_407 = arith.constant 0 : i32
        %dma_start3A_408 = tpu.memref_slice %arg2[%dma_start3A_406, %dma_start3A_407] : memref<10000x128xf32, #tpu.memory_space<hbm>> -> memref<10000x128xf32, #tpu.memory_space<hbm>>
        %dma_start3A_409 = tpu.memref_slice %arg7[%dma_start3A_398] : memref<5x!tpu.dma_semaphore, #tpu.memory_space<semaphore_mem>> -> memref<1x!tpu.dma_semaphore, #tpu.memory_space<semaphore_mem>>
        %dma_start3A_410 = tpu.memref_squeeze %dma_start3A_409 : memref<1x!tpu.dma_semaphore, #tpu.memory_space<semaphore_mem>> -> memref<!tpu.dma_semaphore, #tpu.memory_space<semaphore_mem>>
        tpu.enqueue_indirect_dma source(%dma_start3A_408 : memref<10000x128xf32, #tpu.memory_space<hbm>>) target(%dma_start3A_402 : memref<80x128xf32, #tpu.memory_space<vmem>>) offsets(%dma_start3A_405 : memref<80xi32, #tpu.memory_space<vmem>>) semaphore(%dma_start3A_410 : memref<!tpu.dma_semaphore, #tpu.memory_space<semaphore_mem>>)
      } else {
      }
      %dma_wait3A_268 = arith.constant 2 : i32
      %dma_wait3A_269 = arith.constant 2 : i32
      %dma_wait3A_270 = arith.constant 0 : i32
      %dma_wait3A_271 = arith.constant 0 : i32
      %dma_wait3A_272 = tpu.memref_slice %arg6[%dma_wait3A_268, %dma_wait3A_270, %dma_wait3A_271] : memref<5x80x128xf32, #tpu.memory_space<vmem>> -> memref<1x80x128xf32, #tpu.memory_space<vmem>>
      %dma_wait3A_273 = tpu.memref_squeeze %dma_wait3A_272 : memref<1x80x128xf32, #tpu.memory_space<vmem>> -> memref<80x128xf32, #tpu.memory_space<vmem>>
      %dma_wait3A_274 = arith.constant 0 : i32
      %dma_wait3A_275 = tpu.memref_slice %arg5[%add3A_258, %dma_wait3A_274] : memref<25x80xi32, #tpu.memory_space<vmem>> -> memref<1x80xi32, #tpu.memory_space<vmem>>
      %dma_wait3A_276 = tpu.memref_squeeze %dma_wait3A_275 : memref<1x80xi32, #tpu.memory_space<vmem>> -> memref<80xi32, #tpu.memory_space<vmem>>
      %dma_wait3A_277 = arith.constant 0 : i32
      %dma_wait3A_278 = arith.constant 0 : i32
      %dma_wait3A_279 = tpu.memref_slice %arg2[%dma_wait3A_277, %dma_wait3A_278] : memref<10000x128xf32, #tpu.memory_space<hbm>> -> memref<10000x128xf32, #tpu.memory_space<hbm>>
      %dma_wait3A_280 = tpu.memref_slice %arg7[%dma_wait3A_269] : memref<5x!tpu.dma_semaphore, #tpu.memory_space<semaphore_mem>> -> memref<1x!tpu.dma_semaphore, #tpu.memory_space<semaphore_mem>>
      %dma_wait3A_281 = tpu.memref_squeeze %dma_wait3A_280 : memref<1x!tpu.dma_semaphore, #tpu.memory_space<semaphore_mem>> -> memref<!tpu.dma_semaphore, #tpu.memory_space<semaphore_mem>>
      tpu.wait_indirect_dma semaphore(%dma_wait3A_281 : memref<!tpu.dma_semaphore, #tpu.memory_space<semaphore_mem>>) src(%dma_wait3A_279 : memref<10000x128xf32, #tpu.memory_space<hbm>>) dst(%dma_wait3A_273 : memref<80x128xf32, #tpu.memory_space<vmem>>)
      %add3A_282 = arith.addi %mul3A_2, %add3A_258 : i32
      %mul3A_283 = arith.constant 80 : i32
      %mul3A_284 = arith.muli %add3A_282, %mul3A_283 : i32
      %dma_start3A_285 = arith.constant 2 : i32
      %dma_start3A_286 = arith.constant 2 : i32
      %dma_start3A_287 = arith.constant 0 : i32
      %dma_start3A_288 = arith.constant 0 : i32
      %dma_start3A_289 = tpu.memref_slice %arg6[%dma_start3A_285, %dma_start3A_287, %dma_start3A_288] : memref<5x80x128xf32, #tpu.memory_space<vmem>> -> memref<1x80x128xf32, #tpu.memory_space<vmem>>
      %dma_start3A_290 = tpu.memref_squeeze %dma_start3A_289 : memref<1x80x128xf32, #tpu.memory_space<vmem>> -> memref<80x128xf32, #tpu.memory_space<vmem>>
      %dma_start3A_291 = arith.constant 0 : i32
      %dma_start3A_292 = tpu.memref_slice %arg4[%mul3A_284, %dma_start3A_291] : memref<64000x128xf32, #tpu.memory_space<hbm>> -> memref<80x128xf32, #tpu.memory_space<hbm>>
      %dma_start3A_293 = tpu.memref_slice %arg8[%dma_start3A_286] : memref<5x!tpu.dma_semaphore, #tpu.memory_space<semaphore_mem>> -> memref<1x!tpu.dma_semaphore, #tpu.memory_space<semaphore_mem>>
      %dma_start3A_294 = tpu.memref_squeeze %dma_start3A_293 : memref<1x!tpu.dma_semaphore, #tpu.memory_space<semaphore_mem>> -> memref<!tpu.dma_semaphore, #tpu.memory_space<semaphore_mem>>
      %dma_start3A_295 = arith.constant 0 : i32
      %dma_start3A_296 = tpu.memref_slice %arg4[%mul3A_284, %dma_start3A_295] : memref<64000x128xf32, #tpu.memory_space<hbm>> -> memref<80x128xf32, #tpu.memory_space<hbm>>
      %dma_start3A_297 = arith.constant 0 : i32
      %dma_start3A_298 = arith.constant 0 : i32
      %dma_start3A_299 = tpu.memref_slice %arg6[%dma_start3A_285, %dma_start3A_297, %dma_start3A_298] : memref<5x80x128xf32, #tpu.memory_space<vmem>> -> memref<1x80x128xf32, #tpu.memory_space<vmem>>
      %dma_start3A_300 = tpu.memref_squeeze %dma_start3A_299 : memref<1x80x128xf32, #tpu.memory_space<vmem>> -> memref<80x128xf32, #tpu.memory_space<vmem>>
      tpu.enqueue_dma source(%dma_start3A_300 : memref<80x128xf32, #tpu.memory_space<vmem>>) target(%dma_start3A_296 : memref<80x128xf32, #tpu.memory_space<hbm>>) target_semaphore(%dma_start3A_294 : memref<!tpu.dma_semaphore, #tpu.memory_space<semaphore_mem>>)
      %mul3A_301 = arith.constant 5 : i32
      %mul3A_302 = arith.muli %scan3A_166, %mul3A_301 : i32
      %add3A_303 = arith.constant 3 : i32
      %add3A_304 = arith.addi %mul3A_302, %add3A_303 : i32
      %add3A_305 = arith.constant 5 : i32
      %add3A_306 = arith.addi %add3A_304, %add3A_305 : i32
      %sub3A_307 = arith.constant 1 : i32
      %sub3A_308 = arith.subi %add3A_306, %sub3A_307 : i32
      %lt3A_309 = arith.constant 25 : i32
      %lt3A_310 = arith.cmpi slt, %sub3A_308, %lt3A_309 : i32
      %convert_element_type3A_311 = arith.extui %lt3A_310 : i1 to i32
      %cond3A_312 = arith.constant 0 : i32
      %cond3A_313 = arith.cmpi ne, %convert_element_type3A_311, %cond3A_312 : i32
      scf.if %cond3A_313 {
        %gt3A = arith.constant 0 : i32
        %gt3A_393 = arith.cmpi sgt, %add3A_304, %gt3A : i32
        %convert_element_type3A_394 = arith.extui %gt3A_393 : i1 to i32
        %cond3A_395 = arith.constant 0 : i32
        %cond3A_396 = arith.cmpi ne, %convert_element_type3A_394, %cond3A_395 : i32
        scf.if %cond3A_396 {
          %sub3A_411 = arith.constant 1 : i32
          %sub3A_412 = arith.subi %add3A_304, %sub3A_411 : i32
          %add3A_413 = arith.addi %mul3A_2, %sub3A_412 : i32
          %mul3A_414 = arith.constant 80 : i32
          %mul3A_415 = arith.muli %add3A_413, %mul3A_414 : i32
          %dma_wait3A_416 = arith.constant 2 : i32
          %dma_wait3A_417 = arith.constant 2 : i32
          %dma_wait3A_418 = arith.constant 0 : i32
          %dma_wait3A_419 = arith.constant 0 : i32
          %dma_wait3A_420 = tpu.memref_slice %arg6[%dma_wait3A_416, %dma_wait3A_418, %dma_wait3A_419] : memref<5x80x128xf32, #tpu.memory_space<vmem>> -> memref<1x80x128xf32, #tpu.memory_space<vmem>>
          %dma_wait3A_421 = tpu.memref_squeeze %dma_wait3A_420 : memref<1x80x128xf32, #tpu.memory_space<vmem>> -> memref<80x128xf32, #tpu.memory_space<vmem>>
          %dma_wait3A_422 = arith.constant 0 : i32
          %dma_wait3A_423 = tpu.memref_slice %arg4[%mul3A_415, %dma_wait3A_422] : memref<64000x128xf32, #tpu.memory_space<hbm>> -> memref<80x128xf32, #tpu.memory_space<hbm>>
          %dma_wait3A_424 = tpu.memref_slice %arg8[%dma_wait3A_417] : memref<5x!tpu.dma_semaphore, #tpu.memory_space<semaphore_mem>> -> memref<1x!tpu.dma_semaphore, #tpu.memory_space<semaphore_mem>>
          %dma_wait3A_425 = tpu.memref_squeeze %dma_wait3A_424 : memref<1x!tpu.dma_semaphore, #tpu.memory_space<semaphore_mem>> -> memref<!tpu.dma_semaphore, #tpu.memory_space<semaphore_mem>>
          %dma_wait3A_426 = arith.constant 0 : i32
          %dma_wait3A_427 = tpu.memref_slice %arg4[%mul3A_415, %dma_wait3A_426] : memref<64000x128xf32, #tpu.memory_space<hbm>> -> memref<80x128xf32, #tpu.memory_space<hbm>>
          %dma_wait3A_428 = arith.constant 0 : i32
          %dma_wait3A_429 = arith.constant 0 : i32
          %dma_wait3A_430 = tpu.memref_slice %arg6[%dma_wait3A_416, %dma_wait3A_428, %dma_wait3A_429] : memref<5x80x128xf32, #tpu.memory_space<vmem>> -> memref<1x80x128xf32, #tpu.memory_space<vmem>>
          %dma_wait3A_431 = tpu.memref_squeeze %dma_wait3A_430 : memref<1x80x128xf32, #tpu.memory_space<vmem>> -> memref<80x128xf32, #tpu.memory_space<vmem>>
          tpu.wait_dma2 semaphore(%dma_wait3A_425 : memref<!tpu.dma_semaphore, #tpu.memory_space<semaphore_mem>>) src(%dma_wait3A_431 : memref<80x128xf32, #tpu.memory_space<vmem>>) dst(%dma_wait3A_427 : memref<80x128xf32, #tpu.memory_space<hbm>>)
        } else {
        }
        %dma_start3A_397 = arith.constant 2 : i32
        %dma_start3A_398 = arith.constant 2 : i32
        %dma_start3A_399 = arith.constant 0 : i32
        %dma_start3A_400 = arith.constant 0 : i32
        %dma_start3A_401 = tpu.memref_slice %arg6[%dma_start3A_397, %dma_start3A_399, %dma_start3A_400] : memref<5x80x128xf32, #tpu.memory_space<vmem>> -> memref<1x80x128xf32, #tpu.memory_space<vmem>>
        %dma_start3A_402 = tpu.memref_squeeze %dma_start3A_401 : memref<1x80x128xf32, #tpu.memory_space<vmem>> -> memref<80x128xf32, #tpu.memory_space<vmem>>
        %dma_start3A_403 = arith.constant 0 : i32
        %dma_start3A_404 = tpu.memref_slice %arg5[%sub3A_308, %dma_start3A_403] : memref<25x80xi32, #tpu.memory_space<vmem>> -> memref<1x80xi32, #tpu.memory_space<vmem>>
        %dma_start3A_405 = tpu.memref_squeeze %dma_start3A_404 : memref<1x80xi32, #tpu.memory_space<vmem>> -> memref<80xi32, #tpu.memory_space<vmem>>
        %dma_start3A_406 = arith.constant 0 : i32
        %dma_start3A_407 = arith.constant 0 : i32
        %dma_start3A_408 = tpu.memref_slice %arg2[%dma_start3A_406, %dma_start3A_407] : memref<10000x128xf32, #tpu.memory_space<hbm>> -> memref<10000x128xf32, #tpu.memory_space<hbm>>
        %dma_start3A_409 = tpu.memref_slice %arg7[%dma_start3A_398] : memref<5x!tpu.dma_semaphore, #tpu.memory_space<semaphore_mem>> -> memref<1x!tpu.dma_semaphore, #tpu.memory_space<semaphore_mem>>
        %dma_start3A_410 = tpu.memref_squeeze %dma_start3A_409 : memref<1x!tpu.dma_semaphore, #tpu.memory_space<semaphore_mem>> -> memref<!tpu.dma_semaphore, #tpu.memory_space<semaphore_mem>>
        tpu.enqueue_indirect_dma source(%dma_start3A_408 : memref<10000x128xf32, #tpu.memory_space<hbm>>) target(%dma_start3A_402 : memref<80x128xf32, #tpu.memory_space<vmem>>) offsets(%dma_start3A_405 : memref<80xi32, #tpu.memory_space<vmem>>) semaphore(%dma_start3A_410 : memref<!tpu.dma_semaphore, #tpu.memory_space<semaphore_mem>>)
      } else {
      }
      %dma_wait3A_314 = arith.constant 3 : i32
      %dma_wait3A_315 = arith.constant 3 : i32
      %dma_wait3A_316 = arith.constant 0 : i32
      %dma_wait3A_317 = arith.constant 0 : i32
      %dma_wait3A_318 = tpu.memref_slice %arg6[%dma_wait3A_314, %dma_wait3A_316, %dma_wait3A_317] : memref<5x80x128xf32, #tpu.memory_space<vmem>> -> memref<1x80x128xf32, #tpu.memory_space<vmem>>
      %dma_wait3A_319 = tpu.memref_squeeze %dma_wait3A_318 : memref<1x80x128xf32, #tpu.memory_space<vmem>> -> memref<80x128xf32, #tpu.memory_space<vmem>>
      %dma_wait3A_320 = arith.constant 0 : i32
      %dma_wait3A_321 = tpu.memref_slice %arg5[%add3A_304, %dma_wait3A_320] : memref<25x80xi32, #tpu.memory_space<vmem>> -> memref<1x80xi32, #tpu.memory_space<vmem>>
      %dma_wait3A_322 = tpu.memref_squeeze %dma_wait3A_321 : memref<1x80xi32, #tpu.memory_space<vmem>> -> memref<80xi32, #tpu.memory_space<vmem>>
      %dma_wait3A_323 = arith.constant 0 : i32
      %dma_wait3A_324 = arith.constant 0 : i32
      %dma_wait3A_325 = tpu.memref_slice %arg2[%dma_wait3A_323, %dma_wait3A_324] : memref<10000x128xf32, #tpu.memory_space<hbm>> -> memref<10000x128xf32, #tpu.memory_space<hbm>>
      %dma_wait3A_326 = tpu.memref_slice %arg7[%dma_wait3A_315] : memref<5x!tpu.dma_semaphore, #tpu.memory_space<semaphore_mem>> -> memref<1x!tpu.dma_semaphore, #tpu.memory_space<semaphore_mem>>
      %dma_wait3A_327 = tpu.memref_squeeze %dma_wait3A_326 : memref<1x!tpu.dma_semaphore, #tpu.memory_space<semaphore_mem>> -> memref<!tpu.dma_semaphore, #tpu.memory_space<semaphore_mem>>
      tpu.wait_indirect_dma semaphore(%dma_wait3A_327 : memref<!tpu.dma_semaphore, #tpu.memory_space<semaphore_mem>>) src(%dma_wait3A_325 : memref<10000x128xf32, #tpu.memory_space<hbm>>) dst(%dma_wait3A_319 : memref<80x128xf32, #tpu.memory_space<vmem>>)
      %add3A_328 = arith.addi %mul3A_2, %add3A_304 : i32
      %mul3A_329 = arith.constant 80 : i32
      %mul3A_330 = arith.muli %add3A_328, %mul3A_329 : i32
      %dma_start3A_331 = arith.constant 3 : i32
      %dma_start3A_332 = arith.constant 3 : i32
      %dma_start3A_333 = arith.constant 0 : i32
      %dma_start3A_334 = arith.constant 0 : i32
      %dma_start3A_335 = tpu.memref_slice %arg6[%dma_start3A_331, %dma_start3A_333, %dma_start3A_334] : memref<5x80x128xf32, #tpu.memory_space<vmem>> -> memref<1x80x128xf32, #tpu.memory_space<vmem>>
      %dma_start3A_336 = tpu.memref_squeeze %dma_start3A_335 : memref<1x80x128xf32, #tpu.memory_space<vmem>> -> memref<80x128xf32, #tpu.memory_space<vmem>>
      %dma_start3A_337 = arith.constant 0 : i32
      %dma_start3A_338 = tpu.memref_slice %arg4[%mul3A_330, %dma_start3A_337] : memref<64000x128xf32, #tpu.memory_space<hbm>> -> memref<80x128xf32, #tpu.memory_space<hbm>>
      %dma_start3A_339 = tpu.memref_slice %arg8[%dma_start3A_332] : memref<5x!tpu.dma_semaphore, #tpu.memory_space<semaphore_mem>> -> memref<1x!tpu.dma_semaphore, #tpu.memory_space<semaphore_mem>>
      %dma_start3A_340 = tpu.memref_squeeze %dma_start3A_339 : memref<1x!tpu.dma_semaphore, #tpu.memory_space<semaphore_mem>> -> memref<!tpu.dma_semaphore, #tpu.memory_space<semaphore_mem>>
      %dma_start3A_341 = arith.constant 0 : i32
      %dma_start3A_342 = tpu.memref_slice %arg4[%mul3A_330, %dma_start3A_341] : memref<64000x128xf32, #tpu.memory_space<hbm>> -> memref<80x128xf32, #tpu.memory_space<hbm>>
      %dma_start3A_343 = arith.constant 0 : i32
      %dma_start3A_344 = arith.constant 0 : i32
      %dma_start3A_345 = tpu.memref_slice %arg6[%dma_start3A_331, %dma_start3A_343, %dma_start3A_344] : memref<5x80x128xf32, #tpu.memory_space<vmem>> -> memref<1x80x128xf32, #tpu.memory_space<vmem>>
      %dma_start3A_346 = tpu.memref_squeeze %dma_start3A_345 : memref<1x80x128xf32, #tpu.memory_space<vmem>> -> memref<80x128xf32, #tpu.memory_space<vmem>>
      tpu.enqueue_dma source(%dma_start3A_346 : memref<80x128xf32, #tpu.memory_space<vmem>>) target(%dma_start3A_342 : memref<80x128xf32, #tpu.memory_space<hbm>>) target_semaphore(%dma_start3A_340 : memref<!tpu.dma_semaphore, #tpu.memory_space<semaphore_mem>>)
      %mul3A_347 = arith.constant 5 : i32
      %mul3A_348 = arith.muli %scan3A_166, %mul3A_347 : i32
      %add3A_349 = arith.constant 4 : i32
      %add3A_350 = arith.addi %mul3A_348, %add3A_349 : i32
      %add3A_351 = arith.constant 5 : i32
      %add3A_352 = arith.addi %add3A_350, %add3A_351 : i32
      %sub3A_353 = arith.constant 1 : i32
      %sub3A_354 = arith.subi %add3A_352, %sub3A_353 : i32
      %lt3A_355 = arith.constant 25 : i32
      %lt3A_356 = arith.cmpi slt, %sub3A_354, %lt3A_355 : i32
      %convert_element_type3A_357 = arith.extui %lt3A_356 : i1 to i32
      %cond3A_358 = arith.constant 0 : i32
      %cond3A_359 = arith.cmpi ne, %convert_element_type3A_357, %cond3A_358 : i32
      scf.if %cond3A_359 {
        %gt3A = arith.constant 0 : i32
        %gt3A_393 = arith.cmpi sgt, %add3A_350, %gt3A : i32
        %convert_element_type3A_394 = arith.extui %gt3A_393 : i1 to i32
        %cond3A_395 = arith.constant 0 : i32
        %cond3A_396 = arith.cmpi ne, %convert_element_type3A_394, %cond3A_395 : i32
        scf.if %cond3A_396 {
          %sub3A_411 = arith.constant 1 : i32
          %sub3A_412 = arith.subi %add3A_350, %sub3A_411 : i32
          %add3A_413 = arith.addi %mul3A_2, %sub3A_412 : i32
          %mul3A_414 = arith.constant 80 : i32
          %mul3A_415 = arith.muli %add3A_413, %mul3A_414 : i32
          %dma_wait3A_416 = arith.constant 3 : i32
          %dma_wait3A_417 = arith.constant 3 : i32
          %dma_wait3A_418 = arith.constant 0 : i32
          %dma_wait3A_419 = arith.constant 0 : i32
          %dma_wait3A_420 = tpu.memref_slice %arg6[%dma_wait3A_416, %dma_wait3A_418, %dma_wait3A_419] : memref<5x80x128xf32, #tpu.memory_space<vmem>> -> memref<1x80x128xf32, #tpu.memory_space<vmem>>
          %dma_wait3A_421 = tpu.memref_squeeze %dma_wait3A_420 : memref<1x80x128xf32, #tpu.memory_space<vmem>> -> memref<80x128xf32, #tpu.memory_space<vmem>>
          %dma_wait3A_422 = arith.constant 0 : i32
          %dma_wait3A_423 = tpu.memref_slice %arg4[%mul3A_415, %dma_wait3A_422] : memref<64000x128xf32, #tpu.memory_space<hbm>> -> memref<80x128xf32, #tpu.memory_space<hbm>>
          %dma_wait3A_424 = tpu.memref_slice %arg8[%dma_wait3A_417] : memref<5x!tpu.dma_semaphore, #tpu.memory_space<semaphore_mem>> -> memref<1x!tpu.dma_semaphore, #tpu.memory_space<semaphore_mem>>
          %dma_wait3A_425 = tpu.memref_squeeze %dma_wait3A_424 : memref<1x!tpu.dma_semaphore, #tpu.memory_space<semaphore_mem>> -> memref<!tpu.dma_semaphore, #tpu.memory_space<semaphore_mem>>
          %dma_wait3A_426 = arith.constant 0 : i32
          %dma_wait3A_427 = tpu.memref_slice %arg4[%mul3A_415, %dma_wait3A_426] : memref<64000x128xf32, #tpu.memory_space<hbm>> -> memref<80x128xf32, #tpu.memory_space<hbm>>
          %dma_wait3A_428 = arith.constant 0 : i32
          %dma_wait3A_429 = arith.constant 0 : i32
          %dma_wait3A_430 = tpu.memref_slice %arg6[%dma_wait3A_416, %dma_wait3A_428, %dma_wait3A_429] : memref<5x80x128xf32, #tpu.memory_space<vmem>> -> memref<1x80x128xf32, #tpu.memory_space<vmem>>
          %dma_wait3A_431 = tpu.memref_squeeze %dma_wait3A_430 : memref<1x80x128xf32, #tpu.memory_space<vmem>> -> memref<80x128xf32, #tpu.memory_space<vmem>>
          tpu.wait_dma2 semaphore(%dma_wait3A_425 : memref<!tpu.dma_semaphore, #tpu.memory_space<semaphore_mem>>) src(%dma_wait3A_431 : memref<80x128xf32, #tpu.memory_space<vmem>>) dst(%dma_wait3A_427 : memref<80x128xf32, #tpu.memory_space<hbm>>)
        } else {
        }
        %dma_start3A_397 = arith.constant 3 : i32
        %dma_start3A_398 = arith.constant 3 : i32
        %dma_start3A_399 = arith.constant 0 : i32
        %dma_start3A_400 = arith.constant 0 : i32
        %dma_start3A_401 = tpu.memref_slice %arg6[%dma_start3A_397, %dma_start3A_399, %dma_start3A_400] : memref<5x80x128xf32, #tpu.memory_space<vmem>> -> memref<1x80x128xf32, #tpu.memory_space<vmem>>
        %dma_start3A_402 = tpu.memref_squeeze %dma_start3A_401 : memref<1x80x128xf32, #tpu.memory_space<vmem>> -> memref<80x128xf32, #tpu.memory_space<vmem>>
        %dma_start3A_403 = arith.constant 0 : i32
        %dma_start3A_404 = tpu.memref_slice %arg5[%sub3A_354, %dma_start3A_403] : memref<25x80xi32, #tpu.memory_space<vmem>> -> memref<1x80xi32, #tpu.memory_space<vmem>>
        %dma_start3A_405 = tpu.memref_squeeze %dma_start3A_404 : memref<1x80xi32, #tpu.memory_space<vmem>> -> memref<80xi32, #tpu.memory_space<vmem>>
        %dma_start3A_406 = arith.constant 0 : i32
        %dma_start3A_407 = arith.constant 0 : i32
        %dma_start3A_408 = tpu.memref_slice %arg2[%dma_start3A_406, %dma_start3A_407] : memref<10000x128xf32, #tpu.memory_space<hbm>> -> memref<10000x128xf32, #tpu.memory_space<hbm>>
        %dma_start3A_409 = tpu.memref_slice %arg7[%dma_start3A_398] : memref<5x!tpu.dma_semaphore, #tpu.memory_space<semaphore_mem>> -> memref<1x!tpu.dma_semaphore, #tpu.memory_space<semaphore_mem>>
        %dma_start3A_410 = tpu.memref_squeeze %dma_start3A_409 : memref<1x!tpu.dma_semaphore, #tpu.memory_space<semaphore_mem>> -> memref<!tpu.dma_semaphore, #tpu.memory_space<semaphore_mem>>
        tpu.enqueue_indirect_dma source(%dma_start3A_408 : memref<10000x128xf32, #tpu.memory_space<hbm>>) target(%dma_start3A_402 : memref<80x128xf32, #tpu.memory_space<vmem>>) offsets(%dma_start3A_405 : memref<80xi32, #tpu.memory_space<vmem>>) semaphore(%dma_start3A_410 : memref<!tpu.dma_semaphore, #tpu.memory_space<semaphore_mem>>)
      } else {
      }
      %dma_wait3A_360 = arith.constant 4 : i32
      %dma_wait3A_361 = arith.constant 4 : i32
      %dma_wait3A_362 = arith.constant 0 : i32
      %dma_wait3A_363 = arith.constant 0 : i32
      %dma_wait3A_364 = tpu.memref_slice %arg6[%dma_wait3A_360, %dma_wait3A_362, %dma_wait3A_363] : memref<5x80x128xf32, #tpu.memory_space<vmem>> -> memref<1x80x128xf32, #tpu.memory_space<vmem>>
      %dma_wait3A_365 = tpu.memref_squeeze %dma_wait3A_364 : memref<1x80x128xf32, #tpu.memory_space<vmem>> -> memref<80x128xf32, #tpu.memory_space<vmem>>
      %dma_wait3A_366 = arith.constant 0 : i32
      %dma_wait3A_367 = tpu.memref_slice %arg5[%add3A_350, %dma_wait3A_366] : memref<25x80xi32, #tpu.memory_space<vmem>> -> memref<1x80xi32, #tpu.memory_space<vmem>>
      %dma_wait3A_368 = tpu.memref_squeeze %dma_wait3A_367 : memref<1x80xi32, #tpu.memory_space<vmem>> -> memref<80xi32, #tpu.memory_space<vmem>>
      %dma_wait3A_369 = arith.constant 0 : i32
      %dma_wait3A_370 = arith.constant 0 : i32
      %dma_wait3A_371 = tpu.memref_slice %arg2[%dma_wait3A_369, %dma_wait3A_370] : memref<10000x128xf32, #tpu.memory_space<hbm>> -> memref<10000x128xf32, #tpu.memory_space<hbm>>
      %dma_wait3A_372 = tpu.memref_slice %arg7[%dma_wait3A_361] : memref<5x!tpu.dma_semaphore, #tpu.memory_space<semaphore_mem>> -> memref<1x!tpu.dma_semaphore, #tpu.memory_space<semaphore_mem>>
      %dma_wait3A_373 = tpu.memref_squeeze %dma_wait3A_372 : memref<1x!tpu.dma_semaphore, #tpu.memory_space<semaphore_mem>> -> memref<!tpu.dma_semaphore, #tpu.memory_space<semaphore_mem>>
      tpu.wait_indirect_dma semaphore(%dma_wait3A_373 : memref<!tpu.dma_semaphore, #tpu.memory_space<semaphore_mem>>) src(%dma_wait3A_371 : memref<10000x128xf32, #tpu.memory_space<hbm>>) dst(%dma_wait3A_365 : memref<80x128xf32, #tpu.memory_space<vmem>>)
      %add3A_374 = arith.addi %mul3A_2, %add3A_350 : i32
      %mul3A_375 = arith.constant 80 : i32
      %mul3A_376 = arith.muli %add3A_374, %mul3A_375 : i32
      %dma_start3A_377 = arith.constant 4 : i32
      %dma_start3A_378 = arith.constant 4 : i32
      %dma_start3A_379 = arith.constant 0 : i32
      %dma_start3A_380 = arith.constant 0 : i32
      %dma_start3A_381 = tpu.memref_slice %arg6[%dma_start3A_377, %dma_start3A_379, %dma_start3A_380] : memref<5x80x128xf32, #tpu.memory_space<vmem>> -> memref<1x80x128xf32, #tpu.memory_space<vmem>>
      %dma_start3A_382 = tpu.memref_squeeze %dma_start3A_381 : memref<1x80x128xf32, #tpu.memory_space<vmem>> -> memref<80x128xf32, #tpu.memory_space<vmem>>
      %dma_start3A_383 = arith.constant 0 : i32
      %dma_start3A_384 = tpu.memref_slice %arg4[%mul3A_376, %dma_start3A_383] : memref<64000x128xf32, #tpu.memory_space<hbm>> -> memref<80x128xf32, #tpu.memory_space<hbm>>
      %dma_start3A_385 = tpu.memref_slice %arg8[%dma_start3A_378] : memref<5x!tpu.dma_semaphore, #tpu.memory_space<semaphore_mem>> -> memref<1x!tpu.dma_semaphore, #tpu.memory_space<semaphore_mem>>
      %dma_start3A_386 = tpu.memref_squeeze %dma_start3A_385 : memref<1x!tpu.dma_semaphore, #tpu.memory_space<semaphore_mem>> -> memref<!tpu.dma_semaphore, #tpu.memory_space<semaphore_mem>>
      %dma_start3A_387 = arith.constant 0 : i32
      %dma_start3A_388 = tpu.memref_slice %arg4[%mul3A_376, %dma_start3A_387] : memref<64000x128xf32, #tpu.memory_space<hbm>> -> memref<80x128xf32, #tpu.memory_space<hbm>>
      %dma_start3A_389 = arith.constant 0 : i32
      %dma_start3A_390 = arith.constant 0 : i32
      %dma_start3A_391 = tpu.memref_slice %arg6[%dma_start3A_377, %dma_start3A_389, %dma_start3A_390] : memref<5x80x128xf32, #tpu.memory_space<vmem>> -> memref<1x80x128xf32, #tpu.memory_space<vmem>>
      %dma_start3A_392 = tpu.memref_squeeze %dma_start3A_391 : memref<1x80x128xf32, #tpu.memory_space<vmem>> -> memref<80x128xf32, #tpu.memory_space<vmem>>
      tpu.enqueue_dma source(%dma_start3A_392 : memref<80x128xf32, #tpu.memory_space<vmem>>) target(%dma_start3A_388 : memref<80x128xf32, #tpu.memory_space<hbm>>) target_semaphore(%dma_start3A_386 : memref<!tpu.dma_semaphore, #tpu.memory_space<semaphore_mem>>)
    }
    %scan3A_66 = arith.constant 5 : i32
    %add3A_67 = arith.constant 20 : i32
    %add3A_68 = arith.addi %mul3A_2, %add3A_67 : i32
    %mul3A_69 = arith.constant 80 : i32
    %mul3A_70 = arith.muli %add3A_68, %mul3A_69 : i32
    %dma_wait3A = arith.constant 0 : i32
    %dma_wait3A_71 = arith.constant 0 : i32
    %dma_wait3A_72 = arith.constant 0 : i32
    %dma_wait3A_73 = arith.constant 0 : i32
    %dma_wait3A_74 = tpu.memref_slice %arg6[%dma_wait3A, %dma_wait3A_72, %dma_wait3A_73] : memref<5x80x128xf32, #tpu.memory_space<vmem>> -> memref<1x80x128xf32, #tpu.memory_space<vmem>>
    %dma_wait3A_75 = tpu.memref_squeeze %dma_wait3A_74 : memref<1x80x128xf32, #tpu.memory_space<vmem>> -> memref<80x128xf32, #tpu.memory_space<vmem>>
    %dma_wait3A_76 = arith.constant 0 : i32
    %dma_wait3A_77 = tpu.memref_slice %arg4[%mul3A_70, %dma_wait3A_76] : memref<64000x128xf32, #tpu.memory_space<hbm>> -> memref<80x128xf32, #tpu.memory_space<hbm>>
    %dma_wait3A_78 = tpu.memref_slice %arg8[%dma_wait3A_71] : memref<5x!tpu.dma_semaphore, #tpu.memory_space<semaphore_mem>> -> memref<1x!tpu.dma_semaphore, #tpu.memory_space<semaphore_mem>>
    %dma_wait3A_79 = tpu.memref_squeeze %dma_wait3A_78 : memref<1x!tpu.dma_semaphore, #tpu.memory_space<semaphore_mem>> -> memref<!tpu.dma_semaphore, #tpu.memory_space<semaphore_mem>>
    %dma_wait3A_80 = arith.constant 0 : i32
    %dma_wait3A_81 = tpu.memref_slice %arg4[%mul3A_70, %dma_wait3A_80] : memref<64000x128xf32, #tpu.memory_space<hbm>> -> memref<80x128xf32, #tpu.memory_space<hbm>>
    %dma_wait3A_82 = arith.constant 0 : i32
    %dma_wait3A_83 = arith.constant 0 : i32
    %dma_wait3A_84 = tpu.memref_slice %arg6[%dma_wait3A, %dma_wait3A_82, %dma_wait3A_83] : memref<5x80x128xf32, #tpu.memory_space<vmem>> -> memref<1x80x128xf32, #tpu.memory_space<vmem>>
    %dma_wait3A_85 = tpu.memref_squeeze %dma_wait3A_84 : memref<1x80x128xf32, #tpu.memory_space<vmem>> -> memref<80x128xf32, #tpu.memory_space<vmem>>
    tpu.wait_dma2 semaphore(%dma_wait3A_79 : memref<!tpu.dma_semaphore, #tpu.memory_space<semaphore_mem>>) src(%dma_wait3A_85 : memref<80x128xf32, #tpu.memory_space<vmem>>) dst(%dma_wait3A_81 : memref<80x128xf32, #tpu.memory_space<hbm>>)
    %add3A_86 = arith.constant 21 : i32
    %add3A_87 = arith.addi %mul3A_2, %add3A_86 : i32
    %mul3A_88 = arith.constant 80 : i32
    %mul3A_89 = arith.muli %add3A_87, %mul3A_88 : i32
    %dma_wait3A_90 = arith.constant 1 : i32
    %dma_wait3A_91 = arith.constant 1 : i32
    %dma_wait3A_92 = arith.constant 0 : i32
    %dma_wait3A_93 = arith.constant 0 : i32
    %dma_wait3A_94 = tpu.memref_slice %arg6[%dma_wait3A_90, %dma_wait3A_92, %dma_wait3A_93] : memref<5x80x128xf32, #tpu.memory_space<vmem>> -> memref<1x80x128xf32, #tpu.memory_space<vmem>>
    %dma_wait3A_95 = tpu.memref_squeeze %dma_wait3A_94 : memref<1x80x128xf32, #tpu.memory_space<vmem>> -> memref<80x128xf32, #tpu.memory_space<vmem>>
    %dma_wait3A_96 = arith.constant 0 : i32
    %dma_wait3A_97 = tpu.memref_slice %arg4[%mul3A_89, %dma_wait3A_96] : memref<64000x128xf32, #tpu.memory_space<hbm>> -> memref<80x128xf32, #tpu.memory_space<hbm>>
    %dma_wait3A_98 = tpu.memref_slice %arg8[%dma_wait3A_91] : memref<5x!tpu.dma_semaphore, #tpu.memory_space<semaphore_mem>> -> memref<1x!tpu.dma_semaphore, #tpu.memory_space<semaphore_mem>>
    %dma_wait3A_99 = tpu.memref_squeeze %dma_wait3A_98 : memref<1x!tpu.dma_semaphore, #tpu.memory_space<semaphore_mem>> -> memref<!tpu.dma_semaphore, #tpu.memory_space<semaphore_mem>>
    %dma_wait3A_100 = arith.constant 0 : i32
    %dma_wait3A_101 = tpu.memref_slice %arg4[%mul3A_89, %dma_wait3A_100] : memref<64000x128xf32, #tpu.memory_space<hbm>> -> memref<80x128xf32, #tpu.memory_space<hbm>>
    %dma_wait3A_102 = arith.constant 0 : i32
    %dma_wait3A_103 = arith.constant 0 : i32
    %dma_wait3A_104 = tpu.memref_slice %arg6[%dma_wait3A_90, %dma_wait3A_102, %dma_wait3A_103] : memref<5x80x128xf32, #tpu.memory_space<vmem>> -> memref<1x80x128xf32, #tpu.memory_space<vmem>>
    %dma_wait3A_105 = tpu.memref_squeeze %dma_wait3A_104 : memref<1x80x128xf32, #tpu.memory_space<vmem>> -> memref<80x128xf32, #tpu.memory_space<vmem>>
    tpu.wait_dma2 semaphore(%dma_wait3A_99 : memref<!tpu.dma_semaphore, #tpu.memory_space<semaphore_mem>>) src(%dma_wait3A_105 : memref<80x128xf32, #tpu.memory_space<vmem>>) dst(%dma_wait3A_101 : memref<80x128xf32, #tpu.memory_space<hbm>>)
    %add3A_106 = arith.constant 22 : i32
    %add3A_107 = arith.addi %mul3A_2, %add3A_106 : i32
    %mul3A_108 = arith.constant 80 : i32
    %mul3A_109 = arith.muli %add3A_107, %mul3A_108 : i32
    %dma_wait3A_110 = arith.constant 2 : i32
    %dma_wait3A_111 = arith.constant 2 : i32
    %dma_wait3A_112 = arith.constant 0 : i32
    %dma_wait3A_113 = arith.constant 0 : i32
    %dma_wait3A_114 = tpu.memref_slice %arg6[%dma_wait3A_110, %dma_wait3A_112, %dma_wait3A_113] : memref<5x80x128xf32, #tpu.memory_space<vmem>> -> memref<1x80x128xf32, #tpu.memory_space<vmem>>
    %dma_wait3A_115 = tpu.memref_squeeze %dma_wait3A_114 : memref<1x80x128xf32, #tpu.memory_space<vmem>> -> memref<80x128xf32, #tpu.memory_space<vmem>>
    %dma_wait3A_116 = arith.constant 0 : i32
    %dma_wait3A_117 = tpu.memref_slice %arg4[%mul3A_109, %dma_wait3A_116] : memref<64000x128xf32, #tpu.memory_space<hbm>> -> memref<80x128xf32, #tpu.memory_space<hbm>>
    %dma_wait3A_118 = tpu.memref_slice %arg8[%dma_wait3A_111] : memref<5x!tpu.dma_semaphore, #tpu.memory_space<semaphore_mem>> -> memref<1x!tpu.dma_semaphore, #tpu.memory_space<semaphore_mem>>
    %dma_wait3A_119 = tpu.memref_squeeze %dma_wait3A_118 : memref<1x!tpu.dma_semaphore, #tpu.memory_space<semaphore_mem>> -> memref<!tpu.dma_semaphore, #tpu.memory_space<semaphore_mem>>
    %dma_wait3A_120 = arith.constant 0 : i32
    %dma_wait3A_121 = tpu.memref_slice %arg4[%mul3A_109, %dma_wait3A_120] : memref<64000x128xf32, #tpu.memory_space<hbm>> -> memref<80x128xf32, #tpu.memory_space<hbm>>
    %dma_wait3A_122 = arith.constant 0 : i32
    %dma_wait3A_123 = arith.constant 0 : i32
    %dma_wait3A_124 = tpu.memref_slice %arg6[%dma_wait3A_110, %dma_wait3A_122, %dma_wait3A_123] : memref<5x80x128xf32, #tpu.memory_space<vmem>> -> memref<1x80x128xf32, #tpu.memory_space<vmem>>
    %dma_wait3A_125 = tpu.memref_squeeze %dma_wait3A_124 : memref<1x80x128xf32, #tpu.memory_space<vmem>> -> memref<80x128xf32, #tpu.memory_space<vmem>>
    tpu.wait_dma2 semaphore(%dma_wait3A_119 : memref<!tpu.dma_semaphore, #tpu.memory_space<semaphore_mem>>) src(%dma_wait3A_125 : memref<80x128xf32, #tpu.memory_space<vmem>>) dst(%dma_wait3A_121 : memref<80x128xf32, #tpu.memory_space<hbm>>)
    %add3A_126 = arith.constant 23 : i32
    %add3A_127 = arith.addi %mul3A_2, %add3A_126 : i32
    %mul3A_128 = arith.constant 80 : i32
    %mul3A_129 = arith.muli %add3A_127, %mul3A_128 : i32
    %dma_wait3A_130 = arith.constant 3 : i32
    %dma_wait3A_131 = arith.constant 3 : i32
    %dma_wait3A_132 = arith.constant 0 : i32
    %dma_wait3A_133 = arith.constant 0 : i32
    %dma_wait3A_134 = tpu.memref_slice %arg6[%dma_wait3A_130, %dma_wait3A_132, %dma_wait3A_133] : memref<5x80x128xf32, #tpu.memory_space<vmem>> -> memref<1x80x128xf32, #tpu.memory_space<vmem>>
    %dma_wait3A_135 = tpu.memref_squeeze %dma_wait3A_134 : memref<1x80x128xf32, #tpu.memory_space<vmem>> -> memref<80x128xf32, #tpu.memory_space<vmem>>
    %dma_wait3A_136 = arith.constant 0 : i32
    %dma_wait3A_137 = tpu.memref_slice %arg4[%mul3A_129, %dma_wait3A_136] : memref<64000x128xf32, #tpu.memory_space<hbm>> -> memref<80x128xf32, #tpu.memory_space<hbm>>
    %dma_wait3A_138 = tpu.memref_slice %arg8[%dma_wait3A_131] : memref<5x!tpu.dma_semaphore, #tpu.memory_space<semaphore_mem>> -> memref<1x!tpu.dma_semaphore, #tpu.memory_space<semaphore_mem>>
    %dma_wait3A_139 = tpu.memref_squeeze %dma_wait3A_138 : memref<1x!tpu.dma_semaphore, #tpu.memory_space<semaphore_mem>> -> memref<!tpu.dma_semaphore, #tpu.memory_space<semaphore_mem>>
    %dma_wait3A_140 = arith.constant 0 : i32
    %dma_wait3A_141 = tpu.memref_slice %arg4[%mul3A_129, %dma_wait3A_140] : memref<64000x128xf32, #tpu.memory_space<hbm>> -> memref<80x128xf32, #tpu.memory_space<hbm>>
    %dma_wait3A_142 = arith.constant 0 : i32
    %dma_wait3A_143 = arith.constant 0 : i32
    %dma_wait3A_144 = tpu.memref_slice %arg6[%dma_wait3A_130, %dma_wait3A_142, %dma_wait3A_143] : memref<5x80x128xf32, #tpu.memory_space<vmem>> -> memref<1x80x128xf32, #tpu.memory_space<vmem>>
    %dma_wait3A_145 = tpu.memref_squeeze %dma_wait3A_144 : memref<1x80x128xf32, #tpu.memory_space<vmem>> -> memref<80x128xf32, #tpu.memory_space<vmem>>
    tpu.wait_dma2 semaphore(%dma_wait3A_139 : memref<!tpu.dma_semaphore, #tpu.memory_space<semaphore_mem>>) src(%dma_wait3A_145 : memref<80x128xf32, #tpu.memory_space<vmem>>) dst(%dma_wait3A_141 : memref<80x128xf32, #tpu.memory_space<hbm>>)
    %add3A_146 = arith.constant 24 : i32
    %add3A_147 = arith.addi %mul3A_2, %add3A_146 : i32
    %mul3A_148 = arith.constant 80 : i32
    %mul3A_149 = arith.muli %add3A_147, %mul3A_148 : i32
    %dma_wait3A_150 = arith.constant 4 : i32
    %dma_wait3A_151 = arith.constant 4 : i32
    %dma_wait3A_152 = arith.constant 0 : i32
    %dma_wait3A_153 = arith.constant 0 : i32
    %dma_wait3A_154 = tpu.memref_slice %arg6[%dma_wait3A_150, %dma_wait3A_152, %dma_wait3A_153] : memref<5x80x128xf32, #tpu.memory_space<vmem>> -> memref<1x80x128xf32, #tpu.memory_space<vmem>>
    %dma_wait3A_155 = tpu.memref_squeeze %dma_wait3A_154 : memref<1x80x128xf32, #tpu.memory_space<vmem>> -> memref<80x128xf32, #tpu.memory_space<vmem>>
    %dma_wait3A_156 = arith.constant 0 : i32
    %dma_wait3A_157 = tpu.memref_slice %arg4[%mul3A_149, %dma_wait3A_156] : memref<64000x128xf32, #tpu.memory_space<hbm>> -> memref<80x128xf32, #tpu.memory_space<hbm>>
    %dma_wait3A_158 = tpu.memref_slice %arg8[%dma_wait3A_151] : memref<5x!tpu.dma_semaphore, #tpu.memory_space<semaphore_mem>> -> memref<1x!tpu.dma_semaphore, #tpu.memory_space<semaphore_mem>>
    %dma_wait3A_159 = tpu.memref_squeeze %dma_wait3A_158 : memref<1x!tpu.dma_semaphore, #tpu.memory_space<semaphore_mem>> -> memref<!tpu.dma_semaphore, #tpu.memory_space<semaphore_mem>>
    %dma_wait3A_160 = arith.constant 0 : i32
    %dma_wait3A_161 = tpu.memref_slice %arg4[%mul3A_149, %dma_wait3A_160] : memref<64000x128xf32, #tpu.memory_space<hbm>> -> memref<80x128xf32, #tpu.memory_space<hbm>>
    %dma_wait3A_162 = arith.constant 0 : i32
    %dma_wait3A_163 = arith.constant 0 : i32
    %dma_wait3A_164 = tpu.memref_slice %arg6[%dma_wait3A_150, %dma_wait3A_162, %dma_wait3A_163] : memref<5x80x128xf32, #tpu.memory_space<vmem>> -> memref<1x80x128xf32, #tpu.memory_space<vmem>>
    %dma_wait3A_165 = tpu.memref_squeeze %dma_wait3A_164 : memref<1x80x128xf32, #tpu.memory_space<vmem>> -> memref<80x128xf32, #tpu.memory_space<vmem>>
    tpu.wait_dma2 semaphore(%dma_wait3A_159 : memref<!tpu.dma_semaphore, #tpu.memory_space<semaphore_mem>>) src(%dma_wait3A_165 : memref<80x128xf32, #tpu.memory_space<vmem>>) dst(%dma_wait3A_161 : memref<80x128xf32, #tpu.memory_space<hbm>>)
    return
  }
}

#map = affine_map<(d0, d1) -> (0, 0)>
#map1 = affine_map<(d0, d1) -> (0, 0, 0)>
module attributes {stable_mosaic.version = 14 : i64} {
  func.func @k(%arg0: i32, %arg1: i32, %arg2: memref<10000x128xf32, #tpu.memory_space<hbm>>, %arg3: memref<32x25x80xi32, #tpu.memory_space<hbm>>, %arg4: memref<64000x128xf32, #tpu.memory_space<hbm>>, %arg5: memref<25x80xi32, #tpu.memory_space<vmem>>, %arg6: memref<5x80x128xf32, #tpu.memory_space<vmem>>, %arg7: memref<5x!tpu.dma_semaphore, #tpu.memory_space<semaphore_mem>>, %arg8: memref<5x!tpu.dma_semaphore, #tpu.memory_space<semaphore_mem>>) attributes {dimension_semantics = [#tpu.dimension_semantics<core_parallel>, #tpu.dimension_semantics<subcore_parallel>], iteration_bounds = array<i64: 2, 16>, scalar_prefetch = 0 : i64, scratch_operands = 4 : i64, tpu.core_type = #tpu.core_type<sc_vector_subcore>, window_params = [{transform_indices = #map}, {transform_indices = #map1}, {transform_indices = #map}]} {
    %mul3A = arith.constant 2 : i32
    %mul3A_0 = arith.muli %arg1, %mul3A : i32
    %add3A = arith.addi %mul3A_0, %arg0 : i32
    %mul3A_1 = arith.constant 25 : i32
    %mul3A_2 = arith.muli %add3A, %mul3A_1 : i32
    "tpu.region"() ({
      %run_scoped3A = tpu.sem_alloc : memref<!tpu.dma_semaphore, #tpu.memory_space<semaphore_mem>>
      %dma_start3A_166 = arith.constant 0 : i32
      %dma_start3A_167 = arith.constant 0 : i32
      %dma_start3A_168 = tpu.memref_slice %arg3[%add3A, %dma_start3A_166, %dma_start3A_167] : memref<32x25x80xi32, #tpu.memory_space<hbm>> -> memref<1x25x80xi32, #tpu.memory_space<hbm>>
      %dma_start3A_169 = tpu.memref_squeeze %dma_start3A_168 : memref<1x25x80xi32, #tpu.memory_space<hbm>> -> memref<25x80xi32, #tpu.memory_space<hbm>>
      %dma_start3A_170 = arith.constant 0 : i32
      %dma_start3A_171 = arith.constant 0 : i32
      %dma_start3A_172 = tpu.memref_slice %arg3[%add3A, %dma_start3A_170, %dma_start3A_171] : memref<32x25x80xi32, #tpu.memory_space<hbm>> -> memref<1x25x80xi32, #tpu.memory_space<hbm>>
      %dma_start3A_173 = tpu.memref_squeeze %dma_start3A_172 : memref<1x25x80xi32, #tpu.memory_space<hbm>> -> memref<25x80xi32, #tpu.memory_space<hbm>>
      tpu.enqueue_dma source(%dma_start3A_173 : memref<25x80xi32, #tpu.memory_space<hbm>>) target(%arg5 : memref<25x80xi32, #tpu.memory_space<vmem>>) target_semaphore(%run_scoped3A : memref<!tpu.dma_semaphore, #tpu.memory_space<semaphore_mem>>)
      %dma_wait3A_174 = arith.constant 0 : i32
      %dma_wait3A_175 = arith.constant 0 : i32
      %dma_wait3A_176 = tpu.memref_slice %arg3[%add3A, %dma_wait3A_174, %dma_wait3A_175] : memref<32x25x80xi32, #tpu.memory_space<hbm>> -> memref<1x25x80xi32, #tpu.memory_space<hbm>>
      %dma_wait3A_177 = tpu.memref_squeeze %dma_wait3A_176 : memref<1x25x80xi32, #tpu.memory_space<hbm>> -> memref<25x80xi32, #tpu.memory_space<hbm>>
      %dma_wait3A_178 = arith.constant 0 : i32
      %dma_wait3A_179 = arith.constant 0 : i32
      %dma_wait3A_180 = tpu.memref_slice %arg3[%add3A, %dma_wait3A_178, %dma_wait3A_179] : memref<32x25x80xi32, #tpu.memory_space<hbm>> -> memref<1x25x80xi32, #tpu.memory_space<hbm>>
      %dma_wait3A_181 = tpu.memref_squeeze %dma_wait3A_180 : memref<1x25x80xi32, #tpu.memory_space<hbm>> -> memref<25x80xi32, #tpu.memory_space<hbm>>
      tpu.wait_dma2 semaphore(%run_scoped3A : memref<!tpu.dma_semaphore, #tpu.memory_space<semaphore_mem>>) src(%dma_wait3A_181 : memref<25x80xi32, #tpu.memory_space<hbm>>) dst(%arg5 : memref<25x80xi32, #tpu.memory_space<vmem>>)
      tpu.yield
    }) : () -> ()
    %dma_start3A = arith.constant 0 : i32
    %dma_start3A_3 = arith.constant 0 : i32
    %dma_start3A_4 = arith.constant 0 : i32
    %dma_start3A_5 = arith.constant 0 : i32
    %dma_start3A_6 = arith.constant 0 : i32
    %dma_start3A_7 = tpu.memref_slice %arg6[%dma_start3A_3, %dma_start3A_5, %dma_start3A_6] : memref<5x80x128xf32, #tpu.memory_space<vmem>> -> memref<1x80x128xf32, #tpu.memory_space<vmem>>
    %dma_start3A_8 = tpu.memref_squeeze %dma_start3A_7 : memref<1x80x128xf32, #tpu.memory_space<vmem>> -> memref<80x128xf32, #tpu.memory_space<vmem>>
    %dma_start3A_9 = arith.constant 0 : i32
    %dma_start3A_10 = tpu.memref_slice %arg5[%dma_start3A, %dma_start3A_9] : memref<25x80xi32, #tpu.memory_space<vmem>> -> memref<1x80xi32, #tpu.memory_space<vmem>>
    %dma_start3A_11 = tpu.memref_squeeze %dma_start3A_10 : memref<1x80xi32, #tpu.memory_space<vmem>> -> memref<80xi32, #tpu.memory_space<vmem>>
    %dma_start3A_12 = arith.constant 0 : i32
    %dma_start3A_13 = arith.constant 0 : i32
    %dma_start3A_14 = tpu.memref_slice %arg2[%dma_start3A_12, %dma_start3A_13] : memref<10000x128xf32, #tpu.memory_space<hbm>> -> memref<10000x128xf32, #tpu.memory_space<hbm>>
    %dma_start3A_15 = tpu.memref_slice %arg7[%dma_start3A_4] : memref<5x!tpu.dma_semaphore, #tpu.memory_space<semaphore_mem>> -> memref<1x!tpu.dma_semaphore, #tpu.memory_space<semaphore_mem>>
    %dma_start3A_16 = tpu.memref_squeeze %dma_start3A_15 : memref<1x!tpu.dma_semaphore, #tpu.memory_space<semaphore_mem>> -> memref<!tpu.dma_semaphore, #tpu.memory_space<semaphore_mem>>
    tpu.enqueue_indirect_dma source(%dma_start3A_14 : memref<10000x128xf32, #tpu.memory_space<hbm>>) target(%dma_start3A_8 : memref<80x128xf32, #tpu.memory_space<vmem>>) offsets(%dma_start3A_11 : memref<80xi32, #tpu.memory_space<vmem>>) semaphore(%dma_start3A_16 : memref<!tpu.dma_semaphore, #tpu.memory_space<semaphore_mem>>)
    %dma_start3A_17 = arith.constant 1 : i32
    %dma_start3A_18 = arith.constant 1 : i32
    %dma_start3A_19 = arith.constant 1 : i32
    %dma_start3A_20 = arith.constant 0 : i32
    %dma_start3A_21 = arith.constant 0 : i32
    %dma_start3A_22 = tpu.memref_slice %arg6[%dma_start3A_18, %dma_start3A_20, %dma_start3A_21] : memref<5x80x128xf32, #tpu.memory_space<vmem>> -> memref<1x80x128xf32, #tpu.memory_space<vmem>>
    %dma_start3A_23 = tpu.memref_squeeze %dma_start3A_22 : memref<1x80x128xf32, #tpu.memory_space<vmem>> -> memref<80x128xf32, #tpu.memory_space<vmem>>
    %dma_start3A_24 = arith.constant 0 : i32
    %dma_start3A_25 = tpu.memref_slice %arg5[%dma_start3A_17, %dma_start3A_24] : memref<25x80xi32, #tpu.memory_space<vmem>> -> memref<1x80xi32, #tpu.memory_space<vmem>>
    %dma_start3A_26 = tpu.memref_squeeze %dma_start3A_25 : memref<1x80xi32, #tpu.memory_space<vmem>> -> memref<80xi32, #tpu.memory_space<vmem>>
    %dma_start3A_27 = arith.constant 0 : i32
    %dma_start3A_28 = arith.constant 0 : i32
    %dma_start3A_29 = tpu.memref_slice %arg2[%dma_start3A_27, %dma_start3A_28] : memref<10000x128xf32, #tpu.memory_space<hbm>> -> memref<10000x128xf32, #tpu.memory_space<hbm>>
    %dma_start3A_30 = tpu.memref_slice %arg7[%dma_start3A_19] : memref<5x!tpu.dma_semaphore, #tpu.memory_space<semaphore_mem>> -> memref<1x!tpu.dma_semaphore, #tpu.memory_space<semaphore_mem>>
    %dma_start3A_31 = tpu.memref_squeeze %dma_start3A_30 : memref<1x!tpu.dma_semaphore, #tpu.memory_space<semaphore_mem>> -> memref<!tpu.dma_semaphore, #tpu.memory_space<semaphore_mem>>
    tpu.enqueue_indirect_dma source(%dma_start3A_29 : memref<10000x128xf32, #tpu.memory_space<hbm>>) target(%dma_start3A_23 : memref<80x128xf32, #tpu.memory_space<vmem>>) offsets(%dma_start3A_26 : memref<80xi32, #tpu.memory_space<vmem>>) semaphore(%dma_start3A_31 : memref<!tpu.dma_semaphore, #tpu.memory_space<semaphore_mem>>)
    %dma_start3A_32 = arith.constant 2 : i32
    %dma_start3A_33 = arith.constant 2 : i32
    %dma_start3A_34 = arith.constant 2 : i32
    %dma_start3A_35 = arith.constant 0 : i32
    %dma_start3A_36 = arith.constant 0 : i32
    %dma_start3A_37 = tpu.memref_slice %arg6[%dma_start3A_33, %dma_start3A_35, %dma_start3A_36] : memref<5x80x128xf32, #tpu.memory_space<vmem>> -> memref<1x80x128xf32, #tpu.memory_space<vmem>>
    %dma_start3A_38 = tpu.memref_squeeze %dma_start3A_37 : memref<1x80x128xf32, #tpu.memory_space<vmem>> -> memref<80x128xf32, #tpu.memory_space<vmem>>
    %dma_start3A_39 = arith.constant 0 : i32
    %dma_start3A_40 = tpu.memref_slice %arg5[%dma_start3A_32, %dma_start3A_39] : memref<25x80xi32, #tpu.memory_space<vmem>> -> memref<1x80xi32, #tpu.memory_space<vmem>>
    %dma_start3A_41 = tpu.memref_squeeze %dma_start3A_40 : memref<1x80xi32, #tpu.memory_space<vmem>> -> memref<80xi32, #tpu.memory_space<vmem>>
    %dma_start3A_42 = arith.constant 0 : i32
    %dma_start3A_43 = arith.constant 0 : i32
    %dma_start3A_44 = tpu.memref_slice %arg2[%dma_start3A_42, %dma_start3A_43] : memref<10000x128xf32, #tpu.memory_space<hbm>> -> memref<10000x128xf32, #tpu.memory_space<hbm>>
    %dma_start3A_45 = tpu.memref_slice %arg7[%dma_start3A_34] : memref<5x!tpu.dma_semaphore, #tpu.memory_space<semaphore_mem>> -> memref<1x!tpu.dma_semaphore, #tpu.memory_space<semaphore_mem>>
    %dma_start3A_46 = tpu.memref_squeeze %dma_start3A_45 : memref<1x!tpu.dma_semaphore, #tpu.memory_space<semaphore_mem>> -> memref<!tpu.dma_semaphore, #tpu.memory_space<semaphore_mem>>
    tpu.enqueue_indirect_dma source(%dma_start3A_44 : memref<10000x128xf32, #tpu.memory_space<hbm>>) target(%dma_start3A_38 : memref<80x128xf32, #tpu.memory_space<vmem>>) offsets(%dma_start3A_41 : memref<80xi32, #tpu.memory_space<vmem>>) semaphore(%dma_start3A_46 : memref<!tpu.dma_semaphore, #tpu.memory_space<semaphore_mem>>)
    %dma_start3A_47 = arith.constant 3 : i32
    %dma_start3A_48 = arith.constant 3 : i32
    %dma_start3A_49 = arith.constant 3 : i32
    %dma_start3A_50 = arith.constant 0 : i32
    %dma_start3A_51 = arith.constant 0 : i32
    %dma_start3A_52 = tpu.memref_slice %arg6[%dma_start3A_48, %dma_start3A_50, %dma_start3A_51] : memref<5x80x128xf32, #tpu.memory_space<vmem>> -> memref<1x80x128xf32, #tpu.memory_space<vmem>>
    %dma_start3A_53 = tpu.memref_squeeze %dma_start3A_52 : memref<1x80x128xf32, #tpu.memory_space<vmem>> -> memref<80x128xf32, #tpu.memory_space<vmem>>
    %dma_start3A_54 = arith.constant 0 : i32
    %dma_start3A_55 = tpu.memref_slice %arg5[%dma_start3A_47, %dma_start3A_54] : memref<25x80xi32, #tpu.memory_space<vmem>> -> memref<1x80xi32, #tpu.memory_space<vmem>>
    %dma_start3A_56 = tpu.memref_squeeze %dma_start3A_55 : memref<1x80xi32, #tpu.memory_space<vmem>> -> memref<80xi32, #tpu.memory_space<vmem>>
    %dma_start3A_57 = arith.constant 0 : i32
    %dma_start3A_58 = arith.constant 0 : i32
    %dma_start3A_59 = tpu.memref_slice %arg2[%dma_start3A_57, %dma_start3A_58] : memref<10000x128xf32, #tpu.memory_space<hbm>> -> memref<10000x128xf32, #tpu.memory_space<hbm>>
    %dma_start3A_60 = tpu.memref_slice %arg7[%dma_start3A_49] : memref<5x!tpu.dma_semaphore, #tpu.memory_space<semaphore_mem>> -> memref<1x!tpu.dma_semaphore, #tpu.memory_space<semaphore_mem>>
    %dma_start3A_61 = tpu.memref_squeeze %dma_start3A_60 : memref<1x!tpu.dma_semaphore, #tpu.memory_space<semaphore_mem>> -> memref<!tpu.dma_semaphore, #tpu.memory_space<semaphore_mem>>
    tpu.enqueue_indirect_dma source(%dma_start3A_59 : memref<10000x128xf32, #tpu.memory_space<hbm>>) target(%dma_start3A_53 : memref<80x128xf32, #tpu.memory_space<vmem>>) offsets(%dma_start3A_56 : memref<80xi32, #tpu.memory_space<vmem>>) semaphore(%dma_start3A_61 : memref<!tpu.dma_semaphore, #tpu.memory_space<semaphore_mem>>)
    %scan3A = arith.constant 0 : i32
    %scan3A_62 = arith.constant 0 : i32
    %scan3A_63 = arith.constant 5 : i32
    %scan3A_64 = arith.addi %scan3A_62, %scan3A_63 : i32
    %scan3A_65 = arith.constant 1 : i32
    scf.for %scan3A_166 = %scan3A_62 to %scan3A_64 step %scan3A_65  : i32 {
      %mul3A_167 = arith.constant 5 : i32
      %mul3A_168 = arith.muli %scan3A_166, %mul3A_167 : i32
      %add3A_169 = arith.constant 0 : i32
      %add3A_170 = arith.addi %mul3A_168, %add3A_169 : i32
      %add3A_171 = arith.constant 5 : i32
      %add3A_172 = arith.addi %add3A_170, %add3A_171 : i32
      %sub3A = arith.constant 1 : i32
      %sub3A_173 = arith.subi %add3A_172, %sub3A : i32
      %lt3A = arith.constant 25 : i32
      %lt3A_174 = arith.cmpi slt, %sub3A_173, %lt3A : i32
      %convert_element_type3A = arith.extui %lt3A_174 : i1 to i32
      %cond3A = arith.constant 0 : i32
      %cond3A_175 = arith.cmpi ne, %convert_element_type3A, %cond3A : i32
      scf.if %cond3A_175 {
        %gt3A = arith.constant 0 : i32
        %gt3A_393 = arith.cmpi sgt, %add3A_170, %gt3A : i32
        %convert_element_type3A_394 = arith.extui %gt3A_393 : i1 to i32
        %cond3A_395 = arith.constant 0 : i32
        %cond3A_396 = arith.cmpi ne, %convert_element_type3A_394, %cond3A_395 : i32
        scf.if %cond3A_396 {
          %sub3A_411 = arith.constant 1 : i32
          %sub3A_412 = arith.subi %add3A_170, %sub3A_411 : i32
          %add3A_413 = arith.addi %mul3A_2, %sub3A_412 : i32
          %mul3A_414 = arith.constant 80 : i32
          %mul3A_415 = arith.muli %add3A_413, %mul3A_414 : i32
          %dma_wait3A_416 = arith.constant 4 : i32
          %dma_wait3A_417 = arith.constant 4 : i32
          %dma_wait3A_418 = arith.constant 0 : i32
          %dma_wait3A_419 = arith.constant 0 : i32
          %dma_wait3A_420 = tpu.memref_slice %arg6[%dma_wait3A_416, %dma_wait3A_418, %dma_wait3A_419] : memref<5x80x128xf32, #tpu.memory_space<vmem>> -> memref<1x80x128xf32, #tpu.memory_space<vmem>>
          %dma_wait3A_421 = tpu.memref_squeeze %dma_wait3A_420 : memref<1x80x128xf32, #tpu.memory_space<vmem>> -> memref<80x128xf32, #tpu.memory_space<vmem>>
          %dma_wait3A_422 = arith.constant 0 : i32
          %dma_wait3A_423 = tpu.memref_slice %arg4[%mul3A_415, %dma_wait3A_422] : memref<64000x128xf32, #tpu.memory_space<hbm>> -> memref<80x128xf32, #tpu.memory_space<hbm>>
          %dma_wait3A_424 = tpu.memref_slice %arg8[%dma_wait3A_417] : memref<5x!tpu.dma_semaphore, #tpu.memory_space<semaphore_mem>> -> memref<1x!tpu.dma_semaphore, #tpu.memory_space<semaphore_mem>>
          %dma_wait3A_425 = tpu.memref_squeeze %dma_wait3A_424 : memref<1x!tpu.dma_semaphore, #tpu.memory_space<semaphore_mem>> -> memref<!tpu.dma_semaphore, #tpu.memory_space<semaphore_mem>>
          %dma_wait3A_426 = arith.constant 0 : i32
          %dma_wait3A_427 = tpu.memref_slice %arg4[%mul3A_415, %dma_wait3A_426] : memref<64000x128xf32, #tpu.memory_space<hbm>> -> memref<80x128xf32, #tpu.memory_space<hbm>>
          %dma_wait3A_428 = arith.constant 0 : i32
          %dma_wait3A_429 = arith.constant 0 : i32
          %dma_wait3A_430 = tpu.memref_slice %arg6[%dma_wait3A_416, %dma_wait3A_428, %dma_wait3A_429] : memref<5x80x128xf32, #tpu.memory_space<vmem>> -> memref<1x80x128xf32, #tpu.memory_space<vmem>>
          %dma_wait3A_431 = tpu.memref_squeeze %dma_wait3A_430 : memref<1x80x128xf32, #tpu.memory_space<vmem>> -> memref<80x128xf32, #tpu.memory_space<vmem>>
          tpu.wait_dma2 semaphore(%dma_wait3A_425 : memref<!tpu.dma_semaphore, #tpu.memory_space<semaphore_mem>>) src(%dma_wait3A_431 : memref<80x128xf32, #tpu.memory_space<vmem>>) dst(%dma_wait3A_427 : memref<80x128xf32, #tpu.memory_space<hbm>>)
        } else {
        }
        %dma_start3A_397 = arith.constant 4 : i32
        %dma_start3A_398 = arith.constant 4 : i32
        %dma_start3A_399 = arith.constant 0 : i32
        %dma_start3A_400 = arith.constant 0 : i32
        %dma_start3A_401 = tpu.memref_slice %arg6[%dma_start3A_397, %dma_start3A_399, %dma_start3A_400] : memref<5x80x128xf32, #tpu.memory_space<vmem>> -> memref<1x80x128xf32, #tpu.memory_space<vmem>>
        %dma_start3A_402 = tpu.memref_squeeze %dma_start3A_401 : memref<1x80x128xf32, #tpu.memory_space<vmem>> -> memref<80x128xf32, #tpu.memory_space<vmem>>
        %dma_start3A_403 = arith.constant 0 : i32
        %dma_start3A_404 = tpu.memref_slice %arg5[%sub3A_173, %dma_start3A_403] : memref<25x80xi32, #tpu.memory_space<vmem>> -> memref<1x80xi32, #tpu.memory_space<vmem>>
        %dma_start3A_405 = tpu.memref_squeeze %dma_start3A_404 : memref<1x80xi32, #tpu.memory_space<vmem>> -> memref<80xi32, #tpu.memory_space<vmem>>
        %dma_start3A_406 = arith.constant 0 : i32
        %dma_start3A_407 = arith.constant 0 : i32
        %dma_start3A_408 = tpu.memref_slice %arg2[%dma_start3A_406, %dma_start3A_407] : memref<10000x128xf32, #tpu.memory_space<hbm>> -> memref<10000x128xf32, #tpu.memory_space<hbm>>
        %dma_start3A_409 = tpu.memref_slice %arg7[%dma_start3A_398] : memref<5x!tpu.dma_semaphore, #tpu.memory_space<semaphore_mem>> -> memref<1x!tpu.dma_semaphore, #tpu.memory_space<semaphore_mem>>
        %dma_start3A_410 = tpu.memref_squeeze %dma_start3A_409 : memref<1x!tpu.dma_semaphore, #tpu.memory_space<semaphore_mem>> -> memref<!tpu.dma_semaphore, #tpu.memory_space<semaphore_mem>>
        tpu.enqueue_indirect_dma source(%dma_start3A_408 : memref<10000x128xf32, #tpu.memory_space<hbm>>) target(%dma_start3A_402 : memref<80x128xf32, #tpu.memory_space<vmem>>) offsets(%dma_start3A_405 : memref<80xi32, #tpu.memory_space<vmem>>) semaphore(%dma_start3A_410 : memref<!tpu.dma_semaphore, #tpu.memory_space<semaphore_mem>>)
      } else {
      }
      %dma_wait3A_176 = arith.constant 0 : i32
      %dma_wait3A_177 = arith.constant 0 : i32
      %dma_wait3A_178 = arith.constant 0 : i32
      %dma_wait3A_179 = arith.constant 0 : i32
      %dma_wait3A_180 = tpu.memref_slice %arg6[%dma_wait3A_176, %dma_wait3A_178, %dma_wait3A_179] : memref<5x80x128xf32, #tpu.memory_space<vmem>> -> memref<1x80x128xf32, #tpu.memory_space<vmem>>
      %dma_wait3A_181 = tpu.memref_squeeze %dma_wait3A_180 : memref<1x80x128xf32, #tpu.memory_space<vmem>> -> memref<80x128xf32, #tpu.memory_space<vmem>>
      %dma_wait3A_182 = arith.constant 0 : i32
      %dma_wait3A_183 = tpu.memref_slice %arg5[%add3A_170, %dma_wait3A_182] : memref<25x80xi32, #tpu.memory_space<vmem>> -> memref<1x80xi32, #tpu.memory_space<vmem>>
      %dma_wait3A_184 = tpu.memref_squeeze %dma_wait3A_183 : memref<1x80xi32, #tpu.memory_space<vmem>> -> memref<80xi32, #tpu.memory_space<vmem>>
      %dma_wait3A_185 = arith.constant 0 : i32
      %dma_wait3A_186 = arith.constant 0 : i32
      %dma_wait3A_187 = tpu.memref_slice %arg2[%dma_wait3A_185, %dma_wait3A_186] : memref<10000x128xf32, #tpu.memory_space<hbm>> -> memref<10000x128xf32, #tpu.memory_space<hbm>>
      %dma_wait3A_188 = tpu.memref_slice %arg7[%dma_wait3A_177] : memref<5x!tpu.dma_semaphore, #tpu.memory_space<semaphore_mem>> -> memref<1x!tpu.dma_semaphore, #tpu.memory_space<semaphore_mem>>
      %dma_wait3A_189 = tpu.memref_squeeze %dma_wait3A_188 : memref<1x!tpu.dma_semaphore, #tpu.memory_space<semaphore_mem>> -> memref<!tpu.dma_semaphore, #tpu.memory_space<semaphore_mem>>
      tpu.wait_indirect_dma semaphore(%dma_wait3A_189 : memref<!tpu.dma_semaphore, #tpu.memory_space<semaphore_mem>>) src(%dma_wait3A_187 : memref<10000x128xf32, #tpu.memory_space<hbm>>) dst(%dma_wait3A_181 : memref<80x128xf32, #tpu.memory_space<vmem>>)
      %add3A_190 = arith.addi %mul3A_2, %add3A_170 : i32
      %mul3A_191 = arith.constant 80 : i32
      %mul3A_192 = arith.muli %add3A_190, %mul3A_191 : i32
      %dma_start3A_193 = arith.constant 0 : i32
      %dma_start3A_194 = arith.constant 0 : i32
      %dma_start3A_195 = arith.constant 0 : i32
      %dma_start3A_196 = arith.constant 0 : i32
      %dma_start3A_197 = tpu.memref_slice %arg6[%dma_start3A_193, %dma_start3A_195, %dma_start3A_196] : memref<5x80x128xf32, #tpu.memory_space<vmem>> -> memref<1x80x128xf32, #tpu.memory_space<vmem>>
      %dma_start3A_198 = tpu.memref_squeeze %dma_start3A_197 : memref<1x80x128xf32, #tpu.memory_space<vmem>> -> memref<80x128xf32, #tpu.memory_space<vmem>>
      %dma_start3A_199 = arith.constant 0 : i32
      %dma_start3A_200 = tpu.memref_slice %arg4[%mul3A_192, %dma_start3A_199] : memref<64000x128xf32, #tpu.memory_space<hbm>> -> memref<80x128xf32, #tpu.memory_space<hbm>>
      %dma_start3A_201 = tpu.memref_slice %arg8[%dma_start3A_194] : memref<5x!tpu.dma_semaphore, #tpu.memory_space<semaphore_mem>> -> memref<1x!tpu.dma_semaphore, #tpu.memory_space<semaphore_mem>>
      %dma_start3A_202 = tpu.memref_squeeze %dma_start3A_201 : memref<1x!tpu.dma_semaphore, #tpu.memory_space<semaphore_mem>> -> memref<!tpu.dma_semaphore, #tpu.memory_space<semaphore_mem>>
      %dma_start3A_203 = arith.constant 0 : i32
      %dma_start3A_204 = tpu.memref_slice %arg4[%mul3A_192, %dma_start3A_203] : memref<64000x128xf32, #tpu.memory_space<hbm>> -> memref<80x128xf32, #tpu.memory_space<hbm>>
      %dma_start3A_205 = arith.constant 0 : i32
      %dma_start3A_206 = arith.constant 0 : i32
      %dma_start3A_207 = tpu.memref_slice %arg6[%dma_start3A_193, %dma_start3A_205, %dma_start3A_206] : memref<5x80x128xf32, #tpu.memory_space<vmem>> -> memref<1x80x128xf32, #tpu.memory_space<vmem>>
      %dma_start3A_208 = tpu.memref_squeeze %dma_start3A_207 : memref<1x80x128xf32, #tpu.memory_space<vmem>> -> memref<80x128xf32, #tpu.memory_space<vmem>>
      tpu.enqueue_dma source(%dma_start3A_208 : memref<80x128xf32, #tpu.memory_space<vmem>>) target(%dma_start3A_204 : memref<80x128xf32, #tpu.memory_space<hbm>>) target_semaphore(%dma_start3A_202 : memref<!tpu.dma_semaphore, #tpu.memory_space<semaphore_mem>>)
      %mul3A_209 = arith.constant 5 : i32
      %mul3A_210 = arith.muli %scan3A_166, %mul3A_209 : i32
      %add3A_211 = arith.constant 1 : i32
      %add3A_212 = arith.addi %mul3A_210, %add3A_211 : i32
      %add3A_213 = arith.constant 5 : i32
      %add3A_214 = arith.addi %add3A_212, %add3A_213 : i32
      %sub3A_215 = arith.constant 1 : i32
      %sub3A_216 = arith.subi %add3A_214, %sub3A_215 : i32
      %lt3A_217 = arith.constant 25 : i32
      %lt3A_218 = arith.cmpi slt, %sub3A_216, %lt3A_217 : i32
      %convert_element_type3A_219 = arith.extui %lt3A_218 : i1 to i32
      %cond3A_220 = arith.constant 0 : i32
      %cond3A_221 = arith.cmpi ne, %convert_element_type3A_219, %cond3A_220 : i32
      scf.if %cond3A_221 {
        %gt3A = arith.constant 0 : i32
        %gt3A_393 = arith.cmpi sgt, %add3A_212, %gt3A : i32
        %convert_element_type3A_394 = arith.extui %gt3A_393 : i1 to i32
        %cond3A_395 = arith.constant 0 : i32
        %cond3A_396 = arith.cmpi ne, %convert_element_type3A_394, %cond3A_395 : i32
        scf.if %cond3A_396 {
          %sub3A_411 = arith.constant 1 : i32
          %sub3A_412 = arith.subi %add3A_212, %sub3A_411 : i32
          %add3A_413 = arith.addi %mul3A_2, %sub3A_412 : i32
          %mul3A_414 = arith.constant 80 : i32
          %mul3A_415 = arith.muli %add3A_413, %mul3A_414 : i32
          %dma_wait3A_416 = arith.constant 0 : i32
          %dma_wait3A_417 = arith.constant 0 : i32
          %dma_wait3A_418 = arith.constant 0 : i32
          %dma_wait3A_419 = arith.constant 0 : i32
          %dma_wait3A_420 = tpu.memref_slice %arg6[%dma_wait3A_416, %dma_wait3A_418, %dma_wait3A_419] : memref<5x80x128xf32, #tpu.memory_space<vmem>> -> memref<1x80x128xf32, #tpu.memory_space<vmem>>
          %dma_wait3A_421 = tpu.memref_squeeze %dma_wait3A_420 : memref<1x80x128xf32, #tpu.memory_space<vmem>> -> memref<80x128xf32, #tpu.memory_space<vmem>>
          %dma_wait3A_422 = arith.constant 0 : i32
          %dma_wait3A_423 = tpu.memref_slice %arg4[%mul3A_415, %dma_wait3A_422] : memref<64000x128xf32, #tpu.memory_space<hbm>> -> memref<80x128xf32, #tpu.memory_space<hbm>>
          %dma_wait3A_424 = tpu.memref_slice %arg8[%dma_wait3A_417] : memref<5x!tpu.dma_semaphore, #tpu.memory_space<semaphore_mem>> -> memref<1x!tpu.dma_semaphore, #tpu.memory_space<semaphore_mem>>
          %dma_wait3A_425 = tpu.memref_squeeze %dma_wait3A_424 : memref<1x!tpu.dma_semaphore, #tpu.memory_space<semaphore_mem>> -> memref<!tpu.dma_semaphore, #tpu.memory_space<semaphore_mem>>
          %dma_wait3A_426 = arith.constant 0 : i32
          %dma_wait3A_427 = tpu.memref_slice %arg4[%mul3A_415, %dma_wait3A_426] : memref<64000x128xf32, #tpu.memory_space<hbm>> -> memref<80x128xf32, #tpu.memory_space<hbm>>
          %dma_wait3A_428 = arith.constant 0 : i32
          %dma_wait3A_429 = arith.constant 0 : i32
          %dma_wait3A_430 = tpu.memref_slice %arg6[%dma_wait3A_416, %dma_wait3A_428, %dma_wait3A_429] : memref<5x80x128xf32, #tpu.memory_space<vmem>> -> memref<1x80x128xf32, #tpu.memory_space<vmem>>
          %dma_wait3A_431 = tpu.memref_squeeze %dma_wait3A_430 : memref<1x80x128xf32, #tpu.memory_space<vmem>> -> memref<80x128xf32, #tpu.memory_space<vmem>>
          tpu.wait_dma2 semaphore(%dma_wait3A_425 : memref<!tpu.dma_semaphore, #tpu.memory_space<semaphore_mem>>) src(%dma_wait3A_431 : memref<80x128xf32, #tpu.memory_space<vmem>>) dst(%dma_wait3A_427 : memref<80x128xf32, #tpu.memory_space<hbm>>)
        } else {
        }
        %dma_start3A_397 = arith.constant 0 : i32
        %dma_start3A_398 = arith.constant 0 : i32
        %dma_start3A_399 = arith.constant 0 : i32
        %dma_start3A_400 = arith.constant 0 : i32
        %dma_start3A_401 = tpu.memref_slice %arg6[%dma_start3A_397, %dma_start3A_399, %dma_start3A_400] : memref<5x80x128xf32, #tpu.memory_space<vmem>> -> memref<1x80x128xf32, #tpu.memory_space<vmem>>
        %dma_start3A_402 = tpu.memref_squeeze %dma_start3A_401 : memref<1x80x128xf32, #tpu.memory_space<vmem>> -> memref<80x128xf32, #tpu.memory_space<vmem>>
        %dma_start3A_403 = arith.constant 0 : i32
        %dma_start3A_404 = tpu.memref_slice %arg5[%sub3A_216, %dma_start3A_403] : memref<25x80xi32, #tpu.memory_space<vmem>> -> memref<1x80xi32, #tpu.memory_space<vmem>>
        %dma_start3A_405 = tpu.memref_squeeze %dma_start3A_404 : memref<1x80xi32, #tpu.memory_space<vmem>> -> memref<80xi32, #tpu.memory_space<vmem>>
        %dma_start3A_406 = arith.constant 0 : i32
        %dma_start3A_407 = arith.constant 0 : i32
        %dma_start3A_408 = tpu.memref_slice %arg2[%dma_start3A_406, %dma_start3A_407] : memref<10000x128xf32, #tpu.memory_space<hbm>> -> memref<10000x128xf32, #tpu.memory_space<hbm>>
        %dma_start3A_409 = tpu.memref_slice %arg7[%dma_start3A_398] : memref<5x!tpu.dma_semaphore, #tpu.memory_space<semaphore_mem>> -> memref<1x!tpu.dma_semaphore, #tpu.memory_space<semaphore_mem>>
        %dma_start3A_410 = tpu.memref_squeeze %dma_start3A_409 : memref<1x!tpu.dma_semaphore, #tpu.memory_space<semaphore_mem>> -> memref<!tpu.dma_semaphore, #tpu.memory_space<semaphore_mem>>
        tpu.enqueue_indirect_dma source(%dma_start3A_408 : memref<10000x128xf32, #tpu.memory_space<hbm>>) target(%dma_start3A_402 : memref<80x128xf32, #tpu.memory_space<vmem>>) offsets(%dma_start3A_405 : memref<80xi32, #tpu.memory_space<vmem>>) semaphore(%dma_start3A_410 : memref<!tpu.dma_semaphore, #tpu.memory_space<semaphore_mem>>)
      } else {
      }
      %dma_wait3A_222 = arith.constant 1 : i32
      %dma_wait3A_223 = arith.constant 1 : i32
      %dma_wait3A_224 = arith.constant 0 : i32
      %dma_wait3A_225 = arith.constant 0 : i32
      %dma_wait3A_226 = tpu.memref_slice %arg6[%dma_wait3A_222, %dma_wait3A_224, %dma_wait3A_225] : memref<5x80x128xf32, #tpu.memory_space<vmem>> -> memref<1x80x128xf32, #tpu.memory_space<vmem>>
      %dma_wait3A_227 = tpu.memref_squeeze %dma_wait3A_226 : memref<1x80x128xf32, #tpu.memory_space<vmem>> -> memref<80x128xf32, #tpu.memory_space<vmem>>
      %dma_wait3A_228 = arith.constant 0 : i32
      %dma_wait3A_229 = tpu.memref_slice %arg5[%add3A_212, %dma_wait3A_228] : memref<25x80xi32, #tpu.memory_space<vmem>> -> memref<1x80xi32, #tpu.memory_space<vmem>>
      %dma_wait3A_230 = tpu.memref_squeeze %dma_wait3A_229 : memref<1x80xi32, #tpu.memory_space<vmem>> -> memref<80xi32, #tpu.memory_space<vmem>>
      %dma_wait3A_231 = arith.constant 0 : i32
      %dma_wait3A_232 = arith.constant 0 : i32
      %dma_wait3A_233 = tpu.memref_slice %arg2[%dma_wait3A_231, %dma_wait3A_232] : memref<10000x128xf32, #tpu.memory_space<hbm>> -> memref<10000x128xf32, #tpu.memory_space<hbm>>
      %dma_wait3A_234 = tpu.memref_slice %arg7[%dma_wait3A_223] : memref<5x!tpu.dma_semaphore, #tpu.memory_space<semaphore_mem>> -> memref<1x!tpu.dma_semaphore, #tpu.memory_space<semaphore_mem>>
      %dma_wait3A_235 = tpu.memref_squeeze %dma_wait3A_234 : memref<1x!tpu.dma_semaphore, #tpu.memory_space<semaphore_mem>> -> memref<!tpu.dma_semaphore, #tpu.memory_space<semaphore_mem>>
      tpu.wait_indirect_dma semaphore(%dma_wait3A_235 : memref<!tpu.dma_semaphore, #tpu.memory_space<semaphore_mem>>) src(%dma_wait3A_233 : memref<10000x128xf32, #tpu.memory_space<hbm>>) dst(%dma_wait3A_227 : memref<80x128xf32, #tpu.memory_space<vmem>>)
      %add3A_236 = arith.addi %mul3A_2, %add3A_212 : i32
      %mul3A_237 = arith.constant 80 : i32
      %mul3A_238 = arith.muli %add3A_236, %mul3A_237 : i32
      %dma_start3A_239 = arith.constant 1 : i32
      %dma_start3A_240 = arith.constant 1 : i32
      %dma_start3A_241 = arith.constant 0 : i32
      %dma_start3A_242 = arith.constant 0 : i32
      %dma_start3A_243 = tpu.memref_slice %arg6[%dma_start3A_239, %dma_start3A_241, %dma_start3A_242] : memref<5x80x128xf32, #tpu.memory_space<vmem>> -> memref<1x80x128xf32, #tpu.memory_space<vmem>>
      %dma_start3A_244 = tpu.memref_squeeze %dma_start3A_243 : memref<1x80x128xf32, #tpu.memory_space<vmem>> -> memref<80x128xf32, #tpu.memory_space<vmem>>
      %dma_start3A_245 = arith.constant 0 : i32
      %dma_start3A_246 = tpu.memref_slice %arg4[%mul3A_238, %dma_start3A_245] : memref<64000x128xf32, #tpu.memory_space<hbm>> -> memref<80x128xf32, #tpu.memory_space<hbm>>
      %dma_start3A_247 = tpu.memref_slice %arg8[%dma_start3A_240] : memref<5x!tpu.dma_semaphore, #tpu.memory_space<semaphore_mem>> -> memref<1x!tpu.dma_semaphore, #tpu.memory_space<semaphore_mem>>
      %dma_start3A_248 = tpu.memref_squeeze %dma_start3A_247 : memref<1x!tpu.dma_semaphore, #tpu.memory_space<semaphore_mem>> -> memref<!tpu.dma_semaphore, #tpu.memory_space<semaphore_mem>>
      %dma_start3A_249 = arith.constant 0 : i32
      %dma_start3A_250 = tpu.memref_slice %arg4[%mul3A_238, %dma_start3A_249] : memref<64000x128xf32, #tpu.memory_space<hbm>> -> memref<80x128xf32, #tpu.memory_space<hbm>>
      %dma_start3A_251 = arith.constant 0 : i32
      %dma_start3A_252 = arith.constant 0 : i32
      %dma_start3A_253 = tpu.memref_slice %arg6[%dma_start3A_239, %dma_start3A_251, %dma_start3A_252] : memref<5x80x128xf32, #tpu.memory_space<vmem>> -> memref<1x80x128xf32, #tpu.memory_space<vmem>>
      %dma_start3A_254 = tpu.memref_squeeze %dma_start3A_253 : memref<1x80x128xf32, #tpu.memory_space<vmem>> -> memref<80x128xf32, #tpu.memory_space<vmem>>
      tpu.enqueue_dma source(%dma_start3A_254 : memref<80x128xf32, #tpu.memory_space<vmem>>) target(%dma_start3A_250 : memref<80x128xf32, #tpu.memory_space<hbm>>) target_semaphore(%dma_start3A_248 : memref<!tpu.dma_semaphore, #tpu.memory_space<semaphore_mem>>)
      %mul3A_255 = arith.constant 5 : i32
      %mul3A_256 = arith.muli %scan3A_166, %mul3A_255 : i32
      %add3A_257 = arith.constant 2 : i32
      %add3A_258 = arith.addi %mul3A_256, %add3A_257 : i32
      %add3A_259 = arith.constant 5 : i32
      %add3A_260 = arith.addi %add3A_258, %add3A_259 : i32
      %sub3A_261 = arith.constant 1 : i32
      %sub3A_262 = arith.subi %add3A_260, %sub3A_261 : i32
      %lt3A_263 = arith.constant 25 : i32
      %lt3A_264 = arith.cmpi slt, %sub3A_262, %lt3A_263 : i32
      %convert_element_type3A_265 = arith.extui %lt3A_264 : i1 to i32
      %cond3A_266 = arith.constant 0 : i32
      %cond3A_267 = arith.cmpi ne, %convert_element_type3A_265, %cond3A_266 : i32
      scf.if %cond3A_267 {
        %gt3A = arith.constant 0 : i32
        %gt3A_393 = arith.cmpi sgt, %add3A_258, %gt3A : i32
        %convert_element_type3A_394 = arith.extui %gt3A_393 : i1 to i32
        %cond3A_395 = arith.constant 0 : i32
        %cond3A_396 = arith.cmpi ne, %convert_element_type3A_394, %cond3A_395 : i32
        scf.if %cond3A_396 {
          %sub3A_411 = arith.constant 1 : i32
          %sub3A_412 = arith.subi %add3A_258, %sub3A_411 : i32
          %add3A_413 = arith.addi %mul3A_2, %sub3A_412 : i32
          %mul3A_414 = arith.constant 80 : i32
          %mul3A_415 = arith.muli %add3A_413, %mul3A_414 : i32
          %dma_wait3A_416 = arith.constant 1 : i32
          %dma_wait3A_417 = arith.constant 1 : i32
          %dma_wait3A_418 = arith.constant 0 : i32
          %dma_wait3A_419 = arith.constant 0 : i32
          %dma_wait3A_420 = tpu.memref_slice %arg6[%dma_wait3A_416, %dma_wait3A_418, %dma_wait3A_419] : memref<5x80x128xf32, #tpu.memory_space<vmem>> -> memref<1x80x128xf32, #tpu.memory_space<vmem>>
          %dma_wait3A_421 = tpu.memref_squeeze %dma_wait3A_420 : memref<1x80x128xf32, #tpu.memory_space<vmem>> -> memref<80x128xf32, #tpu.memory_space<vmem>>
          %dma_wait3A_422 = arith.constant 0 : i32
          %dma_wait3A_423 = tpu.memref_slice %arg4[%mul3A_415, %dma_wait3A_422] : memref<64000x128xf32, #tpu.memory_space<hbm>> -> memref<80x128xf32, #tpu.memory_space<hbm>>
          %dma_wait3A_424 = tpu.memref_slice %arg8[%dma_wait3A_417] : memref<5x!tpu.dma_semaphore, #tpu.memory_space<semaphore_mem>> -> memref<1x!tpu.dma_semaphore, #tpu.memory_space<semaphore_mem>>
          %dma_wait3A_425 = tpu.memref_squeeze %dma_wait3A_424 : memref<1x!tpu.dma_semaphore, #tpu.memory_space<semaphore_mem>> -> memref<!tpu.dma_semaphore, #tpu.memory_space<semaphore_mem>>
          %dma_wait3A_426 = arith.constant 0 : i32
          %dma_wait3A_427 = tpu.memref_slice %arg4[%mul3A_415, %dma_wait3A_426] : memref<64000x128xf32, #tpu.memory_space<hbm>> -> memref<80x128xf32, #tpu.memory_space<hbm>>
          %dma_wait3A_428 = arith.constant 0 : i32
          %dma_wait3A_429 = arith.constant 0 : i32
          %dma_wait3A_430 = tpu.memref_slice %arg6[%dma_wait3A_416, %dma_wait3A_428, %dma_wait3A_429] : memref<5x80x128xf32, #tpu.memory_space<vmem>> -> memref<1x80x128xf32, #tpu.memory_space<vmem>>
          %dma_wait3A_431 = tpu.memref_squeeze %dma_wait3A_430 : memref<1x80x128xf32, #tpu.memory_space<vmem>> -> memref<80x128xf32, #tpu.memory_space<vmem>>
          tpu.wait_dma2 semaphore(%dma_wait3A_425 : memref<!tpu.dma_semaphore, #tpu.memory_space<semaphore_mem>>) src(%dma_wait3A_431 : memref<80x128xf32, #tpu.memory_space<vmem>>) dst(%dma_wait3A_427 : memref<80x128xf32, #tpu.memory_space<hbm>>)
        } else {
        }
        %dma_start3A_397 = arith.constant 1 : i32
        %dma_start3A_398 = arith.constant 1 : i32
        %dma_start3A_399 = arith.constant 0 : i32
        %dma_start3A_400 = arith.constant 0 : i32
        %dma_start3A_401 = tpu.memref_slice %arg6[%dma_start3A_397, %dma_start3A_399, %dma_start3A_400] : memref<5x80x128xf32, #tpu.memory_space<vmem>> -> memref<1x80x128xf32, #tpu.memory_space<vmem>>
        %dma_start3A_402 = tpu.memref_squeeze %dma_start3A_401 : memref<1x80x128xf32, #tpu.memory_space<vmem>> -> memref<80x128xf32, #tpu.memory_space<vmem>>
        %dma_start3A_403 = arith.constant 0 : i32
        %dma_start3A_404 = tpu.memref_slice %arg5[%sub3A_262, %dma_start3A_403] : memref<25x80xi32, #tpu.memory_space<vmem>> -> memref<1x80xi32, #tpu.memory_space<vmem>>
        %dma_start3A_405 = tpu.memref_squeeze %dma_start3A_404 : memref<1x80xi32, #tpu.memory_space<vmem>> -> memref<80xi32, #tpu.memory_space<vmem>>
        %dma_start3A_406 = arith.constant 0 : i32
        %dma_start3A_407 = arith.constant 0 : i32
        %dma_start3A_408 = tpu.memref_slice %arg2[%dma_start3A_406, %dma_start3A_407] : memref<10000x128xf32, #tpu.memory_space<hbm>> -> memref<10000x128xf32, #tpu.memory_space<hbm>>
        %dma_start3A_409 = tpu.memref_slice %arg7[%dma_start3A_398] : memref<5x!tpu.dma_semaphore, #tpu.memory_space<semaphore_mem>> -> memref<1x!tpu.dma_semaphore, #tpu.memory_space<semaphore_mem>>
        %dma_start3A_410 = tpu.memref_squeeze %dma_start3A_409 : memref<1x!tpu.dma_semaphore, #tpu.memory_space<semaphore_mem>> -> memref<!tpu.dma_semaphore, #tpu.memory_space<semaphore_mem>>
        tpu.enqueue_indirect_dma source(%dma_start3A_408 : memref<10000x128xf32, #tpu.memory_space<hbm>>) target(%dma_start3A_402 : memref<80x128xf32, #tpu.memory_space<vmem>>) offsets(%dma_start3A_405 : memref<80xi32, #tpu.memory_space<vmem>>) semaphore(%dma_start3A_410 : memref<!tpu.dma_semaphore, #tpu.memory_space<semaphore_mem>>)
      } else {
      }
      %dma_wait3A_268 = arith.constant 2 : i32
      %dma_wait3A_269 = arith.constant 2 : i32
      %dma_wait3A_270 = arith.constant 0 : i32
      %dma_wait3A_271 = arith.constant 0 : i32
      %dma_wait3A_272 = tpu.memref_slice %arg6[%dma_wait3A_268, %dma_wait3A_270, %dma_wait3A_271] : memref<5x80x128xf32, #tpu.memory_space<vmem>> -> memref<1x80x128xf32, #tpu.memory_space<vmem>>
      %dma_wait3A_273 = tpu.memref_squeeze %dma_wait3A_272 : memref<1x80x128xf32, #tpu.memory_space<vmem>> -> memref<80x128xf32, #tpu.memory_space<vmem>>
      %dma_wait3A_274 = arith.constant 0 : i32
      %dma_wait3A_275 = tpu.memref_slice %arg5[%add3A_258, %dma_wait3A_274] : memref<25x80xi32, #tpu.memory_space<vmem>> -> memref<1x80xi32, #tpu.memory_space<vmem>>
      %dma_wait3A_276 = tpu.memref_squeeze %dma_wait3A_275 : memref<1x80xi32, #tpu.memory_space<vmem>> -> memref<80xi32, #tpu.memory_space<vmem>>
      %dma_wait3A_277 = arith.constant 0 : i32
      %dma_wait3A_278 = arith.constant 0 : i32
      %dma_wait3A_279 = tpu.memref_slice %arg2[%dma_wait3A_277, %dma_wait3A_278] : memref<10000x128xf32, #tpu.memory_space<hbm>> -> memref<10000x128xf32, #tpu.memory_space<hbm>>
      %dma_wait3A_280 = tpu.memref_slice %arg7[%dma_wait3A_269] : memref<5x!tpu.dma_semaphore, #tpu.memory_space<semaphore_mem>> -> memref<1x!tpu.dma_semaphore, #tpu.memory_space<semaphore_mem>>
      %dma_wait3A_281 = tpu.memref_squeeze %dma_wait3A_280 : memref<1x!tpu.dma_semaphore, #tpu.memory_space<semaphore_mem>> -> memref<!tpu.dma_semaphore, #tpu.memory_space<semaphore_mem>>
      tpu.wait_indirect_dma semaphore(%dma_wait3A_281 : memref<!tpu.dma_semaphore, #tpu.memory_space<semaphore_mem>>) src(%dma_wait3A_279 : memref<10000x128xf32, #tpu.memory_space<hbm>>) dst(%dma_wait3A_273 : memref<80x128xf32, #tpu.memory_space<vmem>>)
      %add3A_282 = arith.addi %mul3A_2, %add3A_258 : i32
      %mul3A_283 = arith.constant 80 : i32
      %mul3A_284 = arith.muli %add3A_282, %mul3A_283 : i32
      %dma_start3A_285 = arith.constant 2 : i32
      %dma_start3A_286 = arith.constant 2 : i32
      %dma_start3A_287 = arith.constant 0 : i32
      %dma_start3A_288 = arith.constant 0 : i32
      %dma_start3A_289 = tpu.memref_slice %arg6[%dma_start3A_285, %dma_start3A_287, %dma_start3A_288] : memref<5x80x128xf32, #tpu.memory_space<vmem>> -> memref<1x80x128xf32, #tpu.memory_space<vmem>>
      %dma_start3A_290 = tpu.memref_squeeze %dma_start3A_289 : memref<1x80x128xf32, #tpu.memory_space<vmem>> -> memref<80x128xf32, #tpu.memory_space<vmem>>
      %dma_start3A_291 = arith.constant 0 : i32
      %dma_start3A_292 = tpu.memref_slice %arg4[%mul3A_284, %dma_start3A_291] : memref<64000x128xf32, #tpu.memory_space<hbm>> -> memref<80x128xf32, #tpu.memory_space<hbm>>
      %dma_start3A_293 = tpu.memref_slice %arg8[%dma_start3A_286] : memref<5x!tpu.dma_semaphore, #tpu.memory_space<semaphore_mem>> -> memref<1x!tpu.dma_semaphore, #tpu.memory_space<semaphore_mem>>
      %dma_start3A_294 = tpu.memref_squeeze %dma_start3A_293 : memref<1x!tpu.dma_semaphore, #tpu.memory_space<semaphore_mem>> -> memref<!tpu.dma_semaphore, #tpu.memory_space<semaphore_mem>>
      %dma_start3A_295 = arith.constant 0 : i32
      %dma_start3A_296 = tpu.memref_slice %arg4[%mul3A_284, %dma_start3A_295] : memref<64000x128xf32, #tpu.memory_space<hbm>> -> memref<80x128xf32, #tpu.memory_space<hbm>>
      %dma_start3A_297 = arith.constant 0 : i32
      %dma_start3A_298 = arith.constant 0 : i32
      %dma_start3A_299 = tpu.memref_slice %arg6[%dma_start3A_285, %dma_start3A_297, %dma_start3A_298] : memref<5x80x128xf32, #tpu.memory_space<vmem>> -> memref<1x80x128xf32, #tpu.memory_space<vmem>>
      %dma_start3A_300 = tpu.memref_squeeze %dma_start3A_299 : memref<1x80x128xf32, #tpu.memory_space<vmem>> -> memref<80x128xf32, #tpu.memory_space<vmem>>
      tpu.enqueue_dma source(%dma_start3A_300 : memref<80x128xf32, #tpu.memory_space<vmem>>) target(%dma_start3A_296 : memref<80x128xf32, #tpu.memory_space<hbm>>) target_semaphore(%dma_start3A_294 : memref<!tpu.dma_semaphore, #tpu.memory_space<semaphore_mem>>)
      %mul3A_301 = arith.constant 5 : i32
      %mul3A_302 = arith.muli %scan3A_166, %mul3A_301 : i32
      %add3A_303 = arith.constant 3 : i32
      %add3A_304 = arith.addi %mul3A_302, %add3A_303 : i32
      %add3A_305 = arith.constant 5 : i32
      %add3A_306 = arith.addi %add3A_304, %add3A_305 : i32
      %sub3A_307 = arith.constant 1 : i32
      %sub3A_308 = arith.subi %add3A_306, %sub3A_307 : i32
      %lt3A_309 = arith.constant 25 : i32
      %lt3A_310 = arith.cmpi slt, %sub3A_308, %lt3A_309 : i32
      %convert_element_type3A_311 = arith.extui %lt3A_310 : i1 to i32
      %cond3A_312 = arith.constant 0 : i32
      %cond3A_313 = arith.cmpi ne, %convert_element_type3A_311, %cond3A_312 : i32
      scf.if %cond3A_313 {
        %gt3A = arith.constant 0 : i32
        %gt3A_393 = arith.cmpi sgt, %add3A_304, %gt3A : i32
        %convert_element_type3A_394 = arith.extui %gt3A_393 : i1 to i32
        %cond3A_395 = arith.constant 0 : i32
        %cond3A_396 = arith.cmpi ne, %convert_element_type3A_394, %cond3A_395 : i32
        scf.if %cond3A_396 {
          %sub3A_411 = arith.constant 1 : i32
          %sub3A_412 = arith.subi %add3A_304, %sub3A_411 : i32
          %add3A_413 = arith.addi %mul3A_2, %sub3A_412 : i32
          %mul3A_414 = arith.constant 80 : i32
          %mul3A_415 = arith.muli %add3A_413, %mul3A_414 : i32
          %dma_wait3A_416 = arith.constant 2 : i32
          %dma_wait3A_417 = arith.constant 2 : i32
          %dma_wait3A_418 = arith.constant 0 : i32
          %dma_wait3A_419 = arith.constant 0 : i32
          %dma_wait3A_420 = tpu.memref_slice %arg6[%dma_wait3A_416, %dma_wait3A_418, %dma_wait3A_419] : memref<5x80x128xf32, #tpu.memory_space<vmem>> -> memref<1x80x128xf32, #tpu.memory_space<vmem>>
          %dma_wait3A_421 = tpu.memref_squeeze %dma_wait3A_420 : memref<1x80x128xf32, #tpu.memory_space<vmem>> -> memref<80x128xf32, #tpu.memory_space<vmem>>
          %dma_wait3A_422 = arith.constant 0 : i32
          %dma_wait3A_423 = tpu.memref_slice %arg4[%mul3A_415, %dma_wait3A_422] : memref<64000x128xf32, #tpu.memory_space<hbm>> -> memref<80x128xf32, #tpu.memory_space<hbm>>
          %dma_wait3A_424 = tpu.memref_slice %arg8[%dma_wait3A_417] : memref<5x!tpu.dma_semaphore, #tpu.memory_space<semaphore_mem>> -> memref<1x!tpu.dma_semaphore, #tpu.memory_space<semaphore_mem>>
          %dma_wait3A_425 = tpu.memref_squeeze %dma_wait3A_424 : memref<1x!tpu.dma_semaphore, #tpu.memory_space<semaphore_mem>> -> memref<!tpu.dma_semaphore, #tpu.memory_space<semaphore_mem>>
          %dma_wait3A_426 = arith.constant 0 : i32
          %dma_wait3A_427 = tpu.memref_slice %arg4[%mul3A_415, %dma_wait3A_426] : memref<64000x128xf32, #tpu.memory_space<hbm>> -> memref<80x128xf32, #tpu.memory_space<hbm>>
          %dma_wait3A_428 = arith.constant 0 : i32
          %dma_wait3A_429 = arith.constant 0 : i32
          %dma_wait3A_430 = tpu.memref_slice %arg6[%dma_wait3A_416, %dma_wait3A_428, %dma_wait3A_429] : memref<5x80x128xf32, #tpu.memory_space<vmem>> -> memref<1x80x128xf32, #tpu.memory_space<vmem>>
          %dma_wait3A_431 = tpu.memref_squeeze %dma_wait3A_430 : memref<1x80x128xf32, #tpu.memory_space<vmem>> -> memref<80x128xf32, #tpu.memory_space<vmem>>
          tpu.wait_dma2 semaphore(%dma_wait3A_425 : memref<!tpu.dma_semaphore, #tpu.memory_space<semaphore_mem>>) src(%dma_wait3A_431 : memref<80x128xf32, #tpu.memory_space<vmem>>) dst(%dma_wait3A_427 : memref<80x128xf32, #tpu.memory_space<hbm>>)
        } else {
        }
        %dma_start3A_397 = arith.constant 2 : i32
        %dma_start3A_398 = arith.constant 2 : i32
        %dma_start3A_399 = arith.constant 0 : i32
        %dma_start3A_400 = arith.constant 0 : i32
        %dma_start3A_401 = tpu.memref_slice %arg6[%dma_start3A_397, %dma_start3A_399, %dma_start3A_400] : memref<5x80x128xf32, #tpu.memory_space<vmem>> -> memref<1x80x128xf32, #tpu.memory_space<vmem>>
        %dma_start3A_402 = tpu.memref_squeeze %dma_start3A_401 : memref<1x80x128xf32, #tpu.memory_space<vmem>> -> memref<80x128xf32, #tpu.memory_space<vmem>>
        %dma_start3A_403 = arith.constant 0 : i32
        %dma_start3A_404 = tpu.memref_slice %arg5[%sub3A_308, %dma_start3A_403] : memref<25x80xi32, #tpu.memory_space<vmem>> -> memref<1x80xi32, #tpu.memory_space<vmem>>
        %dma_start3A_405 = tpu.memref_squeeze %dma_start3A_404 : memref<1x80xi32, #tpu.memory_space<vmem>> -> memref<80xi32, #tpu.memory_space<vmem>>
        %dma_start3A_406 = arith.constant 0 : i32
        %dma_start3A_407 = arith.constant 0 : i32
        %dma_start3A_408 = tpu.memref_slice %arg2[%dma_start3A_406, %dma_start3A_407] : memref<10000x128xf32, #tpu.memory_space<hbm>> -> memref<10000x128xf32, #tpu.memory_space<hbm>>
        %dma_start3A_409 = tpu.memref_slice %arg7[%dma_start3A_398] : memref<5x!tpu.dma_semaphore, #tpu.memory_space<semaphore_mem>> -> memref<1x!tpu.dma_semaphore, #tpu.memory_space<semaphore_mem>>
        %dma_start3A_410 = tpu.memref_squeeze %dma_start3A_409 : memref<1x!tpu.dma_semaphore, #tpu.memory_space<semaphore_mem>> -> memref<!tpu.dma_semaphore, #tpu.memory_space<semaphore_mem>>
        tpu.enqueue_indirect_dma source(%dma_start3A_408 : memref<10000x128xf32, #tpu.memory_space<hbm>>) target(%dma_start3A_402 : memref<80x128xf32, #tpu.memory_space<vmem>>) offsets(%dma_start3A_405 : memref<80xi32, #tpu.memory_space<vmem>>) semaphore(%dma_start3A_410 : memref<!tpu.dma_semaphore, #tpu.memory_space<semaphore_mem>>)
      } else {
      }
      %dma_wait3A_314 = arith.constant 3 : i32
      %dma_wait3A_315 = arith.constant 3 : i32
      %dma_wait3A_316 = arith.constant 0 : i32
      %dma_wait3A_317 = arith.constant 0 : i32
      %dma_wait3A_318 = tpu.memref_slice %arg6[%dma_wait3A_314, %dma_wait3A_316, %dma_wait3A_317] : memref<5x80x128xf32, #tpu.memory_space<vmem>> -> memref<1x80x128xf32, #tpu.memory_space<vmem>>
      %dma_wait3A_319 = tpu.memref_squeeze %dma_wait3A_318 : memref<1x80x128xf32, #tpu.memory_space<vmem>> -> memref<80x128xf32, #tpu.memory_space<vmem>>
      %dma_wait3A_320 = arith.constant 0 : i32
      %dma_wait3A_321 = tpu.memref_slice %arg5[%add3A_304, %dma_wait3A_320] : memref<25x80xi32, #tpu.memory_space<vmem>> -> memref<1x80xi32, #tpu.memory_space<vmem>>
      %dma_wait3A_322 = tpu.memref_squeeze %dma_wait3A_321 : memref<1x80xi32, #tpu.memory_space<vmem>> -> memref<80xi32, #tpu.memory_space<vmem>>
      %dma_wait3A_323 = arith.constant 0 : i32
      %dma_wait3A_324 = arith.constant 0 : i32
      %dma_wait3A_325 = tpu.memref_slice %arg2[%dma_wait3A_323, %dma_wait3A_324] : memref<10000x128xf32, #tpu.memory_space<hbm>> -> memref<10000x128xf32, #tpu.memory_space<hbm>>
      %dma_wait3A_326 = tpu.memref_slice %arg7[%dma_wait3A_315] : memref<5x!tpu.dma_semaphore, #tpu.memory_space<semaphore_mem>> -> memref<1x!tpu.dma_semaphore, #tpu.memory_space<semaphore_mem>>
      %dma_wait3A_327 = tpu.memref_squeeze %dma_wait3A_326 : memref<1x!tpu.dma_semaphore, #tpu.memory_space<semaphore_mem>> -> memref<!tpu.dma_semaphore, #tpu.memory_space<semaphore_mem>>
      tpu.wait_indirect_dma semaphore(%dma_wait3A_327 : memref<!tpu.dma_semaphore, #tpu.memory_space<semaphore_mem>>) src(%dma_wait3A_325 : memref<10000x128xf32, #tpu.memory_space<hbm>>) dst(%dma_wait3A_319 : memref<80x128xf32, #tpu.memory_space<vmem>>)
      %add3A_328 = arith.addi %mul3A_2, %add3A_304 : i32
      %mul3A_329 = arith.constant 80 : i32
      %mul3A_330 = arith.muli %add3A_328, %mul3A_329 : i32
      %dma_start3A_331 = arith.constant 3 : i32
      %dma_start3A_332 = arith.constant 3 : i32
      %dma_start3A_333 = arith.constant 0 : i32
      %dma_start3A_334 = arith.constant 0 : i32
      %dma_start3A_335 = tpu.memref_slice %arg6[%dma_start3A_331, %dma_start3A_333, %dma_start3A_334] : memref<5x80x128xf32, #tpu.memory_space<vmem>> -> memref<1x80x128xf32, #tpu.memory_space<vmem>>
      %dma_start3A_336 = tpu.memref_squeeze %dma_start3A_335 : memref<1x80x128xf32, #tpu.memory_space<vmem>> -> memref<80x128xf32, #tpu.memory_space<vmem>>
      %dma_start3A_337 = arith.constant 0 : i32
      %dma_start3A_338 = tpu.memref_slice %arg4[%mul3A_330, %dma_start3A_337] : memref<64000x128xf32, #tpu.memory_space<hbm>> -> memref<80x128xf32, #tpu.memory_space<hbm>>
      %dma_start3A_339 = tpu.memref_slice %arg8[%dma_start3A_332] : memref<5x!tpu.dma_semaphore, #tpu.memory_space<semaphore_mem>> -> memref<1x!tpu.dma_semaphore, #tpu.memory_space<semaphore_mem>>
      %dma_start3A_340 = tpu.memref_squeeze %dma_start3A_339 : memref<1x!tpu.dma_semaphore, #tpu.memory_space<semaphore_mem>> -> memref<!tpu.dma_semaphore, #tpu.memory_space<semaphore_mem>>
      %dma_start3A_341 = arith.constant 0 : i32
      %dma_start3A_342 = tpu.memref_slice %arg4[%mul3A_330, %dma_start3A_341] : memref<64000x128xf32, #tpu.memory_space<hbm>> -> memref<80x128xf32, #tpu.memory_space<hbm>>
      %dma_start3A_343 = arith.constant 0 : i32
      %dma_start3A_344 = arith.constant 0 : i32
      %dma_start3A_345 = tpu.memref_slice %arg6[%dma_start3A_331, %dma_start3A_343, %dma_start3A_344] : memref<5x80x128xf32, #tpu.memory_space<vmem>> -> memref<1x80x128xf32, #tpu.memory_space<vmem>>
      %dma_start3A_346 = tpu.memref_squeeze %dma_start3A_345 : memref<1x80x128xf32, #tpu.memory_space<vmem>> -> memref<80x128xf32, #tpu.memory_space<vmem>>
      tpu.enqueue_dma source(%dma_start3A_346 : memref<80x128xf32, #tpu.memory_space<vmem>>) target(%dma_start3A_342 : memref<80x128xf32, #tpu.memory_space<hbm>>) target_semaphore(%dma_start3A_340 : memref<!tpu.dma_semaphore, #tpu.memory_space<semaphore_mem>>)
      %mul3A_347 = arith.constant 5 : i32
      %mul3A_348 = arith.muli %scan3A_166, %mul3A_347 : i32
      %add3A_349 = arith.constant 4 : i32
      %add3A_350 = arith.addi %mul3A_348, %add3A_349 : i32
      %add3A_351 = arith.constant 5 : i32
      %add3A_352 = arith.addi %add3A_350, %add3A_351 : i32
      %sub3A_353 = arith.constant 1 : i32
      %sub3A_354 = arith.subi %add3A_352, %sub3A_353 : i32
      %lt3A_355 = arith.constant 25 : i32
      %lt3A_356 = arith.cmpi slt, %sub3A_354, %lt3A_355 : i32
      %convert_element_type3A_357 = arith.extui %lt3A_356 : i1 to i32
      %cond3A_358 = arith.constant 0 : i32
      %cond3A_359 = arith.cmpi ne, %convert_element_type3A_357, %cond3A_358 : i32
      scf.if %cond3A_359 {
        %gt3A = arith.constant 0 : i32
        %gt3A_393 = arith.cmpi sgt, %add3A_350, %gt3A : i32
        %convert_element_type3A_394 = arith.extui %gt3A_393 : i1 to i32
        %cond3A_395 = arith.constant 0 : i32
        %cond3A_396 = arith.cmpi ne, %convert_element_type3A_394, %cond3A_395 : i32
        scf.if %cond3A_396 {
          %sub3A_411 = arith.constant 1 : i32
          %sub3A_412 = arith.subi %add3A_350, %sub3A_411 : i32
          %add3A_413 = arith.addi %mul3A_2, %sub3A_412 : i32
          %mul3A_414 = arith.constant 80 : i32
          %mul3A_415 = arith.muli %add3A_413, %mul3A_414 : i32
          %dma_wait3A_416 = arith.constant 3 : i32
          %dma_wait3A_417 = arith.constant 3 : i32
          %dma_wait3A_418 = arith.constant 0 : i32
          %dma_wait3A_419 = arith.constant 0 : i32
          %dma_wait3A_420 = tpu.memref_slice %arg6[%dma_wait3A_416, %dma_wait3A_418, %dma_wait3A_419] : memref<5x80x128xf32, #tpu.memory_space<vmem>> -> memref<1x80x128xf32, #tpu.memory_space<vmem>>
          %dma_wait3A_421 = tpu.memref_squeeze %dma_wait3A_420 : memref<1x80x128xf32, #tpu.memory_space<vmem>> -> memref<80x128xf32, #tpu.memory_space<vmem>>
          %dma_wait3A_422 = arith.constant 0 : i32
          %dma_wait3A_423 = tpu.memref_slice %arg4[%mul3A_415, %dma_wait3A_422] : memref<64000x128xf32, #tpu.memory_space<hbm>> -> memref<80x128xf32, #tpu.memory_space<hbm>>
          %dma_wait3A_424 = tpu.memref_slice %arg8[%dma_wait3A_417] : memref<5x!tpu.dma_semaphore, #tpu.memory_space<semaphore_mem>> -> memref<1x!tpu.dma_semaphore, #tpu.memory_space<semaphore_mem>>
          %dma_wait3A_425 = tpu.memref_squeeze %dma_wait3A_424 : memref<1x!tpu.dma_semaphore, #tpu.memory_space<semaphore_mem>> -> memref<!tpu.dma_semaphore, #tpu.memory_space<semaphore_mem>>
          %dma_wait3A_426 = arith.constant 0 : i32
          %dma_wait3A_427 = tpu.memref_slice %arg4[%mul3A_415, %dma_wait3A_426] : memref<64000x128xf32, #tpu.memory_space<hbm>> -> memref<80x128xf32, #tpu.memory_space<hbm>>
          %dma_wait3A_428 = arith.constant 0 : i32
          %dma_wait3A_429 = arith.constant 0 : i32
          %dma_wait3A_430 = tpu.memref_slice %arg6[%dma_wait3A_416, %dma_wait3A_428, %dma_wait3A_429] : memref<5x80x128xf32, #tpu.memory_space<vmem>> -> memref<1x80x128xf32, #tpu.memory_space<vmem>>
          %dma_wait3A_431 = tpu.memref_squeeze %dma_wait3A_430 : memref<1x80x128xf32, #tpu.memory_space<vmem>> -> memref<80x128xf32, #tpu.memory_space<vmem>>
          tpu.wait_dma2 semaphore(%dma_wait3A_425 : memref<!tpu.dma_semaphore, #tpu.memory_space<semaphore_mem>>) src(%dma_wait3A_431 : memref<80x128xf32, #tpu.memory_space<vmem>>) dst(%dma_wait3A_427 : memref<80x128xf32, #tpu.memory_space<hbm>>)
        } else {
        }
        %dma_start3A_397 = arith.constant 3 : i32
        %dma_start3A_398 = arith.constant 3 : i32
        %dma_start3A_399 = arith.constant 0 : i32
        %dma_start3A_400 = arith.constant 0 : i32
        %dma_start3A_401 = tpu.memref_slice %arg6[%dma_start3A_397, %dma_start3A_399, %dma_start3A_400] : memref<5x80x128xf32, #tpu.memory_space<vmem>> -> memref<1x80x128xf32, #tpu.memory_space<vmem>>
        %dma_start3A_402 = tpu.memref_squeeze %dma_start3A_401 : memref<1x80x128xf32, #tpu.memory_space<vmem>> -> memref<80x128xf32, #tpu.memory_space<vmem>>
        %dma_start3A_403 = arith.constant 0 : i32
        %dma_start3A_404 = tpu.memref_slice %arg5[%sub3A_354, %dma_start3A_403] : memref<25x80xi32, #tpu.memory_space<vmem>> -> memref<1x80xi32, #tpu.memory_space<vmem>>
        %dma_start3A_405 = tpu.memref_squeeze %dma_start3A_404 : memref<1x80xi32, #tpu.memory_space<vmem>> -> memref<80xi32, #tpu.memory_space<vmem>>
        %dma_start3A_406 = arith.constant 0 : i32
        %dma_start3A_407 = arith.constant 0 : i32
        %dma_start3A_408 = tpu.memref_slice %arg2[%dma_start3A_406, %dma_start3A_407] : memref<10000x128xf32, #tpu.memory_space<hbm>> -> memref<10000x128xf32, #tpu.memory_space<hbm>>
        %dma_start3A_409 = tpu.memref_slice %arg7[%dma_start3A_398] : memref<5x!tpu.dma_semaphore, #tpu.memory_space<semaphore_mem>> -> memref<1x!tpu.dma_semaphore, #tpu.memory_space<semaphore_mem>>
        %dma_start3A_410 = tpu.memref_squeeze %dma_start3A_409 : memref<1x!tpu.dma_semaphore, #tpu.memory_space<semaphore_mem>> -> memref<!tpu.dma_semaphore, #tpu.memory_space<semaphore_mem>>
        tpu.enqueue_indirect_dma source(%dma_start3A_408 : memref<10000x128xf32, #tpu.memory_space<hbm>>) target(%dma_start3A_402 : memref<80x128xf32, #tpu.memory_space<vmem>>) offsets(%dma_start3A_405 : memref<80xi32, #tpu.memory_space<vmem>>) semaphore(%dma_start3A_410 : memref<!tpu.dma_semaphore, #tpu.memory_space<semaphore_mem>>)
      } else {
      }
      %dma_wait3A_360 = arith.constant 4 : i32
      %dma_wait3A_361 = arith.constant 4 : i32
      %dma_wait3A_362 = arith.constant 0 : i32
      %dma_wait3A_363 = arith.constant 0 : i32
      %dma_wait3A_364 = tpu.memref_slice %arg6[%dma_wait3A_360, %dma_wait3A_362, %dma_wait3A_363] : memref<5x80x128xf32, #tpu.memory_space<vmem>> -> memref<1x80x128xf32, #tpu.memory_space<vmem>>
      %dma_wait3A_365 = tpu.memref_squeeze %dma_wait3A_364 : memref<1x80x128xf32, #tpu.memory_space<vmem>> -> memref<80x128xf32, #tpu.memory_space<vmem>>
      %dma_wait3A_366 = arith.constant 0 : i32
      %dma_wait3A_367 = tpu.memref_slice %arg5[%add3A_350, %dma_wait3A_366] : memref<25x80xi32, #tpu.memory_space<vmem>> -> memref<1x80xi32, #tpu.memory_space<vmem>>
      %dma_wait3A_368 = tpu.memref_squeeze %dma_wait3A_367 : memref<1x80xi32, #tpu.memory_space<vmem>> -> memref<80xi32, #tpu.memory_space<vmem>>
      %dma_wait3A_369 = arith.constant 0 : i32
      %dma_wait3A_370 = arith.constant 0 : i32
      %dma_wait3A_371 = tpu.memref_slice %arg2[%dma_wait3A_369, %dma_wait3A_370] : memref<10000x128xf32, #tpu.memory_space<hbm>> -> memref<10000x128xf32, #tpu.memory_space<hbm>>
      %dma_wait3A_372 = tpu.memref_slice %arg7[%dma_wait3A_361] : memref<5x!tpu.dma_semaphore, #tpu.memory_space<semaphore_mem>> -> memref<1x!tpu.dma_semaphore, #tpu.memory_space<semaphore_mem>>
      %dma_wait3A_373 = tpu.memref_squeeze %dma_wait3A_372 : memref<1x!tpu.dma_semaphore, #tpu.memory_space<semaphore_mem>> -> memref<!tpu.dma_semaphore, #tpu.memory_space<semaphore_mem>>
      tpu.wait_indirect_dma semaphore(%dma_wait3A_373 : memref<!tpu.dma_semaphore, #tpu.memory_space<semaphore_mem>>) src(%dma_wait3A_371 : memref<10000x128xf32, #tpu.memory_space<hbm>>) dst(%dma_wait3A_365 : memref<80x128xf32, #tpu.memory_space<vmem>>)
      %add3A_374 = arith.addi %mul3A_2, %add3A_350 : i32
      %mul3A_375 = arith.constant 80 : i32
      %mul3A_376 = arith.muli %add3A_374, %mul3A_375 : i32
      %dma_start3A_377 = arith.constant 4 : i32
      %dma_start3A_378 = arith.constant 4 : i32
      %dma_start3A_379 = arith.constant 0 : i32
      %dma_start3A_380 = arith.constant 0 : i32
      %dma_start3A_381 = tpu.memref_slice %arg6[%dma_start3A_377, %dma_start3A_379, %dma_start3A_380] : memref<5x80x128xf32, #tpu.memory_space<vmem>> -> memref<1x80x128xf32, #tpu.memory_space<vmem>>
      %dma_start3A_382 = tpu.memref_squeeze %dma_start3A_381 : memref<1x80x128xf32, #tpu.memory_space<vmem>> -> memref<80x128xf32, #tpu.memory_space<vmem>>
      %dma_start3A_383 = arith.constant 0 : i32
      %dma_start3A_384 = tpu.memref_slice %arg4[%mul3A_376, %dma_start3A_383] : memref<64000x128xf32, #tpu.memory_space<hbm>> -> memref<80x128xf32, #tpu.memory_space<hbm>>
      %dma_start3A_385 = tpu.memref_slice %arg8[%dma_start3A_378] : memref<5x!tpu.dma_semaphore, #tpu.memory_space<semaphore_mem>> -> memref<1x!tpu.dma_semaphore, #tpu.memory_space<semaphore_mem>>
      %dma_start3A_386 = tpu.memref_squeeze %dma_start3A_385 : memref<1x!tpu.dma_semaphore, #tpu.memory_space<semaphore_mem>> -> memref<!tpu.dma_semaphore, #tpu.memory_space<semaphore_mem>>
      %dma_start3A_387 = arith.constant 0 : i32
      %dma_start3A_388 = tpu.memref_slice %arg4[%mul3A_376, %dma_start3A_387] : memref<64000x128xf32, #tpu.memory_space<hbm>> -> memref<80x128xf32, #tpu.memory_space<hbm>>
      %dma_start3A_389 = arith.constant 0 : i32
      %dma_start3A_390 = arith.constant 0 : i32
      %dma_start3A_391 = tpu.memref_slice %arg6[%dma_start3A_377, %dma_start3A_389, %dma_start3A_390] : memref<5x80x128xf32, #tpu.memory_space<vmem>> -> memref<1x80x128xf32, #tpu.memory_space<vmem>>
      %dma_start3A_392 = tpu.memref_squeeze %dma_start3A_391 : memref<1x80x128xf32, #tpu.memory_space<vmem>> -> memref<80x128xf32, #tpu.memory_space<vmem>>
      tpu.enqueue_dma source(%dma_start3A_392 : memref<80x128xf32, #tpu.memory_space<vmem>>) target(%dma_start3A_388 : memref<80x128xf32, #tpu.memory_space<hbm>>) target_semaphore(%dma_start3A_386 : memref<!tpu.dma_semaphore, #tpu.memory_space<semaphore_mem>>)
    }
    %scan3A_66 = arith.constant 5 : i32
    %add3A_67 = arith.constant 20 : i32
    %add3A_68 = arith.addi %mul3A_2, %add3A_67 : i32
    %mul3A_69 = arith.constant 80 : i32
    %mul3A_70 = arith.muli %add3A_68, %mul3A_69 : i32
    %dma_wait3A = arith.constant 0 : i32
    %dma_wait3A_71 = arith.constant 0 : i32
    %dma_wait3A_72 = arith.constant 0 : i32
    %dma_wait3A_73 = arith.constant 0 : i32
    %dma_wait3A_74 = tpu.memref_slice %arg6[%dma_wait3A, %dma_wait3A_72, %dma_wait3A_73] : memref<5x80x128xf32, #tpu.memory_space<vmem>> -> memref<1x80x128xf32, #tpu.memory_space<vmem>>
    %dma_wait3A_75 = tpu.memref_squeeze %dma_wait3A_74 : memref<1x80x128xf32, #tpu.memory_space<vmem>> -> memref<80x128xf32, #tpu.memory_space<vmem>>
    %dma_wait3A_76 = arith.constant 0 : i32
    %dma_wait3A_77 = tpu.memref_slice %arg4[%mul3A_70, %dma_wait3A_76] : memref<64000x128xf32, #tpu.memory_space<hbm>> -> memref<80x128xf32, #tpu.memory_space<hbm>>
    %dma_wait3A_78 = tpu.memref_slice %arg8[%dma_wait3A_71] : memref<5x!tpu.dma_semaphore, #tpu.memory_space<semaphore_mem>> -> memref<1x!tpu.dma_semaphore, #tpu.memory_space<semaphore_mem>>
    %dma_wait3A_79 = tpu.memref_squeeze %dma_wait3A_78 : memref<1x!tpu.dma_semaphore, #tpu.memory_space<semaphore_mem>> -> memref<!tpu.dma_semaphore, #tpu.memory_space<semaphore_mem>>
    %dma_wait3A_80 = arith.constant 0 : i32
    %dma_wait3A_81 = tpu.memref_slice %arg4[%mul3A_70, %dma_wait3A_80] : memref<64000x128xf32, #tpu.memory_space<hbm>> -> memref<80x128xf32, #tpu.memory_space<hbm>>
    %dma_wait3A_82 = arith.constant 0 : i32
    %dma_wait3A_83 = arith.constant 0 : i32
    %dma_wait3A_84 = tpu.memref_slice %arg6[%dma_wait3A, %dma_wait3A_82, %dma_wait3A_83] : memref<5x80x128xf32, #tpu.memory_space<vmem>> -> memref<1x80x128xf32, #tpu.memory_space<vmem>>
    %dma_wait3A_85 = tpu.memref_squeeze %dma_wait3A_84 : memref<1x80x128xf32, #tpu.memory_space<vmem>> -> memref<80x128xf32, #tpu.memory_space<vmem>>
    tpu.wait_dma2 semaphore(%dma_wait3A_79 : memref<!tpu.dma_semaphore, #tpu.memory_space<semaphore_mem>>) src(%dma_wait3A_85 : memref<80x128xf32, #tpu.memory_space<vmem>>) dst(%dma_wait3A_81 : memref<80x128xf32, #tpu.memory_space<hbm>>)
    %add3A_86 = arith.constant 21 : i32
    %add3A_87 = arith.addi %mul3A_2, %add3A_86 : i32
    %mul3A_88 = arith.constant 80 : i32
    %mul3A_89 = arith.muli %add3A_87, %mul3A_88 : i32
    %dma_wait3A_90 = arith.constant 1 : i32
    %dma_wait3A_91 = arith.constant 1 : i32
    %dma_wait3A_92 = arith.constant 0 : i32
    %dma_wait3A_93 = arith.constant 0 : i32
    %dma_wait3A_94 = tpu.memref_slice %arg6[%dma_wait3A_90, %dma_wait3A_92, %dma_wait3A_93] : memref<5x80x128xf32, #tpu.memory_space<vmem>> -> memref<1x80x128xf32, #tpu.memory_space<vmem>>
    %dma_wait3A_95 = tpu.memref_squeeze %dma_wait3A_94 : memref<1x80x128xf32, #tpu.memory_space<vmem>> -> memref<80x128xf32, #tpu.memory_space<vmem>>
    %dma_wait3A_96 = arith.constant 0 : i32
    %dma_wait3A_97 = tpu.memref_slice %arg4[%mul3A_89, %dma_wait3A_96] : memref<64000x128xf32, #tpu.memory_space<hbm>> -> memref<80x128xf32, #tpu.memory_space<hbm>>
    %dma_wait3A_98 = tpu.memref_slice %arg8[%dma_wait3A_91] : memref<5x!tpu.dma_semaphore, #tpu.memory_space<semaphore_mem>> -> memref<1x!tpu.dma_semaphore, #tpu.memory_space<semaphore_mem>>
    %dma_wait3A_99 = tpu.memref_squeeze %dma_wait3A_98 : memref<1x!tpu.dma_semaphore, #tpu.memory_space<semaphore_mem>> -> memref<!tpu.dma_semaphore, #tpu.memory_space<semaphore_mem>>
    %dma_wait3A_100 = arith.constant 0 : i32
    %dma_wait3A_101 = tpu.memref_slice %arg4[%mul3A_89, %dma_wait3A_100] : memref<64000x128xf32, #tpu.memory_space<hbm>> -> memref<80x128xf32, #tpu.memory_space<hbm>>
    %dma_wait3A_102 = arith.constant 0 : i32
    %dma_wait3A_103 = arith.constant 0 : i32
    %dma_wait3A_104 = tpu.memref_slice %arg6[%dma_wait3A_90, %dma_wait3A_102, %dma_wait3A_103] : memref<5x80x128xf32, #tpu.memory_space<vmem>> -> memref<1x80x128xf32, #tpu.memory_space<vmem>>
    %dma_wait3A_105 = tpu.memref_squeeze %dma_wait3A_104 : memref<1x80x128xf32, #tpu.memory_space<vmem>> -> memref<80x128xf32, #tpu.memory_space<vmem>>
    tpu.wait_dma2 semaphore(%dma_wait3A_99 : memref<!tpu.dma_semaphore, #tpu.memory_space<semaphore_mem>>) src(%dma_wait3A_105 : memref<80x128xf32, #tpu.memory_space<vmem>>) dst(%dma_wait3A_101 : memref<80x128xf32, #tpu.memory_space<hbm>>)
    %add3A_106 = arith.constant 22 : i32
    %add3A_107 = arith.addi %mul3A_2, %add3A_106 : i32
    %mul3A_108 = arith.constant 80 : i32
    %mul3A_109 = arith.muli %add3A_107, %mul3A_108 : i32
    %dma_wait3A_110 = arith.constant 2 : i32
    %dma_wait3A_111 = arith.constant 2 : i32
    %dma_wait3A_112 = arith.constant 0 : i32
    %dma_wait3A_113 = arith.constant 0 : i32
    %dma_wait3A_114 = tpu.memref_slice %arg6[%dma_wait3A_110, %dma_wait3A_112, %dma_wait3A_113] : memref<5x80x128xf32, #tpu.memory_space<vmem>> -> memref<1x80x128xf32, #tpu.memory_space<vmem>>
    %dma_wait3A_115 = tpu.memref_squeeze %dma_wait3A_114 : memref<1x80x128xf32, #tpu.memory_space<vmem>> -> memref<80x128xf32, #tpu.memory_space<vmem>>
    %dma_wait3A_116 = arith.constant 0 : i32
    %dma_wait3A_117 = tpu.memref_slice %arg4[%mul3A_109, %dma_wait3A_116] : memref<64000x128xf32, #tpu.memory_space<hbm>> -> memref<80x128xf32, #tpu.memory_space<hbm>>
    %dma_wait3A_118 = tpu.memref_slice %arg8[%dma_wait3A_111] : memref<5x!tpu.dma_semaphore, #tpu.memory_space<semaphore_mem>> -> memref<1x!tpu.dma_semaphore, #tpu.memory_space<semaphore_mem>>
    %dma_wait3A_119 = tpu.memref_squeeze %dma_wait3A_118 : memref<1x!tpu.dma_semaphore, #tpu.memory_space<semaphore_mem>> -> memref<!tpu.dma_semaphore, #tpu.memory_space<semaphore_mem>>
    %dma_wait3A_120 = arith.constant 0 : i32
    %dma_wait3A_121 = tpu.memref_slice %arg4[%mul3A_109, %dma_wait3A_120] : memref<64000x128xf32, #tpu.memory_space<hbm>> -> memref<80x128xf32, #tpu.memory_space<hbm>>
    %dma_wait3A_122 = arith.constant 0 : i32
    %dma_wait3A_123 = arith.constant 0 : i32
    %dma_wait3A_124 = tpu.memref_slice %arg6[%dma_wait3A_110, %dma_wait3A_122, %dma_wait3A_123] : memref<5x80x128xf32, #tpu.memory_space<vmem>> -> memref<1x80x128xf32, #tpu.memory_space<vmem>>
    %dma_wait3A_125 = tpu.memref_squeeze %dma_wait3A_124 : memref<1x80x128xf32, #tpu.memory_space<vmem>> -> memref<80x128xf32, #tpu.memory_space<vmem>>
    tpu.wait_dma2 semaphore(%dma_wait3A_119 : memref<!tpu.dma_semaphore, #tpu.memory_space<semaphore_mem>>) src(%dma_wait3A_125 : memref<80x128xf32, #tpu.memory_space<vmem>>) dst(%dma_wait3A_121 : memref<80x128xf32, #tpu.memory_space<hbm>>)
    %add3A_126 = arith.constant 23 : i32
    %add3A_127 = arith.addi %mul3A_2, %add3A_126 : i32
    %mul3A_128 = arith.constant 80 : i32
    %mul3A_129 = arith.muli %add3A_127, %mul3A_128 : i32
    %dma_wait3A_130 = arith.constant 3 : i32
    %dma_wait3A_131 = arith.constant 3 : i32
    %dma_wait3A_132 = arith.constant 0 : i32
    %dma_wait3A_133 = arith.constant 0 : i32
    %dma_wait3A_134 = tpu.memref_slice %arg6[%dma_wait3A_130, %dma_wait3A_132, %dma_wait3A_133] : memref<5x80x128xf32, #tpu.memory_space<vmem>> -> memref<1x80x128xf32, #tpu.memory_space<vmem>>
    %dma_wait3A_135 = tpu.memref_squeeze %dma_wait3A_134 : memref<1x80x128xf32, #tpu.memory_space<vmem>> -> memref<80x128xf32, #tpu.memory_space<vmem>>
    %dma_wait3A_136 = arith.constant 0 : i32
    %dma_wait3A_137 = tpu.memref_slice %arg4[%mul3A_129, %dma_wait3A_136] : memref<64000x128xf32, #tpu.memory_space<hbm>> -> memref<80x128xf32, #tpu.memory_space<hbm>>
    %dma_wait3A_138 = tpu.memref_slice %arg8[%dma_wait3A_131] : memref<5x!tpu.dma_semaphore, #tpu.memory_space<semaphore_mem>> -> memref<1x!tpu.dma_semaphore, #tpu.memory_space<semaphore_mem>>
    %dma_wait3A_139 = tpu.memref_squeeze %dma_wait3A_138 : memref<1x!tpu.dma_semaphore, #tpu.memory_space<semaphore_mem>> -> memref<!tpu.dma_semaphore, #tpu.memory_space<semaphore_mem>>
    %dma_wait3A_140 = arith.constant 0 : i32
    %dma_wait3A_141 = tpu.memref_slice %arg4[%mul3A_129, %dma_wait3A_140] : memref<64000x128xf32, #tpu.memory_space<hbm>> -> memref<80x128xf32, #tpu.memory_space<hbm>>
    %dma_wait3A_142 = arith.constant 0 : i32
    %dma_wait3A_143 = arith.constant 0 : i32
    %dma_wait3A_144 = tpu.memref_slice %arg6[%dma_wait3A_130, %dma_wait3A_142, %dma_wait3A_143] : memref<5x80x128xf32, #tpu.memory_space<vmem>> -> memref<1x80x128xf32, #tpu.memory_space<vmem>>
    %dma_wait3A_145 = tpu.memref_squeeze %dma_wait3A_144 : memref<1x80x128xf32, #tpu.memory_space<vmem>> -> memref<80x128xf32, #tpu.memory_space<vmem>>
    tpu.wait_dma2 semaphore(%dma_wait3A_139 : memref<!tpu.dma_semaphore, #tpu.memory_space<semaphore_mem>>) src(%dma_wait3A_145 : memref<80x128xf32, #tpu.memory_space<vmem>>) dst(%dma_wait3A_141 : memref<80x128xf32, #tpu.memory_space<hbm>>)
    %add3A_146 = arith.constant 24 : i32
    %add3A_147 = arith.addi %mul3A_2, %add3A_146 : i32
    %mul3A_148 = arith.constant 80 : i32
    %mul3A_149 = arith.muli %add3A_147, %mul3A_148 : i32
    %dma_wait3A_150 = arith.constant 4 : i32
    %dma_wait3A_151 = arith.constant 4 : i32
    %dma_wait3A_152 = arith.constant 0 : i32
    %dma_wait3A_153 = arith.constant 0 : i32
    %dma_wait3A_154 = tpu.memref_slice %arg6[%dma_wait3A_150, %dma_wait3A_152, %dma_wait3A_153] : memref<5x80x128xf32, #tpu.memory_space<vmem>> -> memref<1x80x128xf32, #tpu.memory_space<vmem>>
    %dma_wait3A_155 = tpu.memref_squeeze %dma_wait3A_154 : memref<1x80x128xf32, #tpu.memory_space<vmem>> -> memref<80x128xf32, #tpu.memory_space<vmem>>
    %dma_wait3A_156 = arith.constant 0 : i32
    %dma_wait3A_157 = tpu.memref_slice %arg4[%mul3A_149, %dma_wait3A_156] : memref<64000x128xf32, #tpu.memory_space<hbm>> -> memref<80x128xf32, #tpu.memory_space<hbm>>
    %dma_wait3A_158 = tpu.memref_slice %arg8[%dma_wait3A_151] : memref<5x!tpu.dma_semaphore, #tpu.memory_space<semaphore_mem>> -> memref<1x!tpu.dma_semaphore, #tpu.memory_space<semaphore_mem>>
    %dma_wait3A_159 = tpu.memref_squeeze %dma_wait3A_158 : memref<1x!tpu.dma_semaphore, #tpu.memory_space<semaphore_mem>> -> memref<!tpu.dma_semaphore, #tpu.memory_space<semaphore_mem>>
    %dma_wait3A_160 = arith.constant 0 : i32
    %dma_wait3A_161 = tpu.memref_slice %arg4[%mul3A_149, %dma_wait3A_160] : memref<64000x128xf32, #tpu.memory_space<hbm>> -> memref<80x128xf32, #tpu.memory_space<hbm>>
    %dma_wait3A_162 = arith.constant 0 : i32
    %dma_wait3A_163 = arith.constant 0 : i32
    %dma_wait3A_164 = tpu.memref_slice %arg6[%dma_wait3A_150, %dma_wait3A_162, %dma_wait3A_163] : memref<5x80x128xf32, #tpu.memory_space<vmem>> -> memref<1x80x128xf32, #tpu.memory_space<vmem>>
    %dma_wait3A_165 = tpu.memref_squeeze %dma_wait3A_164 : memref<1x80x128xf32, #tpu.memory_space<vmem>> -> memref<80x128xf32, #tpu.memory_space<vmem>>
    tpu.wait_dma2 semaphore(%dma_wait3A_159 : memref<!tpu.dma_semaphore, #tpu.memory_space<semaphore_mem>>) src(%dma_wait3A_165 : memref<80x128xf32, #tpu.memory_space<vmem>>) dst(%dma_wait3A_161 : memref<80x128xf32, #tpu.memory_space<hbm>>)
    return
  }
}

#map = affine_map<(d0, d1) -> (0, 0)>
#map1 = affine_map<(d0, d1) -> (0, 0, 0)>
module attributes {stable_mosaic.version = 14 : i64} {
  func.func @k(%arg0: i32, %arg1: i32, %arg2: memref<10000x128xf32, #tpu.memory_space<hbm>>, %arg3: memref<32x25x80xi32, #tpu.memory_space<hbm>>, %arg4: memref<64000x128xf32, #tpu.memory_space<hbm>>, %arg5: memref<25x80xi32, #tpu.memory_space<vmem>>, %arg6: memref<5x80x128xf32, #tpu.memory_space<vmem>>, %arg7: memref<5x!tpu.dma_semaphore, #tpu.memory_space<semaphore_mem>>, %arg8: memref<5x!tpu.dma_semaphore, #tpu.memory_space<semaphore_mem>>) attributes {dimension_semantics = [#tpu.dimension_semantics<core_parallel>, #tpu.dimension_semantics<subcore_parallel>], iteration_bounds = array<i64: 2, 16>, scalar_prefetch = 0 : i64, scratch_operands = 4 : i64, tpu.core_type = #tpu.core_type<sc_vector_subcore>, window_params = [{transform_indices = #map}, {transform_indices = #map1}, {transform_indices = #map}]} {
    %mul3A = arith.constant 2 : i32
    %mul3A_0 = arith.muli %arg1, %mul3A : i32
    %add3A = arith.addi %mul3A_0, %arg0 : i32
    %mul3A_1 = arith.constant 25 : i32
    %mul3A_2 = arith.muli %add3A, %mul3A_1 : i32
    "tpu.region"() ({
      %run_scoped3A = tpu.sem_alloc : memref<!tpu.dma_semaphore, #tpu.memory_space<semaphore_mem>>
      %dma_start3A_166 = arith.constant 0 : i32
      %dma_start3A_167 = arith.constant 0 : i32
      %dma_start3A_168 = tpu.memref_slice %arg3[%add3A, %dma_start3A_166, %dma_start3A_167] : memref<32x25x80xi32, #tpu.memory_space<hbm>> -> memref<1x25x80xi32, #tpu.memory_space<hbm>>
      %dma_start3A_169 = tpu.memref_squeeze %dma_start3A_168 : memref<1x25x80xi32, #tpu.memory_space<hbm>> -> memref<25x80xi32, #tpu.memory_space<hbm>>
      %dma_start3A_170 = arith.constant 0 : i32
      %dma_start3A_171 = arith.constant 0 : i32
      %dma_start3A_172 = tpu.memref_slice %arg3[%add3A, %dma_start3A_170, %dma_start3A_171] : memref<32x25x80xi32, #tpu.memory_space<hbm>> -> memref<1x25x80xi32, #tpu.memory_space<hbm>>
      %dma_start3A_173 = tpu.memref_squeeze %dma_start3A_172 : memref<1x25x80xi32, #tpu.memory_space<hbm>> -> memref<25x80xi32, #tpu.memory_space<hbm>>
      tpu.enqueue_dma source(%dma_start3A_173 : memref<25x80xi32, #tpu.memory_space<hbm>>) target(%arg5 : memref<25x80xi32, #tpu.memory_space<vmem>>) target_semaphore(%run_scoped3A : memref<!tpu.dma_semaphore, #tpu.memory_space<semaphore_mem>>)
      %dma_wait3A_174 = arith.constant 0 : i32
      %dma_wait3A_175 = arith.constant 0 : i32
      %dma_wait3A_176 = tpu.memref_slice %arg3[%add3A, %dma_wait3A_174, %dma_wait3A_175] : memref<32x25x80xi32, #tpu.memory_space<hbm>> -> memref<1x25x80xi32, #tpu.memory_space<hbm>>
      %dma_wait3A_177 = tpu.memref_squeeze %dma_wait3A_176 : memref<1x25x80xi32, #tpu.memory_space<hbm>> -> memref<25x80xi32, #tpu.memory_space<hbm>>
      %dma_wait3A_178 = arith.constant 0 : i32
      %dma_wait3A_179 = arith.constant 0 : i32
      %dma_wait3A_180 = tpu.memref_slice %arg3[%add3A, %dma_wait3A_178, %dma_wait3A_179] : memref<32x25x80xi32, #tpu.memory_space<hbm>> -> memref<1x25x80xi32, #tpu.memory_space<hbm>>
      %dma_wait3A_181 = tpu.memref_squeeze %dma_wait3A_180 : memref<1x25x80xi32, #tpu.memory_space<hbm>> -> memref<25x80xi32, #tpu.memory_space<hbm>>
      tpu.wait_dma2 semaphore(%run_scoped3A : memref<!tpu.dma_semaphore, #tpu.memory_space<semaphore_mem>>) src(%dma_wait3A_181 : memref<25x80xi32, #tpu.memory_space<hbm>>) dst(%arg5 : memref<25x80xi32, #tpu.memory_space<vmem>>)
      tpu.yield
    }) : () -> ()
    %dma_start3A = arith.constant 0 : i32
    %dma_start3A_3 = arith.constant 0 : i32
    %dma_start3A_4 = arith.constant 0 : i32
    %dma_start3A_5 = arith.constant 0 : i32
    %dma_start3A_6 = arith.constant 0 : i32
    %dma_start3A_7 = tpu.memref_slice %arg6[%dma_start3A_3, %dma_start3A_5, %dma_start3A_6] : memref<5x80x128xf32, #tpu.memory_space<vmem>> -> memref<1x80x128xf32, #tpu.memory_space<vmem>>
    %dma_start3A_8 = tpu.memref_squeeze %dma_start3A_7 : memref<1x80x128xf32, #tpu.memory_space<vmem>> -> memref<80x128xf32, #tpu.memory_space<vmem>>
    %dma_start3A_9 = arith.constant 0 : i32
    %dma_start3A_10 = tpu.memref_slice %arg5[%dma_start3A, %dma_start3A_9] : memref<25x80xi32, #tpu.memory_space<vmem>> -> memref<1x80xi32, #tpu.memory_space<vmem>>
    %dma_start3A_11 = tpu.memref_squeeze %dma_start3A_10 : memref<1x80xi32, #tpu.memory_space<vmem>> -> memref<80xi32, #tpu.memory_space<vmem>>
    %dma_start3A_12 = arith.constant 0 : i32
    %dma_start3A_13 = arith.constant 0 : i32
    %dma_start3A_14 = tpu.memref_slice %arg2[%dma_start3A_12, %dma_start3A_13] : memref<10000x128xf32, #tpu.memory_space<hbm>> -> memref<10000x128xf32, #tpu.memory_space<hbm>>
    %dma_start3A_15 = tpu.memref_slice %arg7[%dma_start3A_4] : memref<5x!tpu.dma_semaphore, #tpu.memory_space<semaphore_mem>> -> memref<1x!tpu.dma_semaphore, #tpu.memory_space<semaphore_mem>>
    %dma_start3A_16 = tpu.memref_squeeze %dma_start3A_15 : memref<1x!tpu.dma_semaphore, #tpu.memory_space<semaphore_mem>> -> memref<!tpu.dma_semaphore, #tpu.memory_space<semaphore_mem>>
    tpu.enqueue_indirect_dma source(%dma_start3A_14 : memref<10000x128xf32, #tpu.memory_space<hbm>>) target(%dma_start3A_8 : memref<80x128xf32, #tpu.memory_space<vmem>>) offsets(%dma_start3A_11 : memref<80xi32, #tpu.memory_space<vmem>>) semaphore(%dma_start3A_16 : memref<!tpu.dma_semaphore, #tpu.memory_space<semaphore_mem>>)
    %dma_start3A_17 = arith.constant 1 : i32
    %dma_start3A_18 = arith.constant 1 : i32
    %dma_start3A_19 = arith.constant 1 : i32
    %dma_start3A_20 = arith.constant 0 : i32
    %dma_start3A_21 = arith.constant 0 : i32
    %dma_start3A_22 = tpu.memref_slice %arg6[%dma_start3A_18, %dma_start3A_20, %dma_start3A_21] : memref<5x80x128xf32, #tpu.memory_space<vmem>> -> memref<1x80x128xf32, #tpu.memory_space<vmem>>
    %dma_start3A_23 = tpu.memref_squeeze %dma_start3A_22 : memref<1x80x128xf32, #tpu.memory_space<vmem>> -> memref<80x128xf32, #tpu.memory_space<vmem>>
    %dma_start3A_24 = arith.constant 0 : i32
    %dma_start3A_25 = tpu.memref_slice %arg5[%dma_start3A_17, %dma_start3A_24] : memref<25x80xi32, #tpu.memory_space<vmem>> -> memref<1x80xi32, #tpu.memory_space<vmem>>
    %dma_start3A_26 = tpu.memref_squeeze %dma_start3A_25 : memref<1x80xi32, #tpu.memory_space<vmem>> -> memref<80xi32, #tpu.memory_space<vmem>>
    %dma_start3A_27 = arith.constant 0 : i32
    %dma_start3A_28 = arith.constant 0 : i32
    %dma_start3A_29 = tpu.memref_slice %arg2[%dma_start3A_27, %dma_start3A_28] : memref<10000x128xf32, #tpu.memory_space<hbm>> -> memref<10000x128xf32, #tpu.memory_space<hbm>>
    %dma_start3A_30 = tpu.memref_slice %arg7[%dma_start3A_19] : memref<5x!tpu.dma_semaphore, #tpu.memory_space<semaphore_mem>> -> memref<1x!tpu.dma_semaphore, #tpu.memory_space<semaphore_mem>>
    %dma_start3A_31 = tpu.memref_squeeze %dma_start3A_30 : memref<1x!tpu.dma_semaphore, #tpu.memory_space<semaphore_mem>> -> memref<!tpu.dma_semaphore, #tpu.memory_space<semaphore_mem>>
    tpu.enqueue_indirect_dma source(%dma_start3A_29 : memref<10000x128xf32, #tpu.memory_space<hbm>>) target(%dma_start3A_23 : memref<80x128xf32, #tpu.memory_space<vmem>>) offsets(%dma_start3A_26 : memref<80xi32, #tpu.memory_space<vmem>>) semaphore(%dma_start3A_31 : memref<!tpu.dma_semaphore, #tpu.memory_space<semaphore_mem>>)
    %dma_start3A_32 = arith.constant 2 : i32
    %dma_start3A_33 = arith.constant 2 : i32
    %dma_start3A_34 = arith.constant 2 : i32
    %dma_start3A_35 = arith.constant 0 : i32
    %dma_start3A_36 = arith.constant 0 : i32
    %dma_start3A_37 = tpu.memref_slice %arg6[%dma_start3A_33, %dma_start3A_35, %dma_start3A_36] : memref<5x80x128xf32, #tpu.memory_space<vmem>> -> memref<1x80x128xf32, #tpu.memory_space<vmem>>
    %dma_start3A_38 = tpu.memref_squeeze %dma_start3A_37 : memref<1x80x128xf32, #tpu.memory_space<vmem>> -> memref<80x128xf32, #tpu.memory_space<vmem>>
    %dma_start3A_39 = arith.constant 0 : i32
    %dma_start3A_40 = tpu.memref_slice %arg5[%dma_start3A_32, %dma_start3A_39] : memref<25x80xi32, #tpu.memory_space<vmem>> -> memref<1x80xi32, #tpu.memory_space<vmem>>
    %dma_start3A_41 = tpu.memref_squeeze %dma_start3A_40 : memref<1x80xi32, #tpu.memory_space<vmem>> -> memref<80xi32, #tpu.memory_space<vmem>>
    %dma_start3A_42 = arith.constant 0 : i32
    %dma_start3A_43 = arith.constant 0 : i32
    %dma_start3A_44 = tpu.memref_slice %arg2[%dma_start3A_42, %dma_start3A_43] : memref<10000x128xf32, #tpu.memory_space<hbm>> -> memref<10000x128xf32, #tpu.memory_space<hbm>>
    %dma_start3A_45 = tpu.memref_slice %arg7[%dma_start3A_34] : memref<5x!tpu.dma_semaphore, #tpu.memory_space<semaphore_mem>> -> memref<1x!tpu.dma_semaphore, #tpu.memory_space<semaphore_mem>>
    %dma_start3A_46 = tpu.memref_squeeze %dma_start3A_45 : memref<1x!tpu.dma_semaphore, #tpu.memory_space<semaphore_mem>> -> memref<!tpu.dma_semaphore, #tpu.memory_space<semaphore_mem>>
    tpu.enqueue_indirect_dma source(%dma_start3A_44 : memref<10000x128xf32, #tpu.memory_space<hbm>>) target(%dma_start3A_38 : memref<80x128xf32, #tpu.memory_space<vmem>>) offsets(%dma_start3A_41 : memref<80xi32, #tpu.memory_space<vmem>>) semaphore(%dma_start3A_46 : memref<!tpu.dma_semaphore, #tpu.memory_space<semaphore_mem>>)
    %dma_start3A_47 = arith.constant 3 : i32
    %dma_start3A_48 = arith.constant 3 : i32
    %dma_start3A_49 = arith.constant 3 : i32
    %dma_start3A_50 = arith.constant 0 : i32
    %dma_start3A_51 = arith.constant 0 : i32
    %dma_start3A_52 = tpu.memref_slice %arg6[%dma_start3A_48, %dma_start3A_50, %dma_start3A_51] : memref<5x80x128xf32, #tpu.memory_space<vmem>> -> memref<1x80x128xf32, #tpu.memory_space<vmem>>
    %dma_start3A_53 = tpu.memref_squeeze %dma_start3A_52 : memref<1x80x128xf32, #tpu.memory_space<vmem>> -> memref<80x128xf32, #tpu.memory_space<vmem>>
    %dma_start3A_54 = arith.constant 0 : i32
    %dma_start3A_55 = tpu.memref_slice %arg5[%dma_start3A_47, %dma_start3A_54] : memref<25x80xi32, #tpu.memory_space<vmem>> -> memref<1x80xi32, #tpu.memory_space<vmem>>
    %dma_start3A_56 = tpu.memref_squeeze %dma_start3A_55 : memref<1x80xi32, #tpu.memory_space<vmem>> -> memref<80xi32, #tpu.memory_space<vmem>>
    %dma_start3A_57 = arith.constant 0 : i32
    %dma_start3A_58 = arith.constant 0 : i32
    %dma_start3A_59 = tpu.memref_slice %arg2[%dma_start3A_57, %dma_start3A_58] : memref<10000x128xf32, #tpu.memory_space<hbm>> -> memref<10000x128xf32, #tpu.memory_space<hbm>>
    %dma_start3A_60 = tpu.memref_slice %arg7[%dma_start3A_49] : memref<5x!tpu.dma_semaphore, #tpu.memory_space<semaphore_mem>> -> memref<1x!tpu.dma_semaphore, #tpu.memory_space<semaphore_mem>>
    %dma_start3A_61 = tpu.memref_squeeze %dma_start3A_60 : memref<1x!tpu.dma_semaphore, #tpu.memory_space<semaphore_mem>> -> memref<!tpu.dma_semaphore, #tpu.memory_space<semaphore_mem>>
    tpu.enqueue_indirect_dma source(%dma_start3A_59 : memref<10000x128xf32, #tpu.memory_space<hbm>>) target(%dma_start3A_53 : memref<80x128xf32, #tpu.memory_space<vmem>>) offsets(%dma_start3A_56 : memref<80xi32, #tpu.memory_space<vmem>>) semaphore(%dma_start3A_61 : memref<!tpu.dma_semaphore, #tpu.memory_space<semaphore_mem>>)
    %scan3A = arith.constant 0 : i32
    %scan3A_62 = arith.constant 0 : i32
    %scan3A_63 = arith.constant 5 : i32
    %scan3A_64 = arith.addi %scan3A_62, %scan3A_63 : i32
    %scan3A_65 = arith.constant 1 : i32
    scf.for %scan3A_166 = %scan3A_62 to %scan3A_64 step %scan3A_65  : i32 {
      %mul3A_167 = arith.constant 5 : i32
      %mul3A_168 = arith.muli %scan3A_166, %mul3A_167 : i32
      %add3A_169 = arith.constant 0 : i32
      %add3A_170 = arith.addi %mul3A_168, %add3A_169 : i32
      %add3A_171 = arith.constant 5 : i32
      %add3A_172 = arith.addi %add3A_170, %add3A_171 : i32
      %sub3A = arith.constant 1 : i32
      %sub3A_173 = arith.subi %add3A_172, %sub3A : i32
      %lt3A = arith.constant 25 : i32
      %lt3A_174 = arith.cmpi slt, %sub3A_173, %lt3A : i32
      %convert_element_type3A = arith.extui %lt3A_174 : i1 to i32
      %cond3A = arith.constant 0 : i32
      %cond3A_175 = arith.cmpi ne, %convert_element_type3A, %cond3A : i32
      scf.if %cond3A_175 {
        %gt3A = arith.constant 0 : i32
        %gt3A_393 = arith.cmpi sgt, %add3A_170, %gt3A : i32
        %convert_element_type3A_394 = arith.extui %gt3A_393 : i1 to i32
        %cond3A_395 = arith.constant 0 : i32
        %cond3A_396 = arith.cmpi ne, %convert_element_type3A_394, %cond3A_395 : i32
        scf.if %cond3A_396 {
          %sub3A_411 = arith.constant 1 : i32
          %sub3A_412 = arith.subi %add3A_170, %sub3A_411 : i32
          %add3A_413 = arith.addi %mul3A_2, %sub3A_412 : i32
          %mul3A_414 = arith.constant 80 : i32
          %mul3A_415 = arith.muli %add3A_413, %mul3A_414 : i32
          %dma_wait3A_416 = arith.constant 4 : i32
          %dma_wait3A_417 = arith.constant 4 : i32
          %dma_wait3A_418 = arith.constant 0 : i32
          %dma_wait3A_419 = arith.constant 0 : i32
          %dma_wait3A_420 = tpu.memref_slice %arg6[%dma_wait3A_416, %dma_wait3A_418, %dma_wait3A_419] : memref<5x80x128xf32, #tpu.memory_space<vmem>> -> memref<1x80x128xf32, #tpu.memory_space<vmem>>
          %dma_wait3A_421 = tpu.memref_squeeze %dma_wait3A_420 : memref<1x80x128xf32, #tpu.memory_space<vmem>> -> memref<80x128xf32, #tpu.memory_space<vmem>>
          %dma_wait3A_422 = arith.constant 0 : i32
          %dma_wait3A_423 = tpu.memref_slice %arg4[%mul3A_415, %dma_wait3A_422] : memref<64000x128xf32, #tpu.memory_space<hbm>> -> memref<80x128xf32, #tpu.memory_space<hbm>>
          %dma_wait3A_424 = tpu.memref_slice %arg8[%dma_wait3A_417] : memref<5x!tpu.dma_semaphore, #tpu.memory_space<semaphore_mem>> -> memref<1x!tpu.dma_semaphore, #tpu.memory_space<semaphore_mem>>
          %dma_wait3A_425 = tpu.memref_squeeze %dma_wait3A_424 : memref<1x!tpu.dma_semaphore, #tpu.memory_space<semaphore_mem>> -> memref<!tpu.dma_semaphore, #tpu.memory_space<semaphore_mem>>
          %dma_wait3A_426 = arith.constant 0 : i32
          %dma_wait3A_427 = tpu.memref_slice %arg4[%mul3A_415, %dma_wait3A_426] : memref<64000x128xf32, #tpu.memory_space<hbm>> -> memref<80x128xf32, #tpu.memory_space<hbm>>
          %dma_wait3A_428 = arith.constant 0 : i32
          %dma_wait3A_429 = arith.constant 0 : i32
          %dma_wait3A_430 = tpu.memref_slice %arg6[%dma_wait3A_416, %dma_wait3A_428, %dma_wait3A_429] : memref<5x80x128xf32, #tpu.memory_space<vmem>> -> memref<1x80x128xf32, #tpu.memory_space<vmem>>
          %dma_wait3A_431 = tpu.memref_squeeze %dma_wait3A_430 : memref<1x80x128xf32, #tpu.memory_space<vmem>> -> memref<80x128xf32, #tpu.memory_space<vmem>>
          tpu.wait_dma2 semaphore(%dma_wait3A_425 : memref<!tpu.dma_semaphore, #tpu.memory_space<semaphore_mem>>) src(%dma_wait3A_431 : memref<80x128xf32, #tpu.memory_space<vmem>>) dst(%dma_wait3A_427 : memref<80x128xf32, #tpu.memory_space<hbm>>)
        } else {
        }
        %dma_start3A_397 = arith.constant 4 : i32
        %dma_start3A_398 = arith.constant 4 : i32
        %dma_start3A_399 = arith.constant 0 : i32
        %dma_start3A_400 = arith.constant 0 : i32
        %dma_start3A_401 = tpu.memref_slice %arg6[%dma_start3A_397, %dma_start3A_399, %dma_start3A_400] : memref<5x80x128xf32, #tpu.memory_space<vmem>> -> memref<1x80x128xf32, #tpu.memory_space<vmem>>
        %dma_start3A_402 = tpu.memref_squeeze %dma_start3A_401 : memref<1x80x128xf32, #tpu.memory_space<vmem>> -> memref<80x128xf32, #tpu.memory_space<vmem>>
        %dma_start3A_403 = arith.constant 0 : i32
        %dma_start3A_404 = tpu.memref_slice %arg5[%sub3A_173, %dma_start3A_403] : memref<25x80xi32, #tpu.memory_space<vmem>> -> memref<1x80xi32, #tpu.memory_space<vmem>>
        %dma_start3A_405 = tpu.memref_squeeze %dma_start3A_404 : memref<1x80xi32, #tpu.memory_space<vmem>> -> memref<80xi32, #tpu.memory_space<vmem>>
        %dma_start3A_406 = arith.constant 0 : i32
        %dma_start3A_407 = arith.constant 0 : i32
        %dma_start3A_408 = tpu.memref_slice %arg2[%dma_start3A_406, %dma_start3A_407] : memref<10000x128xf32, #tpu.memory_space<hbm>> -> memref<10000x128xf32, #tpu.memory_space<hbm>>
        %dma_start3A_409 = tpu.memref_slice %arg7[%dma_start3A_398] : memref<5x!tpu.dma_semaphore, #tpu.memory_space<semaphore_mem>> -> memref<1x!tpu.dma_semaphore, #tpu.memory_space<semaphore_mem>>
        %dma_start3A_410 = tpu.memref_squeeze %dma_start3A_409 : memref<1x!tpu.dma_semaphore, #tpu.memory_space<semaphore_mem>> -> memref<!tpu.dma_semaphore, #tpu.memory_space<semaphore_mem>>
        tpu.enqueue_indirect_dma source(%dma_start3A_408 : memref<10000x128xf32, #tpu.memory_space<hbm>>) target(%dma_start3A_402 : memref<80x128xf32, #tpu.memory_space<vmem>>) offsets(%dma_start3A_405 : memref<80xi32, #tpu.memory_space<vmem>>) semaphore(%dma_start3A_410 : memref<!tpu.dma_semaphore, #tpu.memory_space<semaphore_mem>>)
      } else {
      }
      %dma_wait3A_176 = arith.constant 0 : i32
      %dma_wait3A_177 = arith.constant 0 : i32
      %dma_wait3A_178 = arith.constant 0 : i32
      %dma_wait3A_179 = arith.constant 0 : i32
      %dma_wait3A_180 = tpu.memref_slice %arg6[%dma_wait3A_176, %dma_wait3A_178, %dma_wait3A_179] : memref<5x80x128xf32, #tpu.memory_space<vmem>> -> memref<1x80x128xf32, #tpu.memory_space<vmem>>
      %dma_wait3A_181 = tpu.memref_squeeze %dma_wait3A_180 : memref<1x80x128xf32, #tpu.memory_space<vmem>> -> memref<80x128xf32, #tpu.memory_space<vmem>>
      %dma_wait3A_182 = arith.constant 0 : i32
      %dma_wait3A_183 = tpu.memref_slice %arg5[%add3A_170, %dma_wait3A_182] : memref<25x80xi32, #tpu.memory_space<vmem>> -> memref<1x80xi32, #tpu.memory_space<vmem>>
      %dma_wait3A_184 = tpu.memref_squeeze %dma_wait3A_183 : memref<1x80xi32, #tpu.memory_space<vmem>> -> memref<80xi32, #tpu.memory_space<vmem>>
      %dma_wait3A_185 = arith.constant 0 : i32
      %dma_wait3A_186 = arith.constant 0 : i32
      %dma_wait3A_187 = tpu.memref_slice %arg2[%dma_wait3A_185, %dma_wait3A_186] : memref<10000x128xf32, #tpu.memory_space<hbm>> -> memref<10000x128xf32, #tpu.memory_space<hbm>>
      %dma_wait3A_188 = tpu.memref_slice %arg7[%dma_wait3A_177] : memref<5x!tpu.dma_semaphore, #tpu.memory_space<semaphore_mem>> -> memref<1x!tpu.dma_semaphore, #tpu.memory_space<semaphore_mem>>
      %dma_wait3A_189 = tpu.memref_squeeze %dma_wait3A_188 : memref<1x!tpu.dma_semaphore, #tpu.memory_space<semaphore_mem>> -> memref<!tpu.dma_semaphore, #tpu.memory_space<semaphore_mem>>
      tpu.wait_indirect_dma semaphore(%dma_wait3A_189 : memref<!tpu.dma_semaphore, #tpu.memory_space<semaphore_mem>>) src(%dma_wait3A_187 : memref<10000x128xf32, #tpu.memory_space<hbm>>) dst(%dma_wait3A_181 : memref<80x128xf32, #tpu.memory_space<vmem>>)
      %add3A_190 = arith.addi %mul3A_2, %add3A_170 : i32
      %mul3A_191 = arith.constant 80 : i32
      %mul3A_192 = arith.muli %add3A_190, %mul3A_191 : i32
      %dma_start3A_193 = arith.constant 0 : i32
      %dma_start3A_194 = arith.constant 0 : i32
      %dma_start3A_195 = arith.constant 0 : i32
      %dma_start3A_196 = arith.constant 0 : i32
      %dma_start3A_197 = tpu.memref_slice %arg6[%dma_start3A_193, %dma_start3A_195, %dma_start3A_196] : memref<5x80x128xf32, #tpu.memory_space<vmem>> -> memref<1x80x128xf32, #tpu.memory_space<vmem>>
      %dma_start3A_198 = tpu.memref_squeeze %dma_start3A_197 : memref<1x80x128xf32, #tpu.memory_space<vmem>> -> memref<80x128xf32, #tpu.memory_space<vmem>>
      %dma_start3A_199 = arith.constant 0 : i32
      %dma_start3A_200 = tpu.memref_slice %arg4[%mul3A_192, %dma_start3A_199] : memref<64000x128xf32, #tpu.memory_space<hbm>> -> memref<80x128xf32, #tpu.memory_space<hbm>>
      %dma_start3A_201 = tpu.memref_slice %arg8[%dma_start3A_194] : memref<5x!tpu.dma_semaphore, #tpu.memory_space<semaphore_mem>> -> memref<1x!tpu.dma_semaphore, #tpu.memory_space<semaphore_mem>>
      %dma_start3A_202 = tpu.memref_squeeze %dma_start3A_201 : memref<1x!tpu.dma_semaphore, #tpu.memory_space<semaphore_mem>> -> memref<!tpu.dma_semaphore, #tpu.memory_space<semaphore_mem>>
      %dma_start3A_203 = arith.constant 0 : i32
      %dma_start3A_204 = tpu.memref_slice %arg4[%mul3A_192, %dma_start3A_203] : memref<64000x128xf32, #tpu.memory_space<hbm>> -> memref<80x128xf32, #tpu.memory_space<hbm>>
      %dma_start3A_205 = arith.constant 0 : i32
      %dma_start3A_206 = arith.constant 0 : i32
      %dma_start3A_207 = tpu.memref_slice %arg6[%dma_start3A_193, %dma_start3A_205, %dma_start3A_206] : memref<5x80x128xf32, #tpu.memory_space<vmem>> -> memref<1x80x128xf32, #tpu.memory_space<vmem>>
      %dma_start3A_208 = tpu.memref_squeeze %dma_start3A_207 : memref<1x80x128xf32, #tpu.memory_space<vmem>> -> memref<80x128xf32, #tpu.memory_space<vmem>>
      tpu.enqueue_dma source(%dma_start3A_208 : memref<80x128xf32, #tpu.memory_space<vmem>>) target(%dma_start3A_204 : memref<80x128xf32, #tpu.memory_space<hbm>>) target_semaphore(%dma_start3A_202 : memref<!tpu.dma_semaphore, #tpu.memory_space<semaphore_mem>>)
      %mul3A_209 = arith.constant 5 : i32
      %mul3A_210 = arith.muli %scan3A_166, %mul3A_209 : i32
      %add3A_211 = arith.constant 1 : i32
      %add3A_212 = arith.addi %mul3A_210, %add3A_211 : i32
      %add3A_213 = arith.constant 5 : i32
      %add3A_214 = arith.addi %add3A_212, %add3A_213 : i32
      %sub3A_215 = arith.constant 1 : i32
      %sub3A_216 = arith.subi %add3A_214, %sub3A_215 : i32
      %lt3A_217 = arith.constant 25 : i32
      %lt3A_218 = arith.cmpi slt, %sub3A_216, %lt3A_217 : i32
      %convert_element_type3A_219 = arith.extui %lt3A_218 : i1 to i32
      %cond3A_220 = arith.constant 0 : i32
      %cond3A_221 = arith.cmpi ne, %convert_element_type3A_219, %cond3A_220 : i32
      scf.if %cond3A_221 {
        %gt3A = arith.constant 0 : i32
        %gt3A_393 = arith.cmpi sgt, %add3A_212, %gt3A : i32
        %convert_element_type3A_394 = arith.extui %gt3A_393 : i1 to i32
        %cond3A_395 = arith.constant 0 : i32
        %cond3A_396 = arith.cmpi ne, %convert_element_type3A_394, %cond3A_395 : i32
        scf.if %cond3A_396 {
          %sub3A_411 = arith.constant 1 : i32
          %sub3A_412 = arith.subi %add3A_212, %sub3A_411 : i32
          %add3A_413 = arith.addi %mul3A_2, %sub3A_412 : i32
          %mul3A_414 = arith.constant 80 : i32
          %mul3A_415 = arith.muli %add3A_413, %mul3A_414 : i32
          %dma_wait3A_416 = arith.constant 0 : i32
          %dma_wait3A_417 = arith.constant 0 : i32
          %dma_wait3A_418 = arith.constant 0 : i32
          %dma_wait3A_419 = arith.constant 0 : i32
          %dma_wait3A_420 = tpu.memref_slice %arg6[%dma_wait3A_416, %dma_wait3A_418, %dma_wait3A_419] : memref<5x80x128xf32, #tpu.memory_space<vmem>> -> memref<1x80x128xf32, #tpu.memory_space<vmem>>
          %dma_wait3A_421 = tpu.memref_squeeze %dma_wait3A_420 : memref<1x80x128xf32, #tpu.memory_space<vmem>> -> memref<80x128xf32, #tpu.memory_space<vmem>>
          %dma_wait3A_422 = arith.constant 0 : i32
          %dma_wait3A_423 = tpu.memref_slice %arg4[%mul3A_415, %dma_wait3A_422] : memref<64000x128xf32, #tpu.memory_space<hbm>> -> memref<80x128xf32, #tpu.memory_space<hbm>>
          %dma_wait3A_424 = tpu.memref_slice %arg8[%dma_wait3A_417] : memref<5x!tpu.dma_semaphore, #tpu.memory_space<semaphore_mem>> -> memref<1x!tpu.dma_semaphore, #tpu.memory_space<semaphore_mem>>
          %dma_wait3A_425 = tpu.memref_squeeze %dma_wait3A_424 : memref<1x!tpu.dma_semaphore, #tpu.memory_space<semaphore_mem>> -> memref<!tpu.dma_semaphore, #tpu.memory_space<semaphore_mem>>
          %dma_wait3A_426 = arith.constant 0 : i32
          %dma_wait3A_427 = tpu.memref_slice %arg4[%mul3A_415, %dma_wait3A_426] : memref<64000x128xf32, #tpu.memory_space<hbm>> -> memref<80x128xf32, #tpu.memory_space<hbm>>
          %dma_wait3A_428 = arith.constant 0 : i32
          %dma_wait3A_429 = arith.constant 0 : i32
          %dma_wait3A_430 = tpu.memref_slice %arg6[%dma_wait3A_416, %dma_wait3A_428, %dma_wait3A_429] : memref<5x80x128xf32, #tpu.memory_space<vmem>> -> memref<1x80x128xf32, #tpu.memory_space<vmem>>
          %dma_wait3A_431 = tpu.memref_squeeze %dma_wait3A_430 : memref<1x80x128xf32, #tpu.memory_space<vmem>> -> memref<80x128xf32, #tpu.memory_space<vmem>>
          tpu.wait_dma2 semaphore(%dma_wait3A_425 : memref<!tpu.dma_semaphore, #tpu.memory_space<semaphore_mem>>) src(%dma_wait3A_431 : memref<80x128xf32, #tpu.memory_space<vmem>>) dst(%dma_wait3A_427 : memref<80x128xf32, #tpu.memory_space<hbm>>)
        } else {
        }
        %dma_start3A_397 = arith.constant 0 : i32
        %dma_start3A_398 = arith.constant 0 : i32
        %dma_start3A_399 = arith.constant 0 : i32
        %dma_start3A_400 = arith.constant 0 : i32
        %dma_start3A_401 = tpu.memref_slice %arg6[%dma_start3A_397, %dma_start3A_399, %dma_start3A_400] : memref<5x80x128xf32, #tpu.memory_space<vmem>> -> memref<1x80x128xf32, #tpu.memory_space<vmem>>
        %dma_start3A_402 = tpu.memref_squeeze %dma_start3A_401 : memref<1x80x128xf32, #tpu.memory_space<vmem>> -> memref<80x128xf32, #tpu.memory_space<vmem>>
        %dma_start3A_403 = arith.constant 0 : i32
        %dma_start3A_404 = tpu.memref_slice %arg5[%sub3A_216, %dma_start3A_403] : memref<25x80xi32, #tpu.memory_space<vmem>> -> memref<1x80xi32, #tpu.memory_space<vmem>>
        %dma_start3A_405 = tpu.memref_squeeze %dma_start3A_404 : memref<1x80xi32, #tpu.memory_space<vmem>> -> memref<80xi32, #tpu.memory_space<vmem>>
        %dma_start3A_406 = arith.constant 0 : i32
        %dma_start3A_407 = arith.constant 0 : i32
        %dma_start3A_408 = tpu.memref_slice %arg2[%dma_start3A_406, %dma_start3A_407] : memref<10000x128xf32, #tpu.memory_space<hbm>> -> memref<10000x128xf32, #tpu.memory_space<hbm>>
        %dma_start3A_409 = tpu.memref_slice %arg7[%dma_start3A_398] : memref<5x!tpu.dma_semaphore, #tpu.memory_space<semaphore_mem>> -> memref<1x!tpu.dma_semaphore, #tpu.memory_space<semaphore_mem>>
        %dma_start3A_410 = tpu.memref_squeeze %dma_start3A_409 : memref<1x!tpu.dma_semaphore, #tpu.memory_space<semaphore_mem>> -> memref<!tpu.dma_semaphore, #tpu.memory_space<semaphore_mem>>
        tpu.enqueue_indirect_dma source(%dma_start3A_408 : memref<10000x128xf32, #tpu.memory_space<hbm>>) target(%dma_start3A_402 : memref<80x128xf32, #tpu.memory_space<vmem>>) offsets(%dma_start3A_405 : memref<80xi32, #tpu.memory_space<vmem>>) semaphore(%dma_start3A_410 : memref<!tpu.dma_semaphore, #tpu.memory_space<semaphore_mem>>)
      } else {
      }
      %dma_wait3A_222 = arith.constant 1 : i32
      %dma_wait3A_223 = arith.constant 1 : i32
      %dma_wait3A_224 = arith.constant 0 : i32
      %dma_wait3A_225 = arith.constant 0 : i32
      %dma_wait3A_226 = tpu.memref_slice %arg6[%dma_wait3A_222, %dma_wait3A_224, %dma_wait3A_225] : memref<5x80x128xf32, #tpu.memory_space<vmem>> -> memref<1x80x128xf32, #tpu.memory_space<vmem>>
      %dma_wait3A_227 = tpu.memref_squeeze %dma_wait3A_226 : memref<1x80x128xf32, #tpu.memory_space<vmem>> -> memref<80x128xf32, #tpu.memory_space<vmem>>
      %dma_wait3A_228 = arith.constant 0 : i32
      %dma_wait3A_229 = tpu.memref_slice %arg5[%add3A_212, %dma_wait3A_228] : memref<25x80xi32, #tpu.memory_space<vmem>> -> memref<1x80xi32, #tpu.memory_space<vmem>>
      %dma_wait3A_230 = tpu.memref_squeeze %dma_wait3A_229 : memref<1x80xi32, #tpu.memory_space<vmem>> -> memref<80xi32, #tpu.memory_space<vmem>>
      %dma_wait3A_231 = arith.constant 0 : i32
      %dma_wait3A_232 = arith.constant 0 : i32
      %dma_wait3A_233 = tpu.memref_slice %arg2[%dma_wait3A_231, %dma_wait3A_232] : memref<10000x128xf32, #tpu.memory_space<hbm>> -> memref<10000x128xf32, #tpu.memory_space<hbm>>
      %dma_wait3A_234 = tpu.memref_slice %arg7[%dma_wait3A_223] : memref<5x!tpu.dma_semaphore, #tpu.memory_space<semaphore_mem>> -> memref<1x!tpu.dma_semaphore, #tpu.memory_space<semaphore_mem>>
      %dma_wait3A_235 = tpu.memref_squeeze %dma_wait3A_234 : memref<1x!tpu.dma_semaphore, #tpu.memory_space<semaphore_mem>> -> memref<!tpu.dma_semaphore, #tpu.memory_space<semaphore_mem>>
      tpu.wait_indirect_dma semaphore(%dma_wait3A_235 : memref<!tpu.dma_semaphore, #tpu.memory_space<semaphore_mem>>) src(%dma_wait3A_233 : memref<10000x128xf32, #tpu.memory_space<hbm>>) dst(%dma_wait3A_227 : memref<80x128xf32, #tpu.memory_space<vmem>>)
      %add3A_236 = arith.addi %mul3A_2, %add3A_212 : i32
      %mul3A_237 = arith.constant 80 : i32
      %mul3A_238 = arith.muli %add3A_236, %mul3A_237 : i32
      %dma_start3A_239 = arith.constant 1 : i32
      %dma_start3A_240 = arith.constant 1 : i32
      %dma_start3A_241 = arith.constant 0 : i32
      %dma_start3A_242 = arith.constant 0 : i32
      %dma_start3A_243 = tpu.memref_slice %arg6[%dma_start3A_239, %dma_start3A_241, %dma_start3A_242] : memref<5x80x128xf32, #tpu.memory_space<vmem>> -> memref<1x80x128xf32, #tpu.memory_space<vmem>>
      %dma_start3A_244 = tpu.memref_squeeze %dma_start3A_243 : memref<1x80x128xf32, #tpu.memory_space<vmem>> -> memref<80x128xf32, #tpu.memory_space<vmem>>
      %dma_start3A_245 = arith.constant 0 : i32
      %dma_start3A_246 = tpu.memref_slice %arg4[%mul3A_238, %dma_start3A_245] : memref<64000x128xf32, #tpu.memory_space<hbm>> -> memref<80x128xf32, #tpu.memory_space<hbm>>
      %dma_start3A_247 = tpu.memref_slice %arg8[%dma_start3A_240] : memref<5x!tpu.dma_semaphore, #tpu.memory_space<semaphore_mem>> -> memref<1x!tpu.dma_semaphore, #tpu.memory_space<semaphore_mem>>
      %dma_start3A_248 = tpu.memref_squeeze %dma_start3A_247 : memref<1x!tpu.dma_semaphore, #tpu.memory_space<semaphore_mem>> -> memref<!tpu.dma_semaphore, #tpu.memory_space<semaphore_mem>>
      %dma_start3A_249 = arith.constant 0 : i32
      %dma_start3A_250 = tpu.memref_slice %arg4[%mul3A_238, %dma_start3A_249] : memref<64000x128xf32, #tpu.memory_space<hbm>> -> memref<80x128xf32, #tpu.memory_space<hbm>>
      %dma_start3A_251 = arith.constant 0 : i32
      %dma_start3A_252 = arith.constant 0 : i32
      %dma_start3A_253 = tpu.memref_slice %arg6[%dma_start3A_239, %dma_start3A_251, %dma_start3A_252] : memref<5x80x128xf32, #tpu.memory_space<vmem>> -> memref<1x80x128xf32, #tpu.memory_space<vmem>>
      %dma_start3A_254 = tpu.memref_squeeze %dma_start3A_253 : memref<1x80x128xf32, #tpu.memory_space<vmem>> -> memref<80x128xf32, #tpu.memory_space<vmem>>
      tpu.enqueue_dma source(%dma_start3A_254 : memref<80x128xf32, #tpu.memory_space<vmem>>) target(%dma_start3A_250 : memref<80x128xf32, #tpu.memory_space<hbm>>) target_semaphore(%dma_start3A_248 : memref<!tpu.dma_semaphore, #tpu.memory_space<semaphore_mem>>)
      %mul3A_255 = arith.constant 5 : i32
      %mul3A_256 = arith.muli %scan3A_166, %mul3A_255 : i32
      %add3A_257 = arith.constant 2 : i32
      %add3A_258 = arith.addi %mul3A_256, %add3A_257 : i32
      %add3A_259 = arith.constant 5 : i32
      %add3A_260 = arith.addi %add3A_258, %add3A_259 : i32
      %sub3A_261 = arith.constant 1 : i32
      %sub3A_262 = arith.subi %add3A_260, %sub3A_261 : i32
      %lt3A_263 = arith.constant 25 : i32
      %lt3A_264 = arith.cmpi slt, %sub3A_262, %lt3A_263 : i32
      %convert_element_type3A_265 = arith.extui %lt3A_264 : i1 to i32
      %cond3A_266 = arith.constant 0 : i32
      %cond3A_267 = arith.cmpi ne, %convert_element_type3A_265, %cond3A_266 : i32
      scf.if %cond3A_267 {
        %gt3A = arith.constant 0 : i32
        %gt3A_393 = arith.cmpi sgt, %add3A_258, %gt3A : i32
        %convert_element_type3A_394 = arith.extui %gt3A_393 : i1 to i32
        %cond3A_395 = arith.constant 0 : i32
        %cond3A_396 = arith.cmpi ne, %convert_element_type3A_394, %cond3A_395 : i32
        scf.if %cond3A_396 {
          %sub3A_411 = arith.constant 1 : i32
          %sub3A_412 = arith.subi %add3A_258, %sub3A_411 : i32
          %add3A_413 = arith.addi %mul3A_2, %sub3A_412 : i32
          %mul3A_414 = arith.constant 80 : i32
          %mul3A_415 = arith.muli %add3A_413, %mul3A_414 : i32
          %dma_wait3A_416 = arith.constant 1 : i32
          %dma_wait3A_417 = arith.constant 1 : i32
          %dma_wait3A_418 = arith.constant 0 : i32
          %dma_wait3A_419 = arith.constant 0 : i32
          %dma_wait3A_420 = tpu.memref_slice %arg6[%dma_wait3A_416, %dma_wait3A_418, %dma_wait3A_419] : memref<5x80x128xf32, #tpu.memory_space<vmem>> -> memref<1x80x128xf32, #tpu.memory_space<vmem>>
          %dma_wait3A_421 = tpu.memref_squeeze %dma_wait3A_420 : memref<1x80x128xf32, #tpu.memory_space<vmem>> -> memref<80x128xf32, #tpu.memory_space<vmem>>
          %dma_wait3A_422 = arith.constant 0 : i32
          %dma_wait3A_423 = tpu.memref_slice %arg4[%mul3A_415, %dma_wait3A_422] : memref<64000x128xf32, #tpu.memory_space<hbm>> -> memref<80x128xf32, #tpu.memory_space<hbm>>
          %dma_wait3A_424 = tpu.memref_slice %arg8[%dma_wait3A_417] : memref<5x!tpu.dma_semaphore, #tpu.memory_space<semaphore_mem>> -> memref<1x!tpu.dma_semaphore, #tpu.memory_space<semaphore_mem>>
          %dma_wait3A_425 = tpu.memref_squeeze %dma_wait3A_424 : memref<1x!tpu.dma_semaphore, #tpu.memory_space<semaphore_mem>> -> memref<!tpu.dma_semaphore, #tpu.memory_space<semaphore_mem>>
          %dma_wait3A_426 = arith.constant 0 : i32
          %dma_wait3A_427 = tpu.memref_slice %arg4[%mul3A_415, %dma_wait3A_426] : memref<64000x128xf32, #tpu.memory_space<hbm>> -> memref<80x128xf32, #tpu.memory_space<hbm>>
          %dma_wait3A_428 = arith.constant 0 : i32
          %dma_wait3A_429 = arith.constant 0 : i32
          %dma_wait3A_430 = tpu.memref_slice %arg6[%dma_wait3A_416, %dma_wait3A_428, %dma_wait3A_429] : memref<5x80x128xf32, #tpu.memory_space<vmem>> -> memref<1x80x128xf32, #tpu.memory_space<vmem>>
          %dma_wait3A_431 = tpu.memref_squeeze %dma_wait3A_430 : memref<1x80x128xf32, #tpu.memory_space<vmem>> -> memref<80x128xf32, #tpu.memory_space<vmem>>
          tpu.wait_dma2 semaphore(%dma_wait3A_425 : memref<!tpu.dma_semaphore, #tpu.memory_space<semaphore_mem>>) src(%dma_wait3A_431 : memref<80x128xf32, #tpu.memory_space<vmem>>) dst(%dma_wait3A_427 : memref<80x128xf32, #tpu.memory_space<hbm>>)
        } else {
        }
        %dma_start3A_397 = arith.constant 1 : i32
        %dma_start3A_398 = arith.constant 1 : i32
        %dma_start3A_399 = arith.constant 0 : i32
        %dma_start3A_400 = arith.constant 0 : i32
        %dma_start3A_401 = tpu.memref_slice %arg6[%dma_start3A_397, %dma_start3A_399, %dma_start3A_400] : memref<5x80x128xf32, #tpu.memory_space<vmem>> -> memref<1x80x128xf32, #tpu.memory_space<vmem>>
        %dma_start3A_402 = tpu.memref_squeeze %dma_start3A_401 : memref<1x80x128xf32, #tpu.memory_space<vmem>> -> memref<80x128xf32, #tpu.memory_space<vmem>>
        %dma_start3A_403 = arith.constant 0 : i32
        %dma_start3A_404 = tpu.memref_slice %arg5[%sub3A_262, %dma_start3A_403] : memref<25x80xi32, #tpu.memory_space<vmem>> -> memref<1x80xi32, #tpu.memory_space<vmem>>
        %dma_start3A_405 = tpu.memref_squeeze %dma_start3A_404 : memref<1x80xi32, #tpu.memory_space<vmem>> -> memref<80xi32, #tpu.memory_space<vmem>>
        %dma_start3A_406 = arith.constant 0 : i32
        %dma_start3A_407 = arith.constant 0 : i32
        %dma_start3A_408 = tpu.memref_slice %arg2[%dma_start3A_406, %dma_start3A_407] : memref<10000x128xf32, #tpu.memory_space<hbm>> -> memref<10000x128xf32, #tpu.memory_space<hbm>>
        %dma_start3A_409 = tpu.memref_slice %arg7[%dma_start3A_398] : memref<5x!tpu.dma_semaphore, #tpu.memory_space<semaphore_mem>> -> memref<1x!tpu.dma_semaphore, #tpu.memory_space<semaphore_mem>>
        %dma_start3A_410 = tpu.memref_squeeze %dma_start3A_409 : memref<1x!tpu.dma_semaphore, #tpu.memory_space<semaphore_mem>> -> memref<!tpu.dma_semaphore, #tpu.memory_space<semaphore_mem>>
        tpu.enqueue_indirect_dma source(%dma_start3A_408 : memref<10000x128xf32, #tpu.memory_space<hbm>>) target(%dma_start3A_402 : memref<80x128xf32, #tpu.memory_space<vmem>>) offsets(%dma_start3A_405 : memref<80xi32, #tpu.memory_space<vmem>>) semaphore(%dma_start3A_410 : memref<!tpu.dma_semaphore, #tpu.memory_space<semaphore_mem>>)
      } else {
      }
      %dma_wait3A_268 = arith.constant 2 : i32
      %dma_wait3A_269 = arith.constant 2 : i32
      %dma_wait3A_270 = arith.constant 0 : i32
      %dma_wait3A_271 = arith.constant 0 : i32
      %dma_wait3A_272 = tpu.memref_slice %arg6[%dma_wait3A_268, %dma_wait3A_270, %dma_wait3A_271] : memref<5x80x128xf32, #tpu.memory_space<vmem>> -> memref<1x80x128xf32, #tpu.memory_space<vmem>>
      %dma_wait3A_273 = tpu.memref_squeeze %dma_wait3A_272 : memref<1x80x128xf32, #tpu.memory_space<vmem>> -> memref<80x128xf32, #tpu.memory_space<vmem>>
      %dma_wait3A_274 = arith.constant 0 : i32
      %dma_wait3A_275 = tpu.memref_slice %arg5[%add3A_258, %dma_wait3A_274] : memref<25x80xi32, #tpu.memory_space<vmem>> -> memref<1x80xi32, #tpu.memory_space<vmem>>
      %dma_wait3A_276 = tpu.memref_squeeze %dma_wait3A_275 : memref<1x80xi32, #tpu.memory_space<vmem>> -> memref<80xi32, #tpu.memory_space<vmem>>
      %dma_wait3A_277 = arith.constant 0 : i32
      %dma_wait3A_278 = arith.constant 0 : i32
      %dma_wait3A_279 = tpu.memref_slice %arg2[%dma_wait3A_277, %dma_wait3A_278] : memref<10000x128xf32, #tpu.memory_space<hbm>> -> memref<10000x128xf32, #tpu.memory_space<hbm>>
      %dma_wait3A_280 = tpu.memref_slice %arg7[%dma_wait3A_269] : memref<5x!tpu.dma_semaphore, #tpu.memory_space<semaphore_mem>> -> memref<1x!tpu.dma_semaphore, #tpu.memory_space<semaphore_mem>>
      %dma_wait3A_281 = tpu.memref_squeeze %dma_wait3A_280 : memref<1x!tpu.dma_semaphore, #tpu.memory_space<semaphore_mem>> -> memref<!tpu.dma_semaphore, #tpu.memory_space<semaphore_mem>>
      tpu.wait_indirect_dma semaphore(%dma_wait3A_281 : memref<!tpu.dma_semaphore, #tpu.memory_space<semaphore_mem>>) src(%dma_wait3A_279 : memref<10000x128xf32, #tpu.memory_space<hbm>>) dst(%dma_wait3A_273 : memref<80x128xf32, #tpu.memory_space<vmem>>)
      %add3A_282 = arith.addi %mul3A_2, %add3A_258 : i32
      %mul3A_283 = arith.constant 80 : i32
      %mul3A_284 = arith.muli %add3A_282, %mul3A_283 : i32
      %dma_start3A_285 = arith.constant 2 : i32
      %dma_start3A_286 = arith.constant 2 : i32
      %dma_start3A_287 = arith.constant 0 : i32
      %dma_start3A_288 = arith.constant 0 : i32
      %dma_start3A_289 = tpu.memref_slice %arg6[%dma_start3A_285, %dma_start3A_287, %dma_start3A_288] : memref<5x80x128xf32, #tpu.memory_space<vmem>> -> memref<1x80x128xf32, #tpu.memory_space<vmem>>
      %dma_start3A_290 = tpu.memref_squeeze %dma_start3A_289 : memref<1x80x128xf32, #tpu.memory_space<vmem>> -> memref<80x128xf32, #tpu.memory_space<vmem>>
      %dma_start3A_291 = arith.constant 0 : i32
      %dma_start3A_292 = tpu.memref_slice %arg4[%mul3A_284, %dma_start3A_291] : memref<64000x128xf32, #tpu.memory_space<hbm>> -> memref<80x128xf32, #tpu.memory_space<hbm>>
      %dma_start3A_293 = tpu.memref_slice %arg8[%dma_start3A_286] : memref<5x!tpu.dma_semaphore, #tpu.memory_space<semaphore_mem>> -> memref<1x!tpu.dma_semaphore, #tpu.memory_space<semaphore_mem>>
      %dma_start3A_294 = tpu.memref_squeeze %dma_start3A_293 : memref<1x!tpu.dma_semaphore, #tpu.memory_space<semaphore_mem>> -> memref<!tpu.dma_semaphore, #tpu.memory_space<semaphore_mem>>
      %dma_start3A_295 = arith.constant 0 : i32
      %dma_start3A_296 = tpu.memref_slice %arg4[%mul3A_284, %dma_start3A_295] : memref<64000x128xf32, #tpu.memory_space<hbm>> -> memref<80x128xf32, #tpu.memory_space<hbm>>
      %dma_start3A_297 = arith.constant 0 : i32
      %dma_start3A_298 = arith.constant 0 : i32
      %dma_start3A_299 = tpu.memref_slice %arg6[%dma_start3A_285, %dma_start3A_297, %dma_start3A_298] : memref<5x80x128xf32, #tpu.memory_space<vmem>> -> memref<1x80x128xf32, #tpu.memory_space<vmem>>
      %dma_start3A_300 = tpu.memref_squeeze %dma_start3A_299 : memref<1x80x128xf32, #tpu.memory_space<vmem>> -> memref<80x128xf32, #tpu.memory_space<vmem>>
      tpu.enqueue_dma source(%dma_start3A_300 : memref<80x128xf32, #tpu.memory_space<vmem>>) target(%dma_start3A_296 : memref<80x128xf32, #tpu.memory_space<hbm>>) target_semaphore(%dma_start3A_294 : memref<!tpu.dma_semaphore, #tpu.memory_space<semaphore_mem>>)
      %mul3A_301 = arith.constant 5 : i32
      %mul3A_302 = arith.muli %scan3A_166, %mul3A_301 : i32
      %add3A_303 = arith.constant 3 : i32
      %add3A_304 = arith.addi %mul3A_302, %add3A_303 : i32
      %add3A_305 = arith.constant 5 : i32
      %add3A_306 = arith.addi %add3A_304, %add3A_305 : i32
      %sub3A_307 = arith.constant 1 : i32
      %sub3A_308 = arith.subi %add3A_306, %sub3A_307 : i32
      %lt3A_309 = arith.constant 25 : i32
      %lt3A_310 = arith.cmpi slt, %sub3A_308, %lt3A_309 : i32
      %convert_element_type3A_311 = arith.extui %lt3A_310 : i1 to i32
      %cond3A_312 = arith.constant 0 : i32
      %cond3A_313 = arith.cmpi ne, %convert_element_type3A_311, %cond3A_312 : i32
      scf.if %cond3A_313 {
        %gt3A = arith.constant 0 : i32
        %gt3A_393 = arith.cmpi sgt, %add3A_304, %gt3A : i32
        %convert_element_type3A_394 = arith.extui %gt3A_393 : i1 to i32
        %cond3A_395 = arith.constant 0 : i32
        %cond3A_396 = arith.cmpi ne, %convert_element_type3A_394, %cond3A_395 : i32
        scf.if %cond3A_396 {
          %sub3A_411 = arith.constant 1 : i32
          %sub3A_412 = arith.subi %add3A_304, %sub3A_411 : i32
          %add3A_413 = arith.addi %mul3A_2, %sub3A_412 : i32
          %mul3A_414 = arith.constant 80 : i32
          %mul3A_415 = arith.muli %add3A_413, %mul3A_414 : i32
          %dma_wait3A_416 = arith.constant 2 : i32
          %dma_wait3A_417 = arith.constant 2 : i32
          %dma_wait3A_418 = arith.constant 0 : i32
          %dma_wait3A_419 = arith.constant 0 : i32
          %dma_wait3A_420 = tpu.memref_slice %arg6[%dma_wait3A_416, %dma_wait3A_418, %dma_wait3A_419] : memref<5x80x128xf32, #tpu.memory_space<vmem>> -> memref<1x80x128xf32, #tpu.memory_space<vmem>>
          %dma_wait3A_421 = tpu.memref_squeeze %dma_wait3A_420 : memref<1x80x128xf32, #tpu.memory_space<vmem>> -> memref<80x128xf32, #tpu.memory_space<vmem>>
          %dma_wait3A_422 = arith.constant 0 : i32
          %dma_wait3A_423 = tpu.memref_slice %arg4[%mul3A_415, %dma_wait3A_422] : memref<64000x128xf32, #tpu.memory_space<hbm>> -> memref<80x128xf32, #tpu.memory_space<hbm>>
          %dma_wait3A_424 = tpu.memref_slice %arg8[%dma_wait3A_417] : memref<5x!tpu.dma_semaphore, #tpu.memory_space<semaphore_mem>> -> memref<1x!tpu.dma_semaphore, #tpu.memory_space<semaphore_mem>>
          %dma_wait3A_425 = tpu.memref_squeeze %dma_wait3A_424 : memref<1x!tpu.dma_semaphore, #tpu.memory_space<semaphore_mem>> -> memref<!tpu.dma_semaphore, #tpu.memory_space<semaphore_mem>>
          %dma_wait3A_426 = arith.constant 0 : i32
          %dma_wait3A_427 = tpu.memref_slice %arg4[%mul3A_415, %dma_wait3A_426] : memref<64000x128xf32, #tpu.memory_space<hbm>> -> memref<80x128xf32, #tpu.memory_space<hbm>>
          %dma_wait3A_428 = arith.constant 0 : i32
          %dma_wait3A_429 = arith.constant 0 : i32
          %dma_wait3A_430 = tpu.memref_slice %arg6[%dma_wait3A_416, %dma_wait3A_428, %dma_wait3A_429] : memref<5x80x128xf32, #tpu.memory_space<vmem>> -> memref<1x80x128xf32, #tpu.memory_space<vmem>>
          %dma_wait3A_431 = tpu.memref_squeeze %dma_wait3A_430 : memref<1x80x128xf32, #tpu.memory_space<vmem>> -> memref<80x128xf32, #tpu.memory_space<vmem>>
          tpu.wait_dma2 semaphore(%dma_wait3A_425 : memref<!tpu.dma_semaphore, #tpu.memory_space<semaphore_mem>>) src(%dma_wait3A_431 : memref<80x128xf32, #tpu.memory_space<vmem>>) dst(%dma_wait3A_427 : memref<80x128xf32, #tpu.memory_space<hbm>>)
        } else {
        }
        %dma_start3A_397 = arith.constant 2 : i32
        %dma_start3A_398 = arith.constant 2 : i32
        %dma_start3A_399 = arith.constant 0 : i32
        %dma_start3A_400 = arith.constant 0 : i32
        %dma_start3A_401 = tpu.memref_slice %arg6[%dma_start3A_397, %dma_start3A_399, %dma_start3A_400] : memref<5x80x128xf32, #tpu.memory_space<vmem>> -> memref<1x80x128xf32, #tpu.memory_space<vmem>>
        %dma_start3A_402 = tpu.memref_squeeze %dma_start3A_401 : memref<1x80x128xf32, #tpu.memory_space<vmem>> -> memref<80x128xf32, #tpu.memory_space<vmem>>
        %dma_start3A_403 = arith.constant 0 : i32
        %dma_start3A_404 = tpu.memref_slice %arg5[%sub3A_308, %dma_start3A_403] : memref<25x80xi32, #tpu.memory_space<vmem>> -> memref<1x80xi32, #tpu.memory_space<vmem>>
        %dma_start3A_405 = tpu.memref_squeeze %dma_start3A_404 : memref<1x80xi32, #tpu.memory_space<vmem>> -> memref<80xi32, #tpu.memory_space<vmem>>
        %dma_start3A_406 = arith.constant 0 : i32
        %dma_start3A_407 = arith.constant 0 : i32
        %dma_start3A_408 = tpu.memref_slice %arg2[%dma_start3A_406, %dma_start3A_407] : memref<10000x128xf32, #tpu.memory_space<hbm>> -> memref<10000x128xf32, #tpu.memory_space<hbm>>
        %dma_start3A_409 = tpu.memref_slice %arg7[%dma_start3A_398] : memref<5x!tpu.dma_semaphore, #tpu.memory_space<semaphore_mem>> -> memref<1x!tpu.dma_semaphore, #tpu.memory_space<semaphore_mem>>
        %dma_start3A_410 = tpu.memref_squeeze %dma_start3A_409 : memref<1x!tpu.dma_semaphore, #tpu.memory_space<semaphore_mem>> -> memref<!tpu.dma_semaphore, #tpu.memory_space<semaphore_mem>>
        tpu.enqueue_indirect_dma source(%dma_start3A_408 : memref<10000x128xf32, #tpu.memory_space<hbm>>) target(%dma_start3A_402 : memref<80x128xf32, #tpu.memory_space<vmem>>) offsets(%dma_start3A_405 : memref<80xi32, #tpu.memory_space<vmem>>) semaphore(%dma_start3A_410 : memref<!tpu.dma_semaphore, #tpu.memory_space<semaphore_mem>>)
      } else {
      }
      %dma_wait3A_314 = arith.constant 3 : i32
      %dma_wait3A_315 = arith.constant 3 : i32
      %dma_wait3A_316 = arith.constant 0 : i32
      %dma_wait3A_317 = arith.constant 0 : i32
      %dma_wait3A_318 = tpu.memref_slice %arg6[%dma_wait3A_314, %dma_wait3A_316, %dma_wait3A_317] : memref<5x80x128xf32, #tpu.memory_space<vmem>> -> memref<1x80x128xf32, #tpu.memory_space<vmem>>
      %dma_wait3A_319 = tpu.memref_squeeze %dma_wait3A_318 : memref<1x80x128xf32, #tpu.memory_space<vmem>> -> memref<80x128xf32, #tpu.memory_space<vmem>>
      %dma_wait3A_320 = arith.constant 0 : i32
      %dma_wait3A_321 = tpu.memref_slice %arg5[%add3A_304, %dma_wait3A_320] : memref<25x80xi32, #tpu.memory_space<vmem>> -> memref<1x80xi32, #tpu.memory_space<vmem>>
      %dma_wait3A_322 = tpu.memref_squeeze %dma_wait3A_321 : memref<1x80xi32, #tpu.memory_space<vmem>> -> memref<80xi32, #tpu.memory_space<vmem>>
      %dma_wait3A_323 = arith.constant 0 : i32
      %dma_wait3A_324 = arith.constant 0 : i32
      %dma_wait3A_325 = tpu.memref_slice %arg2[%dma_wait3A_323, %dma_wait3A_324] : memref<10000x128xf32, #tpu.memory_space<hbm>> -> memref<10000x128xf32, #tpu.memory_space<hbm>>
      %dma_wait3A_326 = tpu.memref_slice %arg7[%dma_wait3A_315] : memref<5x!tpu.dma_semaphore, #tpu.memory_space<semaphore_mem>> -> memref<1x!tpu.dma_semaphore, #tpu.memory_space<semaphore_mem>>
      %dma_wait3A_327 = tpu.memref_squeeze %dma_wait3A_326 : memref<1x!tpu.dma_semaphore, #tpu.memory_space<semaphore_mem>> -> memref<!tpu.dma_semaphore, #tpu.memory_space<semaphore_mem>>
      tpu.wait_indirect_dma semaphore(%dma_wait3A_327 : memref<!tpu.dma_semaphore, #tpu.memory_space<semaphore_mem>>) src(%dma_wait3A_325 : memref<10000x128xf32, #tpu.memory_space<hbm>>) dst(%dma_wait3A_319 : memref<80x128xf32, #tpu.memory_space<vmem>>)
      %add3A_328 = arith.addi %mul3A_2, %add3A_304 : i32
      %mul3A_329 = arith.constant 80 : i32
      %mul3A_330 = arith.muli %add3A_328, %mul3A_329 : i32
      %dma_start3A_331 = arith.constant 3 : i32
      %dma_start3A_332 = arith.constant 3 : i32
      %dma_start3A_333 = arith.constant 0 : i32
      %dma_start3A_334 = arith.constant 0 : i32
      %dma_start3A_335 = tpu.memref_slice %arg6[%dma_start3A_331, %dma_start3A_333, %dma_start3A_334] : memref<5x80x128xf32, #tpu.memory_space<vmem>> -> memref<1x80x128xf32, #tpu.memory_space<vmem>>
      %dma_start3A_336 = tpu.memref_squeeze %dma_start3A_335 : memref<1x80x128xf32, #tpu.memory_space<vmem>> -> memref<80x128xf32, #tpu.memory_space<vmem>>
      %dma_start3A_337 = arith.constant 0 : i32
      %dma_start3A_338 = tpu.memref_slice %arg4[%mul3A_330, %dma_start3A_337] : memref<64000x128xf32, #tpu.memory_space<hbm>> -> memref<80x128xf32, #tpu.memory_space<hbm>>
      %dma_start3A_339 = tpu.memref_slice %arg8[%dma_start3A_332] : memref<5x!tpu.dma_semaphore, #tpu.memory_space<semaphore_mem>> -> memref<1x!tpu.dma_semaphore, #tpu.memory_space<semaphore_mem>>
      %dma_start3A_340 = tpu.memref_squeeze %dma_start3A_339 : memref<1x!tpu.dma_semaphore, #tpu.memory_space<semaphore_mem>> -> memref<!tpu.dma_semaphore, #tpu.memory_space<semaphore_mem>>
      %dma_start3A_341 = arith.constant 0 : i32
      %dma_start3A_342 = tpu.memref_slice %arg4[%mul3A_330, %dma_start3A_341] : memref<64000x128xf32, #tpu.memory_space<hbm>> -> memref<80x128xf32, #tpu.memory_space<hbm>>
      %dma_start3A_343 = arith.constant 0 : i32
      %dma_start3A_344 = arith.constant 0 : i32
      %dma_start3A_345 = tpu.memref_slice %arg6[%dma_start3A_331, %dma_start3A_343, %dma_start3A_344] : memref<5x80x128xf32, #tpu.memory_space<vmem>> -> memref<1x80x128xf32, #tpu.memory_space<vmem>>
      %dma_start3A_346 = tpu.memref_squeeze %dma_start3A_345 : memref<1x80x128xf32, #tpu.memory_space<vmem>> -> memref<80x128xf32, #tpu.memory_space<vmem>>
      tpu.enqueue_dma source(%dma_start3A_346 : memref<80x128xf32, #tpu.memory_space<vmem>>) target(%dma_start3A_342 : memref<80x128xf32, #tpu.memory_space<hbm>>) target_semaphore(%dma_start3A_340 : memref<!tpu.dma_semaphore, #tpu.memory_space<semaphore_mem>>)
      %mul3A_347 = arith.constant 5 : i32
      %mul3A_348 = arith.muli %scan3A_166, %mul3A_347 : i32
      %add3A_349 = arith.constant 4 : i32
      %add3A_350 = arith.addi %mul3A_348, %add3A_349 : i32
      %add3A_351 = arith.constant 5 : i32
      %add3A_352 = arith.addi %add3A_350, %add3A_351 : i32
      %sub3A_353 = arith.constant 1 : i32
      %sub3A_354 = arith.subi %add3A_352, %sub3A_353 : i32
      %lt3A_355 = arith.constant 25 : i32
      %lt3A_356 = arith.cmpi slt, %sub3A_354, %lt3A_355 : i32
      %convert_element_type3A_357 = arith.extui %lt3A_356 : i1 to i32
      %cond3A_358 = arith.constant 0 : i32
      %cond3A_359 = arith.cmpi ne, %convert_element_type3A_357, %cond3A_358 : i32
      scf.if %cond3A_359 {
        %gt3A = arith.constant 0 : i32
        %gt3A_393 = arith.cmpi sgt, %add3A_350, %gt3A : i32
        %convert_element_type3A_394 = arith.extui %gt3A_393 : i1 to i32
        %cond3A_395 = arith.constant 0 : i32
        %cond3A_396 = arith.cmpi ne, %convert_element_type3A_394, %cond3A_395 : i32
        scf.if %cond3A_396 {
          %sub3A_411 = arith.constant 1 : i32
          %sub3A_412 = arith.subi %add3A_350, %sub3A_411 : i32
          %add3A_413 = arith.addi %mul3A_2, %sub3A_412 : i32
          %mul3A_414 = arith.constant 80 : i32
          %mul3A_415 = arith.muli %add3A_413, %mul3A_414 : i32
          %dma_wait3A_416 = arith.constant 3 : i32
          %dma_wait3A_417 = arith.constant 3 : i32
          %dma_wait3A_418 = arith.constant 0 : i32
          %dma_wait3A_419 = arith.constant 0 : i32
          %dma_wait3A_420 = tpu.memref_slice %arg6[%dma_wait3A_416, %dma_wait3A_418, %dma_wait3A_419] : memref<5x80x128xf32, #tpu.memory_space<vmem>> -> memref<1x80x128xf32, #tpu.memory_space<vmem>>
          %dma_wait3A_421 = tpu.memref_squeeze %dma_wait3A_420 : memref<1x80x128xf32, #tpu.memory_space<vmem>> -> memref<80x128xf32, #tpu.memory_space<vmem>>
          %dma_wait3A_422 = arith.constant 0 : i32
          %dma_wait3A_423 = tpu.memref_slice %arg4[%mul3A_415, %dma_wait3A_422] : memref<64000x128xf32, #tpu.memory_space<hbm>> -> memref<80x128xf32, #tpu.memory_space<hbm>>
          %dma_wait3A_424 = tpu.memref_slice %arg8[%dma_wait3A_417] : memref<5x!tpu.dma_semaphore, #tpu.memory_space<semaphore_mem>> -> memref<1x!tpu.dma_semaphore, #tpu.memory_space<semaphore_mem>>
          %dma_wait3A_425 = tpu.memref_squeeze %dma_wait3A_424 : memref<1x!tpu.dma_semaphore, #tpu.memory_space<semaphore_mem>> -> memref<!tpu.dma_semaphore, #tpu.memory_space<semaphore_mem>>
          %dma_wait3A_426 = arith.constant 0 : i32
          %dma_wait3A_427 = tpu.memref_slice %arg4[%mul3A_415, %dma_wait3A_426] : memref<64000x128xf32, #tpu.memory_space<hbm>> -> memref<80x128xf32, #tpu.memory_space<hbm>>
          %dma_wait3A_428 = arith.constant 0 : i32
          %dma_wait3A_429 = arith.constant 0 : i32
          %dma_wait3A_430 = tpu.memref_slice %arg6[%dma_wait3A_416, %dma_wait3A_428, %dma_wait3A_429] : memref<5x80x128xf32, #tpu.memory_space<vmem>> -> memref<1x80x128xf32, #tpu.memory_space<vmem>>
          %dma_wait3A_431 = tpu.memref_squeeze %dma_wait3A_430 : memref<1x80x128xf32, #tpu.memory_space<vmem>> -> memref<80x128xf32, #tpu.memory_space<vmem>>
          tpu.wait_dma2 semaphore(%dma_wait3A_425 : memref<!tpu.dma_semaphore, #tpu.memory_space<semaphore_mem>>) src(%dma_wait3A_431 : memref<80x128xf32, #tpu.memory_space<vmem>>) dst(%dma_wait3A_427 : memref<80x128xf32, #tpu.memory_space<hbm>>)
        } else {
        }
        %dma_start3A_397 = arith.constant 3 : i32
        %dma_start3A_398 = arith.constant 3 : i32
        %dma_start3A_399 = arith.constant 0 : i32
        %dma_start3A_400 = arith.constant 0 : i32
        %dma_start3A_401 = tpu.memref_slice %arg6[%dma_start3A_397, %dma_start3A_399, %dma_start3A_400] : memref<5x80x128xf32, #tpu.memory_space<vmem>> -> memref<1x80x128xf32, #tpu.memory_space<vmem>>
        %dma_start3A_402 = tpu.memref_squeeze %dma_start3A_401 : memref<1x80x128xf32, #tpu.memory_space<vmem>> -> memref<80x128xf32, #tpu.memory_space<vmem>>
        %dma_start3A_403 = arith.constant 0 : i32
        %dma_start3A_404 = tpu.memref_slice %arg5[%sub3A_354, %dma_start3A_403] : memref<25x80xi32, #tpu.memory_space<vmem>> -> memref<1x80xi32, #tpu.memory_space<vmem>>
        %dma_start3A_405 = tpu.memref_squeeze %dma_start3A_404 : memref<1x80xi32, #tpu.memory_space<vmem>> -> memref<80xi32, #tpu.memory_space<vmem>>
        %dma_start3A_406 = arith.constant 0 : i32
        %dma_start3A_407 = arith.constant 0 : i32
        %dma_start3A_408 = tpu.memref_slice %arg2[%dma_start3A_406, %dma_start3A_407] : memref<10000x128xf32, #tpu.memory_space<hbm>> -> memref<10000x128xf32, #tpu.memory_space<hbm>>
        %dma_start3A_409 = tpu.memref_slice %arg7[%dma_start3A_398] : memref<5x!tpu.dma_semaphore, #tpu.memory_space<semaphore_mem>> -> memref<1x!tpu.dma_semaphore, #tpu.memory_space<semaphore_mem>>
        %dma_start3A_410 = tpu.memref_squeeze %dma_start3A_409 : memref<1x!tpu.dma_semaphore, #tpu.memory_space<semaphore_mem>> -> memref<!tpu.dma_semaphore, #tpu.memory_space<semaphore_mem>>
        tpu.enqueue_indirect_dma source(%dma_start3A_408 : memref<10000x128xf32, #tpu.memory_space<hbm>>) target(%dma_start3A_402 : memref<80x128xf32, #tpu.memory_space<vmem>>) offsets(%dma_start3A_405 : memref<80xi32, #tpu.memory_space<vmem>>) semaphore(%dma_start3A_410 : memref<!tpu.dma_semaphore, #tpu.memory_space<semaphore_mem>>)
      } else {
      }
      %dma_wait3A_360 = arith.constant 4 : i32
      %dma_wait3A_361 = arith.constant 4 : i32
      %dma_wait3A_362 = arith.constant 0 : i32
      %dma_wait3A_363 = arith.constant 0 : i32
      %dma_wait3A_364 = tpu.memref_slice %arg6[%dma_wait3A_360, %dma_wait3A_362, %dma_wait3A_363] : memref<5x80x128xf32, #tpu.memory_space<vmem>> -> memref<1x80x128xf32, #tpu.memory_space<vmem>>
      %dma_wait3A_365 = tpu.memref_squeeze %dma_wait3A_364 : memref<1x80x128xf32, #tpu.memory_space<vmem>> -> memref<80x128xf32, #tpu.memory_space<vmem>>
      %dma_wait3A_366 = arith.constant 0 : i32
      %dma_wait3A_367 = tpu.memref_slice %arg5[%add3A_350, %dma_wait3A_366] : memref<25x80xi32, #tpu.memory_space<vmem>> -> memref<1x80xi32, #tpu.memory_space<vmem>>
      %dma_wait3A_368 = tpu.memref_squeeze %dma_wait3A_367 : memref<1x80xi32, #tpu.memory_space<vmem>> -> memref<80xi32, #tpu.memory_space<vmem>>
      %dma_wait3A_369 = arith.constant 0 : i32
      %dma_wait3A_370 = arith.constant 0 : i32
      %dma_wait3A_371 = tpu.memref_slice %arg2[%dma_wait3A_369, %dma_wait3A_370] : memref<10000x128xf32, #tpu.memory_space<hbm>> -> memref<10000x128xf32, #tpu.memory_space<hbm>>
      %dma_wait3A_372 = tpu.memref_slice %arg7[%dma_wait3A_361] : memref<5x!tpu.dma_semaphore, #tpu.memory_space<semaphore_mem>> -> memref<1x!tpu.dma_semaphore, #tpu.memory_space<semaphore_mem>>
      %dma_wait3A_373 = tpu.memref_squeeze %dma_wait3A_372 : memref<1x!tpu.dma_semaphore, #tpu.memory_space<semaphore_mem>> -> memref<!tpu.dma_semaphore, #tpu.memory_space<semaphore_mem>>
      tpu.wait_indirect_dma semaphore(%dma_wait3A_373 : memref<!tpu.dma_semaphore, #tpu.memory_space<semaphore_mem>>) src(%dma_wait3A_371 : memref<10000x128xf32, #tpu.memory_space<hbm>>) dst(%dma_wait3A_365 : memref<80x128xf32, #tpu.memory_space<vmem>>)
      %add3A_374 = arith.addi %mul3A_2, %add3A_350 : i32
      %mul3A_375 = arith.constant 80 : i32
      %mul3A_376 = arith.muli %add3A_374, %mul3A_375 : i32
      %dma_start3A_377 = arith.constant 4 : i32
      %dma_start3A_378 = arith.constant 4 : i32
      %dma_start3A_379 = arith.constant 0 : i32
      %dma_start3A_380 = arith.constant 0 : i32
      %dma_start3A_381 = tpu.memref_slice %arg6[%dma_start3A_377, %dma_start3A_379, %dma_start3A_380] : memref<5x80x128xf32, #tpu.memory_space<vmem>> -> memref<1x80x128xf32, #tpu.memory_space<vmem>>
      %dma_start3A_382 = tpu.memref_squeeze %dma_start3A_381 : memref<1x80x128xf32, #tpu.memory_space<vmem>> -> memref<80x128xf32, #tpu.memory_space<vmem>>
      %dma_start3A_383 = arith.constant 0 : i32
      %dma_start3A_384 = tpu.memref_slice %arg4[%mul3A_376, %dma_start3A_383] : memref<64000x128xf32, #tpu.memory_space<hbm>> -> memref<80x128xf32, #tpu.memory_space<hbm>>
      %dma_start3A_385 = tpu.memref_slice %arg8[%dma_start3A_378] : memref<5x!tpu.dma_semaphore, #tpu.memory_space<semaphore_mem>> -> memref<1x!tpu.dma_semaphore, #tpu.memory_space<semaphore_mem>>
      %dma_start3A_386 = tpu.memref_squeeze %dma_start3A_385 : memref<1x!tpu.dma_semaphore, #tpu.memory_space<semaphore_mem>> -> memref<!tpu.dma_semaphore, #tpu.memory_space<semaphore_mem>>
      %dma_start3A_387 = arith.constant 0 : i32
      %dma_start3A_388 = tpu.memref_slice %arg4[%mul3A_376, %dma_start3A_387] : memref<64000x128xf32, #tpu.memory_space<hbm>> -> memref<80x128xf32, #tpu.memory_space<hbm>>
      %dma_start3A_389 = arith.constant 0 : i32
      %dma_start3A_390 = arith.constant 0 : i32
      %dma_start3A_391 = tpu.memref_slice %arg6[%dma_start3A_377, %dma_start3A_389, %dma_start3A_390] : memref<5x80x128xf32, #tpu.memory_space<vmem>> -> memref<1x80x128xf32, #tpu.memory_space<vmem>>
      %dma_start3A_392 = tpu.memref_squeeze %dma_start3A_391 : memref<1x80x128xf32, #tpu.memory_space<vmem>> -> memref<80x128xf32, #tpu.memory_space<vmem>>
      tpu.enqueue_dma source(%dma_start3A_392 : memref<80x128xf32, #tpu.memory_space<vmem>>) target(%dma_start3A_388 : memref<80x128xf32, #tpu.memory_space<hbm>>) target_semaphore(%dma_start3A_386 : memref<!tpu.dma_semaphore, #tpu.memory_space<semaphore_mem>>)
    }
    %scan3A_66 = arith.constant 5 : i32
    %add3A_67 = arith.constant 20 : i32
    %add3A_68 = arith.addi %mul3A_2, %add3A_67 : i32
    %mul3A_69 = arith.constant 80 : i32
    %mul3A_70 = arith.muli %add3A_68, %mul3A_69 : i32
    %dma_wait3A = arith.constant 0 : i32
    %dma_wait3A_71 = arith.constant 0 : i32
    %dma_wait3A_72 = arith.constant 0 : i32
    %dma_wait3A_73 = arith.constant 0 : i32
    %dma_wait3A_74 = tpu.memref_slice %arg6[%dma_wait3A, %dma_wait3A_72, %dma_wait3A_73] : memref<5x80x128xf32, #tpu.memory_space<vmem>> -> memref<1x80x128xf32, #tpu.memory_space<vmem>>
    %dma_wait3A_75 = tpu.memref_squeeze %dma_wait3A_74 : memref<1x80x128xf32, #tpu.memory_space<vmem>> -> memref<80x128xf32, #tpu.memory_space<vmem>>
    %dma_wait3A_76 = arith.constant 0 : i32
    %dma_wait3A_77 = tpu.memref_slice %arg4[%mul3A_70, %dma_wait3A_76] : memref<64000x128xf32, #tpu.memory_space<hbm>> -> memref<80x128xf32, #tpu.memory_space<hbm>>
    %dma_wait3A_78 = tpu.memref_slice %arg8[%dma_wait3A_71] : memref<5x!tpu.dma_semaphore, #tpu.memory_space<semaphore_mem>> -> memref<1x!tpu.dma_semaphore, #tpu.memory_space<semaphore_mem>>
    %dma_wait3A_79 = tpu.memref_squeeze %dma_wait3A_78 : memref<1x!tpu.dma_semaphore, #tpu.memory_space<semaphore_mem>> -> memref<!tpu.dma_semaphore, #tpu.memory_space<semaphore_mem>>
    %dma_wait3A_80 = arith.constant 0 : i32
    %dma_wait3A_81 = tpu.memref_slice %arg4[%mul3A_70, %dma_wait3A_80] : memref<64000x128xf32, #tpu.memory_space<hbm>> -> memref<80x128xf32, #tpu.memory_space<hbm>>
    %dma_wait3A_82 = arith.constant 0 : i32
    %dma_wait3A_83 = arith.constant 0 : i32
    %dma_wait3A_84 = tpu.memref_slice %arg6[%dma_wait3A, %dma_wait3A_82, %dma_wait3A_83] : memref<5x80x128xf32, #tpu.memory_space<vmem>> -> memref<1x80x128xf32, #tpu.memory_space<vmem>>
    %dma_wait3A_85 = tpu.memref_squeeze %dma_wait3A_84 : memref<1x80x128xf32, #tpu.memory_space<vmem>> -> memref<80x128xf32, #tpu.memory_space<vmem>>
    tpu.wait_dma2 semaphore(%dma_wait3A_79 : memref<!tpu.dma_semaphore, #tpu.memory_space<semaphore_mem>>) src(%dma_wait3A_85 : memref<80x128xf32, #tpu.memory_space<vmem>>) dst(%dma_wait3A_81 : memref<80x128xf32, #tpu.memory_space<hbm>>)
    %add3A_86 = arith.constant 21 : i32
    %add3A_87 = arith.addi %mul3A_2, %add3A_86 : i32
    %mul3A_88 = arith.constant 80 : i32
    %mul3A_89 = arith.muli %add3A_87, %mul3A_88 : i32
    %dma_wait3A_90 = arith.constant 1 : i32
    %dma_wait3A_91 = arith.constant 1 : i32
    %dma_wait3A_92 = arith.constant 0 : i32
    %dma_wait3A_93 = arith.constant 0 : i32
    %dma_wait3A_94 = tpu.memref_slice %arg6[%dma_wait3A_90, %dma_wait3A_92, %dma_wait3A_93] : memref<5x80x128xf32, #tpu.memory_space<vmem>> -> memref<1x80x128xf32, #tpu.memory_space<vmem>>
    %dma_wait3A_95 = tpu.memref_squeeze %dma_wait3A_94 : memref<1x80x128xf32, #tpu.memory_space<vmem>> -> memref<80x128xf32, #tpu.memory_space<vmem>>
    %dma_wait3A_96 = arith.constant 0 : i32
    %dma_wait3A_97 = tpu.memref_slice %arg4[%mul3A_89, %dma_wait3A_96] : memref<64000x128xf32, #tpu.memory_space<hbm>> -> memref<80x128xf32, #tpu.memory_space<hbm>>
    %dma_wait3A_98 = tpu.memref_slice %arg8[%dma_wait3A_91] : memref<5x!tpu.dma_semaphore, #tpu.memory_space<semaphore_mem>> -> memref<1x!tpu.dma_semaphore, #tpu.memory_space<semaphore_mem>>
    %dma_wait3A_99 = tpu.memref_squeeze %dma_wait3A_98 : memref<1x!tpu.dma_semaphore, #tpu.memory_space<semaphore_mem>> -> memref<!tpu.dma_semaphore, #tpu.memory_space<semaphore_mem>>
    %dma_wait3A_100 = arith.constant 0 : i32
    %dma_wait3A_101 = tpu.memref_slice %arg4[%mul3A_89, %dma_wait3A_100] : memref<64000x128xf32, #tpu.memory_space<hbm>> -> memref<80x128xf32, #tpu.memory_space<hbm>>
    %dma_wait3A_102 = arith.constant 0 : i32
    %dma_wait3A_103 = arith.constant 0 : i32
    %dma_wait3A_104 = tpu.memref_slice %arg6[%dma_wait3A_90, %dma_wait3A_102, %dma_wait3A_103] : memref<5x80x128xf32, #tpu.memory_space<vmem>> -> memref<1x80x128xf32, #tpu.memory_space<vmem>>
    %dma_wait3A_105 = tpu.memref_squeeze %dma_wait3A_104 : memref<1x80x128xf32, #tpu.memory_space<vmem>> -> memref<80x128xf32, #tpu.memory_space<vmem>>
    tpu.wait_dma2 semaphore(%dma_wait3A_99 : memref<!tpu.dma_semaphore, #tpu.memory_space<semaphore_mem>>) src(%dma_wait3A_105 : memref<80x128xf32, #tpu.memory_space<vmem>>) dst(%dma_wait3A_101 : memref<80x128xf32, #tpu.memory_space<hbm>>)
    %add3A_106 = arith.constant 22 : i32
    %add3A_107 = arith.addi %mul3A_2, %add3A_106 : i32
    %mul3A_108 = arith.constant 80 : i32
    %mul3A_109 = arith.muli %add3A_107, %mul3A_108 : i32
    %dma_wait3A_110 = arith.constant 2 : i32
    %dma_wait3A_111 = arith.constant 2 : i32
    %dma_wait3A_112 = arith.constant 0 : i32
    %dma_wait3A_113 = arith.constant 0 : i32
    %dma_wait3A_114 = tpu.memref_slice %arg6[%dma_wait3A_110, %dma_wait3A_112, %dma_wait3A_113] : memref<5x80x128xf32, #tpu.memory_space<vmem>> -> memref<1x80x128xf32, #tpu.memory_space<vmem>>
    %dma_wait3A_115 = tpu.memref_squeeze %dma_wait3A_114 : memref<1x80x128xf32, #tpu.memory_space<vmem>> -> memref<80x128xf32, #tpu.memory_space<vmem>>
    %dma_wait3A_116 = arith.constant 0 : i32
    %dma_wait3A_117 = tpu.memref_slice %arg4[%mul3A_109, %dma_wait3A_116] : memref<64000x128xf32, #tpu.memory_space<hbm>> -> memref<80x128xf32, #tpu.memory_space<hbm>>
    %dma_wait3A_118 = tpu.memref_slice %arg8[%dma_wait3A_111] : memref<5x!tpu.dma_semaphore, #tpu.memory_space<semaphore_mem>> -> memref<1x!tpu.dma_semaphore, #tpu.memory_space<semaphore_mem>>
    %dma_wait3A_119 = tpu.memref_squeeze %dma_wait3A_118 : memref<1x!tpu.dma_semaphore, #tpu.memory_space<semaphore_mem>> -> memref<!tpu.dma_semaphore, #tpu.memory_space<semaphore_mem>>
    %dma_wait3A_120 = arith.constant 0 : i32
    %dma_wait3A_121 = tpu.memref_slice %arg4[%mul3A_109, %dma_wait3A_120] : memref<64000x128xf32, #tpu.memory_space<hbm>> -> memref<80x128xf32, #tpu.memory_space<hbm>>
    %dma_wait3A_122 = arith.constant 0 : i32
    %dma_wait3A_123 = arith.constant 0 : i32
    %dma_wait3A_124 = tpu.memref_slice %arg6[%dma_wait3A_110, %dma_wait3A_122, %dma_wait3A_123] : memref<5x80x128xf32, #tpu.memory_space<vmem>> -> memref<1x80x128xf32, #tpu.memory_space<vmem>>
    %dma_wait3A_125 = tpu.memref_squeeze %dma_wait3A_124 : memref<1x80x128xf32, #tpu.memory_space<vmem>> -> memref<80x128xf32, #tpu.memory_space<vmem>>
    tpu.wait_dma2 semaphore(%dma_wait3A_119 : memref<!tpu.dma_semaphore, #tpu.memory_space<semaphore_mem>>) src(%dma_wait3A_125 : memref<80x128xf32, #tpu.memory_space<vmem>>) dst(%dma_wait3A_121 : memref<80x128xf32, #tpu.memory_space<hbm>>)
    %add3A_126 = arith.constant 23 : i32
    %add3A_127 = arith.addi %mul3A_2, %add3A_126 : i32
    %mul3A_128 = arith.constant 80 : i32
    %mul3A_129 = arith.muli %add3A_127, %mul3A_128 : i32
    %dma_wait3A_130 = arith.constant 3 : i32
    %dma_wait3A_131 = arith.constant 3 : i32
    %dma_wait3A_132 = arith.constant 0 : i32
    %dma_wait3A_133 = arith.constant 0 : i32
    %dma_wait3A_134 = tpu.memref_slice %arg6[%dma_wait3A_130, %dma_wait3A_132, %dma_wait3A_133] : memref<5x80x128xf32, #tpu.memory_space<vmem>> -> memref<1x80x128xf32, #tpu.memory_space<vmem>>
    %dma_wait3A_135 = tpu.memref_squeeze %dma_wait3A_134 : memref<1x80x128xf32, #tpu.memory_space<vmem>> -> memref<80x128xf32, #tpu.memory_space<vmem>>
    %dma_wait3A_136 = arith.constant 0 : i32
    %dma_wait3A_137 = tpu.memref_slice %arg4[%mul3A_129, %dma_wait3A_136] : memref<64000x128xf32, #tpu.memory_space<hbm>> -> memref<80x128xf32, #tpu.memory_space<hbm>>
    %dma_wait3A_138 = tpu.memref_slice %arg8[%dma_wait3A_131] : memref<5x!tpu.dma_semaphore, #tpu.memory_space<semaphore_mem>> -> memref<1x!tpu.dma_semaphore, #tpu.memory_space<semaphore_mem>>
    %dma_wait3A_139 = tpu.memref_squeeze %dma_wait3A_138 : memref<1x!tpu.dma_semaphore, #tpu.memory_space<semaphore_mem>> -> memref<!tpu.dma_semaphore, #tpu.memory_space<semaphore_mem>>
    %dma_wait3A_140 = arith.constant 0 : i32
    %dma_wait3A_141 = tpu.memref_slice %arg4[%mul3A_129, %dma_wait3A_140] : memref<64000x128xf32, #tpu.memory_space<hbm>> -> memref<80x128xf32, #tpu.memory_space<hbm>>
    %dma_wait3A_142 = arith.constant 0 : i32
    %dma_wait3A_143 = arith.constant 0 : i32
    %dma_wait3A_144 = tpu.memref_slice %arg6[%dma_wait3A_130, %dma_wait3A_142, %dma_wait3A_143] : memref<5x80x128xf32, #tpu.memory_space<vmem>> -> memref<1x80x128xf32, #tpu.memory_space<vmem>>
    %dma_wait3A_145 = tpu.memref_squeeze %dma_wait3A_144 : memref<1x80x128xf32, #tpu.memory_space<vmem>> -> memref<80x128xf32, #tpu.memory_space<vmem>>
    tpu.wait_dma2 semaphore(%dma_wait3A_139 : memref<!tpu.dma_semaphore, #tpu.memory_space<semaphore_mem>>) src(%dma_wait3A_145 : memref<80x128xf32, #tpu.memory_space<vmem>>) dst(%dma_wait3A_141 : memref<80x128xf32, #tpu.memory_space<hbm>>)
    %add3A_146 = arith.constant 24 : i32
    %add3A_147 = arith.addi %mul3A_2, %add3A_146 : i32
    %mul3A_148 = arith.constant 80 : i32
    %mul3A_149 = arith.muli %add3A_147, %mul3A_148 : i32
    %dma_wait3A_150 = arith.constant 4 : i32
    %dma_wait3A_151 = arith.constant 4 : i32
    %dma_wait3A_152 = arith.constant 0 : i32
    %dma_wait3A_153 = arith.constant 0 : i32
    %dma_wait3A_154 = tpu.memref_slice %arg6[%dma_wait3A_150, %dma_wait3A_152, %dma_wait3A_153] : memref<5x80x128xf32, #tpu.memory_space<vmem>> -> memref<1x80x128xf32, #tpu.memory_space<vmem>>
    %dma_wait3A_155 = tpu.memref_squeeze %dma_wait3A_154 : memref<1x80x128xf32, #tpu.memory_space<vmem>> -> memref<80x128xf32, #tpu.memory_space<vmem>>
    %dma_wait3A_156 = arith.constant 0 : i32
    %dma_wait3A_157 = tpu.memref_slice %arg4[%mul3A_149, %dma_wait3A_156] : memref<64000x128xf32, #tpu.memory_space<hbm>> -> memref<80x128xf32, #tpu.memory_space<hbm>>
    %dma_wait3A_158 = tpu.memref_slice %arg8[%dma_wait3A_151] : memref<5x!tpu.dma_semaphore, #tpu.memory_space<semaphore_mem>> -> memref<1x!tpu.dma_semaphore, #tpu.memory_space<semaphore_mem>>
    %dma_wait3A_159 = tpu.memref_squeeze %dma_wait3A_158 : memref<1x!tpu.dma_semaphore, #tpu.memory_space<semaphore_mem>> -> memref<!tpu.dma_semaphore, #tpu.memory_space<semaphore_mem>>
    %dma_wait3A_160 = arith.constant 0 : i32
    %dma_wait3A_161 = tpu.memref_slice %arg4[%mul3A_149, %dma_wait3A_160] : memref<64000x128xf32, #tpu.memory_space<hbm>> -> memref<80x128xf32, #tpu.memory_space<hbm>>
    %dma_wait3A_162 = arith.constant 0 : i32
    %dma_wait3A_163 = arith.constant 0 : i32
    %dma_wait3A_164 = tpu.memref_slice %arg6[%dma_wait3A_150, %dma_wait3A_162, %dma_wait3A_163] : memref<5x80x128xf32, #tpu.memory_space<vmem>> -> memref<1x80x128xf32, #tpu.memory_space<vmem>>
    %dma_wait3A_165 = tpu.memref_squeeze %dma_wait3A_164 : memref<1x80x128xf32, #tpu.memory_space<vmem>> -> memref<80x128xf32, #tpu.memory_space<vmem>>
    tpu.wait_dma2 semaphore(%dma_wait3A_159 : memref<!tpu.dma_semaphore, #tpu.memory_space<semaphore_mem>>) src(%dma_wait3A_165 : memref<80x128xf32, #tpu.memory_space<vmem>>) dst(%dma_wait3A_161 : memref<80x128xf32, #tpu.memory_space<hbm>>)
    return
  }
}

#map = affine_map<(d0, d1) -> (0, 0)>
#map1 = affine_map<(d0, d1) -> (0, 0, 0)>
module attributes {stable_mosaic.version = 14 : i64} {
  func.func @k(%arg0: i32, %arg1: i32, %arg2: memref<10000x128xf32, #tpu.memory_space<hbm>>, %arg3: memref<32x25x80xi32, #tpu.memory_space<hbm>>, %arg4: memref<64000x128xf32, #tpu.memory_space<hbm>>, %arg5: memref<25x80xi32, #tpu.memory_space<vmem>>, %arg6: memref<5x80x128xf32, #tpu.memory_space<vmem>>, %arg7: memref<5x!tpu.dma_semaphore, #tpu.memory_space<semaphore_mem>>, %arg8: memref<5x!tpu.dma_semaphore, #tpu.memory_space<semaphore_mem>>) attributes {dimension_semantics = [#tpu.dimension_semantics<core_parallel>, #tpu.dimension_semantics<subcore_parallel>], iteration_bounds = array<i64: 2, 16>, scalar_prefetch = 0 : i64, scratch_operands = 4 : i64, tpu.core_type = #tpu.core_type<sc_vector_subcore>, window_params = [{transform_indices = #map}, {transform_indices = #map1}, {transform_indices = #map}]} {
    %mul3A = arith.constant 2 : i32
    %mul3A_0 = arith.muli %arg1, %mul3A : i32
    %add3A = arith.addi %mul3A_0, %arg0 : i32
    %mul3A_1 = arith.constant 25 : i32
    %mul3A_2 = arith.muli %add3A, %mul3A_1 : i32
    "tpu.region"() ({
      %run_scoped3A = tpu.sem_alloc : memref<!tpu.dma_semaphore, #tpu.memory_space<semaphore_mem>>
      %dma_start3A_166 = arith.constant 0 : i32
      %dma_start3A_167 = arith.constant 0 : i32
      %dma_start3A_168 = tpu.memref_slice %arg3[%add3A, %dma_start3A_166, %dma_start3A_167] : memref<32x25x80xi32, #tpu.memory_space<hbm>> -> memref<1x25x80xi32, #tpu.memory_space<hbm>>
      %dma_start3A_169 = tpu.memref_squeeze %dma_start3A_168 : memref<1x25x80xi32, #tpu.memory_space<hbm>> -> memref<25x80xi32, #tpu.memory_space<hbm>>
      %dma_start3A_170 = arith.constant 0 : i32
      %dma_start3A_171 = arith.constant 0 : i32
      %dma_start3A_172 = tpu.memref_slice %arg3[%add3A, %dma_start3A_170, %dma_start3A_171] : memref<32x25x80xi32, #tpu.memory_space<hbm>> -> memref<1x25x80xi32, #tpu.memory_space<hbm>>
      %dma_start3A_173 = tpu.memref_squeeze %dma_start3A_172 : memref<1x25x80xi32, #tpu.memory_space<hbm>> -> memref<25x80xi32, #tpu.memory_space<hbm>>
      tpu.enqueue_dma source(%dma_start3A_173 : memref<25x80xi32, #tpu.memory_space<hbm>>) target(%arg5 : memref<25x80xi32, #tpu.memory_space<vmem>>) target_semaphore(%run_scoped3A : memref<!tpu.dma_semaphore, #tpu.memory_space<semaphore_mem>>)
      %dma_wait3A_174 = arith.constant 0 : i32
      %dma_wait3A_175 = arith.constant 0 : i32
      %dma_wait3A_176 = tpu.memref_slice %arg3[%add3A, %dma_wait3A_174, %dma_wait3A_175] : memref<32x25x80xi32, #tpu.memory_space<hbm>> -> memref<1x25x80xi32, #tpu.memory_space<hbm>>
      %dma_wait3A_177 = tpu.memref_squeeze %dma_wait3A_176 : memref<1x25x80xi32, #tpu.memory_space<hbm>> -> memref<25x80xi32, #tpu.memory_space<hbm>>
      %dma_wait3A_178 = arith.constant 0 : i32
      %dma_wait3A_179 = arith.constant 0 : i32
      %dma_wait3A_180 = tpu.memref_slice %arg3[%add3A, %dma_wait3A_178, %dma_wait3A_179] : memref<32x25x80xi32, #tpu.memory_space<hbm>> -> memref<1x25x80xi32, #tpu.memory_space<hbm>>
      %dma_wait3A_181 = tpu.memref_squeeze %dma_wait3A_180 : memref<1x25x80xi32, #tpu.memory_space<hbm>> -> memref<25x80xi32, #tpu.memory_space<hbm>>
      tpu.wait_dma2 semaphore(%run_scoped3A : memref<!tpu.dma_semaphore, #tpu.memory_space<semaphore_mem>>) src(%dma_wait3A_181 : memref<25x80xi32, #tpu.memory_space<hbm>>) dst(%arg5 : memref<25x80xi32, #tpu.memory_space<vmem>>)
      tpu.yield
    }) : () -> ()
    %dma_start3A = arith.constant 0 : i32
    %dma_start3A_3 = arith.constant 0 : i32
    %dma_start3A_4 = arith.constant 0 : i32
    %dma_start3A_5 = arith.constant 0 : i32
    %dma_start3A_6 = arith.constant 0 : i32
    %dma_start3A_7 = tpu.memref_slice %arg6[%dma_start3A_3, %dma_start3A_5, %dma_start3A_6] : memref<5x80x128xf32, #tpu.memory_space<vmem>> -> memref<1x80x128xf32, #tpu.memory_space<vmem>>
    %dma_start3A_8 = tpu.memref_squeeze %dma_start3A_7 : memref<1x80x128xf32, #tpu.memory_space<vmem>> -> memref<80x128xf32, #tpu.memory_space<vmem>>
    %dma_start3A_9 = arith.constant 0 : i32
    %dma_start3A_10 = tpu.memref_slice %arg5[%dma_start3A, %dma_start3A_9] : memref<25x80xi32, #tpu.memory_space<vmem>> -> memref<1x80xi32, #tpu.memory_space<vmem>>
    %dma_start3A_11 = tpu.memref_squeeze %dma_start3A_10 : memref<1x80xi32, #tpu.memory_space<vmem>> -> memref<80xi32, #tpu.memory_space<vmem>>
    %dma_start3A_12 = arith.constant 0 : i32
    %dma_start3A_13 = arith.constant 0 : i32
    %dma_start3A_14 = tpu.memref_slice %arg2[%dma_start3A_12, %dma_start3A_13] : memref<10000x128xf32, #tpu.memory_space<hbm>> -> memref<10000x128xf32, #tpu.memory_space<hbm>>
    %dma_start3A_15 = tpu.memref_slice %arg7[%dma_start3A_4] : memref<5x!tpu.dma_semaphore, #tpu.memory_space<semaphore_mem>> -> memref<1x!tpu.dma_semaphore, #tpu.memory_space<semaphore_mem>>
    %dma_start3A_16 = tpu.memref_squeeze %dma_start3A_15 : memref<1x!tpu.dma_semaphore, #tpu.memory_space<semaphore_mem>> -> memref<!tpu.dma_semaphore, #tpu.memory_space<semaphore_mem>>
    tpu.enqueue_indirect_dma source(%dma_start3A_14 : memref<10000x128xf32, #tpu.memory_space<hbm>>) target(%dma_start3A_8 : memref<80x128xf32, #tpu.memory_space<vmem>>) offsets(%dma_start3A_11 : memref<80xi32, #tpu.memory_space<vmem>>) semaphore(%dma_start3A_16 : memref<!tpu.dma_semaphore, #tpu.memory_space<semaphore_mem>>)
    %dma_start3A_17 = arith.constant 1 : i32
    %dma_start3A_18 = arith.constant 1 : i32
    %dma_start3A_19 = arith.constant 1 : i32
    %dma_start3A_20 = arith.constant 0 : i32
    %dma_start3A_21 = arith.constant 0 : i32
    %dma_start3A_22 = tpu.memref_slice %arg6[%dma_start3A_18, %dma_start3A_20, %dma_start3A_21] : memref<5x80x128xf32, #tpu.memory_space<vmem>> -> memref<1x80x128xf32, #tpu.memory_space<vmem>>
    %dma_start3A_23 = tpu.memref_squeeze %dma_start3A_22 : memref<1x80x128xf32, #tpu.memory_space<vmem>> -> memref<80x128xf32, #tpu.memory_space<vmem>>
    %dma_start3A_24 = arith.constant 0 : i32
    %dma_start3A_25 = tpu.memref_slice %arg5[%dma_start3A_17, %dma_start3A_24] : memref<25x80xi32, #tpu.memory_space<vmem>> -> memref<1x80xi32, #tpu.memory_space<vmem>>
    %dma_start3A_26 = tpu.memref_squeeze %dma_start3A_25 : memref<1x80xi32, #tpu.memory_space<vmem>> -> memref<80xi32, #tpu.memory_space<vmem>>
    %dma_start3A_27 = arith.constant 0 : i32
    %dma_start3A_28 = arith.constant 0 : i32
    %dma_start3A_29 = tpu.memref_slice %arg2[%dma_start3A_27, %dma_start3A_28] : memref<10000x128xf32, #tpu.memory_space<hbm>> -> memref<10000x128xf32, #tpu.memory_space<hbm>>
    %dma_start3A_30 = tpu.memref_slice %arg7[%dma_start3A_19] : memref<5x!tpu.dma_semaphore, #tpu.memory_space<semaphore_mem>> -> memref<1x!tpu.dma_semaphore, #tpu.memory_space<semaphore_mem>>
    %dma_start3A_31 = tpu.memref_squeeze %dma_start3A_30 : memref<1x!tpu.dma_semaphore, #tpu.memory_space<semaphore_mem>> -> memref<!tpu.dma_semaphore, #tpu.memory_space<semaphore_mem>>
    tpu.enqueue_indirect_dma source(%dma_start3A_29 : memref<10000x128xf32, #tpu.memory_space<hbm>>) target(%dma_start3A_23 : memref<80x128xf32, #tpu.memory_space<vmem>>) offsets(%dma_start3A_26 : memref<80xi32, #tpu.memory_space<vmem>>) semaphore(%dma_start3A_31 : memref<!tpu.dma_semaphore, #tpu.memory_space<semaphore_mem>>)
    %dma_start3A_32 = arith.constant 2 : i32
    %dma_start3A_33 = arith.constant 2 : i32
    %dma_start3A_34 = arith.constant 2 : i32
    %dma_start3A_35 = arith.constant 0 : i32
    %dma_start3A_36 = arith.constant 0 : i32
    %dma_start3A_37 = tpu.memref_slice %arg6[%dma_start3A_33, %dma_start3A_35, %dma_start3A_36] : memref<5x80x128xf32, #tpu.memory_space<vmem>> -> memref<1x80x128xf32, #tpu.memory_space<vmem>>
    %dma_start3A_38 = tpu.memref_squeeze %dma_start3A_37 : memref<1x80x128xf32, #tpu.memory_space<vmem>> -> memref<80x128xf32, #tpu.memory_space<vmem>>
    %dma_start3A_39 = arith.constant 0 : i32
    %dma_start3A_40 = tpu.memref_slice %arg5[%dma_start3A_32, %dma_start3A_39] : memref<25x80xi32, #tpu.memory_space<vmem>> -> memref<1x80xi32, #tpu.memory_space<vmem>>
    %dma_start3A_41 = tpu.memref_squeeze %dma_start3A_40 : memref<1x80xi32, #tpu.memory_space<vmem>> -> memref<80xi32, #tpu.memory_space<vmem>>
    %dma_start3A_42 = arith.constant 0 : i32
    %dma_start3A_43 = arith.constant 0 : i32
    %dma_start3A_44 = tpu.memref_slice %arg2[%dma_start3A_42, %dma_start3A_43] : memref<10000x128xf32, #tpu.memory_space<hbm>> -> memref<10000x128xf32, #tpu.memory_space<hbm>>
    %dma_start3A_45 = tpu.memref_slice %arg7[%dma_start3A_34] : memref<5x!tpu.dma_semaphore, #tpu.memory_space<semaphore_mem>> -> memref<1x!tpu.dma_semaphore, #tpu.memory_space<semaphore_mem>>
    %dma_start3A_46 = tpu.memref_squeeze %dma_start3A_45 : memref<1x!tpu.dma_semaphore, #tpu.memory_space<semaphore_mem>> -> memref<!tpu.dma_semaphore, #tpu.memory_space<semaphore_mem>>
    tpu.enqueue_indirect_dma source(%dma_start3A_44 : memref<10000x128xf32, #tpu.memory_space<hbm>>) target(%dma_start3A_38 : memref<80x128xf32, #tpu.memory_space<vmem>>) offsets(%dma_start3A_41 : memref<80xi32, #tpu.memory_space<vmem>>) semaphore(%dma_start3A_46 : memref<!tpu.dma_semaphore, #tpu.memory_space<semaphore_mem>>)
    %dma_start3A_47 = arith.constant 3 : i32
    %dma_start3A_48 = arith.constant 3 : i32
    %dma_start3A_49 = arith.constant 3 : i32
    %dma_start3A_50 = arith.constant 0 : i32
    %dma_start3A_51 = arith.constant 0 : i32
    %dma_start3A_52 = tpu.memref_slice %arg6[%dma_start3A_48, %dma_start3A_50, %dma_start3A_51] : memref<5x80x128xf32, #tpu.memory_space<vmem>> -> memref<1x80x128xf32, #tpu.memory_space<vmem>>
    %dma_start3A_53 = tpu.memref_squeeze %dma_start3A_52 : memref<1x80x128xf32, #tpu.memory_space<vmem>> -> memref<80x128xf32, #tpu.memory_space<vmem>>
    %dma_start3A_54 = arith.constant 0 : i32
    %dma_start3A_55 = tpu.memref_slice %arg5[%dma_start3A_47, %dma_start3A_54] : memref<25x80xi32, #tpu.memory_space<vmem>> -> memref<1x80xi32, #tpu.memory_space<vmem>>
    %dma_start3A_56 = tpu.memref_squeeze %dma_start3A_55 : memref<1x80xi32, #tpu.memory_space<vmem>> -> memref<80xi32, #tpu.memory_space<vmem>>
    %dma_start3A_57 = arith.constant 0 : i32
    %dma_start3A_58 = arith.constant 0 : i32
    %dma_start3A_59 = tpu.memref_slice %arg2[%dma_start3A_57, %dma_start3A_58] : memref<10000x128xf32, #tpu.memory_space<hbm>> -> memref<10000x128xf32, #tpu.memory_space<hbm>>
    %dma_start3A_60 = tpu.memref_slice %arg7[%dma_start3A_49] : memref<5x!tpu.dma_semaphore, #tpu.memory_space<semaphore_mem>> -> memref<1x!tpu.dma_semaphore, #tpu.memory_space<semaphore_mem>>
    %dma_start3A_61 = tpu.memref_squeeze %dma_start3A_60 : memref<1x!tpu.dma_semaphore, #tpu.memory_space<semaphore_mem>> -> memref<!tpu.dma_semaphore, #tpu.memory_space<semaphore_mem>>
    tpu.enqueue_indirect_dma source(%dma_start3A_59 : memref<10000x128xf32, #tpu.memory_space<hbm>>) target(%dma_start3A_53 : memref<80x128xf32, #tpu.memory_space<vmem>>) offsets(%dma_start3A_56 : memref<80xi32, #tpu.memory_space<vmem>>) semaphore(%dma_start3A_61 : memref<!tpu.dma_semaphore, #tpu.memory_space<semaphore_mem>>)
    %scan3A = arith.constant 0 : i32
    %scan3A_62 = arith.constant 0 : i32
    %scan3A_63 = arith.constant 5 : i32
    %scan3A_64 = arith.addi %scan3A_62, %scan3A_63 : i32
    %scan3A_65 = arith.constant 1 : i32
    scf.for %scan3A_166 = %scan3A_62 to %scan3A_64 step %scan3A_65  : i32 {
      %mul3A_167 = arith.constant 5 : i32
      %mul3A_168 = arith.muli %scan3A_166, %mul3A_167 : i32
      %add3A_169 = arith.constant 0 : i32
      %add3A_170 = arith.addi %mul3A_168, %add3A_169 : i32
      %add3A_171 = arith.constant 5 : i32
      %add3A_172 = arith.addi %add3A_170, %add3A_171 : i32
      %sub3A = arith.constant 1 : i32
      %sub3A_173 = arith.subi %add3A_172, %sub3A : i32
      %lt3A = arith.constant 25 : i32
      %lt3A_174 = arith.cmpi slt, %sub3A_173, %lt3A : i32
      %convert_element_type3A = arith.extui %lt3A_174 : i1 to i32
      %cond3A = arith.constant 0 : i32
      %cond3A_175 = arith.cmpi ne, %convert_element_type3A, %cond3A : i32
      scf.if %cond3A_175 {
        %gt3A = arith.constant 0 : i32
        %gt3A_393 = arith.cmpi sgt, %add3A_170, %gt3A : i32
        %convert_element_type3A_394 = arith.extui %gt3A_393 : i1 to i32
        %cond3A_395 = arith.constant 0 : i32
        %cond3A_396 = arith.cmpi ne, %convert_element_type3A_394, %cond3A_395 : i32
        scf.if %cond3A_396 {
          %sub3A_411 = arith.constant 1 : i32
          %sub3A_412 = arith.subi %add3A_170, %sub3A_411 : i32
          %add3A_413 = arith.addi %mul3A_2, %sub3A_412 : i32
          %mul3A_414 = arith.constant 80 : i32
          %mul3A_415 = arith.muli %add3A_413, %mul3A_414 : i32
          %dma_wait3A_416 = arith.constant 4 : i32
          %dma_wait3A_417 = arith.constant 4 : i32
          %dma_wait3A_418 = arith.constant 0 : i32
          %dma_wait3A_419 = arith.constant 0 : i32
          %dma_wait3A_420 = tpu.memref_slice %arg6[%dma_wait3A_416, %dma_wait3A_418, %dma_wait3A_419] : memref<5x80x128xf32, #tpu.memory_space<vmem>> -> memref<1x80x128xf32, #tpu.memory_space<vmem>>
          %dma_wait3A_421 = tpu.memref_squeeze %dma_wait3A_420 : memref<1x80x128xf32, #tpu.memory_space<vmem>> -> memref<80x128xf32, #tpu.memory_space<vmem>>
          %dma_wait3A_422 = arith.constant 0 : i32
          %dma_wait3A_423 = tpu.memref_slice %arg4[%mul3A_415, %dma_wait3A_422] : memref<64000x128xf32, #tpu.memory_space<hbm>> -> memref<80x128xf32, #tpu.memory_space<hbm>>
          %dma_wait3A_424 = tpu.memref_slice %arg8[%dma_wait3A_417] : memref<5x!tpu.dma_semaphore, #tpu.memory_space<semaphore_mem>> -> memref<1x!tpu.dma_semaphore, #tpu.memory_space<semaphore_mem>>
          %dma_wait3A_425 = tpu.memref_squeeze %dma_wait3A_424 : memref<1x!tpu.dma_semaphore, #tpu.memory_space<semaphore_mem>> -> memref<!tpu.dma_semaphore, #tpu.memory_space<semaphore_mem>>
          %dma_wait3A_426 = arith.constant 0 : i32
          %dma_wait3A_427 = tpu.memref_slice %arg4[%mul3A_415, %dma_wait3A_426] : memref<64000x128xf32, #tpu.memory_space<hbm>> -> memref<80x128xf32, #tpu.memory_space<hbm>>
          %dma_wait3A_428 = arith.constant 0 : i32
          %dma_wait3A_429 = arith.constant 0 : i32
          %dma_wait3A_430 = tpu.memref_slice %arg6[%dma_wait3A_416, %dma_wait3A_428, %dma_wait3A_429] : memref<5x80x128xf32, #tpu.memory_space<vmem>> -> memref<1x80x128xf32, #tpu.memory_space<vmem>>
          %dma_wait3A_431 = tpu.memref_squeeze %dma_wait3A_430 : memref<1x80x128xf32, #tpu.memory_space<vmem>> -> memref<80x128xf32, #tpu.memory_space<vmem>>
          tpu.wait_dma2 semaphore(%dma_wait3A_425 : memref<!tpu.dma_semaphore, #tpu.memory_space<semaphore_mem>>) src(%dma_wait3A_431 : memref<80x128xf32, #tpu.memory_space<vmem>>) dst(%dma_wait3A_427 : memref<80x128xf32, #tpu.memory_space<hbm>>)
        } else {
        }
        %dma_start3A_397 = arith.constant 4 : i32
        %dma_start3A_398 = arith.constant 4 : i32
        %dma_start3A_399 = arith.constant 0 : i32
        %dma_start3A_400 = arith.constant 0 : i32
        %dma_start3A_401 = tpu.memref_slice %arg6[%dma_start3A_397, %dma_start3A_399, %dma_start3A_400] : memref<5x80x128xf32, #tpu.memory_space<vmem>> -> memref<1x80x128xf32, #tpu.memory_space<vmem>>
        %dma_start3A_402 = tpu.memref_squeeze %dma_start3A_401 : memref<1x80x128xf32, #tpu.memory_space<vmem>> -> memref<80x128xf32, #tpu.memory_space<vmem>>
        %dma_start3A_403 = arith.constant 0 : i32
        %dma_start3A_404 = tpu.memref_slice %arg5[%sub3A_173, %dma_start3A_403] : memref<25x80xi32, #tpu.memory_space<vmem>> -> memref<1x80xi32, #tpu.memory_space<vmem>>
        %dma_start3A_405 = tpu.memref_squeeze %dma_start3A_404 : memref<1x80xi32, #tpu.memory_space<vmem>> -> memref<80xi32, #tpu.memory_space<vmem>>
        %dma_start3A_406 = arith.constant 0 : i32
        %dma_start3A_407 = arith.constant 0 : i32
        %dma_start3A_408 = tpu.memref_slice %arg2[%dma_start3A_406, %dma_start3A_407] : memref<10000x128xf32, #tpu.memory_space<hbm>> -> memref<10000x128xf32, #tpu.memory_space<hbm>>
        %dma_start3A_409 = tpu.memref_slice %arg7[%dma_start3A_398] : memref<5x!tpu.dma_semaphore, #tpu.memory_space<semaphore_mem>> -> memref<1x!tpu.dma_semaphore, #tpu.memory_space<semaphore_mem>>
        %dma_start3A_410 = tpu.memref_squeeze %dma_start3A_409 : memref<1x!tpu.dma_semaphore, #tpu.memory_space<semaphore_mem>> -> memref<!tpu.dma_semaphore, #tpu.memory_space<semaphore_mem>>
        tpu.enqueue_indirect_dma source(%dma_start3A_408 : memref<10000x128xf32, #tpu.memory_space<hbm>>) target(%dma_start3A_402 : memref<80x128xf32, #tpu.memory_space<vmem>>) offsets(%dma_start3A_405 : memref<80xi32, #tpu.memory_space<vmem>>) semaphore(%dma_start3A_410 : memref<!tpu.dma_semaphore, #tpu.memory_space<semaphore_mem>>)
      } else {
      }
      %dma_wait3A_176 = arith.constant 0 : i32
      %dma_wait3A_177 = arith.constant 0 : i32
      %dma_wait3A_178 = arith.constant 0 : i32
      %dma_wait3A_179 = arith.constant 0 : i32
      %dma_wait3A_180 = tpu.memref_slice %arg6[%dma_wait3A_176, %dma_wait3A_178, %dma_wait3A_179] : memref<5x80x128xf32, #tpu.memory_space<vmem>> -> memref<1x80x128xf32, #tpu.memory_space<vmem>>
      %dma_wait3A_181 = tpu.memref_squeeze %dma_wait3A_180 : memref<1x80x128xf32, #tpu.memory_space<vmem>> -> memref<80x128xf32, #tpu.memory_space<vmem>>
      %dma_wait3A_182 = arith.constant 0 : i32
      %dma_wait3A_183 = tpu.memref_slice %arg5[%add3A_170, %dma_wait3A_182] : memref<25x80xi32, #tpu.memory_space<vmem>> -> memref<1x80xi32, #tpu.memory_space<vmem>>
      %dma_wait3A_184 = tpu.memref_squeeze %dma_wait3A_183 : memref<1x80xi32, #tpu.memory_space<vmem>> -> memref<80xi32, #tpu.memory_space<vmem>>
      %dma_wait3A_185 = arith.constant 0 : i32
      %dma_wait3A_186 = arith.constant 0 : i32
      %dma_wait3A_187 = tpu.memref_slice %arg2[%dma_wait3A_185, %dma_wait3A_186] : memref<10000x128xf32, #tpu.memory_space<hbm>> -> memref<10000x128xf32, #tpu.memory_space<hbm>>
      %dma_wait3A_188 = tpu.memref_slice %arg7[%dma_wait3A_177] : memref<5x!tpu.dma_semaphore, #tpu.memory_space<semaphore_mem>> -> memref<1x!tpu.dma_semaphore, #tpu.memory_space<semaphore_mem>>
      %dma_wait3A_189 = tpu.memref_squeeze %dma_wait3A_188 : memref<1x!tpu.dma_semaphore, #tpu.memory_space<semaphore_mem>> -> memref<!tpu.dma_semaphore, #tpu.memory_space<semaphore_mem>>
      tpu.wait_indirect_dma semaphore(%dma_wait3A_189 : memref<!tpu.dma_semaphore, #tpu.memory_space<semaphore_mem>>) src(%dma_wait3A_187 : memref<10000x128xf32, #tpu.memory_space<hbm>>) dst(%dma_wait3A_181 : memref<80x128xf32, #tpu.memory_space<vmem>>)
      %add3A_190 = arith.addi %mul3A_2, %add3A_170 : i32
      %mul3A_191 = arith.constant 80 : i32
      %mul3A_192 = arith.muli %add3A_190, %mul3A_191 : i32
      %dma_start3A_193 = arith.constant 0 : i32
      %dma_start3A_194 = arith.constant 0 : i32
      %dma_start3A_195 = arith.constant 0 : i32
      %dma_start3A_196 = arith.constant 0 : i32
      %dma_start3A_197 = tpu.memref_slice %arg6[%dma_start3A_193, %dma_start3A_195, %dma_start3A_196] : memref<5x80x128xf32, #tpu.memory_space<vmem>> -> memref<1x80x128xf32, #tpu.memory_space<vmem>>
      %dma_start3A_198 = tpu.memref_squeeze %dma_start3A_197 : memref<1x80x128xf32, #tpu.memory_space<vmem>> -> memref<80x128xf32, #tpu.memory_space<vmem>>
      %dma_start3A_199 = arith.constant 0 : i32
      %dma_start3A_200 = tpu.memref_slice %arg4[%mul3A_192, %dma_start3A_199] : memref<64000x128xf32, #tpu.memory_space<hbm>> -> memref<80x128xf32, #tpu.memory_space<hbm>>
      %dma_start3A_201 = tpu.memref_slice %arg8[%dma_start3A_194] : memref<5x!tpu.dma_semaphore, #tpu.memory_space<semaphore_mem>> -> memref<1x!tpu.dma_semaphore, #tpu.memory_space<semaphore_mem>>
      %dma_start3A_202 = tpu.memref_squeeze %dma_start3A_201 : memref<1x!tpu.dma_semaphore, #tpu.memory_space<semaphore_mem>> -> memref<!tpu.dma_semaphore, #tpu.memory_space<semaphore_mem>>
      %dma_start3A_203 = arith.constant 0 : i32
      %dma_start3A_204 = tpu.memref_slice %arg4[%mul3A_192, %dma_start3A_203] : memref<64000x128xf32, #tpu.memory_space<hbm>> -> memref<80x128xf32, #tpu.memory_space<hbm>>
      %dma_start3A_205 = arith.constant 0 : i32
      %dma_start3A_206 = arith.constant 0 : i32
      %dma_start3A_207 = tpu.memref_slice %arg6[%dma_start3A_193, %dma_start3A_205, %dma_start3A_206] : memref<5x80x128xf32, #tpu.memory_space<vmem>> -> memref<1x80x128xf32, #tpu.memory_space<vmem>>
      %dma_start3A_208 = tpu.memref_squeeze %dma_start3A_207 : memref<1x80x128xf32, #tpu.memory_space<vmem>> -> memref<80x128xf32, #tpu.memory_space<vmem>>
      tpu.enqueue_dma source(%dma_start3A_208 : memref<80x128xf32, #tpu.memory_space<vmem>>) target(%dma_start3A_204 : memref<80x128xf32, #tpu.memory_space<hbm>>) target_semaphore(%dma_start3A_202 : memref<!tpu.dma_semaphore, #tpu.memory_space<semaphore_mem>>)
      %mul3A_209 = arith.constant 5 : i32
      %mul3A_210 = arith.muli %scan3A_166, %mul3A_209 : i32
      %add3A_211 = arith.constant 1 : i32
      %add3A_212 = arith.addi %mul3A_210, %add3A_211 : i32
      %add3A_213 = arith.constant 5 : i32
      %add3A_214 = arith.addi %add3A_212, %add3A_213 : i32
      %sub3A_215 = arith.constant 1 : i32
      %sub3A_216 = arith.subi %add3A_214, %sub3A_215 : i32
      %lt3A_217 = arith.constant 25 : i32
      %lt3A_218 = arith.cmpi slt, %sub3A_216, %lt3A_217 : i32
      %convert_element_type3A_219 = arith.extui %lt3A_218 : i1 to i32
      %cond3A_220 = arith.constant 0 : i32
      %cond3A_221 = arith.cmpi ne, %convert_element_type3A_219, %cond3A_220 : i32
      scf.if %cond3A_221 {
        %gt3A = arith.constant 0 : i32
        %gt3A_393 = arith.cmpi sgt, %add3A_212, %gt3A : i32
        %convert_element_type3A_394 = arith.extui %gt3A_393 : i1 to i32
        %cond3A_395 = arith.constant 0 : i32
        %cond3A_396 = arith.cmpi ne, %convert_element_type3A_394, %cond3A_395 : i32
        scf.if %cond3A_396 {
          %sub3A_411 = arith.constant 1 : i32
          %sub3A_412 = arith.subi %add3A_212, %sub3A_411 : i32
          %add3A_413 = arith.addi %mul3A_2, %sub3A_412 : i32
          %mul3A_414 = arith.constant 80 : i32
          %mul3A_415 = arith.muli %add3A_413, %mul3A_414 : i32
          %dma_wait3A_416 = arith.constant 0 : i32
          %dma_wait3A_417 = arith.constant 0 : i32
          %dma_wait3A_418 = arith.constant 0 : i32
          %dma_wait3A_419 = arith.constant 0 : i32
          %dma_wait3A_420 = tpu.memref_slice %arg6[%dma_wait3A_416, %dma_wait3A_418, %dma_wait3A_419] : memref<5x80x128xf32, #tpu.memory_space<vmem>> -> memref<1x80x128xf32, #tpu.memory_space<vmem>>
          %dma_wait3A_421 = tpu.memref_squeeze %dma_wait3A_420 : memref<1x80x128xf32, #tpu.memory_space<vmem>> -> memref<80x128xf32, #tpu.memory_space<vmem>>
          %dma_wait3A_422 = arith.constant 0 : i32
          %dma_wait3A_423 = tpu.memref_slice %arg4[%mul3A_415, %dma_wait3A_422] : memref<64000x128xf32, #tpu.memory_space<hbm>> -> memref<80x128xf32, #tpu.memory_space<hbm>>
          %dma_wait3A_424 = tpu.memref_slice %arg8[%dma_wait3A_417] : memref<5x!tpu.dma_semaphore, #tpu.memory_space<semaphore_mem>> -> memref<1x!tpu.dma_semaphore, #tpu.memory_space<semaphore_mem>>
          %dma_wait3A_425 = tpu.memref_squeeze %dma_wait3A_424 : memref<1x!tpu.dma_semaphore, #tpu.memory_space<semaphore_mem>> -> memref<!tpu.dma_semaphore, #tpu.memory_space<semaphore_mem>>
          %dma_wait3A_426 = arith.constant 0 : i32
          %dma_wait3A_427 = tpu.memref_slice %arg4[%mul3A_415, %dma_wait3A_426] : memref<64000x128xf32, #tpu.memory_space<hbm>> -> memref<80x128xf32, #tpu.memory_space<hbm>>
          %dma_wait3A_428 = arith.constant 0 : i32
          %dma_wait3A_429 = arith.constant 0 : i32
          %dma_wait3A_430 = tpu.memref_slice %arg6[%dma_wait3A_416, %dma_wait3A_428, %dma_wait3A_429] : memref<5x80x128xf32, #tpu.memory_space<vmem>> -> memref<1x80x128xf32, #tpu.memory_space<vmem>>
          %dma_wait3A_431 = tpu.memref_squeeze %dma_wait3A_430 : memref<1x80x128xf32, #tpu.memory_space<vmem>> -> memref<80x128xf32, #tpu.memory_space<vmem>>
          tpu.wait_dma2 semaphore(%dma_wait3A_425 : memref<!tpu.dma_semaphore, #tpu.memory_space<semaphore_mem>>) src(%dma_wait3A_431 : memref<80x128xf32, #tpu.memory_space<vmem>>) dst(%dma_wait3A_427 : memref<80x128xf32, #tpu.memory_space<hbm>>)
        } else {
        }
        %dma_start3A_397 = arith.constant 0 : i32
        %dma_start3A_398 = arith.constant 0 : i32
        %dma_start3A_399 = arith.constant 0 : i32
        %dma_start3A_400 = arith.constant 0 : i32
        %dma_start3A_401 = tpu.memref_slice %arg6[%dma_start3A_397, %dma_start3A_399, %dma_start3A_400] : memref<5x80x128xf32, #tpu.memory_space<vmem>> -> memref<1x80x128xf32, #tpu.memory_space<vmem>>
        %dma_start3A_402 = tpu.memref_squeeze %dma_start3A_401 : memref<1x80x128xf32, #tpu.memory_space<vmem>> -> memref<80x128xf32, #tpu.memory_space<vmem>>
        %dma_start3A_403 = arith.constant 0 : i32
        %dma_start3A_404 = tpu.memref_slice %arg5[%sub3A_216, %dma_start3A_403] : memref<25x80xi32, #tpu.memory_space<vmem>> -> memref<1x80xi32, #tpu.memory_space<vmem>>
        %dma_start3A_405 = tpu.memref_squeeze %dma_start3A_404 : memref<1x80xi32, #tpu.memory_space<vmem>> -> memref<80xi32, #tpu.memory_space<vmem>>
        %dma_start3A_406 = arith.constant 0 : i32
        %dma_start3A_407 = arith.constant 0 : i32
        %dma_start3A_408 = tpu.memref_slice %arg2[%dma_start3A_406, %dma_start3A_407] : memref<10000x128xf32, #tpu.memory_space<hbm>> -> memref<10000x128xf32, #tpu.memory_space<hbm>>
        %dma_start3A_409 = tpu.memref_slice %arg7[%dma_start3A_398] : memref<5x!tpu.dma_semaphore, #tpu.memory_space<semaphore_mem>> -> memref<1x!tpu.dma_semaphore, #tpu.memory_space<semaphore_mem>>
        %dma_start3A_410 = tpu.memref_squeeze %dma_start3A_409 : memref<1x!tpu.dma_semaphore, #tpu.memory_space<semaphore_mem>> -> memref<!tpu.dma_semaphore, #tpu.memory_space<semaphore_mem>>
        tpu.enqueue_indirect_dma source(%dma_start3A_408 : memref<10000x128xf32, #tpu.memory_space<hbm>>) target(%dma_start3A_402 : memref<80x128xf32, #tpu.memory_space<vmem>>) offsets(%dma_start3A_405 : memref<80xi32, #tpu.memory_space<vmem>>) semaphore(%dma_start3A_410 : memref<!tpu.dma_semaphore, #tpu.memory_space<semaphore_mem>>)
      } else {
      }
      %dma_wait3A_222 = arith.constant 1 : i32
      %dma_wait3A_223 = arith.constant 1 : i32
      %dma_wait3A_224 = arith.constant 0 : i32
      %dma_wait3A_225 = arith.constant 0 : i32
      %dma_wait3A_226 = tpu.memref_slice %arg6[%dma_wait3A_222, %dma_wait3A_224, %dma_wait3A_225] : memref<5x80x128xf32, #tpu.memory_space<vmem>> -> memref<1x80x128xf32, #tpu.memory_space<vmem>>
      %dma_wait3A_227 = tpu.memref_squeeze %dma_wait3A_226 : memref<1x80x128xf32, #tpu.memory_space<vmem>> -> memref<80x128xf32, #tpu.memory_space<vmem>>
      %dma_wait3A_228 = arith.constant 0 : i32
      %dma_wait3A_229 = tpu.memref_slice %arg5[%add3A_212, %dma_wait3A_228] : memref<25x80xi32, #tpu.memory_space<vmem>> -> memref<1x80xi32, #tpu.memory_space<vmem>>
      %dma_wait3A_230 = tpu.memref_squeeze %dma_wait3A_229 : memref<1x80xi32, #tpu.memory_space<vmem>> -> memref<80xi32, #tpu.memory_space<vmem>>
      %dma_wait3A_231 = arith.constant 0 : i32
      %dma_wait3A_232 = arith.constant 0 : i32
      %dma_wait3A_233 = tpu.memref_slice %arg2[%dma_wait3A_231, %dma_wait3A_232] : memref<10000x128xf32, #tpu.memory_space<hbm>> -> memref<10000x128xf32, #tpu.memory_space<hbm>>
      %dma_wait3A_234 = tpu.memref_slice %arg7[%dma_wait3A_223] : memref<5x!tpu.dma_semaphore, #tpu.memory_space<semaphore_mem>> -> memref<1x!tpu.dma_semaphore, #tpu.memory_space<semaphore_mem>>
      %dma_wait3A_235 = tpu.memref_squeeze %dma_wait3A_234 : memref<1x!tpu.dma_semaphore, #tpu.memory_space<semaphore_mem>> -> memref<!tpu.dma_semaphore, #tpu.memory_space<semaphore_mem>>
      tpu.wait_indirect_dma semaphore(%dma_wait3A_235 : memref<!tpu.dma_semaphore, #tpu.memory_space<semaphore_mem>>) src(%dma_wait3A_233 : memref<10000x128xf32, #tpu.memory_space<hbm>>) dst(%dma_wait3A_227 : memref<80x128xf32, #tpu.memory_space<vmem>>)
      %add3A_236 = arith.addi %mul3A_2, %add3A_212 : i32
      %mul3A_237 = arith.constant 80 : i32
      %mul3A_238 = arith.muli %add3A_236, %mul3A_237 : i32
      %dma_start3A_239 = arith.constant 1 : i32
      %dma_start3A_240 = arith.constant 1 : i32
      %dma_start3A_241 = arith.constant 0 : i32
      %dma_start3A_242 = arith.constant 0 : i32
      %dma_start3A_243 = tpu.memref_slice %arg6[%dma_start3A_239, %dma_start3A_241, %dma_start3A_242] : memref<5x80x128xf32, #tpu.memory_space<vmem>> -> memref<1x80x128xf32, #tpu.memory_space<vmem>>
      %dma_start3A_244 = tpu.memref_squeeze %dma_start3A_243 : memref<1x80x128xf32, #tpu.memory_space<vmem>> -> memref<80x128xf32, #tpu.memory_space<vmem>>
      %dma_start3A_245 = arith.constant 0 : i32
      %dma_start3A_246 = tpu.memref_slice %arg4[%mul3A_238, %dma_start3A_245] : memref<64000x128xf32, #tpu.memory_space<hbm>> -> memref<80x128xf32, #tpu.memory_space<hbm>>
      %dma_start3A_247 = tpu.memref_slice %arg8[%dma_start3A_240] : memref<5x!tpu.dma_semaphore, #tpu.memory_space<semaphore_mem>> -> memref<1x!tpu.dma_semaphore, #tpu.memory_space<semaphore_mem>>
      %dma_start3A_248 = tpu.memref_squeeze %dma_start3A_247 : memref<1x!tpu.dma_semaphore, #tpu.memory_space<semaphore_mem>> -> memref<!tpu.dma_semaphore, #tpu.memory_space<semaphore_mem>>
      %dma_start3A_249 = arith.constant 0 : i32
      %dma_start3A_250 = tpu.memref_slice %arg4[%mul3A_238, %dma_start3A_249] : memref<64000x128xf32, #tpu.memory_space<hbm>> -> memref<80x128xf32, #tpu.memory_space<hbm>>
      %dma_start3A_251 = arith.constant 0 : i32
      %dma_start3A_252 = arith.constant 0 : i32
      %dma_start3A_253 = tpu.memref_slice %arg6[%dma_start3A_239, %dma_start3A_251, %dma_start3A_252] : memref<5x80x128xf32, #tpu.memory_space<vmem>> -> memref<1x80x128xf32, #tpu.memory_space<vmem>>
      %dma_start3A_254 = tpu.memref_squeeze %dma_start3A_253 : memref<1x80x128xf32, #tpu.memory_space<vmem>> -> memref<80x128xf32, #tpu.memory_space<vmem>>
      tpu.enqueue_dma source(%dma_start3A_254 : memref<80x128xf32, #tpu.memory_space<vmem>>) target(%dma_start3A_250 : memref<80x128xf32, #tpu.memory_space<hbm>>) target_semaphore(%dma_start3A_248 : memref<!tpu.dma_semaphore, #tpu.memory_space<semaphore_mem>>)
      %mul3A_255 = arith.constant 5 : i32
      %mul3A_256 = arith.muli %scan3A_166, %mul3A_255 : i32
      %add3A_257 = arith.constant 2 : i32
      %add3A_258 = arith.addi %mul3A_256, %add3A_257 : i32
      %add3A_259 = arith.constant 5 : i32
      %add3A_260 = arith.addi %add3A_258, %add3A_259 : i32
      %sub3A_261 = arith.constant 1 : i32
      %sub3A_262 = arith.subi %add3A_260, %sub3A_261 : i32
      %lt3A_263 = arith.constant 25 : i32
      %lt3A_264 = arith.cmpi slt, %sub3A_262, %lt3A_263 : i32
      %convert_element_type3A_265 = arith.extui %lt3A_264 : i1 to i32
      %cond3A_266 = arith.constant 0 : i32
      %cond3A_267 = arith.cmpi ne, %convert_element_type3A_265, %cond3A_266 : i32
      scf.if %cond3A_267 {
        %gt3A = arith.constant 0 : i32
        %gt3A_393 = arith.cmpi sgt, %add3A_258, %gt3A : i32
        %convert_element_type3A_394 = arith.extui %gt3A_393 : i1 to i32
        %cond3A_395 = arith.constant 0 : i32
        %cond3A_396 = arith.cmpi ne, %convert_element_type3A_394, %cond3A_395 : i32
        scf.if %cond3A_396 {
          %sub3A_411 = arith.constant 1 : i32
          %sub3A_412 = arith.subi %add3A_258, %sub3A_411 : i32
          %add3A_413 = arith.addi %mul3A_2, %sub3A_412 : i32
          %mul3A_414 = arith.constant 80 : i32
          %mul3A_415 = arith.muli %add3A_413, %mul3A_414 : i32
          %dma_wait3A_416 = arith.constant 1 : i32
          %dma_wait3A_417 = arith.constant 1 : i32
          %dma_wait3A_418 = arith.constant 0 : i32
          %dma_wait3A_419 = arith.constant 0 : i32
          %dma_wait3A_420 = tpu.memref_slice %arg6[%dma_wait3A_416, %dma_wait3A_418, %dma_wait3A_419] : memref<5x80x128xf32, #tpu.memory_space<vmem>> -> memref<1x80x128xf32, #tpu.memory_space<vmem>>
          %dma_wait3A_421 = tpu.memref_squeeze %dma_wait3A_420 : memref<1x80x128xf32, #tpu.memory_space<vmem>> -> memref<80x128xf32, #tpu.memory_space<vmem>>
          %dma_wait3A_422 = arith.constant 0 : i32
          %dma_wait3A_423 = tpu.memref_slice %arg4[%mul3A_415, %dma_wait3A_422] : memref<64000x128xf32, #tpu.memory_space<hbm>> -> memref<80x128xf32, #tpu.memory_space<hbm>>
          %dma_wait3A_424 = tpu.memref_slice %arg8[%dma_wait3A_417] : memref<5x!tpu.dma_semaphore, #tpu.memory_space<semaphore_mem>> -> memref<1x!tpu.dma_semaphore, #tpu.memory_space<semaphore_mem>>
          %dma_wait3A_425 = tpu.memref_squeeze %dma_wait3A_424 : memref<1x!tpu.dma_semaphore, #tpu.memory_space<semaphore_mem>> -> memref<!tpu.dma_semaphore, #tpu.memory_space<semaphore_mem>>
          %dma_wait3A_426 = arith.constant 0 : i32
          %dma_wait3A_427 = tpu.memref_slice %arg4[%mul3A_415, %dma_wait3A_426] : memref<64000x128xf32, #tpu.memory_space<hbm>> -> memref<80x128xf32, #tpu.memory_space<hbm>>
          %dma_wait3A_428 = arith.constant 0 : i32
          %dma_wait3A_429 = arith.constant 0 : i32
          %dma_wait3A_430 = tpu.memref_slice %arg6[%dma_wait3A_416, %dma_wait3A_428, %dma_wait3A_429] : memref<5x80x128xf32, #tpu.memory_space<vmem>> -> memref<1x80x128xf32, #tpu.memory_space<vmem>>
          %dma_wait3A_431 = tpu.memref_squeeze %dma_wait3A_430 : memref<1x80x128xf32, #tpu.memory_space<vmem>> -> memref<80x128xf32, #tpu.memory_space<vmem>>
          tpu.wait_dma2 semaphore(%dma_wait3A_425 : memref<!tpu.dma_semaphore, #tpu.memory_space<semaphore_mem>>) src(%dma_wait3A_431 : memref<80x128xf32, #tpu.memory_space<vmem>>) dst(%dma_wait3A_427 : memref<80x128xf32, #tpu.memory_space<hbm>>)
        } else {
        }
        %dma_start3A_397 = arith.constant 1 : i32
        %dma_start3A_398 = arith.constant 1 : i32
        %dma_start3A_399 = arith.constant 0 : i32
        %dma_start3A_400 = arith.constant 0 : i32
        %dma_start3A_401 = tpu.memref_slice %arg6[%dma_start3A_397, %dma_start3A_399, %dma_start3A_400] : memref<5x80x128xf32, #tpu.memory_space<vmem>> -> memref<1x80x128xf32, #tpu.memory_space<vmem>>
        %dma_start3A_402 = tpu.memref_squeeze %dma_start3A_401 : memref<1x80x128xf32, #tpu.memory_space<vmem>> -> memref<80x128xf32, #tpu.memory_space<vmem>>
        %dma_start3A_403 = arith.constant 0 : i32
        %dma_start3A_404 = tpu.memref_slice %arg5[%sub3A_262, %dma_start3A_403] : memref<25x80xi32, #tpu.memory_space<vmem>> -> memref<1x80xi32, #tpu.memory_space<vmem>>
        %dma_start3A_405 = tpu.memref_squeeze %dma_start3A_404 : memref<1x80xi32, #tpu.memory_space<vmem>> -> memref<80xi32, #tpu.memory_space<vmem>>
        %dma_start3A_406 = arith.constant 0 : i32
        %dma_start3A_407 = arith.constant 0 : i32
        %dma_start3A_408 = tpu.memref_slice %arg2[%dma_start3A_406, %dma_start3A_407] : memref<10000x128xf32, #tpu.memory_space<hbm>> -> memref<10000x128xf32, #tpu.memory_space<hbm>>
        %dma_start3A_409 = tpu.memref_slice %arg7[%dma_start3A_398] : memref<5x!tpu.dma_semaphore, #tpu.memory_space<semaphore_mem>> -> memref<1x!tpu.dma_semaphore, #tpu.memory_space<semaphore_mem>>
        %dma_start3A_410 = tpu.memref_squeeze %dma_start3A_409 : memref<1x!tpu.dma_semaphore, #tpu.memory_space<semaphore_mem>> -> memref<!tpu.dma_semaphore, #tpu.memory_space<semaphore_mem>>
        tpu.enqueue_indirect_dma source(%dma_start3A_408 : memref<10000x128xf32, #tpu.memory_space<hbm>>) target(%dma_start3A_402 : memref<80x128xf32, #tpu.memory_space<vmem>>) offsets(%dma_start3A_405 : memref<80xi32, #tpu.memory_space<vmem>>) semaphore(%dma_start3A_410 : memref<!tpu.dma_semaphore, #tpu.memory_space<semaphore_mem>>)
      } else {
      }
      %dma_wait3A_268 = arith.constant 2 : i32
      %dma_wait3A_269 = arith.constant 2 : i32
      %dma_wait3A_270 = arith.constant 0 : i32
      %dma_wait3A_271 = arith.constant 0 : i32
      %dma_wait3A_272 = tpu.memref_slice %arg6[%dma_wait3A_268, %dma_wait3A_270, %dma_wait3A_271] : memref<5x80x128xf32, #tpu.memory_space<vmem>> -> memref<1x80x128xf32, #tpu.memory_space<vmem>>
      %dma_wait3A_273 = tpu.memref_squeeze %dma_wait3A_272 : memref<1x80x128xf32, #tpu.memory_space<vmem>> -> memref<80x128xf32, #tpu.memory_space<vmem>>
      %dma_wait3A_274 = arith.constant 0 : i32
      %dma_wait3A_275 = tpu.memref_slice %arg5[%add3A_258, %dma_wait3A_274] : memref<25x80xi32, #tpu.memory_space<vmem>> -> memref<1x80xi32, #tpu.memory_space<vmem>>
      %dma_wait3A_276 = tpu.memref_squeeze %dma_wait3A_275 : memref<1x80xi32, #tpu.memory_space<vmem>> -> memref<80xi32, #tpu.memory_space<vmem>>
      %dma_wait3A_277 = arith.constant 0 : i32
      %dma_wait3A_278 = arith.constant 0 : i32
      %dma_wait3A_279 = tpu.memref_slice %arg2[%dma_wait3A_277, %dma_wait3A_278] : memref<10000x128xf32, #tpu.memory_space<hbm>> -> memref<10000x128xf32, #tpu.memory_space<hbm>>
      %dma_wait3A_280 = tpu.memref_slice %arg7[%dma_wait3A_269] : memref<5x!tpu.dma_semaphore, #tpu.memory_space<semaphore_mem>> -> memref<1x!tpu.dma_semaphore, #tpu.memory_space<semaphore_mem>>
      %dma_wait3A_281 = tpu.memref_squeeze %dma_wait3A_280 : memref<1x!tpu.dma_semaphore, #tpu.memory_space<semaphore_mem>> -> memref<!tpu.dma_semaphore, #tpu.memory_space<semaphore_mem>>
      tpu.wait_indirect_dma semaphore(%dma_wait3A_281 : memref<!tpu.dma_semaphore, #tpu.memory_space<semaphore_mem>>) src(%dma_wait3A_279 : memref<10000x128xf32, #tpu.memory_space<hbm>>) dst(%dma_wait3A_273 : memref<80x128xf32, #tpu.memory_space<vmem>>)
      %add3A_282 = arith.addi %mul3A_2, %add3A_258 : i32
      %mul3A_283 = arith.constant 80 : i32
      %mul3A_284 = arith.muli %add3A_282, %mul3A_283 : i32
      %dma_start3A_285 = arith.constant 2 : i32
      %dma_start3A_286 = arith.constant 2 : i32
      %dma_start3A_287 = arith.constant 0 : i32
      %dma_start3A_288 = arith.constant 0 : i32
      %dma_start3A_289 = tpu.memref_slice %arg6[%dma_start3A_285, %dma_start3A_287, %dma_start3A_288] : memref<5x80x128xf32, #tpu.memory_space<vmem>> -> memref<1x80x128xf32, #tpu.memory_space<vmem>>
      %dma_start3A_290 = tpu.memref_squeeze %dma_start3A_289 : memref<1x80x128xf32, #tpu.memory_space<vmem>> -> memref<80x128xf32, #tpu.memory_space<vmem>>
      %dma_start3A_291 = arith.constant 0 : i32
      %dma_start3A_292 = tpu.memref_slice %arg4[%mul3A_284, %dma_start3A_291] : memref<64000x128xf32, #tpu.memory_space<hbm>> -> memref<80x128xf32, #tpu.memory_space<hbm>>
      %dma_start3A_293 = tpu.memref_slice %arg8[%dma_start3A_286] : memref<5x!tpu.dma_semaphore, #tpu.memory_space<semaphore_mem>> -> memref<1x!tpu.dma_semaphore, #tpu.memory_space<semaphore_mem>>
      %dma_start3A_294 = tpu.memref_squeeze %dma_start3A_293 : memref<1x!tpu.dma_semaphore, #tpu.memory_space<semaphore_mem>> -> memref<!tpu.dma_semaphore, #tpu.memory_space<semaphore_mem>>
      %dma_start3A_295 = arith.constant 0 : i32
      %dma_start3A_296 = tpu.memref_slice %arg4[%mul3A_284, %dma_start3A_295] : memref<64000x128xf32, #tpu.memory_space<hbm>> -> memref<80x128xf32, #tpu.memory_space<hbm>>
      %dma_start3A_297 = arith.constant 0 : i32
      %dma_start3A_298 = arith.constant 0 : i32
      %dma_start3A_299 = tpu.memref_slice %arg6[%dma_start3A_285, %dma_start3A_297, %dma_start3A_298] : memref<5x80x128xf32, #tpu.memory_space<vmem>> -> memref<1x80x128xf32, #tpu.memory_space<vmem>>
      %dma_start3A_300 = tpu.memref_squeeze %dma_start3A_299 : memref<1x80x128xf32, #tpu.memory_space<vmem>> -> memref<80x128xf32, #tpu.memory_space<vmem>>
      tpu.enqueue_dma source(%dma_start3A_300 : memref<80x128xf32, #tpu.memory_space<vmem>>) target(%dma_start3A_296 : memref<80x128xf32, #tpu.memory_space<hbm>>) target_semaphore(%dma_start3A_294 : memref<!tpu.dma_semaphore, #tpu.memory_space<semaphore_mem>>)
      %mul3A_301 = arith.constant 5 : i32
      %mul3A_302 = arith.muli %scan3A_166, %mul3A_301 : i32
      %add3A_303 = arith.constant 3 : i32
      %add3A_304 = arith.addi %mul3A_302, %add3A_303 : i32
      %add3A_305 = arith.constant 5 : i32
      %add3A_306 = arith.addi %add3A_304, %add3A_305 : i32
      %sub3A_307 = arith.constant 1 : i32
      %sub3A_308 = arith.subi %add3A_306, %sub3A_307 : i32
      %lt3A_309 = arith.constant 25 : i32
      %lt3A_310 = arith.cmpi slt, %sub3A_308, %lt3A_309 : i32
      %convert_element_type3A_311 = arith.extui %lt3A_310 : i1 to i32
      %cond3A_312 = arith.constant 0 : i32
      %cond3A_313 = arith.cmpi ne, %convert_element_type3A_311, %cond3A_312 : i32
      scf.if %cond3A_313 {
        %gt3A = arith.constant 0 : i32
        %gt3A_393 = arith.cmpi sgt, %add3A_304, %gt3A : i32
        %convert_element_type3A_394 = arith.extui %gt3A_393 : i1 to i32
        %cond3A_395 = arith.constant 0 : i32
        %cond3A_396 = arith.cmpi ne, %convert_element_type3A_394, %cond3A_395 : i32
        scf.if %cond3A_396 {
          %sub3A_411 = arith.constant 1 : i32
          %sub3A_412 = arith.subi %add3A_304, %sub3A_411 : i32
          %add3A_413 = arith.addi %mul3A_2, %sub3A_412 : i32
          %mul3A_414 = arith.constant 80 : i32
          %mul3A_415 = arith.muli %add3A_413, %mul3A_414 : i32
          %dma_wait3A_416 = arith.constant 2 : i32
          %dma_wait3A_417 = arith.constant 2 : i32
          %dma_wait3A_418 = arith.constant 0 : i32
          %dma_wait3A_419 = arith.constant 0 : i32
          %dma_wait3A_420 = tpu.memref_slice %arg6[%dma_wait3A_416, %dma_wait3A_418, %dma_wait3A_419] : memref<5x80x128xf32, #tpu.memory_space<vmem>> -> memref<1x80x128xf32, #tpu.memory_space<vmem>>
          %dma_wait3A_421 = tpu.memref_squeeze %dma_wait3A_420 : memref<1x80x128xf32, #tpu.memory_space<vmem>> -> memref<80x128xf32, #tpu.memory_space<vmem>>
          %dma_wait3A_422 = arith.constant 0 : i32
          %dma_wait3A_423 = tpu.memref_slice %arg4[%mul3A_415, %dma_wait3A_422] : memref<64000x128xf32, #tpu.memory_space<hbm>> -> memref<80x128xf32, #tpu.memory_space<hbm>>
          %dma_wait3A_424 = tpu.memref_slice %arg8[%dma_wait3A_417] : memref<5x!tpu.dma_semaphore, #tpu.memory_space<semaphore_mem>> -> memref<1x!tpu.dma_semaphore, #tpu.memory_space<semaphore_mem>>
          %dma_wait3A_425 = tpu.memref_squeeze %dma_wait3A_424 : memref<1x!tpu.dma_semaphore, #tpu.memory_space<semaphore_mem>> -> memref<!tpu.dma_semaphore, #tpu.memory_space<semaphore_mem>>
          %dma_wait3A_426 = arith.constant 0 : i32
          %dma_wait3A_427 = tpu.memref_slice %arg4[%mul3A_415, %dma_wait3A_426] : memref<64000x128xf32, #tpu.memory_space<hbm>> -> memref<80x128xf32, #tpu.memory_space<hbm>>
          %dma_wait3A_428 = arith.constant 0 : i32
          %dma_wait3A_429 = arith.constant 0 : i32
          %dma_wait3A_430 = tpu.memref_slice %arg6[%dma_wait3A_416, %dma_wait3A_428, %dma_wait3A_429] : memref<5x80x128xf32, #tpu.memory_space<vmem>> -> memref<1x80x128xf32, #tpu.memory_space<vmem>>
          %dma_wait3A_431 = tpu.memref_squeeze %dma_wait3A_430 : memref<1x80x128xf32, #tpu.memory_space<vmem>> -> memref<80x128xf32, #tpu.memory_space<vmem>>
          tpu.wait_dma2 semaphore(%dma_wait3A_425 : memref<!tpu.dma_semaphore, #tpu.memory_space<semaphore_mem>>) src(%dma_wait3A_431 : memref<80x128xf32, #tpu.memory_space<vmem>>) dst(%dma_wait3A_427 : memref<80x128xf32, #tpu.memory_space<hbm>>)
        } else {
        }
        %dma_start3A_397 = arith.constant 2 : i32
        %dma_start3A_398 = arith.constant 2 : i32
        %dma_start3A_399 = arith.constant 0 : i32
        %dma_start3A_400 = arith.constant 0 : i32
        %dma_start3A_401 = tpu.memref_slice %arg6[%dma_start3A_397, %dma_start3A_399, %dma_start3A_400] : memref<5x80x128xf32, #tpu.memory_space<vmem>> -> memref<1x80x128xf32, #tpu.memory_space<vmem>>
        %dma_start3A_402 = tpu.memref_squeeze %dma_start3A_401 : memref<1x80x128xf32, #tpu.memory_space<vmem>> -> memref<80x128xf32, #tpu.memory_space<vmem>>
        %dma_start3A_403 = arith.constant 0 : i32
        %dma_start3A_404 = tpu.memref_slice %arg5[%sub3A_308, %dma_start3A_403] : memref<25x80xi32, #tpu.memory_space<vmem>> -> memref<1x80xi32, #tpu.memory_space<vmem>>
        %dma_start3A_405 = tpu.memref_squeeze %dma_start3A_404 : memref<1x80xi32, #tpu.memory_space<vmem>> -> memref<80xi32, #tpu.memory_space<vmem>>
        %dma_start3A_406 = arith.constant 0 : i32
        %dma_start3A_407 = arith.constant 0 : i32
        %dma_start3A_408 = tpu.memref_slice %arg2[%dma_start3A_406, %dma_start3A_407] : memref<10000x128xf32, #tpu.memory_space<hbm>> -> memref<10000x128xf32, #tpu.memory_space<hbm>>
        %dma_start3A_409 = tpu.memref_slice %arg7[%dma_start3A_398] : memref<5x!tpu.dma_semaphore, #tpu.memory_space<semaphore_mem>> -> memref<1x!tpu.dma_semaphore, #tpu.memory_space<semaphore_mem>>
        %dma_start3A_410 = tpu.memref_squeeze %dma_start3A_409 : memref<1x!tpu.dma_semaphore, #tpu.memory_space<semaphore_mem>> -> memref<!tpu.dma_semaphore, #tpu.memory_space<semaphore_mem>>
        tpu.enqueue_indirect_dma source(%dma_start3A_408 : memref<10000x128xf32, #tpu.memory_space<hbm>>) target(%dma_start3A_402 : memref<80x128xf32, #tpu.memory_space<vmem>>) offsets(%dma_start3A_405 : memref<80xi32, #tpu.memory_space<vmem>>) semaphore(%dma_start3A_410 : memref<!tpu.dma_semaphore, #tpu.memory_space<semaphore_mem>>)
      } else {
      }
      %dma_wait3A_314 = arith.constant 3 : i32
      %dma_wait3A_315 = arith.constant 3 : i32
      %dma_wait3A_316 = arith.constant 0 : i32
      %dma_wait3A_317 = arith.constant 0 : i32
      %dma_wait3A_318 = tpu.memref_slice %arg6[%dma_wait3A_314, %dma_wait3A_316, %dma_wait3A_317] : memref<5x80x128xf32, #tpu.memory_space<vmem>> -> memref<1x80x128xf32, #tpu.memory_space<vmem>>
      %dma_wait3A_319 = tpu.memref_squeeze %dma_wait3A_318 : memref<1x80x128xf32, #tpu.memory_space<vmem>> -> memref<80x128xf32, #tpu.memory_space<vmem>>
      %dma_wait3A_320 = arith.constant 0 : i32
      %dma_wait3A_321 = tpu.memref_slice %arg5[%add3A_304, %dma_wait3A_320] : memref<25x80xi32, #tpu.memory_space<vmem>> -> memref<1x80xi32, #tpu.memory_space<vmem>>
      %dma_wait3A_322 = tpu.memref_squeeze %dma_wait3A_321 : memref<1x80xi32, #tpu.memory_space<vmem>> -> memref<80xi32, #tpu.memory_space<vmem>>
      %dma_wait3A_323 = arith.constant 0 : i32
      %dma_wait3A_324 = arith.constant 0 : i32
      %dma_wait3A_325 = tpu.memref_slice %arg2[%dma_wait3A_323, %dma_wait3A_324] : memref<10000x128xf32, #tpu.memory_space<hbm>> -> memref<10000x128xf32, #tpu.memory_space<hbm>>
      %dma_wait3A_326 = tpu.memref_slice %arg7[%dma_wait3A_315] : memref<5x!tpu.dma_semaphore, #tpu.memory_space<semaphore_mem>> -> memref<1x!tpu.dma_semaphore, #tpu.memory_space<semaphore_mem>>
      %dma_wait3A_327 = tpu.memref_squeeze %dma_wait3A_326 : memref<1x!tpu.dma_semaphore, #tpu.memory_space<semaphore_mem>> -> memref<!tpu.dma_semaphore, #tpu.memory_space<semaphore_mem>>
      tpu.wait_indirect_dma semaphore(%dma_wait3A_327 : memref<!tpu.dma_semaphore, #tpu.memory_space<semaphore_mem>>) src(%dma_wait3A_325 : memref<10000x128xf32, #tpu.memory_space<hbm>>) dst(%dma_wait3A_319 : memref<80x128xf32, #tpu.memory_space<vmem>>)
      %add3A_328 = arith.addi %mul3A_2, %add3A_304 : i32
      %mul3A_329 = arith.constant 80 : i32
      %mul3A_330 = arith.muli %add3A_328, %mul3A_329 : i32
      %dma_start3A_331 = arith.constant 3 : i32
      %dma_start3A_332 = arith.constant 3 : i32
      %dma_start3A_333 = arith.constant 0 : i32
      %dma_start3A_334 = arith.constant 0 : i32
      %dma_start3A_335 = tpu.memref_slice %arg6[%dma_start3A_331, %dma_start3A_333, %dma_start3A_334] : memref<5x80x128xf32, #tpu.memory_space<vmem>> -> memref<1x80x128xf32, #tpu.memory_space<vmem>>
      %dma_start3A_336 = tpu.memref_squeeze %dma_start3A_335 : memref<1x80x128xf32, #tpu.memory_space<vmem>> -> memref<80x128xf32, #tpu.memory_space<vmem>>
      %dma_start3A_337 = arith.constant 0 : i32
      %dma_start3A_338 = tpu.memref_slice %arg4[%mul3A_330, %dma_start3A_337] : memref<64000x128xf32, #tpu.memory_space<hbm>> -> memref<80x128xf32, #tpu.memory_space<hbm>>
      %dma_start3A_339 = tpu.memref_slice %arg8[%dma_start3A_332] : memref<5x!tpu.dma_semaphore, #tpu.memory_space<semaphore_mem>> -> memref<1x!tpu.dma_semaphore, #tpu.memory_space<semaphore_mem>>
      %dma_start3A_340 = tpu.memref_squeeze %dma_start3A_339 : memref<1x!tpu.dma_semaphore, #tpu.memory_space<semaphore_mem>> -> memref<!tpu.dma_semaphore, #tpu.memory_space<semaphore_mem>>
      %dma_start3A_341 = arith.constant 0 : i32
      %dma_start3A_342 = tpu.memref_slice %arg4[%mul3A_330, %dma_start3A_341] : memref<64000x128xf32, #tpu.memory_space<hbm>> -> memref<80x128xf32, #tpu.memory_space<hbm>>
      %dma_start3A_343 = arith.constant 0 : i32
      %dma_start3A_344 = arith.constant 0 : i32
      %dma_start3A_345 = tpu.memref_slice %arg6[%dma_start3A_331, %dma_start3A_343, %dma_start3A_344] : memref<5x80x128xf32, #tpu.memory_space<vmem>> -> memref<1x80x128xf32, #tpu.memory_space<vmem>>
      %dma_start3A_346 = tpu.memref_squeeze %dma_start3A_345 : memref<1x80x128xf32, #tpu.memory_space<vmem>> -> memref<80x128xf32, #tpu.memory_space<vmem>>
      tpu.enqueue_dma source(%dma_start3A_346 : memref<80x128xf32, #tpu.memory_space<vmem>>) target(%dma_start3A_342 : memref<80x128xf32, #tpu.memory_space<hbm>>) target_semaphore(%dma_start3A_340 : memref<!tpu.dma_semaphore, #tpu.memory_space<semaphore_mem>>)
      %mul3A_347 = arith.constant 5 : i32
      %mul3A_348 = arith.muli %scan3A_166, %mul3A_347 : i32
      %add3A_349 = arith.constant 4 : i32
      %add3A_350 = arith.addi %mul3A_348, %add3A_349 : i32
      %add3A_351 = arith.constant 5 : i32
      %add3A_352 = arith.addi %add3A_350, %add3A_351 : i32
      %sub3A_353 = arith.constant 1 : i32
      %sub3A_354 = arith.subi %add3A_352, %sub3A_353 : i32
      %lt3A_355 = arith.constant 25 : i32
      %lt3A_356 = arith.cmpi slt, %sub3A_354, %lt3A_355 : i32
      %convert_element_type3A_357 = arith.extui %lt3A_356 : i1 to i32
      %cond3A_358 = arith.constant 0 : i32
      %cond3A_359 = arith.cmpi ne, %convert_element_type3A_357, %cond3A_358 : i32
      scf.if %cond3A_359 {
        %gt3A = arith.constant 0 : i32
        %gt3A_393 = arith.cmpi sgt, %add3A_350, %gt3A : i32
        %convert_element_type3A_394 = arith.extui %gt3A_393 : i1 to i32
        %cond3A_395 = arith.constant 0 : i32
        %cond3A_396 = arith.cmpi ne, %convert_element_type3A_394, %cond3A_395 : i32
        scf.if %cond3A_396 {
          %sub3A_411 = arith.constant 1 : i32
          %sub3A_412 = arith.subi %add3A_350, %sub3A_411 : i32
          %add3A_413 = arith.addi %mul3A_2, %sub3A_412 : i32
          %mul3A_414 = arith.constant 80 : i32
          %mul3A_415 = arith.muli %add3A_413, %mul3A_414 : i32
          %dma_wait3A_416 = arith.constant 3 : i32
          %dma_wait3A_417 = arith.constant 3 : i32
          %dma_wait3A_418 = arith.constant 0 : i32
          %dma_wait3A_419 = arith.constant 0 : i32
          %dma_wait3A_420 = tpu.memref_slice %arg6[%dma_wait3A_416, %dma_wait3A_418, %dma_wait3A_419] : memref<5x80x128xf32, #tpu.memory_space<vmem>> -> memref<1x80x128xf32, #tpu.memory_space<vmem>>
          %dma_wait3A_421 = tpu.memref_squeeze %dma_wait3A_420 : memref<1x80x128xf32, #tpu.memory_space<vmem>> -> memref<80x128xf32, #tpu.memory_space<vmem>>
          %dma_wait3A_422 = arith.constant 0 : i32
          %dma_wait3A_423 = tpu.memref_slice %arg4[%mul3A_415, %dma_wait3A_422] : memref<64000x128xf32, #tpu.memory_space<hbm>> -> memref<80x128xf32, #tpu.memory_space<hbm>>
          %dma_wait3A_424 = tpu.memref_slice %arg8[%dma_wait3A_417] : memref<5x!tpu.dma_semaphore, #tpu.memory_space<semaphore_mem>> -> memref<1x!tpu.dma_semaphore, #tpu.memory_space<semaphore_mem>>
          %dma_wait3A_425 = tpu.memref_squeeze %dma_wait3A_424 : memref<1x!tpu.dma_semaphore, #tpu.memory_space<semaphore_mem>> -> memref<!tpu.dma_semaphore, #tpu.memory_space<semaphore_mem>>
          %dma_wait3A_426 = arith.constant 0 : i32
          %dma_wait3A_427 = tpu.memref_slice %arg4[%mul3A_415, %dma_wait3A_426] : memref<64000x128xf32, #tpu.memory_space<hbm>> -> memref<80x128xf32, #tpu.memory_space<hbm>>
          %dma_wait3A_428 = arith.constant 0 : i32
          %dma_wait3A_429 = arith.constant 0 : i32
          %dma_wait3A_430 = tpu.memref_slice %arg6[%dma_wait3A_416, %dma_wait3A_428, %dma_wait3A_429] : memref<5x80x128xf32, #tpu.memory_space<vmem>> -> memref<1x80x128xf32, #tpu.memory_space<vmem>>
          %dma_wait3A_431 = tpu.memref_squeeze %dma_wait3A_430 : memref<1x80x128xf32, #tpu.memory_space<vmem>> -> memref<80x128xf32, #tpu.memory_space<vmem>>
          tpu.wait_dma2 semaphore(%dma_wait3A_425 : memref<!tpu.dma_semaphore, #tpu.memory_space<semaphore_mem>>) src(%dma_wait3A_431 : memref<80x128xf32, #tpu.memory_space<vmem>>) dst(%dma_wait3A_427 : memref<80x128xf32, #tpu.memory_space<hbm>>)
        } else {
        }
        %dma_start3A_397 = arith.constant 3 : i32
        %dma_start3A_398 = arith.constant 3 : i32
        %dma_start3A_399 = arith.constant 0 : i32
        %dma_start3A_400 = arith.constant 0 : i32
        %dma_start3A_401 = tpu.memref_slice %arg6[%dma_start3A_397, %dma_start3A_399, %dma_start3A_400] : memref<5x80x128xf32, #tpu.memory_space<vmem>> -> memref<1x80x128xf32, #tpu.memory_space<vmem>>
        %dma_start3A_402 = tpu.memref_squeeze %dma_start3A_401 : memref<1x80x128xf32, #tpu.memory_space<vmem>> -> memref<80x128xf32, #tpu.memory_space<vmem>>
        %dma_start3A_403 = arith.constant 0 : i32
        %dma_start3A_404 = tpu.memref_slice %arg5[%sub3A_354, %dma_start3A_403] : memref<25x80xi32, #tpu.memory_space<vmem>> -> memref<1x80xi32, #tpu.memory_space<vmem>>
        %dma_start3A_405 = tpu.memref_squeeze %dma_start3A_404 : memref<1x80xi32, #tpu.memory_space<vmem>> -> memref<80xi32, #tpu.memory_space<vmem>>
        %dma_start3A_406 = arith.constant 0 : i32
        %dma_start3A_407 = arith.constant 0 : i32
        %dma_start3A_408 = tpu.memref_slice %arg2[%dma_start3A_406, %dma_start3A_407] : memref<10000x128xf32, #tpu.memory_space<hbm>> -> memref<10000x128xf32, #tpu.memory_space<hbm>>
        %dma_start3A_409 = tpu.memref_slice %arg7[%dma_start3A_398] : memref<5x!tpu.dma_semaphore, #tpu.memory_space<semaphore_mem>> -> memref<1x!tpu.dma_semaphore, #tpu.memory_space<semaphore_mem>>
        %dma_start3A_410 = tpu.memref_squeeze %dma_start3A_409 : memref<1x!tpu.dma_semaphore, #tpu.memory_space<semaphore_mem>> -> memref<!tpu.dma_semaphore, #tpu.memory_space<semaphore_mem>>
        tpu.enqueue_indirect_dma source(%dma_start3A_408 : memref<10000x128xf32, #tpu.memory_space<hbm>>) target(%dma_start3A_402 : memref<80x128xf32, #tpu.memory_space<vmem>>) offsets(%dma_start3A_405 : memref<80xi32, #tpu.memory_space<vmem>>) semaphore(%dma_start3A_410 : memref<!tpu.dma_semaphore, #tpu.memory_space<semaphore_mem>>)
      } else {
      }
      %dma_wait3A_360 = arith.constant 4 : i32
      %dma_wait3A_361 = arith.constant 4 : i32
      %dma_wait3A_362 = arith.constant 0 : i32
      %dma_wait3A_363 = arith.constant 0 : i32
      %dma_wait3A_364 = tpu.memref_slice %arg6[%dma_wait3A_360, %dma_wait3A_362, %dma_wait3A_363] : memref<5x80x128xf32, #tpu.memory_space<vmem>> -> memref<1x80x128xf32, #tpu.memory_space<vmem>>
      %dma_wait3A_365 = tpu.memref_squeeze %dma_wait3A_364 : memref<1x80x128xf32, #tpu.memory_space<vmem>> -> memref<80x128xf32, #tpu.memory_space<vmem>>
      %dma_wait3A_366 = arith.constant 0 : i32
      %dma_wait3A_367 = tpu.memref_slice %arg5[%add3A_350, %dma_wait3A_366] : memref<25x80xi32, #tpu.memory_space<vmem>> -> memref<1x80xi32, #tpu.memory_space<vmem>>
      %dma_wait3A_368 = tpu.memref_squeeze %dma_wait3A_367 : memref<1x80xi32, #tpu.memory_space<vmem>> -> memref<80xi32, #tpu.memory_space<vmem>>
      %dma_wait3A_369 = arith.constant 0 : i32
      %dma_wait3A_370 = arith.constant 0 : i32
      %dma_wait3A_371 = tpu.memref_slice %arg2[%dma_wait3A_369, %dma_wait3A_370] : memref<10000x128xf32, #tpu.memory_space<hbm>> -> memref<10000x128xf32, #tpu.memory_space<hbm>>
      %dma_wait3A_372 = tpu.memref_slice %arg7[%dma_wait3A_361] : memref<5x!tpu.dma_semaphore, #tpu.memory_space<semaphore_mem>> -> memref<1x!tpu.dma_semaphore, #tpu.memory_space<semaphore_mem>>
      %dma_wait3A_373 = tpu.memref_squeeze %dma_wait3A_372 : memref<1x!tpu.dma_semaphore, #tpu.memory_space<semaphore_mem>> -> memref<!tpu.dma_semaphore, #tpu.memory_space<semaphore_mem>>
      tpu.wait_indirect_dma semaphore(%dma_wait3A_373 : memref<!tpu.dma_semaphore, #tpu.memory_space<semaphore_mem>>) src(%dma_wait3A_371 : memref<10000x128xf32, #tpu.memory_space<hbm>>) dst(%dma_wait3A_365 : memref<80x128xf32, #tpu.memory_space<vmem>>)
      %add3A_374 = arith.addi %mul3A_2, %add3A_350 : i32
      %mul3A_375 = arith.constant 80 : i32
      %mul3A_376 = arith.muli %add3A_374, %mul3A_375 : i32
      %dma_start3A_377 = arith.constant 4 : i32
      %dma_start3A_378 = arith.constant 4 : i32
      %dma_start3A_379 = arith.constant 0 : i32
      %dma_start3A_380 = arith.constant 0 : i32
      %dma_start3A_381 = tpu.memref_slice %arg6[%dma_start3A_377, %dma_start3A_379, %dma_start3A_380] : memref<5x80x128xf32, #tpu.memory_space<vmem>> -> memref<1x80x128xf32, #tpu.memory_space<vmem>>
      %dma_start3A_382 = tpu.memref_squeeze %dma_start3A_381 : memref<1x80x128xf32, #tpu.memory_space<vmem>> -> memref<80x128xf32, #tpu.memory_space<vmem>>
      %dma_start3A_383 = arith.constant 0 : i32
      %dma_start3A_384 = tpu.memref_slice %arg4[%mul3A_376, %dma_start3A_383] : memref<64000x128xf32, #tpu.memory_space<hbm>> -> memref<80x128xf32, #tpu.memory_space<hbm>>
      %dma_start3A_385 = tpu.memref_slice %arg8[%dma_start3A_378] : memref<5x!tpu.dma_semaphore, #tpu.memory_space<semaphore_mem>> -> memref<1x!tpu.dma_semaphore, #tpu.memory_space<semaphore_mem>>
      %dma_start3A_386 = tpu.memref_squeeze %dma_start3A_385 : memref<1x!tpu.dma_semaphore, #tpu.memory_space<semaphore_mem>> -> memref<!tpu.dma_semaphore, #tpu.memory_space<semaphore_mem>>
      %dma_start3A_387 = arith.constant 0 : i32
      %dma_start3A_388 = tpu.memref_slice %arg4[%mul3A_376, %dma_start3A_387] : memref<64000x128xf32, #tpu.memory_space<hbm>> -> memref<80x128xf32, #tpu.memory_space<hbm>>
      %dma_start3A_389 = arith.constant 0 : i32
      %dma_start3A_390 = arith.constant 0 : i32
      %dma_start3A_391 = tpu.memref_slice %arg6[%dma_start3A_377, %dma_start3A_389, %dma_start3A_390] : memref<5x80x128xf32, #tpu.memory_space<vmem>> -> memref<1x80x128xf32, #tpu.memory_space<vmem>>
      %dma_start3A_392 = tpu.memref_squeeze %dma_start3A_391 : memref<1x80x128xf32, #tpu.memory_space<vmem>> -> memref<80x128xf32, #tpu.memory_space<vmem>>
      tpu.enqueue_dma source(%dma_start3A_392 : memref<80x128xf32, #tpu.memory_space<vmem>>) target(%dma_start3A_388 : memref<80x128xf32, #tpu.memory_space<hbm>>) target_semaphore(%dma_start3A_386 : memref<!tpu.dma_semaphore, #tpu.memory_space<semaphore_mem>>)
    }
    %scan3A_66 = arith.constant 5 : i32
    %add3A_67 = arith.constant 20 : i32
    %add3A_68 = arith.addi %mul3A_2, %add3A_67 : i32
    %mul3A_69 = arith.constant 80 : i32
    %mul3A_70 = arith.muli %add3A_68, %mul3A_69 : i32
    %dma_wait3A = arith.constant 0 : i32
    %dma_wait3A_71 = arith.constant 0 : i32
    %dma_wait3A_72 = arith.constant 0 : i32
    %dma_wait3A_73 = arith.constant 0 : i32
    %dma_wait3A_74 = tpu.memref_slice %arg6[%dma_wait3A, %dma_wait3A_72, %dma_wait3A_73] : memref<5x80x128xf32, #tpu.memory_space<vmem>> -> memref<1x80x128xf32, #tpu.memory_space<vmem>>
    %dma_wait3A_75 = tpu.memref_squeeze %dma_wait3A_74 : memref<1x80x128xf32, #tpu.memory_space<vmem>> -> memref<80x128xf32, #tpu.memory_space<vmem>>
    %dma_wait3A_76 = arith.constant 0 : i32
    %dma_wait3A_77 = tpu.memref_slice %arg4[%mul3A_70, %dma_wait3A_76] : memref<64000x128xf32, #tpu.memory_space<hbm>> -> memref<80x128xf32, #tpu.memory_space<hbm>>
    %dma_wait3A_78 = tpu.memref_slice %arg8[%dma_wait3A_71] : memref<5x!tpu.dma_semaphore, #tpu.memory_space<semaphore_mem>> -> memref<1x!tpu.dma_semaphore, #tpu.memory_space<semaphore_mem>>
    %dma_wait3A_79 = tpu.memref_squeeze %dma_wait3A_78 : memref<1x!tpu.dma_semaphore, #tpu.memory_space<semaphore_mem>> -> memref<!tpu.dma_semaphore, #tpu.memory_space<semaphore_mem>>
    %dma_wait3A_80 = arith.constant 0 : i32
    %dma_wait3A_81 = tpu.memref_slice %arg4[%mul3A_70, %dma_wait3A_80] : memref<64000x128xf32, #tpu.memory_space<hbm>> -> memref<80x128xf32, #tpu.memory_space<hbm>>
    %dma_wait3A_82 = arith.constant 0 : i32
    %dma_wait3A_83 = arith.constant 0 : i32
    %dma_wait3A_84 = tpu.memref_slice %arg6[%dma_wait3A, %dma_wait3A_82, %dma_wait3A_83] : memref<5x80x128xf32, #tpu.memory_space<vmem>> -> memref<1x80x128xf32, #tpu.memory_space<vmem>>
    %dma_wait3A_85 = tpu.memref_squeeze %dma_wait3A_84 : memref<1x80x128xf32, #tpu.memory_space<vmem>> -> memref<80x128xf32, #tpu.memory_space<vmem>>
    tpu.wait_dma2 semaphore(%dma_wait3A_79 : memref<!tpu.dma_semaphore, #tpu.memory_space<semaphore_mem>>) src(%dma_wait3A_85 : memref<80x128xf32, #tpu.memory_space<vmem>>) dst(%dma_wait3A_81 : memref<80x128xf32, #tpu.memory_space<hbm>>)
    %add3A_86 = arith.constant 21 : i32
    %add3A_87 = arith.addi %mul3A_2, %add3A_86 : i32
    %mul3A_88 = arith.constant 80 : i32
    %mul3A_89 = arith.muli %add3A_87, %mul3A_88 : i32
    %dma_wait3A_90 = arith.constant 1 : i32
    %dma_wait3A_91 = arith.constant 1 : i32
    %dma_wait3A_92 = arith.constant 0 : i32
    %dma_wait3A_93 = arith.constant 0 : i32
    %dma_wait3A_94 = tpu.memref_slice %arg6[%dma_wait3A_90, %dma_wait3A_92, %dma_wait3A_93] : memref<5x80x128xf32, #tpu.memory_space<vmem>> -> memref<1x80x128xf32, #tpu.memory_space<vmem>>
    %dma_wait3A_95 = tpu.memref_squeeze %dma_wait3A_94 : memref<1x80x128xf32, #tpu.memory_space<vmem>> -> memref<80x128xf32, #tpu.memory_space<vmem>>
    %dma_wait3A_96 = arith.constant 0 : i32
    %dma_wait3A_97 = tpu.memref_slice %arg4[%mul3A_89, %dma_wait3A_96] : memref<64000x128xf32, #tpu.memory_space<hbm>> -> memref<80x128xf32, #tpu.memory_space<hbm>>
    %dma_wait3A_98 = tpu.memref_slice %arg8[%dma_wait3A_91] : memref<5x!tpu.dma_semaphore, #tpu.memory_space<semaphore_mem>> -> memref<1x!tpu.dma_semaphore, #tpu.memory_space<semaphore_mem>>
    %dma_wait3A_99 = tpu.memref_squeeze %dma_wait3A_98 : memref<1x!tpu.dma_semaphore, #tpu.memory_space<semaphore_mem>> -> memref<!tpu.dma_semaphore, #tpu.memory_space<semaphore_mem>>
    %dma_wait3A_100 = arith.constant 0 : i32
    %dma_wait3A_101 = tpu.memref_slice %arg4[%mul3A_89, %dma_wait3A_100] : memref<64000x128xf32, #tpu.memory_space<hbm>> -> memref<80x128xf32, #tpu.memory_space<hbm>>
    %dma_wait3A_102 = arith.constant 0 : i32
    %dma_wait3A_103 = arith.constant 0 : i32
    %dma_wait3A_104 = tpu.memref_slice %arg6[%dma_wait3A_90, %dma_wait3A_102, %dma_wait3A_103] : memref<5x80x128xf32, #tpu.memory_space<vmem>> -> memref<1x80x128xf32, #tpu.memory_space<vmem>>
    %dma_wait3A_105 = tpu.memref_squeeze %dma_wait3A_104 : memref<1x80x128xf32, #tpu.memory_space<vmem>> -> memref<80x128xf32, #tpu.memory_space<vmem>>
    tpu.wait_dma2 semaphore(%dma_wait3A_99 : memref<!tpu.dma_semaphore, #tpu.memory_space<semaphore_mem>>) src(%dma_wait3A_105 : memref<80x128xf32, #tpu.memory_space<vmem>>) dst(%dma_wait3A_101 : memref<80x128xf32, #tpu.memory_space<hbm>>)
    %add3A_106 = arith.constant 22 : i32
    %add3A_107 = arith.addi %mul3A_2, %add3A_106 : i32
    %mul3A_108 = arith.constant 80 : i32
    %mul3A_109 = arith.muli %add3A_107, %mul3A_108 : i32
    %dma_wait3A_110 = arith.constant 2 : i32
    %dma_wait3A_111 = arith.constant 2 : i32
    %dma_wait3A_112 = arith.constant 0 : i32
    %dma_wait3A_113 = arith.constant 0 : i32
    %dma_wait3A_114 = tpu.memref_slice %arg6[%dma_wait3A_110, %dma_wait3A_112, %dma_wait3A_113] : memref<5x80x128xf32, #tpu.memory_space<vmem>> -> memref<1x80x128xf32, #tpu.memory_space<vmem>>
    %dma_wait3A_115 = tpu.memref_squeeze %dma_wait3A_114 : memref<1x80x128xf32, #tpu.memory_space<vmem>> -> memref<80x128xf32, #tpu.memory_space<vmem>>
    %dma_wait3A_116 = arith.constant 0 : i32
    %dma_wait3A_117 = tpu.memref_slice %arg4[%mul3A_109, %dma_wait3A_116] : memref<64000x128xf32, #tpu.memory_space<hbm>> -> memref<80x128xf32, #tpu.memory_space<hbm>>
    %dma_wait3A_118 = tpu.memref_slice %arg8[%dma_wait3A_111] : memref<5x!tpu.dma_semaphore, #tpu.memory_space<semaphore_mem>> -> memref<1x!tpu.dma_semaphore, #tpu.memory_space<semaphore_mem>>
    %dma_wait3A_119 = tpu.memref_squeeze %dma_wait3A_118 : memref<1x!tpu.dma_semaphore, #tpu.memory_space<semaphore_mem>> -> memref<!tpu.dma_semaphore, #tpu.memory_space<semaphore_mem>>
    %dma_wait3A_120 = arith.constant 0 : i32
    %dma_wait3A_121 = tpu.memref_slice %arg4[%mul3A_109, %dma_wait3A_120] : memref<64000x128xf32, #tpu.memory_space<hbm>> -> memref<80x128xf32, #tpu.memory_space<hbm>>
    %dma_wait3A_122 = arith.constant 0 : i32
    %dma_wait3A_123 = arith.constant 0 : i32
    %dma_wait3A_124 = tpu.memref_slice %arg6[%dma_wait3A_110, %dma_wait3A_122, %dma_wait3A_123] : memref<5x80x128xf32, #tpu.memory_space<vmem>> -> memref<1x80x128xf32, #tpu.memory_space<vmem>>
    %dma_wait3A_125 = tpu.memref_squeeze %dma_wait3A_124 : memref<1x80x128xf32, #tpu.memory_space<vmem>> -> memref<80x128xf32, #tpu.memory_space<vmem>>
    tpu.wait_dma2 semaphore(%dma_wait3A_119 : memref<!tpu.dma_semaphore, #tpu.memory_space<semaphore_mem>>) src(%dma_wait3A_125 : memref<80x128xf32, #tpu.memory_space<vmem>>) dst(%dma_wait3A_121 : memref<80x128xf32, #tpu.memory_space<hbm>>)
    %add3A_126 = arith.constant 23 : i32
    %add3A_127 = arith.addi %mul3A_2, %add3A_126 : i32
    %mul3A_128 = arith.constant 80 : i32
    %mul3A_129 = arith.muli %add3A_127, %mul3A_128 : i32
    %dma_wait3A_130 = arith.constant 3 : i32
    %dma_wait3A_131 = arith.constant 3 : i32
    %dma_wait3A_132 = arith.constant 0 : i32
    %dma_wait3A_133 = arith.constant 0 : i32
    %dma_wait3A_134 = tpu.memref_slice %arg6[%dma_wait3A_130, %dma_wait3A_132, %dma_wait3A_133] : memref<5x80x128xf32, #tpu.memory_space<vmem>> -> memref<1x80x128xf32, #tpu.memory_space<vmem>>
    %dma_wait3A_135 = tpu.memref_squeeze %dma_wait3A_134 : memref<1x80x128xf32, #tpu.memory_space<vmem>> -> memref<80x128xf32, #tpu.memory_space<vmem>>
    %dma_wait3A_136 = arith.constant 0 : i32
    %dma_wait3A_137 = tpu.memref_slice %arg4[%mul3A_129, %dma_wait3A_136] : memref<64000x128xf32, #tpu.memory_space<hbm>> -> memref<80x128xf32, #tpu.memory_space<hbm>>
    %dma_wait3A_138 = tpu.memref_slice %arg8[%dma_wait3A_131] : memref<5x!tpu.dma_semaphore, #tpu.memory_space<semaphore_mem>> -> memref<1x!tpu.dma_semaphore, #tpu.memory_space<semaphore_mem>>
    %dma_wait3A_139 = tpu.memref_squeeze %dma_wait3A_138 : memref<1x!tpu.dma_semaphore, #tpu.memory_space<semaphore_mem>> -> memref<!tpu.dma_semaphore, #tpu.memory_space<semaphore_mem>>
    %dma_wait3A_140 = arith.constant 0 : i32
    %dma_wait3A_141 = tpu.memref_slice %arg4[%mul3A_129, %dma_wait3A_140] : memref<64000x128xf32, #tpu.memory_space<hbm>> -> memref<80x128xf32, #tpu.memory_space<hbm>>
    %dma_wait3A_142 = arith.constant 0 : i32
    %dma_wait3A_143 = arith.constant 0 : i32
    %dma_wait3A_144 = tpu.memref_slice %arg6[%dma_wait3A_130, %dma_wait3A_142, %dma_wait3A_143] : memref<5x80x128xf32, #tpu.memory_space<vmem>> -> memref<1x80x128xf32, #tpu.memory_space<vmem>>
    %dma_wait3A_145 = tpu.memref_squeeze %dma_wait3A_144 : memref<1x80x128xf32, #tpu.memory_space<vmem>> -> memref<80x128xf32, #tpu.memory_space<vmem>>
    tpu.wait_dma2 semaphore(%dma_wait3A_139 : memref<!tpu.dma_semaphore, #tpu.memory_space<semaphore_mem>>) src(%dma_wait3A_145 : memref<80x128xf32, #tpu.memory_space<vmem>>) dst(%dma_wait3A_141 : memref<80x128xf32, #tpu.memory_space<hbm>>)
    %add3A_146 = arith.constant 24 : i32
    %add3A_147 = arith.addi %mul3A_2, %add3A_146 : i32
    %mul3A_148 = arith.constant 80 : i32
    %mul3A_149 = arith.muli %add3A_147, %mul3A_148 : i32
    %dma_wait3A_150 = arith.constant 4 : i32
    %dma_wait3A_151 = arith.constant 4 : i32
    %dma_wait3A_152 = arith.constant 0 : i32
    %dma_wait3A_153 = arith.constant 0 : i32
    %dma_wait3A_154 = tpu.memref_slice %arg6[%dma_wait3A_150, %dma_wait3A_152, %dma_wait3A_153] : memref<5x80x128xf32, #tpu.memory_space<vmem>> -> memref<1x80x128xf32, #tpu.memory_space<vmem>>
    %dma_wait3A_155 = tpu.memref_squeeze %dma_wait3A_154 : memref<1x80x128xf32, #tpu.memory_space<vmem>> -> memref<80x128xf32, #tpu.memory_space<vmem>>
    %dma_wait3A_156 = arith.constant 0 : i32
    %dma_wait3A_157 = tpu.memref_slice %arg4[%mul3A_149, %dma_wait3A_156] : memref<64000x128xf32, #tpu.memory_space<hbm>> -> memref<80x128xf32, #tpu.memory_space<hbm>>
    %dma_wait3A_158 = tpu.memref_slice %arg8[%dma_wait3A_151] : memref<5x!tpu.dma_semaphore, #tpu.memory_space<semaphore_mem>> -> memref<1x!tpu.dma_semaphore, #tpu.memory_space<semaphore_mem>>
    %dma_wait3A_159 = tpu.memref_squeeze %dma_wait3A_158 : memref<1x!tpu.dma_semaphore, #tpu.memory_space<semaphore_mem>> -> memref<!tpu.dma_semaphore, #tpu.memory_space<semaphore_mem>>
    %dma_wait3A_160 = arith.constant 0 : i32
    %dma_wait3A_161 = tpu.memref_slice %arg4[%mul3A_149, %dma_wait3A_160] : memref<64000x128xf32, #tpu.memory_space<hbm>> -> memref<80x128xf32, #tpu.memory_space<hbm>>
    %dma_wait3A_162 = arith.constant 0 : i32
    %dma_wait3A_163 = arith.constant 0 : i32
    %dma_wait3A_164 = tpu.memref_slice %arg6[%dma_wait3A_150, %dma_wait3A_162, %dma_wait3A_163] : memref<5x80x128xf32, #tpu.memory_space<vmem>> -> memref<1x80x128xf32, #tpu.memory_space<vmem>>
    %dma_wait3A_165 = tpu.memref_squeeze %dma_wait3A_164 : memref<1x80x128xf32, #tpu.memory_space<vmem>> -> memref<80x128xf32, #tpu.memory_space<vmem>>
    tpu.wait_dma2 semaphore(%dma_wait3A_159 : memref<!tpu.dma_semaphore, #tpu.memory_space<semaphore_mem>>) src(%dma_wait3A_165 : memref<80x128xf32, #tpu.memory_space<vmem>>) dst(%dma_wait3A_161 : memref<80x128xf32, #tpu.memory_space<hbm>>)
    return
  }
}

#map = affine_map<(d0, d1) -> (0, 0)>
#map1 = affine_map<(d0, d1) -> (0, 0, 0)>
module attributes {stable_mosaic.version = 14 : i64} {
  func.func @k(%arg0: i32, %arg1: i32, %arg2: memref<10000x128xf32, #tpu.memory_space<hbm>>, %arg3: memref<32x25x80xi32, #tpu.memory_space<hbm>>, %arg4: memref<64000x128xf32, #tpu.memory_space<hbm>>, %arg5: memref<25x80xi32, #tpu.memory_space<vmem>>, %arg6: memref<5x80x128xf32, #tpu.memory_space<vmem>>, %arg7: memref<5x!tpu.dma_semaphore, #tpu.memory_space<semaphore_mem>>, %arg8: memref<5x!tpu.dma_semaphore, #tpu.memory_space<semaphore_mem>>) attributes {dimension_semantics = [#tpu.dimension_semantics<core_parallel>, #tpu.dimension_semantics<subcore_parallel>], iteration_bounds = array<i64: 2, 16>, scalar_prefetch = 0 : i64, scratch_operands = 4 : i64, tpu.core_type = #tpu.core_type<sc_vector_subcore>, window_params = [{transform_indices = #map}, {transform_indices = #map1}, {transform_indices = #map}]} {
    %mul3A = arith.constant 2 : i32
    %mul3A_0 = arith.muli %arg1, %mul3A : i32
    %add3A = arith.addi %mul3A_0, %arg0 : i32
    %mul3A_1 = arith.constant 25 : i32
    %mul3A_2 = arith.muli %add3A, %mul3A_1 : i32
    "tpu.region"() ({
      %run_scoped3A = tpu.sem_alloc : memref<!tpu.dma_semaphore, #tpu.memory_space<semaphore_mem>>
      %dma_start3A_166 = arith.constant 0 : i32
      %dma_start3A_167 = arith.constant 0 : i32
      %dma_start3A_168 = tpu.memref_slice %arg3[%add3A, %dma_start3A_166, %dma_start3A_167] : memref<32x25x80xi32, #tpu.memory_space<hbm>> -> memref<1x25x80xi32, #tpu.memory_space<hbm>>
      %dma_start3A_169 = tpu.memref_squeeze %dma_start3A_168 : memref<1x25x80xi32, #tpu.memory_space<hbm>> -> memref<25x80xi32, #tpu.memory_space<hbm>>
      %dma_start3A_170 = arith.constant 0 : i32
      %dma_start3A_171 = arith.constant 0 : i32
      %dma_start3A_172 = tpu.memref_slice %arg3[%add3A, %dma_start3A_170, %dma_start3A_171] : memref<32x25x80xi32, #tpu.memory_space<hbm>> -> memref<1x25x80xi32, #tpu.memory_space<hbm>>
      %dma_start3A_173 = tpu.memref_squeeze %dma_start3A_172 : memref<1x25x80xi32, #tpu.memory_space<hbm>> -> memref<25x80xi32, #tpu.memory_space<hbm>>
      tpu.enqueue_dma source(%dma_start3A_173 : memref<25x80xi32, #tpu.memory_space<hbm>>) target(%arg5 : memref<25x80xi32, #tpu.memory_space<vmem>>) target_semaphore(%run_scoped3A : memref<!tpu.dma_semaphore, #tpu.memory_space<semaphore_mem>>)
      %dma_wait3A_174 = arith.constant 0 : i32
      %dma_wait3A_175 = arith.constant 0 : i32
      %dma_wait3A_176 = tpu.memref_slice %arg3[%add3A, %dma_wait3A_174, %dma_wait3A_175] : memref<32x25x80xi32, #tpu.memory_space<hbm>> -> memref<1x25x80xi32, #tpu.memory_space<hbm>>
      %dma_wait3A_177 = tpu.memref_squeeze %dma_wait3A_176 : memref<1x25x80xi32, #tpu.memory_space<hbm>> -> memref<25x80xi32, #tpu.memory_space<hbm>>
      %dma_wait3A_178 = arith.constant 0 : i32
      %dma_wait3A_179 = arith.constant 0 : i32
      %dma_wait3A_180 = tpu.memref_slice %arg3[%add3A, %dma_wait3A_178, %dma_wait3A_179] : memref<32x25x80xi32, #tpu.memory_space<hbm>> -> memref<1x25x80xi32, #tpu.memory_space<hbm>>
      %dma_wait3A_181 = tpu.memref_squeeze %dma_wait3A_180 : memref<1x25x80xi32, #tpu.memory_space<hbm>> -> memref<25x80xi32, #tpu.memory_space<hbm>>
      tpu.wait_dma2 semaphore(%run_scoped3A : memref<!tpu.dma_semaphore, #tpu.memory_space<semaphore_mem>>) src(%dma_wait3A_181 : memref<25x80xi32, #tpu.memory_space<hbm>>) dst(%arg5 : memref<25x80xi32, #tpu.memory_space<vmem>>)
      tpu.yield
    }) : () -> ()
    %dma_start3A = arith.constant 0 : i32
    %dma_start3A_3 = arith.constant 0 : i32
    %dma_start3A_4 = arith.constant 0 : i32
    %dma_start3A_5 = arith.constant 0 : i32
    %dma_start3A_6 = arith.constant 0 : i32
    %dma_start3A_7 = tpu.memref_slice %arg6[%dma_start3A_3, %dma_start3A_5, %dma_start3A_6] : memref<5x80x128xf32, #tpu.memory_space<vmem>> -> memref<1x80x128xf32, #tpu.memory_space<vmem>>
    %dma_start3A_8 = tpu.memref_squeeze %dma_start3A_7 : memref<1x80x128xf32, #tpu.memory_space<vmem>> -> memref<80x128xf32, #tpu.memory_space<vmem>>
    %dma_start3A_9 = arith.constant 0 : i32
    %dma_start3A_10 = tpu.memref_slice %arg5[%dma_start3A, %dma_start3A_9] : memref<25x80xi32, #tpu.memory_space<vmem>> -> memref<1x80xi32, #tpu.memory_space<vmem>>
    %dma_start3A_11 = tpu.memref_squeeze %dma_start3A_10 : memref<1x80xi32, #tpu.memory_space<vmem>> -> memref<80xi32, #tpu.memory_space<vmem>>
    %dma_start3A_12 = arith.constant 0 : i32
    %dma_start3A_13 = arith.constant 0 : i32
    %dma_start3A_14 = tpu.memref_slice %arg2[%dma_start3A_12, %dma_start3A_13] : memref<10000x128xf32, #tpu.memory_space<hbm>> -> memref<10000x128xf32, #tpu.memory_space<hbm>>
    %dma_start3A_15 = tpu.memref_slice %arg7[%dma_start3A_4] : memref<5x!tpu.dma_semaphore, #tpu.memory_space<semaphore_mem>> -> memref<1x!tpu.dma_semaphore, #tpu.memory_space<semaphore_mem>>
    %dma_start3A_16 = tpu.memref_squeeze %dma_start3A_15 : memref<1x!tpu.dma_semaphore, #tpu.memory_space<semaphore_mem>> -> memref<!tpu.dma_semaphore, #tpu.memory_space<semaphore_mem>>
    tpu.enqueue_indirect_dma source(%dma_start3A_14 : memref<10000x128xf32, #tpu.memory_space<hbm>>) target(%dma_start3A_8 : memref<80x128xf32, #tpu.memory_space<vmem>>) offsets(%dma_start3A_11 : memref<80xi32, #tpu.memory_space<vmem>>) semaphore(%dma_start3A_16 : memref<!tpu.dma_semaphore, #tpu.memory_space<semaphore_mem>>)
    %dma_start3A_17 = arith.constant 1 : i32
    %dma_start3A_18 = arith.constant 1 : i32
    %dma_start3A_19 = arith.constant 1 : i32
    %dma_start3A_20 = arith.constant 0 : i32
    %dma_start3A_21 = arith.constant 0 : i32
    %dma_start3A_22 = tpu.memref_slice %arg6[%dma_start3A_18, %dma_start3A_20, %dma_start3A_21] : memref<5x80x128xf32, #tpu.memory_space<vmem>> -> memref<1x80x128xf32, #tpu.memory_space<vmem>>
    %dma_start3A_23 = tpu.memref_squeeze %dma_start3A_22 : memref<1x80x128xf32, #tpu.memory_space<vmem>> -> memref<80x128xf32, #tpu.memory_space<vmem>>
    %dma_start3A_24 = arith.constant 0 : i32
    %dma_start3A_25 = tpu.memref_slice %arg5[%dma_start3A_17, %dma_start3A_24] : memref<25x80xi32, #tpu.memory_space<vmem>> -> memref<1x80xi32, #tpu.memory_space<vmem>>
    %dma_start3A_26 = tpu.memref_squeeze %dma_start3A_25 : memref<1x80xi32, #tpu.memory_space<vmem>> -> memref<80xi32, #tpu.memory_space<vmem>>
    %dma_start3A_27 = arith.constant 0 : i32
    %dma_start3A_28 = arith.constant 0 : i32
    %dma_start3A_29 = tpu.memref_slice %arg2[%dma_start3A_27, %dma_start3A_28] : memref<10000x128xf32, #tpu.memory_space<hbm>> -> memref<10000x128xf32, #tpu.memory_space<hbm>>
    %dma_start3A_30 = tpu.memref_slice %arg7[%dma_start3A_19] : memref<5x!tpu.dma_semaphore, #tpu.memory_space<semaphore_mem>> -> memref<1x!tpu.dma_semaphore, #tpu.memory_space<semaphore_mem>>
    %dma_start3A_31 = tpu.memref_squeeze %dma_start3A_30 : memref<1x!tpu.dma_semaphore, #tpu.memory_space<semaphore_mem>> -> memref<!tpu.dma_semaphore, #tpu.memory_space<semaphore_mem>>
    tpu.enqueue_indirect_dma source(%dma_start3A_29 : memref<10000x128xf32, #tpu.memory_space<hbm>>) target(%dma_start3A_23 : memref<80x128xf32, #tpu.memory_space<vmem>>) offsets(%dma_start3A_26 : memref<80xi32, #tpu.memory_space<vmem>>) semaphore(%dma_start3A_31 : memref<!tpu.dma_semaphore, #tpu.memory_space<semaphore_mem>>)
    %dma_start3A_32 = arith.constant 2 : i32
    %dma_start3A_33 = arith.constant 2 : i32
    %dma_start3A_34 = arith.constant 2 : i32
    %dma_start3A_35 = arith.constant 0 : i32
    %dma_start3A_36 = arith.constant 0 : i32
    %dma_start3A_37 = tpu.memref_slice %arg6[%dma_start3A_33, %dma_start3A_35, %dma_start3A_36] : memref<5x80x128xf32, #tpu.memory_space<vmem>> -> memref<1x80x128xf32, #tpu.memory_space<vmem>>
    %dma_start3A_38 = tpu.memref_squeeze %dma_start3A_37 : memref<1x80x128xf32, #tpu.memory_space<vmem>> -> memref<80x128xf32, #tpu.memory_space<vmem>>
    %dma_start3A_39 = arith.constant 0 : i32
    %dma_start3A_40 = tpu.memref_slice %arg5[%dma_start3A_32, %dma_start3A_39] : memref<25x80xi32, #tpu.memory_space<vmem>> -> memref<1x80xi32, #tpu.memory_space<vmem>>
    %dma_start3A_41 = tpu.memref_squeeze %dma_start3A_40 : memref<1x80xi32, #tpu.memory_space<vmem>> -> memref<80xi32, #tpu.memory_space<vmem>>
    %dma_start3A_42 = arith.constant 0 : i32
    %dma_start3A_43 = arith.constant 0 : i32
    %dma_start3A_44 = tpu.memref_slice %arg2[%dma_start3A_42, %dma_start3A_43] : memref<10000x128xf32, #tpu.memory_space<hbm>> -> memref<10000x128xf32, #tpu.memory_space<hbm>>
    %dma_start3A_45 = tpu.memref_slice %arg7[%dma_start3A_34] : memref<5x!tpu.dma_semaphore, #tpu.memory_space<semaphore_mem>> -> memref<1x!tpu.dma_semaphore, #tpu.memory_space<semaphore_mem>>
    %dma_start3A_46 = tpu.memref_squeeze %dma_start3A_45 : memref<1x!tpu.dma_semaphore, #tpu.memory_space<semaphore_mem>> -> memref<!tpu.dma_semaphore, #tpu.memory_space<semaphore_mem>>
    tpu.enqueue_indirect_dma source(%dma_start3A_44 : memref<10000x128xf32, #tpu.memory_space<hbm>>) target(%dma_start3A_38 : memref<80x128xf32, #tpu.memory_space<vmem>>) offsets(%dma_start3A_41 : memref<80xi32, #tpu.memory_space<vmem>>) semaphore(%dma_start3A_46 : memref<!tpu.dma_semaphore, #tpu.memory_space<semaphore_mem>>)
    %dma_start3A_47 = arith.constant 3 : i32
    %dma_start3A_48 = arith.constant 3 : i32
    %dma_start3A_49 = arith.constant 3 : i32
    %dma_start3A_50 = arith.constant 0 : i32
    %dma_start3A_51 = arith.constant 0 : i32
    %dma_start3A_52 = tpu.memref_slice %arg6[%dma_start3A_48, %dma_start3A_50, %dma_start3A_51] : memref<5x80x128xf32, #tpu.memory_space<vmem>> -> memref<1x80x128xf32, #tpu.memory_space<vmem>>
    %dma_start3A_53 = tpu.memref_squeeze %dma_start3A_52 : memref<1x80x128xf32, #tpu.memory_space<vmem>> -> memref<80x128xf32, #tpu.memory_space<vmem>>
    %dma_start3A_54 = arith.constant 0 : i32
    %dma_start3A_55 = tpu.memref_slice %arg5[%dma_start3A_47, %dma_start3A_54] : memref<25x80xi32, #tpu.memory_space<vmem>> -> memref<1x80xi32, #tpu.memory_space<vmem>>
    %dma_start3A_56 = tpu.memref_squeeze %dma_start3A_55 : memref<1x80xi32, #tpu.memory_space<vmem>> -> memref<80xi32, #tpu.memory_space<vmem>>
    %dma_start3A_57 = arith.constant 0 : i32
    %dma_start3A_58 = arith.constant 0 : i32
    %dma_start3A_59 = tpu.memref_slice %arg2[%dma_start3A_57, %dma_start3A_58] : memref<10000x128xf32, #tpu.memory_space<hbm>> -> memref<10000x128xf32, #tpu.memory_space<hbm>>
    %dma_start3A_60 = tpu.memref_slice %arg7[%dma_start3A_49] : memref<5x!tpu.dma_semaphore, #tpu.memory_space<semaphore_mem>> -> memref<1x!tpu.dma_semaphore, #tpu.memory_space<semaphore_mem>>
    %dma_start3A_61 = tpu.memref_squeeze %dma_start3A_60 : memref<1x!tpu.dma_semaphore, #tpu.memory_space<semaphore_mem>> -> memref<!tpu.dma_semaphore, #tpu.memory_space<semaphore_mem>>
    tpu.enqueue_indirect_dma source(%dma_start3A_59 : memref<10000x128xf32, #tpu.memory_space<hbm>>) target(%dma_start3A_53 : memref<80x128xf32, #tpu.memory_space<vmem>>) offsets(%dma_start3A_56 : memref<80xi32, #tpu.memory_space<vmem>>) semaphore(%dma_start3A_61 : memref<!tpu.dma_semaphore, #tpu.memory_space<semaphore_mem>>)
    %scan3A = arith.constant 0 : i32
    %scan3A_62 = arith.constant 0 : i32
    %scan3A_63 = arith.constant 5 : i32
    %scan3A_64 = arith.addi %scan3A_62, %scan3A_63 : i32
    %scan3A_65 = arith.constant 1 : i32
    scf.for %scan3A_166 = %scan3A_62 to %scan3A_64 step %scan3A_65  : i32 {
      %mul3A_167 = arith.constant 5 : i32
      %mul3A_168 = arith.muli %scan3A_166, %mul3A_167 : i32
      %add3A_169 = arith.constant 0 : i32
      %add3A_170 = arith.addi %mul3A_168, %add3A_169 : i32
      %add3A_171 = arith.constant 5 : i32
      %add3A_172 = arith.addi %add3A_170, %add3A_171 : i32
      %sub3A = arith.constant 1 : i32
      %sub3A_173 = arith.subi %add3A_172, %sub3A : i32
      %lt3A = arith.constant 25 : i32
      %lt3A_174 = arith.cmpi slt, %sub3A_173, %lt3A : i32
      %convert_element_type3A = arith.extui %lt3A_174 : i1 to i32
      %cond3A = arith.constant 0 : i32
      %cond3A_175 = arith.cmpi ne, %convert_element_type3A, %cond3A : i32
      scf.if %cond3A_175 {
        %gt3A = arith.constant 0 : i32
        %gt3A_393 = arith.cmpi sgt, %add3A_170, %gt3A : i32
        %convert_element_type3A_394 = arith.extui %gt3A_393 : i1 to i32
        %cond3A_395 = arith.constant 0 : i32
        %cond3A_396 = arith.cmpi ne, %convert_element_type3A_394, %cond3A_395 : i32
        scf.if %cond3A_396 {
          %sub3A_411 = arith.constant 1 : i32
          %sub3A_412 = arith.subi %add3A_170, %sub3A_411 : i32
          %add3A_413 = arith.addi %mul3A_2, %sub3A_412 : i32
          %mul3A_414 = arith.constant 80 : i32
          %mul3A_415 = arith.muli %add3A_413, %mul3A_414 : i32
          %dma_wait3A_416 = arith.constant 4 : i32
          %dma_wait3A_417 = arith.constant 4 : i32
          %dma_wait3A_418 = arith.constant 0 : i32
          %dma_wait3A_419 = arith.constant 0 : i32
          %dma_wait3A_420 = tpu.memref_slice %arg6[%dma_wait3A_416, %dma_wait3A_418, %dma_wait3A_419] : memref<5x80x128xf32, #tpu.memory_space<vmem>> -> memref<1x80x128xf32, #tpu.memory_space<vmem>>
          %dma_wait3A_421 = tpu.memref_squeeze %dma_wait3A_420 : memref<1x80x128xf32, #tpu.memory_space<vmem>> -> memref<80x128xf32, #tpu.memory_space<vmem>>
          %dma_wait3A_422 = arith.constant 0 : i32
          %dma_wait3A_423 = tpu.memref_slice %arg4[%mul3A_415, %dma_wait3A_422] : memref<64000x128xf32, #tpu.memory_space<hbm>> -> memref<80x128xf32, #tpu.memory_space<hbm>>
          %dma_wait3A_424 = tpu.memref_slice %arg8[%dma_wait3A_417] : memref<5x!tpu.dma_semaphore, #tpu.memory_space<semaphore_mem>> -> memref<1x!tpu.dma_semaphore, #tpu.memory_space<semaphore_mem>>
          %dma_wait3A_425 = tpu.memref_squeeze %dma_wait3A_424 : memref<1x!tpu.dma_semaphore, #tpu.memory_space<semaphore_mem>> -> memref<!tpu.dma_semaphore, #tpu.memory_space<semaphore_mem>>
          %dma_wait3A_426 = arith.constant 0 : i32
          %dma_wait3A_427 = tpu.memref_slice %arg4[%mul3A_415, %dma_wait3A_426] : memref<64000x128xf32, #tpu.memory_space<hbm>> -> memref<80x128xf32, #tpu.memory_space<hbm>>
          %dma_wait3A_428 = arith.constant 0 : i32
          %dma_wait3A_429 = arith.constant 0 : i32
          %dma_wait3A_430 = tpu.memref_slice %arg6[%dma_wait3A_416, %dma_wait3A_428, %dma_wait3A_429] : memref<5x80x128xf32, #tpu.memory_space<vmem>> -> memref<1x80x128xf32, #tpu.memory_space<vmem>>
          %dma_wait3A_431 = tpu.memref_squeeze %dma_wait3A_430 : memref<1x80x128xf32, #tpu.memory_space<vmem>> -> memref<80x128xf32, #tpu.memory_space<vmem>>
          tpu.wait_dma2 semaphore(%dma_wait3A_425 : memref<!tpu.dma_semaphore, #tpu.memory_space<semaphore_mem>>) src(%dma_wait3A_431 : memref<80x128xf32, #tpu.memory_space<vmem>>) dst(%dma_wait3A_427 : memref<80x128xf32, #tpu.memory_space<hbm>>)
        } else {
        }
        %dma_start3A_397 = arith.constant 4 : i32
        %dma_start3A_398 = arith.constant 4 : i32
        %dma_start3A_399 = arith.constant 0 : i32
        %dma_start3A_400 = arith.constant 0 : i32
        %dma_start3A_401 = tpu.memref_slice %arg6[%dma_start3A_397, %dma_start3A_399, %dma_start3A_400] : memref<5x80x128xf32, #tpu.memory_space<vmem>> -> memref<1x80x128xf32, #tpu.memory_space<vmem>>
        %dma_start3A_402 = tpu.memref_squeeze %dma_start3A_401 : memref<1x80x128xf32, #tpu.memory_space<vmem>> -> memref<80x128xf32, #tpu.memory_space<vmem>>
        %dma_start3A_403 = arith.constant 0 : i32
        %dma_start3A_404 = tpu.memref_slice %arg5[%sub3A_173, %dma_start3A_403] : memref<25x80xi32, #tpu.memory_space<vmem>> -> memref<1x80xi32, #tpu.memory_space<vmem>>
        %dma_start3A_405 = tpu.memref_squeeze %dma_start3A_404 : memref<1x80xi32, #tpu.memory_space<vmem>> -> memref<80xi32, #tpu.memory_space<vmem>>
        %dma_start3A_406 = arith.constant 0 : i32
        %dma_start3A_407 = arith.constant 0 : i32
        %dma_start3A_408 = tpu.memref_slice %arg2[%dma_start3A_406, %dma_start3A_407] : memref<10000x128xf32, #tpu.memory_space<hbm>> -> memref<10000x128xf32, #tpu.memory_space<hbm>>
        %dma_start3A_409 = tpu.memref_slice %arg7[%dma_start3A_398] : memref<5x!tpu.dma_semaphore, #tpu.memory_space<semaphore_mem>> -> memref<1x!tpu.dma_semaphore, #tpu.memory_space<semaphore_mem>>
        %dma_start3A_410 = tpu.memref_squeeze %dma_start3A_409 : memref<1x!tpu.dma_semaphore, #tpu.memory_space<semaphore_mem>> -> memref<!tpu.dma_semaphore, #tpu.memory_space<semaphore_mem>>
        tpu.enqueue_indirect_dma source(%dma_start3A_408 : memref<10000x128xf32, #tpu.memory_space<hbm>>) target(%dma_start3A_402 : memref<80x128xf32, #tpu.memory_space<vmem>>) offsets(%dma_start3A_405 : memref<80xi32, #tpu.memory_space<vmem>>) semaphore(%dma_start3A_410 : memref<!tpu.dma_semaphore, #tpu.memory_space<semaphore_mem>>)
      } else {
      }
      %dma_wait3A_176 = arith.constant 0 : i32
      %dma_wait3A_177 = arith.constant 0 : i32
      %dma_wait3A_178 = arith.constant 0 : i32
      %dma_wait3A_179 = arith.constant 0 : i32
      %dma_wait3A_180 = tpu.memref_slice %arg6[%dma_wait3A_176, %dma_wait3A_178, %dma_wait3A_179] : memref<5x80x128xf32, #tpu.memory_space<vmem>> -> memref<1x80x128xf32, #tpu.memory_space<vmem>>
      %dma_wait3A_181 = tpu.memref_squeeze %dma_wait3A_180 : memref<1x80x128xf32, #tpu.memory_space<vmem>> -> memref<80x128xf32, #tpu.memory_space<vmem>>
      %dma_wait3A_182 = arith.constant 0 : i32
      %dma_wait3A_183 = tpu.memref_slice %arg5[%add3A_170, %dma_wait3A_182] : memref<25x80xi32, #tpu.memory_space<vmem>> -> memref<1x80xi32, #tpu.memory_space<vmem>>
      %dma_wait3A_184 = tpu.memref_squeeze %dma_wait3A_183 : memref<1x80xi32, #tpu.memory_space<vmem>> -> memref<80xi32, #tpu.memory_space<vmem>>
      %dma_wait3A_185 = arith.constant 0 : i32
      %dma_wait3A_186 = arith.constant 0 : i32
      %dma_wait3A_187 = tpu.memref_slice %arg2[%dma_wait3A_185, %dma_wait3A_186] : memref<10000x128xf32, #tpu.memory_space<hbm>> -> memref<10000x128xf32, #tpu.memory_space<hbm>>
      %dma_wait3A_188 = tpu.memref_slice %arg7[%dma_wait3A_177] : memref<5x!tpu.dma_semaphore, #tpu.memory_space<semaphore_mem>> -> memref<1x!tpu.dma_semaphore, #tpu.memory_space<semaphore_mem>>
      %dma_wait3A_189 = tpu.memref_squeeze %dma_wait3A_188 : memref<1x!tpu.dma_semaphore, #tpu.memory_space<semaphore_mem>> -> memref<!tpu.dma_semaphore, #tpu.memory_space<semaphore_mem>>
      tpu.wait_indirect_dma semaphore(%dma_wait3A_189 : memref<!tpu.dma_semaphore, #tpu.memory_space<semaphore_mem>>) src(%dma_wait3A_187 : memref<10000x128xf32, #tpu.memory_space<hbm>>) dst(%dma_wait3A_181 : memref<80x128xf32, #tpu.memory_space<vmem>>)
      %add3A_190 = arith.addi %mul3A_2, %add3A_170 : i32
      %mul3A_191 = arith.constant 80 : i32
      %mul3A_192 = arith.muli %add3A_190, %mul3A_191 : i32
      %dma_start3A_193 = arith.constant 0 : i32
      %dma_start3A_194 = arith.constant 0 : i32
      %dma_start3A_195 = arith.constant 0 : i32
      %dma_start3A_196 = arith.constant 0 : i32
      %dma_start3A_197 = tpu.memref_slice %arg6[%dma_start3A_193, %dma_start3A_195, %dma_start3A_196] : memref<5x80x128xf32, #tpu.memory_space<vmem>> -> memref<1x80x128xf32, #tpu.memory_space<vmem>>
      %dma_start3A_198 = tpu.memref_squeeze %dma_start3A_197 : memref<1x80x128xf32, #tpu.memory_space<vmem>> -> memref<80x128xf32, #tpu.memory_space<vmem>>
      %dma_start3A_199 = arith.constant 0 : i32
      %dma_start3A_200 = tpu.memref_slice %arg4[%mul3A_192, %dma_start3A_199] : memref<64000x128xf32, #tpu.memory_space<hbm>> -> memref<80x128xf32, #tpu.memory_space<hbm>>
      %dma_start3A_201 = tpu.memref_slice %arg8[%dma_start3A_194] : memref<5x!tpu.dma_semaphore, #tpu.memory_space<semaphore_mem>> -> memref<1x!tpu.dma_semaphore, #tpu.memory_space<semaphore_mem>>
      %dma_start3A_202 = tpu.memref_squeeze %dma_start3A_201 : memref<1x!tpu.dma_semaphore, #tpu.memory_space<semaphore_mem>> -> memref<!tpu.dma_semaphore, #tpu.memory_space<semaphore_mem>>
      %dma_start3A_203 = arith.constant 0 : i32
      %dma_start3A_204 = tpu.memref_slice %arg4[%mul3A_192, %dma_start3A_203] : memref<64000x128xf32, #tpu.memory_space<hbm>> -> memref<80x128xf32, #tpu.memory_space<hbm>>
      %dma_start3A_205 = arith.constant 0 : i32
      %dma_start3A_206 = arith.constant 0 : i32
      %dma_start3A_207 = tpu.memref_slice %arg6[%dma_start3A_193, %dma_start3A_205, %dma_start3A_206] : memref<5x80x128xf32, #tpu.memory_space<vmem>> -> memref<1x80x128xf32, #tpu.memory_space<vmem>>
      %dma_start3A_208 = tpu.memref_squeeze %dma_start3A_207 : memref<1x80x128xf32, #tpu.memory_space<vmem>> -> memref<80x128xf32, #tpu.memory_space<vmem>>
      tpu.enqueue_dma source(%dma_start3A_208 : memref<80x128xf32, #tpu.memory_space<vmem>>) target(%dma_start3A_204 : memref<80x128xf32, #tpu.memory_space<hbm>>) target_semaphore(%dma_start3A_202 : memref<!tpu.dma_semaphore, #tpu.memory_space<semaphore_mem>>)
      %mul3A_209 = arith.constant 5 : i32
      %mul3A_210 = arith.muli %scan3A_166, %mul3A_209 : i32
      %add3A_211 = arith.constant 1 : i32
      %add3A_212 = arith.addi %mul3A_210, %add3A_211 : i32
      %add3A_213 = arith.constant 5 : i32
      %add3A_214 = arith.addi %add3A_212, %add3A_213 : i32
      %sub3A_215 = arith.constant 1 : i32
      %sub3A_216 = arith.subi %add3A_214, %sub3A_215 : i32
      %lt3A_217 = arith.constant 25 : i32
      %lt3A_218 = arith.cmpi slt, %sub3A_216, %lt3A_217 : i32
      %convert_element_type3A_219 = arith.extui %lt3A_218 : i1 to i32
      %cond3A_220 = arith.constant 0 : i32
      %cond3A_221 = arith.cmpi ne, %convert_element_type3A_219, %cond3A_220 : i32
      scf.if %cond3A_221 {
        %gt3A = arith.constant 0 : i32
        %gt3A_393 = arith.cmpi sgt, %add3A_212, %gt3A : i32
        %convert_element_type3A_394 = arith.extui %gt3A_393 : i1 to i32
        %cond3A_395 = arith.constant 0 : i32
        %cond3A_396 = arith.cmpi ne, %convert_element_type3A_394, %cond3A_395 : i32
        scf.if %cond3A_396 {
          %sub3A_411 = arith.constant 1 : i32
          %sub3A_412 = arith.subi %add3A_212, %sub3A_411 : i32
          %add3A_413 = arith.addi %mul3A_2, %sub3A_412 : i32
          %mul3A_414 = arith.constant 80 : i32
          %mul3A_415 = arith.muli %add3A_413, %mul3A_414 : i32
          %dma_wait3A_416 = arith.constant 0 : i32
          %dma_wait3A_417 = arith.constant 0 : i32
          %dma_wait3A_418 = arith.constant 0 : i32
          %dma_wait3A_419 = arith.constant 0 : i32
          %dma_wait3A_420 = tpu.memref_slice %arg6[%dma_wait3A_416, %dma_wait3A_418, %dma_wait3A_419] : memref<5x80x128xf32, #tpu.memory_space<vmem>> -> memref<1x80x128xf32, #tpu.memory_space<vmem>>
          %dma_wait3A_421 = tpu.memref_squeeze %dma_wait3A_420 : memref<1x80x128xf32, #tpu.memory_space<vmem>> -> memref<80x128xf32, #tpu.memory_space<vmem>>
          %dma_wait3A_422 = arith.constant 0 : i32
          %dma_wait3A_423 = tpu.memref_slice %arg4[%mul3A_415, %dma_wait3A_422] : memref<64000x128xf32, #tpu.memory_space<hbm>> -> memref<80x128xf32, #tpu.memory_space<hbm>>
          %dma_wait3A_424 = tpu.memref_slice %arg8[%dma_wait3A_417] : memref<5x!tpu.dma_semaphore, #tpu.memory_space<semaphore_mem>> -> memref<1x!tpu.dma_semaphore, #tpu.memory_space<semaphore_mem>>
          %dma_wait3A_425 = tpu.memref_squeeze %dma_wait3A_424 : memref<1x!tpu.dma_semaphore, #tpu.memory_space<semaphore_mem>> -> memref<!tpu.dma_semaphore, #tpu.memory_space<semaphore_mem>>
          %dma_wait3A_426 = arith.constant 0 : i32
          %dma_wait3A_427 = tpu.memref_slice %arg4[%mul3A_415, %dma_wait3A_426] : memref<64000x128xf32, #tpu.memory_space<hbm>> -> memref<80x128xf32, #tpu.memory_space<hbm>>
          %dma_wait3A_428 = arith.constant 0 : i32
          %dma_wait3A_429 = arith.constant 0 : i32
          %dma_wait3A_430 = tpu.memref_slice %arg6[%dma_wait3A_416, %dma_wait3A_428, %dma_wait3A_429] : memref<5x80x128xf32, #tpu.memory_space<vmem>> -> memref<1x80x128xf32, #tpu.memory_space<vmem>>
          %dma_wait3A_431 = tpu.memref_squeeze %dma_wait3A_430 : memref<1x80x128xf32, #tpu.memory_space<vmem>> -> memref<80x128xf32, #tpu.memory_space<vmem>>
          tpu.wait_dma2 semaphore(%dma_wait3A_425 : memref<!tpu.dma_semaphore, #tpu.memory_space<semaphore_mem>>) src(%dma_wait3A_431 : memref<80x128xf32, #tpu.memory_space<vmem>>) dst(%dma_wait3A_427 : memref<80x128xf32, #tpu.memory_space<hbm>>)
        } else {
        }
        %dma_start3A_397 = arith.constant 0 : i32
        %dma_start3A_398 = arith.constant 0 : i32
        %dma_start3A_399 = arith.constant 0 : i32
        %dma_start3A_400 = arith.constant 0 : i32
        %dma_start3A_401 = tpu.memref_slice %arg6[%dma_start3A_397, %dma_start3A_399, %dma_start3A_400] : memref<5x80x128xf32, #tpu.memory_space<vmem>> -> memref<1x80x128xf32, #tpu.memory_space<vmem>>
        %dma_start3A_402 = tpu.memref_squeeze %dma_start3A_401 : memref<1x80x128xf32, #tpu.memory_space<vmem>> -> memref<80x128xf32, #tpu.memory_space<vmem>>
        %dma_start3A_403 = arith.constant 0 : i32
        %dma_start3A_404 = tpu.memref_slice %arg5[%sub3A_216, %dma_start3A_403] : memref<25x80xi32, #tpu.memory_space<vmem>> -> memref<1x80xi32, #tpu.memory_space<vmem>>
        %dma_start3A_405 = tpu.memref_squeeze %dma_start3A_404 : memref<1x80xi32, #tpu.memory_space<vmem>> -> memref<80xi32, #tpu.memory_space<vmem>>
        %dma_start3A_406 = arith.constant 0 : i32
        %dma_start3A_407 = arith.constant 0 : i32
        %dma_start3A_408 = tpu.memref_slice %arg2[%dma_start3A_406, %dma_start3A_407] : memref<10000x128xf32, #tpu.memory_space<hbm>> -> memref<10000x128xf32, #tpu.memory_space<hbm>>
        %dma_start3A_409 = tpu.memref_slice %arg7[%dma_start3A_398] : memref<5x!tpu.dma_semaphore, #tpu.memory_space<semaphore_mem>> -> memref<1x!tpu.dma_semaphore, #tpu.memory_space<semaphore_mem>>
        %dma_start3A_410 = tpu.memref_squeeze %dma_start3A_409 : memref<1x!tpu.dma_semaphore, #tpu.memory_space<semaphore_mem>> -> memref<!tpu.dma_semaphore, #tpu.memory_space<semaphore_mem>>
        tpu.enqueue_indirect_dma source(%dma_start3A_408 : memref<10000x128xf32, #tpu.memory_space<hbm>>) target(%dma_start3A_402 : memref<80x128xf32, #tpu.memory_space<vmem>>) offsets(%dma_start3A_405 : memref<80xi32, #tpu.memory_space<vmem>>) semaphore(%dma_start3A_410 : memref<!tpu.dma_semaphore, #tpu.memory_space<semaphore_mem>>)
      } else {
      }
      %dma_wait3A_222 = arith.constant 1 : i32
      %dma_wait3A_223 = arith.constant 1 : i32
      %dma_wait3A_224 = arith.constant 0 : i32
      %dma_wait3A_225 = arith.constant 0 : i32
      %dma_wait3A_226 = tpu.memref_slice %arg6[%dma_wait3A_222, %dma_wait3A_224, %dma_wait3A_225] : memref<5x80x128xf32, #tpu.memory_space<vmem>> -> memref<1x80x128xf32, #tpu.memory_space<vmem>>
      %dma_wait3A_227 = tpu.memref_squeeze %dma_wait3A_226 : memref<1x80x128xf32, #tpu.memory_space<vmem>> -> memref<80x128xf32, #tpu.memory_space<vmem>>
      %dma_wait3A_228 = arith.constant 0 : i32
      %dma_wait3A_229 = tpu.memref_slice %arg5[%add3A_212, %dma_wait3A_228] : memref<25x80xi32, #tpu.memory_space<vmem>> -> memref<1x80xi32, #tpu.memory_space<vmem>>
      %dma_wait3A_230 = tpu.memref_squeeze %dma_wait3A_229 : memref<1x80xi32, #tpu.memory_space<vmem>> -> memref<80xi32, #tpu.memory_space<vmem>>
      %dma_wait3A_231 = arith.constant 0 : i32
      %dma_wait3A_232 = arith.constant 0 : i32
      %dma_wait3A_233 = tpu.memref_slice %arg2[%dma_wait3A_231, %dma_wait3A_232] : memref<10000x128xf32, #tpu.memory_space<hbm>> -> memref<10000x128xf32, #tpu.memory_space<hbm>>
      %dma_wait3A_234 = tpu.memref_slice %arg7[%dma_wait3A_223] : memref<5x!tpu.dma_semaphore, #tpu.memory_space<semaphore_mem>> -> memref<1x!tpu.dma_semaphore, #tpu.memory_space<semaphore_mem>>
      %dma_wait3A_235 = tpu.memref_squeeze %dma_wait3A_234 : memref<1x!tpu.dma_semaphore, #tpu.memory_space<semaphore_mem>> -> memref<!tpu.dma_semaphore, #tpu.memory_space<semaphore_mem>>
      tpu.wait_indirect_dma semaphore(%dma_wait3A_235 : memref<!tpu.dma_semaphore, #tpu.memory_space<semaphore_mem>>) src(%dma_wait3A_233 : memref<10000x128xf32, #tpu.memory_space<hbm>>) dst(%dma_wait3A_227 : memref<80x128xf32, #tpu.memory_space<vmem>>)
      %add3A_236 = arith.addi %mul3A_2, %add3A_212 : i32
      %mul3A_237 = arith.constant 80 : i32
      %mul3A_238 = arith.muli %add3A_236, %mul3A_237 : i32
      %dma_start3A_239 = arith.constant 1 : i32
      %dma_start3A_240 = arith.constant 1 : i32
      %dma_start3A_241 = arith.constant 0 : i32
      %dma_start3A_242 = arith.constant 0 : i32
      %dma_start3A_243 = tpu.memref_slice %arg6[%dma_start3A_239, %dma_start3A_241, %dma_start3A_242] : memref<5x80x128xf32, #tpu.memory_space<vmem>> -> memref<1x80x128xf32, #tpu.memory_space<vmem>>
      %dma_start3A_244 = tpu.memref_squeeze %dma_start3A_243 : memref<1x80x128xf32, #tpu.memory_space<vmem>> -> memref<80x128xf32, #tpu.memory_space<vmem>>
      %dma_start3A_245 = arith.constant 0 : i32
      %dma_start3A_246 = tpu.memref_slice %arg4[%mul3A_238, %dma_start3A_245] : memref<64000x128xf32, #tpu.memory_space<hbm>> -> memref<80x128xf32, #tpu.memory_space<hbm>>
      %dma_start3A_247 = tpu.memref_slice %arg8[%dma_start3A_240] : memref<5x!tpu.dma_semaphore, #tpu.memory_space<semaphore_mem>> -> memref<1x!tpu.dma_semaphore, #tpu.memory_space<semaphore_mem>>
      %dma_start3A_248 = tpu.memref_squeeze %dma_start3A_247 : memref<1x!tpu.dma_semaphore, #tpu.memory_space<semaphore_mem>> -> memref<!tpu.dma_semaphore, #tpu.memory_space<semaphore_mem>>
      %dma_start3A_249 = arith.constant 0 : i32
      %dma_start3A_250 = tpu.memref_slice %arg4[%mul3A_238, %dma_start3A_249] : memref<64000x128xf32, #tpu.memory_space<hbm>> -> memref<80x128xf32, #tpu.memory_space<hbm>>
      %dma_start3A_251 = arith.constant 0 : i32
      %dma_start3A_252 = arith.constant 0 : i32
      %dma_start3A_253 = tpu.memref_slice %arg6[%dma_start3A_239, %dma_start3A_251, %dma_start3A_252] : memref<5x80x128xf32, #tpu.memory_space<vmem>> -> memref<1x80x128xf32, #tpu.memory_space<vmem>>
      %dma_start3A_254 = tpu.memref_squeeze %dma_start3A_253 : memref<1x80x128xf32, #tpu.memory_space<vmem>> -> memref<80x128xf32, #tpu.memory_space<vmem>>
      tpu.enqueue_dma source(%dma_start3A_254 : memref<80x128xf32, #tpu.memory_space<vmem>>) target(%dma_start3A_250 : memref<80x128xf32, #tpu.memory_space<hbm>>) target_semaphore(%dma_start3A_248 : memref<!tpu.dma_semaphore, #tpu.memory_space<semaphore_mem>>)
      %mul3A_255 = arith.constant 5 : i32
      %mul3A_256 = arith.muli %scan3A_166, %mul3A_255 : i32
      %add3A_257 = arith.constant 2 : i32
      %add3A_258 = arith.addi %mul3A_256, %add3A_257 : i32
      %add3A_259 = arith.constant 5 : i32
      %add3A_260 = arith.addi %add3A_258, %add3A_259 : i32
      %sub3A_261 = arith.constant 1 : i32
      %sub3A_262 = arith.subi %add3A_260, %sub3A_261 : i32
      %lt3A_263 = arith.constant 25 : i32
      %lt3A_264 = arith.cmpi slt, %sub3A_262, %lt3A_263 : i32
      %convert_element_type3A_265 = arith.extui %lt3A_264 : i1 to i32
      %cond3A_266 = arith.constant 0 : i32
      %cond3A_267 = arith.cmpi ne, %convert_element_type3A_265, %cond3A_266 : i32
      scf.if %cond3A_267 {
        %gt3A = arith.constant 0 : i32
        %gt3A_393 = arith.cmpi sgt, %add3A_258, %gt3A : i32
        %convert_element_type3A_394 = arith.extui %gt3A_393 : i1 to i32
        %cond3A_395 = arith.constant 0 : i32
        %cond3A_396 = arith.cmpi ne, %convert_element_type3A_394, %cond3A_395 : i32
        scf.if %cond3A_396 {
          %sub3A_411 = arith.constant 1 : i32
          %sub3A_412 = arith.subi %add3A_258, %sub3A_411 : i32
          %add3A_413 = arith.addi %mul3A_2, %sub3A_412 : i32
          %mul3A_414 = arith.constant 80 : i32
          %mul3A_415 = arith.muli %add3A_413, %mul3A_414 : i32
          %dma_wait3A_416 = arith.constant 1 : i32
          %dma_wait3A_417 = arith.constant 1 : i32
          %dma_wait3A_418 = arith.constant 0 : i32
          %dma_wait3A_419 = arith.constant 0 : i32
          %dma_wait3A_420 = tpu.memref_slice %arg6[%dma_wait3A_416, %dma_wait3A_418, %dma_wait3A_419] : memref<5x80x128xf32, #tpu.memory_space<vmem>> -> memref<1x80x128xf32, #tpu.memory_space<vmem>>
          %dma_wait3A_421 = tpu.memref_squeeze %dma_wait3A_420 : memref<1x80x128xf32, #tpu.memory_space<vmem>> -> memref<80x128xf32, #tpu.memory_space<vmem>>
          %dma_wait3A_422 = arith.constant 0 : i32
          %dma_wait3A_423 = tpu.memref_slice %arg4[%mul3A_415, %dma_wait3A_422] : memref<64000x128xf32, #tpu.memory_space<hbm>> -> memref<80x128xf32, #tpu.memory_space<hbm>>
          %dma_wait3A_424 = tpu.memref_slice %arg8[%dma_wait3A_417] : memref<5x!tpu.dma_semaphore, #tpu.memory_space<semaphore_mem>> -> memref<1x!tpu.dma_semaphore, #tpu.memory_space<semaphore_mem>>
          %dma_wait3A_425 = tpu.memref_squeeze %dma_wait3A_424 : memref<1x!tpu.dma_semaphore, #tpu.memory_space<semaphore_mem>> -> memref<!tpu.dma_semaphore, #tpu.memory_space<semaphore_mem>>
          %dma_wait3A_426 = arith.constant 0 : i32
          %dma_wait3A_427 = tpu.memref_slice %arg4[%mul3A_415, %dma_wait3A_426] : memref<64000x128xf32, #tpu.memory_space<hbm>> -> memref<80x128xf32, #tpu.memory_space<hbm>>
          %dma_wait3A_428 = arith.constant 0 : i32
          %dma_wait3A_429 = arith.constant 0 : i32
          %dma_wait3A_430 = tpu.memref_slice %arg6[%dma_wait3A_416, %dma_wait3A_428, %dma_wait3A_429] : memref<5x80x128xf32, #tpu.memory_space<vmem>> -> memref<1x80x128xf32, #tpu.memory_space<vmem>>
          %dma_wait3A_431 = tpu.memref_squeeze %dma_wait3A_430 : memref<1x80x128xf32, #tpu.memory_space<vmem>> -> memref<80x128xf32, #tpu.memory_space<vmem>>
          tpu.wait_dma2 semaphore(%dma_wait3A_425 : memref<!tpu.dma_semaphore, #tpu.memory_space<semaphore_mem>>) src(%dma_wait3A_431 : memref<80x128xf32, #tpu.memory_space<vmem>>) dst(%dma_wait3A_427 : memref<80x128xf32, #tpu.memory_space<hbm>>)
        } else {
        }
        %dma_start3A_397 = arith.constant 1 : i32
        %dma_start3A_398 = arith.constant 1 : i32
        %dma_start3A_399 = arith.constant 0 : i32
        %dma_start3A_400 = arith.constant 0 : i32
        %dma_start3A_401 = tpu.memref_slice %arg6[%dma_start3A_397, %dma_start3A_399, %dma_start3A_400] : memref<5x80x128xf32, #tpu.memory_space<vmem>> -> memref<1x80x128xf32, #tpu.memory_space<vmem>>
        %dma_start3A_402 = tpu.memref_squeeze %dma_start3A_401 : memref<1x80x128xf32, #tpu.memory_space<vmem>> -> memref<80x128xf32, #tpu.memory_space<vmem>>
        %dma_start3A_403 = arith.constant 0 : i32
        %dma_start3A_404 = tpu.memref_slice %arg5[%sub3A_262, %dma_start3A_403] : memref<25x80xi32, #tpu.memory_space<vmem>> -> memref<1x80xi32, #tpu.memory_space<vmem>>
        %dma_start3A_405 = tpu.memref_squeeze %dma_start3A_404 : memref<1x80xi32, #tpu.memory_space<vmem>> -> memref<80xi32, #tpu.memory_space<vmem>>
        %dma_start3A_406 = arith.constant 0 : i32
        %dma_start3A_407 = arith.constant 0 : i32
        %dma_start3A_408 = tpu.memref_slice %arg2[%dma_start3A_406, %dma_start3A_407] : memref<10000x128xf32, #tpu.memory_space<hbm>> -> memref<10000x128xf32, #tpu.memory_space<hbm>>
        %dma_start3A_409 = tpu.memref_slice %arg7[%dma_start3A_398] : memref<5x!tpu.dma_semaphore, #tpu.memory_space<semaphore_mem>> -> memref<1x!tpu.dma_semaphore, #tpu.memory_space<semaphore_mem>>
        %dma_start3A_410 = tpu.memref_squeeze %dma_start3A_409 : memref<1x!tpu.dma_semaphore, #tpu.memory_space<semaphore_mem>> -> memref<!tpu.dma_semaphore, #tpu.memory_space<semaphore_mem>>
        tpu.enqueue_indirect_dma source(%dma_start3A_408 : memref<10000x128xf32, #tpu.memory_space<hbm>>) target(%dma_start3A_402 : memref<80x128xf32, #tpu.memory_space<vmem>>) offsets(%dma_start3A_405 : memref<80xi32, #tpu.memory_space<vmem>>) semaphore(%dma_start3A_410 : memref<!tpu.dma_semaphore, #tpu.memory_space<semaphore_mem>>)
      } else {
      }
      %dma_wait3A_268 = arith.constant 2 : i32
      %dma_wait3A_269 = arith.constant 2 : i32
      %dma_wait3A_270 = arith.constant 0 : i32
      %dma_wait3A_271 = arith.constant 0 : i32
      %dma_wait3A_272 = tpu.memref_slice %arg6[%dma_wait3A_268, %dma_wait3A_270, %dma_wait3A_271] : memref<5x80x128xf32, #tpu.memory_space<vmem>> -> memref<1x80x128xf32, #tpu.memory_space<vmem>>
      %dma_wait3A_273 = tpu.memref_squeeze %dma_wait3A_272 : memref<1x80x128xf32, #tpu.memory_space<vmem>> -> memref<80x128xf32, #tpu.memory_space<vmem>>
      %dma_wait3A_274 = arith.constant 0 : i32
      %dma_wait3A_275 = tpu.memref_slice %arg5[%add3A_258, %dma_wait3A_274] : memref<25x80xi32, #tpu.memory_space<vmem>> -> memref<1x80xi32, #tpu.memory_space<vmem>>
      %dma_wait3A_276 = tpu.memref_squeeze %dma_wait3A_275 : memref<1x80xi32, #tpu.memory_space<vmem>> -> memref<80xi32, #tpu.memory_space<vmem>>
      %dma_wait3A_277 = arith.constant 0 : i32
      %dma_wait3A_278 = arith.constant 0 : i32
      %dma_wait3A_279 = tpu.memref_slice %arg2[%dma_wait3A_277, %dma_wait3A_278] : memref<10000x128xf32, #tpu.memory_space<hbm>> -> memref<10000x128xf32, #tpu.memory_space<hbm>>
      %dma_wait3A_280 = tpu.memref_slice %arg7[%dma_wait3A_269] : memref<5x!tpu.dma_semaphore, #tpu.memory_space<semaphore_mem>> -> memref<1x!tpu.dma_semaphore, #tpu.memory_space<semaphore_mem>>
      %dma_wait3A_281 = tpu.memref_squeeze %dma_wait3A_280 : memref<1x!tpu.dma_semaphore, #tpu.memory_space<semaphore_mem>> -> memref<!tpu.dma_semaphore, #tpu.memory_space<semaphore_mem>>
      tpu.wait_indirect_dma semaphore(%dma_wait3A_281 : memref<!tpu.dma_semaphore, #tpu.memory_space<semaphore_mem>>) src(%dma_wait3A_279 : memref<10000x128xf32, #tpu.memory_space<hbm>>) dst(%dma_wait3A_273 : memref<80x128xf32, #tpu.memory_space<vmem>>)
      %add3A_282 = arith.addi %mul3A_2, %add3A_258 : i32
      %mul3A_283 = arith.constant 80 : i32
      %mul3A_284 = arith.muli %add3A_282, %mul3A_283 : i32
      %dma_start3A_285 = arith.constant 2 : i32
      %dma_start3A_286 = arith.constant 2 : i32
      %dma_start3A_287 = arith.constant 0 : i32
      %dma_start3A_288 = arith.constant 0 : i32
      %dma_start3A_289 = tpu.memref_slice %arg6[%dma_start3A_285, %dma_start3A_287, %dma_start3A_288] : memref<5x80x128xf32, #tpu.memory_space<vmem>> -> memref<1x80x128xf32, #tpu.memory_space<vmem>>
      %dma_start3A_290 = tpu.memref_squeeze %dma_start3A_289 : memref<1x80x128xf32, #tpu.memory_space<vmem>> -> memref<80x128xf32, #tpu.memory_space<vmem>>
      %dma_start3A_291 = arith.constant 0 : i32
      %dma_start3A_292 = tpu.memref_slice %arg4[%mul3A_284, %dma_start3A_291] : memref<64000x128xf32, #tpu.memory_space<hbm>> -> memref<80x128xf32, #tpu.memory_space<hbm>>
      %dma_start3A_293 = tpu.memref_slice %arg8[%dma_start3A_286] : memref<5x!tpu.dma_semaphore, #tpu.memory_space<semaphore_mem>> -> memref<1x!tpu.dma_semaphore, #tpu.memory_space<semaphore_mem>>
      %dma_start3A_294 = tpu.memref_squeeze %dma_start3A_293 : memref<1x!tpu.dma_semaphore, #tpu.memory_space<semaphore_mem>> -> memref<!tpu.dma_semaphore, #tpu.memory_space<semaphore_mem>>
      %dma_start3A_295 = arith.constant 0 : i32
      %dma_start3A_296 = tpu.memref_slice %arg4[%mul3A_284, %dma_start3A_295] : memref<64000x128xf32, #tpu.memory_space<hbm>> -> memref<80x128xf32, #tpu.memory_space<hbm>>
      %dma_start3A_297 = arith.constant 0 : i32
      %dma_start3A_298 = arith.constant 0 : i32
      %dma_start3A_299 = tpu.memref_slice %arg6[%dma_start3A_285, %dma_start3A_297, %dma_start3A_298] : memref<5x80x128xf32, #tpu.memory_space<vmem>> -> memref<1x80x128xf32, #tpu.memory_space<vmem>>
      %dma_start3A_300 = tpu.memref_squeeze %dma_start3A_299 : memref<1x80x128xf32, #tpu.memory_space<vmem>> -> memref<80x128xf32, #tpu.memory_space<vmem>>
      tpu.enqueue_dma source(%dma_start3A_300 : memref<80x128xf32, #tpu.memory_space<vmem>>) target(%dma_start3A_296 : memref<80x128xf32, #tpu.memory_space<hbm>>) target_semaphore(%dma_start3A_294 : memref<!tpu.dma_semaphore, #tpu.memory_space<semaphore_mem>>)
      %mul3A_301 = arith.constant 5 : i32
      %mul3A_302 = arith.muli %scan3A_166, %mul3A_301 : i32
      %add3A_303 = arith.constant 3 : i32
      %add3A_304 = arith.addi %mul3A_302, %add3A_303 : i32
      %add3A_305 = arith.constant 5 : i32
      %add3A_306 = arith.addi %add3A_304, %add3A_305 : i32
      %sub3A_307 = arith.constant 1 : i32
      %sub3A_308 = arith.subi %add3A_306, %sub3A_307 : i32
      %lt3A_309 = arith.constant 25 : i32
      %lt3A_310 = arith.cmpi slt, %sub3A_308, %lt3A_309 : i32
      %convert_element_type3A_311 = arith.extui %lt3A_310 : i1 to i32
      %cond3A_312 = arith.constant 0 : i32
      %cond3A_313 = arith.cmpi ne, %convert_element_type3A_311, %cond3A_312 : i32
      scf.if %cond3A_313 {
        %gt3A = arith.constant 0 : i32
        %gt3A_393 = arith.cmpi sgt, %add3A_304, %gt3A : i32
        %convert_element_type3A_394 = arith.extui %gt3A_393 : i1 to i32
        %cond3A_395 = arith.constant 0 : i32
        %cond3A_396 = arith.cmpi ne, %convert_element_type3A_394, %cond3A_395 : i32
        scf.if %cond3A_396 {
          %sub3A_411 = arith.constant 1 : i32
          %sub3A_412 = arith.subi %add3A_304, %sub3A_411 : i32
          %add3A_413 = arith.addi %mul3A_2, %sub3A_412 : i32
          %mul3A_414 = arith.constant 80 : i32
          %mul3A_415 = arith.muli %add3A_413, %mul3A_414 : i32
          %dma_wait3A_416 = arith.constant 2 : i32
          %dma_wait3A_417 = arith.constant 2 : i32
          %dma_wait3A_418 = arith.constant 0 : i32
          %dma_wait3A_419 = arith.constant 0 : i32
          %dma_wait3A_420 = tpu.memref_slice %arg6[%dma_wait3A_416, %dma_wait3A_418, %dma_wait3A_419] : memref<5x80x128xf32, #tpu.memory_space<vmem>> -> memref<1x80x128xf32, #tpu.memory_space<vmem>>
          %dma_wait3A_421 = tpu.memref_squeeze %dma_wait3A_420 : memref<1x80x128xf32, #tpu.memory_space<vmem>> -> memref<80x128xf32, #tpu.memory_space<vmem>>
          %dma_wait3A_422 = arith.constant 0 : i32
          %dma_wait3A_423 = tpu.memref_slice %arg4[%mul3A_415, %dma_wait3A_422] : memref<64000x128xf32, #tpu.memory_space<hbm>> -> memref<80x128xf32, #tpu.memory_space<hbm>>
          %dma_wait3A_424 = tpu.memref_slice %arg8[%dma_wait3A_417] : memref<5x!tpu.dma_semaphore, #tpu.memory_space<semaphore_mem>> -> memref<1x!tpu.dma_semaphore, #tpu.memory_space<semaphore_mem>>
          %dma_wait3A_425 = tpu.memref_squeeze %dma_wait3A_424 : memref<1x!tpu.dma_semaphore, #tpu.memory_space<semaphore_mem>> -> memref<!tpu.dma_semaphore, #tpu.memory_space<semaphore_mem>>
          %dma_wait3A_426 = arith.constant 0 : i32
          %dma_wait3A_427 = tpu.memref_slice %arg4[%mul3A_415, %dma_wait3A_426] : memref<64000x128xf32, #tpu.memory_space<hbm>> -> memref<80x128xf32, #tpu.memory_space<hbm>>
          %dma_wait3A_428 = arith.constant 0 : i32
          %dma_wait3A_429 = arith.constant 0 : i32
          %dma_wait3A_430 = tpu.memref_slice %arg6[%dma_wait3A_416, %dma_wait3A_428, %dma_wait3A_429] : memref<5x80x128xf32, #tpu.memory_space<vmem>> -> memref<1x80x128xf32, #tpu.memory_space<vmem>>
          %dma_wait3A_431 = tpu.memref_squeeze %dma_wait3A_430 : memref<1x80x128xf32, #tpu.memory_space<vmem>> -> memref<80x128xf32, #tpu.memory_space<vmem>>
          tpu.wait_dma2 semaphore(%dma_wait3A_425 : memref<!tpu.dma_semaphore, #tpu.memory_space<semaphore_mem>>) src(%dma_wait3A_431 : memref<80x128xf32, #tpu.memory_space<vmem>>) dst(%dma_wait3A_427 : memref<80x128xf32, #tpu.memory_space<hbm>>)
        } else {
        }
        %dma_start3A_397 = arith.constant 2 : i32
        %dma_start3A_398 = arith.constant 2 : i32
        %dma_start3A_399 = arith.constant 0 : i32
        %dma_start3A_400 = arith.constant 0 : i32
        %dma_start3A_401 = tpu.memref_slice %arg6[%dma_start3A_397, %dma_start3A_399, %dma_start3A_400] : memref<5x80x128xf32, #tpu.memory_space<vmem>> -> memref<1x80x128xf32, #tpu.memory_space<vmem>>
        %dma_start3A_402 = tpu.memref_squeeze %dma_start3A_401 : memref<1x80x128xf32, #tpu.memory_space<vmem>> -> memref<80x128xf32, #tpu.memory_space<vmem>>
        %dma_start3A_403 = arith.constant 0 : i32
        %dma_start3A_404 = tpu.memref_slice %arg5[%sub3A_308, %dma_start3A_403] : memref<25x80xi32, #tpu.memory_space<vmem>> -> memref<1x80xi32, #tpu.memory_space<vmem>>
        %dma_start3A_405 = tpu.memref_squeeze %dma_start3A_404 : memref<1x80xi32, #tpu.memory_space<vmem>> -> memref<80xi32, #tpu.memory_space<vmem>>
        %dma_start3A_406 = arith.constant 0 : i32
        %dma_start3A_407 = arith.constant 0 : i32
        %dma_start3A_408 = tpu.memref_slice %arg2[%dma_start3A_406, %dma_start3A_407] : memref<10000x128xf32, #tpu.memory_space<hbm>> -> memref<10000x128xf32, #tpu.memory_space<hbm>>
        %dma_start3A_409 = tpu.memref_slice %arg7[%dma_start3A_398] : memref<5x!tpu.dma_semaphore, #tpu.memory_space<semaphore_mem>> -> memref<1x!tpu.dma_semaphore, #tpu.memory_space<semaphore_mem>>
        %dma_start3A_410 = tpu.memref_squeeze %dma_start3A_409 : memref<1x!tpu.dma_semaphore, #tpu.memory_space<semaphore_mem>> -> memref<!tpu.dma_semaphore, #tpu.memory_space<semaphore_mem>>
        tpu.enqueue_indirect_dma source(%dma_start3A_408 : memref<10000x128xf32, #tpu.memory_space<hbm>>) target(%dma_start3A_402 : memref<80x128xf32, #tpu.memory_space<vmem>>) offsets(%dma_start3A_405 : memref<80xi32, #tpu.memory_space<vmem>>) semaphore(%dma_start3A_410 : memref<!tpu.dma_semaphore, #tpu.memory_space<semaphore_mem>>)
      } else {
      }
      %dma_wait3A_314 = arith.constant 3 : i32
      %dma_wait3A_315 = arith.constant 3 : i32
      %dma_wait3A_316 = arith.constant 0 : i32
      %dma_wait3A_317 = arith.constant 0 : i32
      %dma_wait3A_318 = tpu.memref_slice %arg6[%dma_wait3A_314, %dma_wait3A_316, %dma_wait3A_317] : memref<5x80x128xf32, #tpu.memory_space<vmem>> -> memref<1x80x128xf32, #tpu.memory_space<vmem>>
      %dma_wait3A_319 = tpu.memref_squeeze %dma_wait3A_318 : memref<1x80x128xf32, #tpu.memory_space<vmem>> -> memref<80x128xf32, #tpu.memory_space<vmem>>
      %dma_wait3A_320 = arith.constant 0 : i32
      %dma_wait3A_321 = tpu.memref_slice %arg5[%add3A_304, %dma_wait3A_320] : memref<25x80xi32, #tpu.memory_space<vmem>> -> memref<1x80xi32, #tpu.memory_space<vmem>>
      %dma_wait3A_322 = tpu.memref_squeeze %dma_wait3A_321 : memref<1x80xi32, #tpu.memory_space<vmem>> -> memref<80xi32, #tpu.memory_space<vmem>>
      %dma_wait3A_323 = arith.constant 0 : i32
      %dma_wait3A_324 = arith.constant 0 : i32
      %dma_wait3A_325 = tpu.memref_slice %arg2[%dma_wait3A_323, %dma_wait3A_324] : memref<10000x128xf32, #tpu.memory_space<hbm>> -> memref<10000x128xf32, #tpu.memory_space<hbm>>
      %dma_wait3A_326 = tpu.memref_slice %arg7[%dma_wait3A_315] : memref<5x!tpu.dma_semaphore, #tpu.memory_space<semaphore_mem>> -> memref<1x!tpu.dma_semaphore, #tpu.memory_space<semaphore_mem>>
      %dma_wait3A_327 = tpu.memref_squeeze %dma_wait3A_326 : memref<1x!tpu.dma_semaphore, #tpu.memory_space<semaphore_mem>> -> memref<!tpu.dma_semaphore, #tpu.memory_space<semaphore_mem>>
      tpu.wait_indirect_dma semaphore(%dma_wait3A_327 : memref<!tpu.dma_semaphore, #tpu.memory_space<semaphore_mem>>) src(%dma_wait3A_325 : memref<10000x128xf32, #tpu.memory_space<hbm>>) dst(%dma_wait3A_319 : memref<80x128xf32, #tpu.memory_space<vmem>>)
      %add3A_328 = arith.addi %mul3A_2, %add3A_304 : i32
      %mul3A_329 = arith.constant 80 : i32
      %mul3A_330 = arith.muli %add3A_328, %mul3A_329 : i32
      %dma_start3A_331 = arith.constant 3 : i32
      %dma_start3A_332 = arith.constant 3 : i32
      %dma_start3A_333 = arith.constant 0 : i32
      %dma_start3A_334 = arith.constant 0 : i32
      %dma_start3A_335 = tpu.memref_slice %arg6[%dma_start3A_331, %dma_start3A_333, %dma_start3A_334] : memref<5x80x128xf32, #tpu.memory_space<vmem>> -> memref<1x80x128xf32, #tpu.memory_space<vmem>>
      %dma_start3A_336 = tpu.memref_squeeze %dma_start3A_335 : memref<1x80x128xf32, #tpu.memory_space<vmem>> -> memref<80x128xf32, #tpu.memory_space<vmem>>
      %dma_start3A_337 = arith.constant 0 : i32
      %dma_start3A_338 = tpu.memref_slice %arg4[%mul3A_330, %dma_start3A_337] : memref<64000x128xf32, #tpu.memory_space<hbm>> -> memref<80x128xf32, #tpu.memory_space<hbm>>
      %dma_start3A_339 = tpu.memref_slice %arg8[%dma_start3A_332] : memref<5x!tpu.dma_semaphore, #tpu.memory_space<semaphore_mem>> -> memref<1x!tpu.dma_semaphore, #tpu.memory_space<semaphore_mem>>
      %dma_start3A_340 = tpu.memref_squeeze %dma_start3A_339 : memref<1x!tpu.dma_semaphore, #tpu.memory_space<semaphore_mem>> -> memref<!tpu.dma_semaphore, #tpu.memory_space<semaphore_mem>>
      %dma_start3A_341 = arith.constant 0 : i32
      %dma_start3A_342 = tpu.memref_slice %arg4[%mul3A_330, %dma_start3A_341] : memref<64000x128xf32, #tpu.memory_space<hbm>> -> memref<80x128xf32, #tpu.memory_space<hbm>>
      %dma_start3A_343 = arith.constant 0 : i32
      %dma_start3A_344 = arith.constant 0 : i32
      %dma_start3A_345 = tpu.memref_slice %arg6[%dma_start3A_331, %dma_start3A_343, %dma_start3A_344] : memref<5x80x128xf32, #tpu.memory_space<vmem>> -> memref<1x80x128xf32, #tpu.memory_space<vmem>>
      %dma_start3A_346 = tpu.memref_squeeze %dma_start3A_345 : memref<1x80x128xf32, #tpu.memory_space<vmem>> -> memref<80x128xf32, #tpu.memory_space<vmem>>
      tpu.enqueue_dma source(%dma_start3A_346 : memref<80x128xf32, #tpu.memory_space<vmem>>) target(%dma_start3A_342 : memref<80x128xf32, #tpu.memory_space<hbm>>) target_semaphore(%dma_start3A_340 : memref<!tpu.dma_semaphore, #tpu.memory_space<semaphore_mem>>)
      %mul3A_347 = arith.constant 5 : i32
      %mul3A_348 = arith.muli %scan3A_166, %mul3A_347 : i32
      %add3A_349 = arith.constant 4 : i32
      %add3A_350 = arith.addi %mul3A_348, %add3A_349 : i32
      %add3A_351 = arith.constant 5 : i32
      %add3A_352 = arith.addi %add3A_350, %add3A_351 : i32
      %sub3A_353 = arith.constant 1 : i32
      %sub3A_354 = arith.subi %add3A_352, %sub3A_353 : i32
      %lt3A_355 = arith.constant 25 : i32
      %lt3A_356 = arith.cmpi slt, %sub3A_354, %lt3A_355 : i32
      %convert_element_type3A_357 = arith.extui %lt3A_356 : i1 to i32
      %cond3A_358 = arith.constant 0 : i32
      %cond3A_359 = arith.cmpi ne, %convert_element_type3A_357, %cond3A_358 : i32
      scf.if %cond3A_359 {
        %gt3A = arith.constant 0 : i32
        %gt3A_393 = arith.cmpi sgt, %add3A_350, %gt3A : i32
        %convert_element_type3A_394 = arith.extui %gt3A_393 : i1 to i32
        %cond3A_395 = arith.constant 0 : i32
        %cond3A_396 = arith.cmpi ne, %convert_element_type3A_394, %cond3A_395 : i32
        scf.if %cond3A_396 {
          %sub3A_411 = arith.constant 1 : i32
          %sub3A_412 = arith.subi %add3A_350, %sub3A_411 : i32
          %add3A_413 = arith.addi %mul3A_2, %sub3A_412 : i32
          %mul3A_414 = arith.constant 80 : i32
          %mul3A_415 = arith.muli %add3A_413, %mul3A_414 : i32
          %dma_wait3A_416 = arith.constant 3 : i32
          %dma_wait3A_417 = arith.constant 3 : i32
          %dma_wait3A_418 = arith.constant 0 : i32
          %dma_wait3A_419 = arith.constant 0 : i32
          %dma_wait3A_420 = tpu.memref_slice %arg6[%dma_wait3A_416, %dma_wait3A_418, %dma_wait3A_419] : memref<5x80x128xf32, #tpu.memory_space<vmem>> -> memref<1x80x128xf32, #tpu.memory_space<vmem>>
          %dma_wait3A_421 = tpu.memref_squeeze %dma_wait3A_420 : memref<1x80x128xf32, #tpu.memory_space<vmem>> -> memref<80x128xf32, #tpu.memory_space<vmem>>
          %dma_wait3A_422 = arith.constant 0 : i32
          %dma_wait3A_423 = tpu.memref_slice %arg4[%mul3A_415, %dma_wait3A_422] : memref<64000x128xf32, #tpu.memory_space<hbm>> -> memref<80x128xf32, #tpu.memory_space<hbm>>
          %dma_wait3A_424 = tpu.memref_slice %arg8[%dma_wait3A_417] : memref<5x!tpu.dma_semaphore, #tpu.memory_space<semaphore_mem>> -> memref<1x!tpu.dma_semaphore, #tpu.memory_space<semaphore_mem>>
          %dma_wait3A_425 = tpu.memref_squeeze %dma_wait3A_424 : memref<1x!tpu.dma_semaphore, #tpu.memory_space<semaphore_mem>> -> memref<!tpu.dma_semaphore, #tpu.memory_space<semaphore_mem>>
          %dma_wait3A_426 = arith.constant 0 : i32
          %dma_wait3A_427 = tpu.memref_slice %arg4[%mul3A_415, %dma_wait3A_426] : memref<64000x128xf32, #tpu.memory_space<hbm>> -> memref<80x128xf32, #tpu.memory_space<hbm>>
          %dma_wait3A_428 = arith.constant 0 : i32
          %dma_wait3A_429 = arith.constant 0 : i32
          %dma_wait3A_430 = tpu.memref_slice %arg6[%dma_wait3A_416, %dma_wait3A_428, %dma_wait3A_429] : memref<5x80x128xf32, #tpu.memory_space<vmem>> -> memref<1x80x128xf32, #tpu.memory_space<vmem>>
          %dma_wait3A_431 = tpu.memref_squeeze %dma_wait3A_430 : memref<1x80x128xf32, #tpu.memory_space<vmem>> -> memref<80x128xf32, #tpu.memory_space<vmem>>
          tpu.wait_dma2 semaphore(%dma_wait3A_425 : memref<!tpu.dma_semaphore, #tpu.memory_space<semaphore_mem>>) src(%dma_wait3A_431 : memref<80x128xf32, #tpu.memory_space<vmem>>) dst(%dma_wait3A_427 : memref<80x128xf32, #tpu.memory_space<hbm>>)
        } else {
        }
        %dma_start3A_397 = arith.constant 3 : i32
        %dma_start3A_398 = arith.constant 3 : i32
        %dma_start3A_399 = arith.constant 0 : i32
        %dma_start3A_400 = arith.constant 0 : i32
        %dma_start3A_401 = tpu.memref_slice %arg6[%dma_start3A_397, %dma_start3A_399, %dma_start3A_400] : memref<5x80x128xf32, #tpu.memory_space<vmem>> -> memref<1x80x128xf32, #tpu.memory_space<vmem>>
        %dma_start3A_402 = tpu.memref_squeeze %dma_start3A_401 : memref<1x80x128xf32, #tpu.memory_space<vmem>> -> memref<80x128xf32, #tpu.memory_space<vmem>>
        %dma_start3A_403 = arith.constant 0 : i32
        %dma_start3A_404 = tpu.memref_slice %arg5[%sub3A_354, %dma_start3A_403] : memref<25x80xi32, #tpu.memory_space<vmem>> -> memref<1x80xi32, #tpu.memory_space<vmem>>
        %dma_start3A_405 = tpu.memref_squeeze %dma_start3A_404 : memref<1x80xi32, #tpu.memory_space<vmem>> -> memref<80xi32, #tpu.memory_space<vmem>>
        %dma_start3A_406 = arith.constant 0 : i32
        %dma_start3A_407 = arith.constant 0 : i32
        %dma_start3A_408 = tpu.memref_slice %arg2[%dma_start3A_406, %dma_start3A_407] : memref<10000x128xf32, #tpu.memory_space<hbm>> -> memref<10000x128xf32, #tpu.memory_space<hbm>>
        %dma_start3A_409 = tpu.memref_slice %arg7[%dma_start3A_398] : memref<5x!tpu.dma_semaphore, #tpu.memory_space<semaphore_mem>> -> memref<1x!tpu.dma_semaphore, #tpu.memory_space<semaphore_mem>>
        %dma_start3A_410 = tpu.memref_squeeze %dma_start3A_409 : memref<1x!tpu.dma_semaphore, #tpu.memory_space<semaphore_mem>> -> memref<!tpu.dma_semaphore, #tpu.memory_space<semaphore_mem>>
        tpu.enqueue_indirect_dma source(%dma_start3A_408 : memref<10000x128xf32, #tpu.memory_space<hbm>>) target(%dma_start3A_402 : memref<80x128xf32, #tpu.memory_space<vmem>>) offsets(%dma_start3A_405 : memref<80xi32, #tpu.memory_space<vmem>>) semaphore(%dma_start3A_410 : memref<!tpu.dma_semaphore, #tpu.memory_space<semaphore_mem>>)
      } else {
      }
      %dma_wait3A_360 = arith.constant 4 : i32
      %dma_wait3A_361 = arith.constant 4 : i32
      %dma_wait3A_362 = arith.constant 0 : i32
      %dma_wait3A_363 = arith.constant 0 : i32
      %dma_wait3A_364 = tpu.memref_slice %arg6[%dma_wait3A_360, %dma_wait3A_362, %dma_wait3A_363] : memref<5x80x128xf32, #tpu.memory_space<vmem>> -> memref<1x80x128xf32, #tpu.memory_space<vmem>>
      %dma_wait3A_365 = tpu.memref_squeeze %dma_wait3A_364 : memref<1x80x128xf32, #tpu.memory_space<vmem>> -> memref<80x128xf32, #tpu.memory_space<vmem>>
      %dma_wait3A_366 = arith.constant 0 : i32
      %dma_wait3A_367 = tpu.memref_slice %arg5[%add3A_350, %dma_wait3A_366] : memref<25x80xi32, #tpu.memory_space<vmem>> -> memref<1x80xi32, #tpu.memory_space<vmem>>
      %dma_wait3A_368 = tpu.memref_squeeze %dma_wait3A_367 : memref<1x80xi32, #tpu.memory_space<vmem>> -> memref<80xi32, #tpu.memory_space<vmem>>
      %dma_wait3A_369 = arith.constant 0 : i32
      %dma_wait3A_370 = arith.constant 0 : i32
      %dma_wait3A_371 = tpu.memref_slice %arg2[%dma_wait3A_369, %dma_wait3A_370] : memref<10000x128xf32, #tpu.memory_space<hbm>> -> memref<10000x128xf32, #tpu.memory_space<hbm>>
      %dma_wait3A_372 = tpu.memref_slice %arg7[%dma_wait3A_361] : memref<5x!tpu.dma_semaphore, #tpu.memory_space<semaphore_mem>> -> memref<1x!tpu.dma_semaphore, #tpu.memory_space<semaphore_mem>>
      %dma_wait3A_373 = tpu.memref_squeeze %dma_wait3A_372 : memref<1x!tpu.dma_semaphore, #tpu.memory_space<semaphore_mem>> -> memref<!tpu.dma_semaphore, #tpu.memory_space<semaphore_mem>>
      tpu.wait_indirect_dma semaphore(%dma_wait3A_373 : memref<!tpu.dma_semaphore, #tpu.memory_space<semaphore_mem>>) src(%dma_wait3A_371 : memref<10000x128xf32, #tpu.memory_space<hbm>>) dst(%dma_wait3A_365 : memref<80x128xf32, #tpu.memory_space<vmem>>)
      %add3A_374 = arith.addi %mul3A_2, %add3A_350 : i32
      %mul3A_375 = arith.constant 80 : i32
      %mul3A_376 = arith.muli %add3A_374, %mul3A_375 : i32
      %dma_start3A_377 = arith.constant 4 : i32
      %dma_start3A_378 = arith.constant 4 : i32
      %dma_start3A_379 = arith.constant 0 : i32
      %dma_start3A_380 = arith.constant 0 : i32
      %dma_start3A_381 = tpu.memref_slice %arg6[%dma_start3A_377, %dma_start3A_379, %dma_start3A_380] : memref<5x80x128xf32, #tpu.memory_space<vmem>> -> memref<1x80x128xf32, #tpu.memory_space<vmem>>
      %dma_start3A_382 = tpu.memref_squeeze %dma_start3A_381 : memref<1x80x128xf32, #tpu.memory_space<vmem>> -> memref<80x128xf32, #tpu.memory_space<vmem>>
      %dma_start3A_383 = arith.constant 0 : i32
      %dma_start3A_384 = tpu.memref_slice %arg4[%mul3A_376, %dma_start3A_383] : memref<64000x128xf32, #tpu.memory_space<hbm>> -> memref<80x128xf32, #tpu.memory_space<hbm>>
      %dma_start3A_385 = tpu.memref_slice %arg8[%dma_start3A_378] : memref<5x!tpu.dma_semaphore, #tpu.memory_space<semaphore_mem>> -> memref<1x!tpu.dma_semaphore, #tpu.memory_space<semaphore_mem>>
      %dma_start3A_386 = tpu.memref_squeeze %dma_start3A_385 : memref<1x!tpu.dma_semaphore, #tpu.memory_space<semaphore_mem>> -> memref<!tpu.dma_semaphore, #tpu.memory_space<semaphore_mem>>
      %dma_start3A_387 = arith.constant 0 : i32
      %dma_start3A_388 = tpu.memref_slice %arg4[%mul3A_376, %dma_start3A_387] : memref<64000x128xf32, #tpu.memory_space<hbm>> -> memref<80x128xf32, #tpu.memory_space<hbm>>
      %dma_start3A_389 = arith.constant 0 : i32
      %dma_start3A_390 = arith.constant 0 : i32
      %dma_start3A_391 = tpu.memref_slice %arg6[%dma_start3A_377, %dma_start3A_389, %dma_start3A_390] : memref<5x80x128xf32, #tpu.memory_space<vmem>> -> memref<1x80x128xf32, #tpu.memory_space<vmem>>
      %dma_start3A_392 = tpu.memref_squeeze %dma_start3A_391 : memref<1x80x128xf32, #tpu.memory_space<vmem>> -> memref<80x128xf32, #tpu.memory_space<vmem>>
      tpu.enqueue_dma source(%dma_start3A_392 : memref<80x128xf32, #tpu.memory_space<vmem>>) target(%dma_start3A_388 : memref<80x128xf32, #tpu.memory_space<hbm>>) target_semaphore(%dma_start3A_386 : memref<!tpu.dma_semaphore, #tpu.memory_space<semaphore_mem>>)
    }
    %scan3A_66 = arith.constant 5 : i32
    %add3A_67 = arith.constant 20 : i32
    %add3A_68 = arith.addi %mul3A_2, %add3A_67 : i32
    %mul3A_69 = arith.constant 80 : i32
    %mul3A_70 = arith.muli %add3A_68, %mul3A_69 : i32
    %dma_wait3A = arith.constant 0 : i32
    %dma_wait3A_71 = arith.constant 0 : i32
    %dma_wait3A_72 = arith.constant 0 : i32
    %dma_wait3A_73 = arith.constant 0 : i32
    %dma_wait3A_74 = tpu.memref_slice %arg6[%dma_wait3A, %dma_wait3A_72, %dma_wait3A_73] : memref<5x80x128xf32, #tpu.memory_space<vmem>> -> memref<1x80x128xf32, #tpu.memory_space<vmem>>
    %dma_wait3A_75 = tpu.memref_squeeze %dma_wait3A_74 : memref<1x80x128xf32, #tpu.memory_space<vmem>> -> memref<80x128xf32, #tpu.memory_space<vmem>>
    %dma_wait3A_76 = arith.constant 0 : i32
    %dma_wait3A_77 = tpu.memref_slice %arg4[%mul3A_70, %dma_wait3A_76] : memref<64000x128xf32, #tpu.memory_space<hbm>> -> memref<80x128xf32, #tpu.memory_space<hbm>>
    %dma_wait3A_78 = tpu.memref_slice %arg8[%dma_wait3A_71] : memref<5x!tpu.dma_semaphore, #tpu.memory_space<semaphore_mem>> -> memref<1x!tpu.dma_semaphore, #tpu.memory_space<semaphore_mem>>
    %dma_wait3A_79 = tpu.memref_squeeze %dma_wait3A_78 : memref<1x!tpu.dma_semaphore, #tpu.memory_space<semaphore_mem>> -> memref<!tpu.dma_semaphore, #tpu.memory_space<semaphore_mem>>
    %dma_wait3A_80 = arith.constant 0 : i32
    %dma_wait3A_81 = tpu.memref_slice %arg4[%mul3A_70, %dma_wait3A_80] : memref<64000x128xf32, #tpu.memory_space<hbm>> -> memref<80x128xf32, #tpu.memory_space<hbm>>
    %dma_wait3A_82 = arith.constant 0 : i32
    %dma_wait3A_83 = arith.constant 0 : i32
    %dma_wait3A_84 = tpu.memref_slice %arg6[%dma_wait3A, %dma_wait3A_82, %dma_wait3A_83] : memref<5x80x128xf32, #tpu.memory_space<vmem>> -> memref<1x80x128xf32, #tpu.memory_space<vmem>>
    %dma_wait3A_85 = tpu.memref_squeeze %dma_wait3A_84 : memref<1x80x128xf32, #tpu.memory_space<vmem>> -> memref<80x128xf32, #tpu.memory_space<vmem>>
    tpu.wait_dma2 semaphore(%dma_wait3A_79 : memref<!tpu.dma_semaphore, #tpu.memory_space<semaphore_mem>>) src(%dma_wait3A_85 : memref<80x128xf32, #tpu.memory_space<vmem>>) dst(%dma_wait3A_81 : memref<80x128xf32, #tpu.memory_space<hbm>>)
    %add3A_86 = arith.constant 21 : i32
    %add3A_87 = arith.addi %mul3A_2, %add3A_86 : i32
    %mul3A_88 = arith.constant 80 : i32
    %mul3A_89 = arith.muli %add3A_87, %mul3A_88 : i32
    %dma_wait3A_90 = arith.constant 1 : i32
    %dma_wait3A_91 = arith.constant 1 : i32
    %dma_wait3A_92 = arith.constant 0 : i32
    %dma_wait3A_93 = arith.constant 0 : i32
    %dma_wait3A_94 = tpu.memref_slice %arg6[%dma_wait3A_90, %dma_wait3A_92, %dma_wait3A_93] : memref<5x80x128xf32, #tpu.memory_space<vmem>> -> memref<1x80x128xf32, #tpu.memory_space<vmem>>
    %dma_wait3A_95 = tpu.memref_squeeze %dma_wait3A_94 : memref<1x80x128xf32, #tpu.memory_space<vmem>> -> memref<80x128xf32, #tpu.memory_space<vmem>>
    %dma_wait3A_96 = arith.constant 0 : i32
    %dma_wait3A_97 = tpu.memref_slice %arg4[%mul3A_89, %dma_wait3A_96] : memref<64000x128xf32, #tpu.memory_space<hbm>> -> memref<80x128xf32, #tpu.memory_space<hbm>>
    %dma_wait3A_98 = tpu.memref_slice %arg8[%dma_wait3A_91] : memref<5x!tpu.dma_semaphore, #tpu.memory_space<semaphore_mem>> -> memref<1x!tpu.dma_semaphore, #tpu.memory_space<semaphore_mem>>
    %dma_wait3A_99 = tpu.memref_squeeze %dma_wait3A_98 : memref<1x!tpu.dma_semaphore, #tpu.memory_space<semaphore_mem>> -> memref<!tpu.dma_semaphore, #tpu.memory_space<semaphore_mem>>
    %dma_wait3A_100 = arith.constant 0 : i32
    %dma_wait3A_101 = tpu.memref_slice %arg4[%mul3A_89, %dma_wait3A_100] : memref<64000x128xf32, #tpu.memory_space<hbm>> -> memref<80x128xf32, #tpu.memory_space<hbm>>
    %dma_wait3A_102 = arith.constant 0 : i32
    %dma_wait3A_103 = arith.constant 0 : i32
    %dma_wait3A_104 = tpu.memref_slice %arg6[%dma_wait3A_90, %dma_wait3A_102, %dma_wait3A_103] : memref<5x80x128xf32, #tpu.memory_space<vmem>> -> memref<1x80x128xf32, #tpu.memory_space<vmem>>
    %dma_wait3A_105 = tpu.memref_squeeze %dma_wait3A_104 : memref<1x80x128xf32, #tpu.memory_space<vmem>> -> memref<80x128xf32, #tpu.memory_space<vmem>>
    tpu.wait_dma2 semaphore(%dma_wait3A_99 : memref<!tpu.dma_semaphore, #tpu.memory_space<semaphore_mem>>) src(%dma_wait3A_105 : memref<80x128xf32, #tpu.memory_space<vmem>>) dst(%dma_wait3A_101 : memref<80x128xf32, #tpu.memory_space<hbm>>)
    %add3A_106 = arith.constant 22 : i32
    %add3A_107 = arith.addi %mul3A_2, %add3A_106 : i32
    %mul3A_108 = arith.constant 80 : i32
    %mul3A_109 = arith.muli %add3A_107, %mul3A_108 : i32
    %dma_wait3A_110 = arith.constant 2 : i32
    %dma_wait3A_111 = arith.constant 2 : i32
    %dma_wait3A_112 = arith.constant 0 : i32
    %dma_wait3A_113 = arith.constant 0 : i32
    %dma_wait3A_114 = tpu.memref_slice %arg6[%dma_wait3A_110, %dma_wait3A_112, %dma_wait3A_113] : memref<5x80x128xf32, #tpu.memory_space<vmem>> -> memref<1x80x128xf32, #tpu.memory_space<vmem>>
    %dma_wait3A_115 = tpu.memref_squeeze %dma_wait3A_114 : memref<1x80x128xf32, #tpu.memory_space<vmem>> -> memref<80x128xf32, #tpu.memory_space<vmem>>
    %dma_wait3A_116 = arith.constant 0 : i32
    %dma_wait3A_117 = tpu.memref_slice %arg4[%mul3A_109, %dma_wait3A_116] : memref<64000x128xf32, #tpu.memory_space<hbm>> -> memref<80x128xf32, #tpu.memory_space<hbm>>
    %dma_wait3A_118 = tpu.memref_slice %arg8[%dma_wait3A_111] : memref<5x!tpu.dma_semaphore, #tpu.memory_space<semaphore_mem>> -> memref<1x!tpu.dma_semaphore, #tpu.memory_space<semaphore_mem>>
    %dma_wait3A_119 = tpu.memref_squeeze %dma_wait3A_118 : memref<1x!tpu.dma_semaphore, #tpu.memory_space<semaphore_mem>> -> memref<!tpu.dma_semaphore, #tpu.memory_space<semaphore_mem>>
    %dma_wait3A_120 = arith.constant 0 : i32
    %dma_wait3A_121 = tpu.memref_slice %arg4[%mul3A_109, %dma_wait3A_120] : memref<64000x128xf32, #tpu.memory_space<hbm>> -> memref<80x128xf32, #tpu.memory_space<hbm>>
    %dma_wait3A_122 = arith.constant 0 : i32
    %dma_wait3A_123 = arith.constant 0 : i32
    %dma_wait3A_124 = tpu.memref_slice %arg6[%dma_wait3A_110, %dma_wait3A_122, %dma_wait3A_123] : memref<5x80x128xf32, #tpu.memory_space<vmem>> -> memref<1x80x128xf32, #tpu.memory_space<vmem>>
    %dma_wait3A_125 = tpu.memref_squeeze %dma_wait3A_124 : memref<1x80x128xf32, #tpu.memory_space<vmem>> -> memref<80x128xf32, #tpu.memory_space<vmem>>
    tpu.wait_dma2 semaphore(%dma_wait3A_119 : memref<!tpu.dma_semaphore, #tpu.memory_space<semaphore_mem>>) src(%dma_wait3A_125 : memref<80x128xf32, #tpu.memory_space<vmem>>) dst(%dma_wait3A_121 : memref<80x128xf32, #tpu.memory_space<hbm>>)
    %add3A_126 = arith.constant 23 : i32
    %add3A_127 = arith.addi %mul3A_2, %add3A_126 : i32
    %mul3A_128 = arith.constant 80 : i32
    %mul3A_129 = arith.muli %add3A_127, %mul3A_128 : i32
    %dma_wait3A_130 = arith.constant 3 : i32
    %dma_wait3A_131 = arith.constant 3 : i32
    %dma_wait3A_132 = arith.constant 0 : i32
    %dma_wait3A_133 = arith.constant 0 : i32
    %dma_wait3A_134 = tpu.memref_slice %arg6[%dma_wait3A_130, %dma_wait3A_132, %dma_wait3A_133] : memref<5x80x128xf32, #tpu.memory_space<vmem>> -> memref<1x80x128xf32, #tpu.memory_space<vmem>>
    %dma_wait3A_135 = tpu.memref_squeeze %dma_wait3A_134 : memref<1x80x128xf32, #tpu.memory_space<vmem>> -> memref<80x128xf32, #tpu.memory_space<vmem>>
    %dma_wait3A_136 = arith.constant 0 : i32
    %dma_wait3A_137 = tpu.memref_slice %arg4[%mul3A_129, %dma_wait3A_136] : memref<64000x128xf32, #tpu.memory_space<hbm>> -> memref<80x128xf32, #tpu.memory_space<hbm>>
    %dma_wait3A_138 = tpu.memref_slice %arg8[%dma_wait3A_131] : memref<5x!tpu.dma_semaphore, #tpu.memory_space<semaphore_mem>> -> memref<1x!tpu.dma_semaphore, #tpu.memory_space<semaphore_mem>>
    %dma_wait3A_139 = tpu.memref_squeeze %dma_wait3A_138 : memref<1x!tpu.dma_semaphore, #tpu.memory_space<semaphore_mem>> -> memref<!tpu.dma_semaphore, #tpu.memory_space<semaphore_mem>>
    %dma_wait3A_140 = arith.constant 0 : i32
    %dma_wait3A_141 = tpu.memref_slice %arg4[%mul3A_129, %dma_wait3A_140] : memref<64000x128xf32, #tpu.memory_space<hbm>> -> memref<80x128xf32, #tpu.memory_space<hbm>>
    %dma_wait3A_142 = arith.constant 0 : i32
    %dma_wait3A_143 = arith.constant 0 : i32
    %dma_wait3A_144 = tpu.memref_slice %arg6[%dma_wait3A_130, %dma_wait3A_142, %dma_wait3A_143] : memref<5x80x128xf32, #tpu.memory_space<vmem>> -> memref<1x80x128xf32, #tpu.memory_space<vmem>>
    %dma_wait3A_145 = tpu.memref_squeeze %dma_wait3A_144 : memref<1x80x128xf32, #tpu.memory_space<vmem>> -> memref<80x128xf32, #tpu.memory_space<vmem>>
    tpu.wait_dma2 semaphore(%dma_wait3A_139 : memref<!tpu.dma_semaphore, #tpu.memory_space<semaphore_mem>>) src(%dma_wait3A_145 : memref<80x128xf32, #tpu.memory_space<vmem>>) dst(%dma_wait3A_141 : memref<80x128xf32, #tpu.memory_space<hbm>>)
    %add3A_146 = arith.constant 24 : i32
    %add3A_147 = arith.addi %mul3A_2, %add3A_146 : i32
    %mul3A_148 = arith.constant 80 : i32
    %mul3A_149 = arith.muli %add3A_147, %mul3A_148 : i32
    %dma_wait3A_150 = arith.constant 4 : i32
    %dma_wait3A_151 = arith.constant 4 : i32
    %dma_wait3A_152 = arith.constant 0 : i32
    %dma_wait3A_153 = arith.constant 0 : i32
    %dma_wait3A_154 = tpu.memref_slice %arg6[%dma_wait3A_150, %dma_wait3A_152, %dma_wait3A_153] : memref<5x80x128xf32, #tpu.memory_space<vmem>> -> memref<1x80x128xf32, #tpu.memory_space<vmem>>
    %dma_wait3A_155 = tpu.memref_squeeze %dma_wait3A_154 : memref<1x80x128xf32, #tpu.memory_space<vmem>> -> memref<80x128xf32, #tpu.memory_space<vmem>>
    %dma_wait3A_156 = arith.constant 0 : i32
    %dma_wait3A_157 = tpu.memref_slice %arg4[%mul3A_149, %dma_wait3A_156] : memref<64000x128xf32, #tpu.memory_space<hbm>> -> memref<80x128xf32, #tpu.memory_space<hbm>>
    %dma_wait3A_158 = tpu.memref_slice %arg8[%dma_wait3A_151] : memref<5x!tpu.dma_semaphore, #tpu.memory_space<semaphore_mem>> -> memref<1x!tpu.dma_semaphore, #tpu.memory_space<semaphore_mem>>
    %dma_wait3A_159 = tpu.memref_squeeze %dma_wait3A_158 : memref<1x!tpu.dma_semaphore, #tpu.memory_space<semaphore_mem>> -> memref<!tpu.dma_semaphore, #tpu.memory_space<semaphore_mem>>
    %dma_wait3A_160 = arith.constant 0 : i32
    %dma_wait3A_161 = tpu.memref_slice %arg4[%mul3A_149, %dma_wait3A_160] : memref<64000x128xf32, #tpu.memory_space<hbm>> -> memref<80x128xf32, #tpu.memory_space<hbm>>
    %dma_wait3A_162 = arith.constant 0 : i32
    %dma_wait3A_163 = arith.constant 0 : i32
    %dma_wait3A_164 = tpu.memref_slice %arg6[%dma_wait3A_150, %dma_wait3A_162, %dma_wait3A_163] : memref<5x80x128xf32, #tpu.memory_space<vmem>> -> memref<1x80x128xf32, #tpu.memory_space<vmem>>
    %dma_wait3A_165 = tpu.memref_squeeze %dma_wait3A_164 : memref<1x80x128xf32, #tpu.memory_space<vmem>> -> memref<80x128xf32, #tpu.memory_space<vmem>>
    tpu.wait_dma2 semaphore(%dma_wait3A_159 : memref<!tpu.dma_semaphore, #tpu.memory_space<semaphore_mem>>) src(%dma_wait3A_165 : memref<80x128xf32, #tpu.memory_space<vmem>>) dst(%dma_wait3A_161 : memref<80x128xf32, #tpu.memory_space<hbm>>)
    return
  }
}

module attributes {stable_mosaic.version = 14 : i64} {
  func.func @_routing_body(%arg0: i32, %arg1: memref<12800x128xf32, #tpu.memory_space<vmem>>, %arg2: memref<400x128xf32, #tpu.memory_space<vmem>>, %arg3: memref<400x128xf32, #tpu.memory_space<vmem>>) attributes {dimension_semantics = [#tpu.dimension_semantics<arbitrary>], iteration_bounds = array<i64: 5>, scalar_prefetch = 0 : i64, scratch_operands = 0 : i64, tpu.core_type = #tpu.core_type<tc>, window_params = [{transform_indices = @transform_0, window_bounds = array<i64: 12800, 128>}, {transform_indices = @transform_1, window_bounds = array<i64: 400, 128>}, {transform_indices = @transform_2, window_bounds = array<i64: 400, 128>}]} {
    %get3A = arith.constant 0 : index
    %get3A_0 = arith.constant 0 : index
    %get3A_1 = vector.load %arg1[%get3A, %get3A_0] : memref<12800x128xf32, #tpu.memory_space<vmem>>, vector<12800x128xf32>
    %get3A_2 = arith.constant 0 : index
    %get3A_3 = arith.constant 0 : index
    %get3A_4 = vector.load %arg2[%get3A_2, %get3A_3] : memref<400x128xf32, #tpu.memory_space<vmem>>, vector<400x128xf32>
    %broadcast_in_dim3A = arith.constant 1.000000e+00 : f32
    %broadcast_in_dim3A_5 = vector.broadcast %broadcast_in_dim3A : f32 to vector<128x128xf32>
    %mul3A = arith.mulf %get3A_1, %get3A_1 : vector<12800x128xf32>
    %dot_general3A = arith.constant dense<0.000000e+00> : vector<12800x128xf32>
    %dot_general3A_6 = tpu.matmul %mul3A, %broadcast_in_dim3A_5, %dot_general3A {dimension_numbers = #tpu.dot_dimension_numbers<[1], [0], [0], [1], [0, 0, 1, 1], [], []>, transpose_lhs_hint = false} : vector<12800x128xf32>, vector<128x128xf32>, vector<12800x128xf32> -> vector<12800x128xf32>
    %max3A = arith.constant 1.000000e-24 : f32
    %max3A_7 = vector.broadcast %max3A : f32 to vector<12800x128xf32>
    %max3A_8 = arith.maximumf %dot_general3A_6, %max3A_7 : vector<12800x128xf32>
    %rsqrt3A = math.rsqrt %max3A_8 : vector<12800x128xf32>
    %mul3A_9 = arith.mulf %get3A_1, %rsqrt3A : vector<12800x128xf32>
    %mul3A_10 = arith.mulf %get3A_4, %get3A_4 : vector<400x128xf32>
    %dot_general3A_11 = arith.constant dense<0.000000e+00> : vector<400x128xf32>
    %dot_general3A_12 = tpu.matmul %mul3A_10, %broadcast_in_dim3A_5, %dot_general3A_11 {dimension_numbers = #tpu.dot_dimension_numbers<[1], [0], [0], [1], [0, 0, 1, 1], [], []>, transpose_lhs_hint = false} : vector<400x128xf32>, vector<128x128xf32>, vector<400x128xf32> -> vector<400x128xf32>
    %max3A_13 = arith.constant 1.000000e-24 : f32
    %max3A_14 = vector.broadcast %max3A_13 : f32 to vector<400x128xf32>
    %max3A_15 = arith.maximumf %dot_general3A_12, %max3A_14 : vector<400x128xf32>
    %rsqrt3A_16 = math.rsqrt %max3A_15 : vector<400x128xf32>
    %mul3A_17 = arith.mulf %get3A_4, %rsqrt3A_16 : vector<400x128xf32>
    %reshape3A = vector.shape_cast %mul3A_9 : vector<12800x128xf32> to vector<400x32x128xf32>
    %reduce_sum3A = arith.constant dense<0.000000e+00> : vector<400x128xf32>
    %reduce_sum3A_18 = vector.multi_reduction <add>, %reshape3A, %reduce_sum3A [1] : vector<400x32x128xf32> to vector<400x128xf32>
    %mul3A_19 = arith.constant 3.125000e-02 : f32
    %mul3A_20 = vector.broadcast %mul3A_19 : f32 to vector<400x128xf32>
    %mul3A_21 = arith.mulf %reduce_sum3A_18, %mul3A_20 : vector<400x128xf32>
    %add3A = arith.addf %mul3A_21, %mul3A_17 : vector<400x128xf32>
    %mul3A_22 = arith.mulf %add3A, %add3A : vector<400x128xf32>
    %dot_general3A_23 = arith.constant dense<0.000000e+00> : vector<400x128xf32>
    %dot_general3A_24 = tpu.matmul %mul3A_22, %broadcast_in_dim3A_5, %dot_general3A_23 {dimension_numbers = #tpu.dot_dimension_numbers<[1], [0], [0], [1], [0, 0, 1, 1], [], []>, transpose_lhs_hint = false} : vector<400x128xf32>, vector<128x128xf32>, vector<400x128xf32> -> vector<400x128xf32>
    %max3A_25 = arith.constant 1.000000e-24 : f32
    %max3A_26 = vector.broadcast %max3A_25 : f32 to vector<400x128xf32>
    %max3A_27 = arith.maximumf %dot_general3A_24, %max3A_26 : vector<400x128xf32>
    %rsqrt3A_28 = math.rsqrt %max3A_27 : vector<400x128xf32>
    %mul3A_29 = arith.mulf %dot_general3A_24, %rsqrt3A_28 : vector<400x128xf32>
    %add3A_30 = arith.constant 1.000000e+00 : f32
    %add3A_31 = vector.broadcast %add3A_30 : f32 to vector<400x128xf32>
    %add3A_32 = arith.addf %dot_general3A_24, %add3A_31 : vector<400x128xf32>
    %div3A = arith.divf %mul3A_29, %add3A_32 : vector<400x128xf32>
    %mul3A_33 = arith.mulf %add3A, %div3A : vector<400x128xf32>
    %broadcast_in_dim3A_34 = vector.shape_cast %mul3A_33 : vector<400x128xf32> to vector<400x1x128xf32>
    %mul3A_35 = vector.broadcast %broadcast_in_dim3A_34 : vector<400x1x128xf32> to vector<400x32x128xf32>
    %mul3A_36 = arith.mulf %reshape3A, %mul3A_35 : vector<400x32x128xf32>
    %reshape3A_37 = vector.shape_cast %mul3A_36 : vector<400x32x128xf32> to vector<12800x128xf32>
    %dot_general3A_38 = arith.constant dense<0.000000e+00> : vector<12800x128xf32>
    %dot_general3A_39 = tpu.matmul %reshape3A_37, %broadcast_in_dim3A_5, %dot_general3A_38 {dimension_numbers = #tpu.dot_dimension_numbers<[1], [0], [0], [1], [0, 0, 1, 1], [], []>, transpose_lhs_hint = false} : vector<12800x128xf32>, vector<128x128xf32>, vector<12800x128xf32> -> vector<12800x128xf32>
    %reshape3A_40 = vector.shape_cast %dot_general3A_39 : vector<12800x128xf32> to vector<400x32x128xf32>
    %exp3A = math.exp %reshape3A_40 : vector<400x32x128xf32>
    %mul3A_41 = arith.mulf %exp3A, %reshape3A : vector<400x32x128xf32>
    %reduce_sum3A_42 = arith.constant dense<0.000000e+00> : vector<400x128xf32>
    %reduce_sum3A_43 = vector.multi_reduction <add>, %mul3A_41, %reduce_sum3A_42 [1] : vector<400x32x128xf32> to vector<400x128xf32>
    %reduce_sum3A_44 = arith.constant dense<0.000000e+00> : vector<400x128xf32>
    %reduce_sum3A_45 = vector.multi_reduction <add>, %exp3A, %reduce_sum3A_44 [1] : vector<400x32x128xf32> to vector<400x128xf32>
    %div3A_46 = arith.divf %reduce_sum3A_43, %reduce_sum3A_45 : vector<400x128xf32>
    %add3A_47 = arith.addf %div3A_46, %mul3A_17 : vector<400x128xf32>
    %mul3A_48 = arith.mulf %add3A_47, %add3A_47 : vector<400x128xf32>
    %dot_general3A_49 = arith.constant dense<0.000000e+00> : vector<400x128xf32>
    %dot_general3A_50 = tpu.matmul %mul3A_48, %broadcast_in_dim3A_5, %dot_general3A_49 {dimension_numbers = #tpu.dot_dimension_numbers<[1], [0], [0], [1], [0, 0, 1, 1], [], []>, transpose_lhs_hint = false} : vector<400x128xf32>, vector<128x128xf32>, vector<400x128xf32> -> vector<400x128xf32>
    %max3A_51 = arith.constant 1.000000e-24 : f32
    %max3A_52 = vector.broadcast %max3A_51 : f32 to vector<400x128xf32>
    %max3A_53 = arith.maximumf %dot_general3A_50, %max3A_52 : vector<400x128xf32>
    %rsqrt3A_54 = math.rsqrt %max3A_53 : vector<400x128xf32>
    %mul3A_55 = arith.mulf %dot_general3A_50, %rsqrt3A_54 : vector<400x128xf32>
    %add3A_56 = arith.constant 1.000000e+00 : f32
    %add3A_57 = vector.broadcast %add3A_56 : f32 to vector<400x128xf32>
    %add3A_58 = arith.addf %dot_general3A_50, %add3A_57 : vector<400x128xf32>
    %div3A_59 = arith.divf %mul3A_55, %add3A_58 : vector<400x128xf32>
    %mul3A_60 = arith.mulf %add3A_47, %div3A_59 : vector<400x128xf32>
    %broadcast_in_dim3A_61 = vector.shape_cast %mul3A_60 : vector<400x128xf32> to vector<400x1x128xf32>
    %mul3A_62 = vector.broadcast %broadcast_in_dim3A_61 : vector<400x1x128xf32> to vector<400x32x128xf32>
    %mul3A_63 = arith.mulf %reshape3A, %mul3A_62 : vector<400x32x128xf32>
    %reshape3A_64 = vector.shape_cast %mul3A_63 : vector<400x32x128xf32> to vector<12800x128xf32>
    %dot_general3A_65 = arith.constant dense<0.000000e+00> : vector<12800x128xf32>
    %dot_general3A_66 = tpu.matmul %reshape3A_64, %broadcast_in_dim3A_5, %dot_general3A_65 {dimension_numbers = #tpu.dot_dimension_numbers<[1], [0], [0], [1], [0, 0, 1, 1], [], []>, transpose_lhs_hint = false} : vector<12800x128xf32>, vector<128x128xf32>, vector<12800x128xf32> -> vector<12800x128xf32>
    %reshape3A_67 = vector.shape_cast %dot_general3A_66 : vector<12800x128xf32> to vector<400x32x128xf32>
    %exp3A_68 = math.exp %reshape3A_67 : vector<400x32x128xf32>
    %mul3A_69 = arith.mulf %exp3A_68, %reshape3A : vector<400x32x128xf32>
    %reduce_sum3A_70 = arith.constant dense<0.000000e+00> : vector<400x128xf32>
    %reduce_sum3A_71 = vector.multi_reduction <add>, %mul3A_69, %reduce_sum3A_70 [1] : vector<400x32x128xf32> to vector<400x128xf32>
    %reduce_sum3A_72 = arith.constant dense<0.000000e+00> : vector<400x128xf32>
    %reduce_sum3A_73 = vector.multi_reduction <add>, %exp3A_68, %reduce_sum3A_72 [1] : vector<400x32x128xf32> to vector<400x128xf32>
    %div3A_74 = arith.divf %reduce_sum3A_71, %reduce_sum3A_73 : vector<400x128xf32>
    %add3A_75 = arith.addf %div3A_74, %mul3A_17 : vector<400x128xf32>
    %swap3A = arith.constant 0 : index
    %swap3A_76 = arith.constant 0 : index
    %swap3A_77 = vector.load %arg3[%swap3A, %swap3A_76] : memref<400x128xf32, #tpu.memory_space<vmem>>, vector<400x128xf32>
    tpu.vector_store %arg3[%swap3A, %swap3A_76], %add3A_75 {strides = array<i32>} : memref<400x128xf32, #tpu.memory_space<vmem>>, vector<400x128xf32>,
    return
  }
  func.func @transform_0(%arg0: i32) -> (i32, i32) {
    %c0_i32 = arith.constant 0 : i32
    %c0_i32_0 = arith.constant 0 : i32
    return %arg0, %c0_i32 : i32, i32
  }
  func.func @transform_1(%arg0: i32) -> (i32, i32) {
    %c0_i32 = arith.constant 0 : i32
    %c0_i32_0 = arith.constant 0 : i32
    return %arg0, %c0_i32 : i32, i32
  }
  func.func @transform_2(%arg0: i32) -> (i32, i32) {
    %c0_i32 = arith.constant 0 : i32
    %c0_i32_0 = arith.constant 0 : i32
    return %arg0, %c0_i32 : i32, i32
  }
}

</mosaic_0001>

<sc_bundles>
// kernel: kernel.12.cloned.1.call-start
scs
__scs_entry_jumppad:
0x0: {  	(pc) =	sbr.rel $0x88, $3  }
0x1: {  	(tag) =	ssettag $0x0;
	lr =	simm.s32 $0x1  }
0x2: {  	[smem:$0x3F9F] =	sst lr;
	_ =	strace $0xD0000000  }
0x3: {  	_ = 	snop  }
0x4: {  	_ = 	snop  }
0x5: {  	_ = 	snop  }
0x6: {  	_ = 	snop  }
0x7: {  	_ = 	snop  }
__scs_overlays_trampoline_lowered:
0x8: {  	[smem:$0x3FAE] =	sst s0  }
0x9: {  	[smem:$0x3FAF] =	sst s1  }
0xa: {  	[smem:$0x3FB0] =	sst s2  }
0xb: {  	[smem:$0x3FB1] =	sst s3  }
0xc: {  	[smem:$0x3FB2] =	sst s4  }
0xd: {  	[smem:$0x3FB3] =	sst s5  }
0xe: {  	[smem:$0x3FB4] =	sst s6  }
0xf: {  	[smem:$0x3FB5] =	sst s7  }
0x10: {  	[smem:$0x3FB6] =	sst s8  }
0x11: {  	[smem:$0x3FB7] =	sst s9;
	s0 =	simm.s32 @!p0 $0x0  }
0x12: {  	s1 =	sld [smem:$0x3F9D];
	s0 =	simm.s32 @p0 $0x1  }
0x13: {  	[smem:$0x3FB8] =	sst s0;
	s0 =	simm.s32 @!p1 $0x0  }
0x14: {  	s2 =	sld [smem:$0x3F9C];
	s0 =	simm.s32 @p1 $0x1  }
0x15: {  	[smem:$0x3FB9] =	sst s0;
	s0 =	simm.s32 @!p2 $0x0  }
0x16: {  	s3 =	sld [smem:$0x3FDB];
	s0 =	simm.s32 @p2 $0x1  }
0x17: {  	s4 =	simm.s32 $0x1BF5;
	[smem:$0x3FBB] =	sst s0  }
0x18: {  	s0 =	sld [smem:$0x3F9E];
	_ =	swait.ge [sflag:s4], $0x0  }
0x19: {  	s7 =	sld [smem:$0x3F9F]  }
0x1a: {  	s8 =	sadd.s32 $0xFFFFE003, lr  }
0x1b: {  	s9 =	sadd.s32 $0xFFFFFEF7, lr;
	s5 =	simm.s32 $0xFFFFFFFF;
	p2 =	slt.u32 s8, $0xFFFFF086  }
0x1c: {  	p1 =	slt.u32 s9, $0xF7A;
	s5 =	simm.s32 @!p2 $0x0  }
0x1d: {  	s5 =	simm.s32 @p1 $0x1;
	p0 =	seq.s32 s7, s2  }
0x1e: {  	s7 =	smul.u32 @!p0 $0xF7A, s2;
	p2 =	seq.s32 @!p0 s5, $0x0  }
0x1f: {  	s9 =	smul.u32 $0xF7A, s1;
	s8 =	simm.s32 @!p0 $0x1BF5;
	p2 =	por !p2, p0  }
0x20: {  	[sflag:s8] =	ssyncset.s32 @!p0 $0xFFFFF086;
	s6 =	sadd.s32 @!p0 s3, s7;
	s7 =	simm.s32 @!p0 $0x108  }
0x21: {  	s3 =	sadd.s32 s3, s9;
	s6 =	sadd.s32 @!p0 $0x88, s6;
	s7 =	simm.s32 @p2 $0x1082  }
0x22: {  	[simem:s7], [sflag:s8] =	dma.local @!p0 [hbm:s6], $0xF7A  }
0x23: {  	s9 =	sor.u32 $0xD0000000, s2;
	s6 =	simm.s32 $0x108;
	_ =	swait.ge @!p0 [sflag:s8], $0x0  }
0x24: {  	s3 =	sadd.s32 $0x88, s3;
	s6 =	simm.s32 @!p1 $0x1082;
	[sflag:s4] =	ssyncset.s32 $0xFFFFF086  }
0x25: {  	[simem:s6], [sflag:s4] =	dma.local [hbm:s3], $0xF7A  }
0x26: {  	[smem:$0x3F9F] =	sst s1;
	(tag) =	ssettag s2;
	_ =	strace s9  }
0x27: {  	s1 =	sld [smem:$0x3FAF]  }
0x28: {  	s2 =	sld [smem:$0x3FB0]  }
0x29: {  	s4 =	sld [smem:$0x3FB2]  }
0x2a: {  	p0 =	seq.s32 s5, $0x0;
	s5 =	sld [smem:$0x3FB3]  }
0x2b: {  	s6 =	sld [smem:$0x3FB4]  }
0x2c: {  	s7 =	sld [smem:$0x3FB5]  }
0x2d: {  	s3 =	simm.s32 $0x108;
	s8 =	sld [smem:$0x3FB6]  }
0x2e: {  	s3 =	simm.s32 @!p0 $0x1082;
	s9 =	sld [smem:$0x3FB7]  }
0x2f: {  	lr =	sadd.s32 s0, s3;
	s0 =	sld [smem:$0x3FAE]  }
0x30: {  	s3 =	sld [smem:$0x3FB1]  }
0x31: {  	[smem:$0x3FBA] =	sst s10  }
0x32: {  	s10 =	sld [smem:$0x3FB8];
	_ =	sdelay $0x3  }
0x33: {  	p0 =	seq.s32 s10, $0x1;
	s10 =	sld [smem:$0x3FBA];
	_ =	sdelay $0x3  }
0x34: {  	[smem:$0x3FBA] =	sst s10  }
0x35: {  	s10 =	sld [smem:$0x3FB9];
	_ =	sdelay $0x3  }
0x36: {  	p1 =	seq.s32 s10, $0x1;
	s10 =	sld [smem:$0x3FBA];
	_ =	sdelay $0x3  }
0x37: {  	[smem:$0x3FBA] =	sst s10  }
0x38: {  	s10 =	sld [smem:$0x3FBB]  }
0x39: {  	_ = 	snop;
	(pc) =	sbr.ind lr, $3  }
0x3a: {  	_ = 	snop  }
0x3b: {  	_ = 	snop  }
0x3c: {  	p2 =	seq.s32 s10, $0x1;
	s10 =	sld [smem:$0x3FBA]  }
0x3d: {  	_ =	shalt  }
0x3e: {  	_ =	shalt  }
0x3f: {  	_ =	shalt  }
0x40: {  	_ =	shalt  }
0x41: {  	_ =	shalt  }
0x42: {  	_ =	shalt  }
0x43: {  	_ =	shalt  }
0x44: {  	_ =	shalt  }
0x45: {  	_ =	shalt  }
0x46: {  	_ =	shalt  }
0x47: {  	_ =	shalt  }
0x48: {  	_ =	shalt  }
0x49: {  	_ =	shalt  }
0x4a: {  	_ =	shalt  }
0x4b: {  	_ =	shalt  }
0x4c: {  	_ =	shalt  }
0x4d: {  	_ =	shalt  }
0x4e: {  	_ =	shalt  }
0x4f: {  	_ =	shalt  }
0x50: {  	_ =	shalt  }
0x51: {  	_ =	shalt  }
0x52: {  	_ =	shalt  }
0x53: {  	_ =	shalt  }
0x54: {  	_ =	shalt  }
0x55: {  	_ =	shalt  }
0x56: {  	_ =	shalt  }
0x57: {  	_ =	shalt  }
0x58: {  	_ =	shalt  }
0x59: {  	_ =	shalt  }
0x5a: {  	_ =	shalt  }
0x5b: {  	_ =	shalt  }
0x5c: {  	_ =	shalt  }
0x5d: {  	_ =	shalt  }
0x5e: {  	_ =	shalt  }
0x5f: {  	_ =	shalt  }
0x60: {  	_ =	shalt  }
0x61: {  	_ =	shalt  }
0x62: {  	_ =	shalt  }
0x63: {  	_ =	shalt  }
0x64: {  	_ =	shalt  }
0x65: {  	_ =	shalt  }
0x66: {  	_ =	shalt  }
0x67: {  	_ =	shalt  }
0x68: {  	_ =	shalt  }
0x69: {  	_ =	shalt  }
0x6a: {  	_ =	shalt  }
0x6b: {  	_ =	shalt  }
0x6c: {  	_ =	shalt  }
0x6d: {  	_ =	shalt  }
0x6e: {  	_ =	shalt  }
0x6f: {  	_ =	shalt  }
0x70: {  	_ =	shalt  }
0x71: {  	_ =	shalt  }
0x72: {  	_ =	shalt  }
0x73: {  	_ =	shalt  }
0x74: {  	_ =	shalt  }
0x75: {  	_ =	shalt  }
0x76: {  	_ =	shalt  }
0x77: {  	_ =	shalt  }
0x78: {  	_ =	shalt  }
0x79: {  	_ =	shalt  }
0x7a: {  	_ =	shalt  }
0x7b: {  	_ =	shalt  }
0x7c: {  	_ =	shalt  }
0x7d: {  	_ =	shalt  }
0x7e: {  	_ =	shalt  }
0x7f: {  	_ =	shalt  }
0x80: {  	_ =	shalt  }
0x81: {  	_ =	shalt  }
0x82: {  	_ =	shalt  }
0x83: {  	_ =	shalt  }
0x84: {  	_ =	shalt  }
0x85: {  	_ =	shalt  }
0x86: {  	_ =	shalt  }
0x87: {  	_ =	shalt  }
.Lfunc_end0:
.L_simem_size_0:
called_computation_lowered:
.L_overlay_start_0:
0x88: {  	s2 =	sld [smem:$0x3FD9]  }
0x89: {  	s3 =	sld [smem:$0x3FFE];
	_ =	sdelay $0x1  }
0x8a: {  	s1 =	srdreg.scid  }
0x8b: {  	s0 =	sand.u32 $0x1, s1  }
0x8c: {  	s17 =	sshll.u32 s0, $0xA;
	s2 =	sadd.s32 s3, s2  }
0x8d: {  	s2 =	sadd.s32 s2, s17  }
0x8e: {  	[smem:$0x3FC6] =	sst s2  }
0x8f: {  	_ = 	snop  }
0x90: {  	s2 =	sld [smem:$0x3FC9]  }
0x91: {  	s18 =	sld [smem:$0x3FD0];
	(tm) =	ssettm $0x1  }
0x92: {  	s4 =	sld [smem:$0x3FFB];
	_ =	sdelay $0x3  }
0x93: {  	_ =	strace s4  }
0x94: {  	s4 =	sld [smem:$0x3FFC];
	_ =	sdelay $0x3  }
0x95: {  	_ =	strace s4  }
0x96: {  	s4 =	sld [smem:$0x3FFD];
	_ =	sdelay $0x3  }
0x97: {  	_ =	strace s4  }
0x98: {  	_ =	strace $0x8FFFFFFF  }
0x99: {  	s19 =	sld [smem:$0x3FDB];
	_ =	sdelay $0x1  }
0x9a: {  	s5 =	simm.s32 $_scs_section_size  }
0x9b: {  	s6 =	simm.s32 $_size__tile_overlayer_lowered;
	s7 =	simm.s32 $_tile_overlayer_lowered  }
0x9c: {  	s22 =	simm.s32 $0x1BFF;
	s21 =	sshll.u32 s7, $0x1;
	s4 =	sadd.s32 s5, s19  }
0x9d: {  	s8 =	simm.s32 $0x0;
	s20 =	sshll.u32 s6, $0x1;
	s6 =	sadd.s32 s21, s4  }
0x9e: {  	[timem:s8], [sflag:s22] =	dma.local [hbm:s6], s20  }
0x9f: {  	_ =	swait.ge [sflag:s22], s20  }
0xa0: {  	s5 =	ssub.s32 $0x0, s20;
	[sflag:s22] =	ssyncset.done $0x0  }
0xa1: {  	[sflag:s22] =	ssyncadd.s32 s5;
	_ =	sdelay $0x1  }
0xa2: {  	s23 =	simm.s32 $0x1B8B  }
0xa3: {  	_ =	swait.ge [sflag:s23], $0x1  }
0xa4: {  	[sflag:s23] =	ssyncset.done $0x0  }
0xa5: {  	s25 =	simm.s32 $0x1B8E;
	s24 =	sld [smem:$0x3FFE];
	[sflag:s23] =	ssyncadd.s32 $0xFFFFFFFF  }
0xa6: {  	s26 =	simm.s32 $execute0_lowered;
	[smem:$0x3FD2] =	sst s25  }
0xa7: {  	s6 =	sshll.u32 s26, $0x1;
	_ =	strace $0x80000046;
	[dreg:$0x1] =	wrdreg $0xFFFFFFFF  }
0xa8: {  	s28 =	simm.s32 $_size_execute0_lowered;
	s4 =	sadd.s32 s4, s6;
	[dreg:$0x0] =	wrdreg $0x0  }
0xa9: {  	s6 =	sshll.u32 s28, $0x1;
	[dreg:$0x2] =	wrdreg s4  }
0xaa: {  	[dreg:$0x3] =	wrdreg s6  }
0xab: {  	[dreg:$0x4] =	wrdreg $0xC0  }
0xac: {  	_ =	task [dreg:s8], $0x5FFFF  }
0xad: {  	[dreg:$0x1] =	wrdreg $0xFFFFFFFF  }
0xae: {  	[dreg:$0x0] =	wrdreg $0x60  }
0xaf: {  	[dreg:$0x2] =	wrdreg s2  }
0xb0: {  	[dreg:$0x3] =	wrdreg s18  }
0xb1: {  	[dreg:$0x4] =	wrdreg s24  }
0xb2: {  	[dreg:$0x5] =	wrdreg $0x9  }
0xb3: {  	_ =	task.clear_ibuf [dreg:s8], $0x6FFFF;
	_ =	strace $0x90000046  }
0xb4: {  	s29 =	simm.s32 $0x9;
	_ =	strace $0x80000048  }
0xb5: {  	_ =	swait.ge [sflag:s29], $0x1  }
0xb6: {  	[sflag:s29] =	ssyncadd.s32 $0xFFFFFFFF  }
0xb7: {  	_ =	strace $0x90000048  }
0xb8: {  	_ =	sfence  }
0xb9: {  	s30 =	sld [smem:$0x0];
	_ =	sdelay $0x2  }
0xba: {  	s31 =	sshll.u32 s1, $0xD;
	s1 =	sshrl.u32 s1, $0x2  }
0xbb: {  	s3 =	sand.u32 $0x4000, s31;
	s1 =	sadd.s32 s1, s30  }
0xbc: {  	s0 =	sor.u32 s3, s0;
	s1 =	sshll.u32 s1, $0x11  }
0xbd: {  	s0 =	sor.u32 s1, s0  }
0xbe: {  	s0 =	sadd.s32 $0x8F2B, s0  }
0xbf: {  	[sflag:s0] =	ssyncadd.remote.s32 $0x1  }
0xc0: {  	_ =	sfence.sel $0xFFFF  }
0xc1: {  	[dreg:$0x0] =	wrdreg $0xFFFFFFFF;
	(pc) =	sbr.abs _section_cstart, $3  }
0xc2: {  	[dreg:$0x1] =	wrdreg $0xFFFFFFFF  }
0xc3: {  	_ =	task.clear_ibuf [dreg:s8], $0x2FFFF;
	_ =	strace $0x9FFFFFFF  }
0xc4: {  	(tm) =	ssettm $0x7FFFFFFF  }
0xc5: {  	_ =	shalt  }
tec
execute0_lowered:
.L_overlay_start_1:
0x0: {  	(tag) =	ssettag $0x1  }
0x1: {  	s1 =	rddreg [dreg:$0x0]  }
0x2: {  	s0 =	rddreg [dreg:$0x1]  }
0x3: {  	s2 =	rddreg [dreg:$0x2];
	s3 =	simm.s32 $0x0  }
0x4: {  	s4 =	srdreg.scid;
	s7 =	stileid.u32;
	s13 =	simm.s32 $0x6000  }
0x5: {  	s16 =	simm.s32 $0xB000;
	s17 =	simm.s32 $0x1;
	s18 =	simm.s32 $0x3  }
0x6: {  	s19 =	simm.s32 $0x5;
	s20 =	simm.s32 $0x6;
	s21 =	simm.s32 $0x7  }
0x7: {  	s22 =	simm.s32 $0x8;
	s23 =	simm.s32 $0x9;
	s24 =	simm.s32 $0xA  }
0x8: {  	s25 =	simm.s32 $0x0;
	[smem:$0x7FF] =	sst s3;
	s4 =	sand.u32 $0x1, s4  }
0x9: {  	s5 =	smul.u32 $0xFA00, s7;
	s7 =	sshll.u32 s7, $0xA;
	_ =	strace $0x80000047  }
0xa: {  	s6 =	ssub.s32 $0x2, s4;
	s8 =	sshll.u32 s4, $0x9;
	s9 =	smul.u32 $0x7D00, s4  }
0xb: {  	s2 =	sadd.s32 s5, s2;
	s28 =	sshrl.u32 s6, $0x1;
	s29 =	sor.u32 s8, s7  }
0xc: {  	s8 =	simm.s32 $0x50;
	s6 =	ssub.s32 s6, s28;
	s0 =	sadd.s32 s0, s29  }
0xd: {  	s30 =	sadd.s32 s9, s2;
	[dreg:$0x4] =	wrdreg s0;
	s31 =	smax.u32 s6, $0x1  }
0xe: {  	s9 =	simm.s32 $0x1000;
	s6 =	sadd.s32 $0x4E00, s30;
	[dreg:$0x5] =	wrdreg s31  }
.LBB2_1:
0xf: {  	s0 =	rddreg [dreg:$0x4];
	s7 =	simm.s32 $0xB  }
0x10: {  	[tilespmem:s3], [sflag:$0xB] =	stream.linear.gather [hbm4b:s0+s3], $0xC80, $0x38;
	[tilespmem:$0xD800] =	vst v63  }
0x11: {  	_ =	swait.ge [sflag:s7], $0xC80  }
0x12: {  	[sflag:s7] =	ssyncset.done $0x0  }
0x13: {  	[sflag:s7] =	ssyncadd.s32 $0xFFFFF380  }
0x14: {  	[tilespmem:s9], [sflag:$0x1] =	stream.indirect.gather [hbm4b:s1+s8], $0x80, s3, s8, $0xb8;
	[tilespmem:$0xD800] =	vst v63  }
0x15: {  	s10 =	simm.s32 $0x80;
	s2 =	simm.s32 $0x3800  }
0x16: {  	[tilespmem:s2], [sflag:$0x2] =	stream.indirect.gather [hbm4b:s1+s8], $0x80, s10, s8, $0xb8;
	[tilespmem:$0xD800] =	vst v63  }
0x17: {  	s11 =	simm.s32 $0x100;
	p0 =	por $0x1, $0x1  }
0x18: {  	[tilespmem:s13], [sflag:$0x3] =	stream.indirect.gather [hbm4b:s1+s8], $0x80, s11, s8, $0xb8;
	[tilespmem:$0xD800] =	vst v63  }
0x19: {  	s12 =	simm.s32 $0x180;
	s14 =	simm.s32 $0x8800;
	s0 =	simm.s32 @!p0 $0xA  }
0x1a: {  	[tilespmem:s14], [sflag:$0x4] =	stream.indirect.gather [hbm4b:s1+s8], $0x80, s12, s8, $0xb8;
	[tilespmem:$0xD800] =	vst v63  }
0x1b: {  	_ =	swait.ge @!p0 [sflag:s0], $0x2800  }
0x1c: {  	[sflag:s0] =	ssyncset.done @!p0 $0x0  }
0x1d: {  	s15 =	simm.s32 $0x200;
	[sflag:s0] =	ssyncadd.s32 @!p0 $0xFFFFD800  }
0x1e: {  	[tilespmem:s16], [sflag:$0x5] =	stream.indirect.gather [hbm4b:s1+s8], $0x80, s15, s8, $0xb8;
	[tilespmem:$0xD800] =	vst v63  }
0x1f: {  	_ =	swait.ge [sflag:s17], $0x2800  }
0x20: {  	p0 =	por $0x0, $0x0;
	[sflag:s17] =	ssyncset.done $0x0  }
0x21: {  	s26 =	sadd.s32 $0xFFFFF600, s6;
	s2 =	simm.s32 @p0 $0x2;
	[sflag:s17] =	ssyncadd.s32 $0xFFFFD800  }
0x22: {  	[hbm4b:s26+s3] =	stream.linear.scatter [tilespmem:s9], [sflag:$0x6], $0x2800, $0x38;
	[tilespmem:$0xD800] =	vst v63  }
0x23: {  	_ =	swait.ge @p0 [sflag:s2], $0x2800  }
0x24: {  	s0 =	simm.s32 @p0 $0x3800;
	s10 =	sadd.s32 @p0 $0xFFFFFB00, s6;
	[sflag:s2] =	ssyncset.done @p0 $0x0  }
0x25: {  	s26 =	simm.s32 @p0 $0x0;
	[sflag:s2] =	ssyncadd.s32 @p0 $0xFFFFD800;
	s2 =	simm.s32 @!p0 $0x6  }
0x26: {  	[hbm4b:s10+s26] =	stream.linear.scatter @p0 [tilespmem:s0], [sflag:$0x7], $0x2800, $0x38;
	[tilespmem:$0xD800] =	vst v63  }
0x27: {  	_ =	swait.ge @!p0 [sflag:s2], $0x2800  }
0x28: {  	s28 =	simm.s32 @!p0 $0x1000;
	s0 =	simm.s32 @!p0 $0x280;
	[sflag:s2] =	ssyncset.done @!p0 $0x0  }
0x29: {  	s10 =	simm.s32 @!p0 $0x50;
	[sflag:s2] =	ssyncadd.s32 @!p0 $0xFFFFD800;
	s2 =	simm.s32 @!p0 $0x2  }
0x2a: {  	[tilespmem:s28], [sflag:$0x1] =	stream.indirect.gather @!p0 [hbm4b:s1+s10], $0x80, s0, s10, $0xb8;
	[tilespmem:$0xD800] =	vst v63  }
0x2b: {  	_ =	swait.ge @!p0 [sflag:s2], $0x2800  }
0x2c: {  	s29 =	simm.s32 @!p0 $0x0;
	s0 =	simm.s32 @!p0 $0x3800;
	[sflag:s2] =	ssyncset.done @!p0 $0x0  }
0x2d: {  	s28 =	sadd.s32 @!p0 $0xFFFFFB00, s6;
	[sflag:s2] =	ssyncadd.s32 @!p0 $0xFFFFD800;
	s2 =	simm.s32 @!p0 $0x7  }
0x2e: {  	[hbm4b:s28+s29] =	stream.linear.scatter @!p0 [tilespmem:s0], [sflag:$0x7], $0x2800, $0x38;
	[tilespmem:$0xD800] =	vst v63  }
0x2f: {  	_ =	swait.ge @!p0 [sflag:s2], $0x2800  }
0x30: {  	[sflag:s2] =	ssyncset.done @!p0 $0x0  }
0x31: {  	s28 =	simm.s32 @!p0 $0x300;
	[sflag:s2] =	ssyncadd.s32 @!p0 $0xFFFFD800  }
0x32: {  	[tilespmem:s0], [sflag:$0x2] =	stream.indirect.gather @!p0 [hbm4b:s1+s10], $0x80, s28, s10, $0xb8;
	[tilespmem:$0xD800] =	vst v63  }
0x33: {  	_ =	swait.ge [sflag:s18], $0x2800  }
0x34: {  	[sflag:s18] =	ssyncset.done $0x0  }
0x35: {  	s0 =	simm.s32 @p0 $0x4;
	[sflag:s18] =	ssyncadd.s32 $0xFFFFD800  }
0x36: {  	[hbm4b:s6+s3] =	stream.linear.scatter [tilespmem:s13], [sflag:$0x8], $0x2800, $0x38;
	[tilespmem:$0xD800] =	vst v63  }
0x37: {  	_ =	swait.ge @p0 [sflag:s0], $0x2800  }
0x38: {  	s2 =	sadd.s32 @p0 $0x500, s6;
	[sflag:s0] =	ssyncset.done @p0 $0x0  }
0x39: {  	s28 =	simm.s32 @p0 $0x8800;
	[sflag:s0] =	ssyncadd.s32 @p0 $0xFFFFD800;
	s0 =	simm.s32 @!p0 $0x8  }
0x3a: {  	[hbm4b:s2+s26] =	stream.linear.scatter @p0 [tilespmem:s28], [sflag:$0x9], $0x2800, $0x38;
	[tilespmem:$0xD800] =	vst v63  }
0x3b: {  	_ =	swait.ge @!p0 [sflag:s0], $0x2800  }
0x3c: {  	s2 =	simm.s32 @!p0 $0x380;
	[sflag:s0] =	ssyncset.done @!p0 $0x0  }
0x3d: {  	s26 =	simm.s32 @!p0 $0x6000;
	[sflag:s0] =	ssyncadd.s32 @!p0 $0xFFFFD800;
	s0 =	simm.s32 @!p0 $0x4  }
0x3e: {  	[tilespmem:s26], [sflag:$0x3] =	stream.indirect.gather @!p0 [hbm4b:s1+s10], $0x80, s2, s10, $0xb8;
	[tilespmem:$0xD800] =	vst v63  }
0x3f: {  	_ =	swait.ge @!p0 [sflag:s0], $0x2800  }
0x40: {  	s2 =	sadd.s32 @!p0 $0x500, s6;
	[sflag:s0] =	ssyncset.done @!p0 $0x0  }
0x41: {  	s26 =	simm.s32 @!p0 $0x8800;
	[sflag:s0] =	ssyncadd.s32 @!p0 $0xFFFFD800;
	s0 =	simm.s32 @!p0 $0x9  }
0x42: {  	[hbm4b:s2+s29] =	stream.linear.scatter @!p0 [tilespmem:s26], [sflag:$0x9], $0x2800, $0x38;
	[tilespmem:$0xD800] =	vst v63  }
0x43: {  	s30 =	sadd.s32 $0xA00, s6;
	s31 =	simm.s32 $0x1400;
	_ =	swait.ge @!p0 [sflag:s0], $0x2800  }
0x44: {  	p1 =	por $0x0, $0x0;
	s28 =	sadd.s32 $0x1900, s6;
	[sflag:s0] =	ssyncset.done @!p0 $0x0  }
0x45: {  	s29 =	simm.s32 $0xA00;
	s2 =	simm.s32 @!p0 $0x400;
	[sflag:s0] =	ssyncadd.s32 @!p0 $0xFFFFD800  }
0x46: {  	[tilespmem:s26], [sflag:$0x4] =	stream.indirect.gather @!p0 [hbm4b:s1+s10], $0x80, s2, s10, $0xb8;
	[tilespmem:$0xD800] =	vst v63  }
0x47: {  	s0 =	sadd.s32 $0x1900, s28;
	s26 =	sadd.s32 $0xA00, s28;
	_ =	swait.ge [sflag:s19], $0x2800  }
.LBB2_2:
0x48: {  	s2 =	simm.s32 @!p1 $0xA  }
0x49: {  	[sflag:s19] =	ssyncset.done $0x0;
	s11 =	smov.u32 s31;
	s31 =	sadd.s32 $0xA00, s31  }
0x4a: {  	s10 =	sadd.s32 $0xA00, s0;
	p0 =	sne.s32 s31, $0x3200;
	[sflag:s19] =	ssyncadd.s32 $0xFFFFD800  }
0x4b: {  	[hbm4b:s30+s3] =	stream.linear.scatter [tilespmem:s16], [sflag:$0xA], $0x2800, $0x38;
	[tilespmem:$0xD800] =	vst v63  }
0x4c: {  	s12 =	sshra.s32 s29, $0x2;
	s30 =	smov.u32 s26;
	_ =	swait.ge @!p1 [sflag:s2], $0x2800  }
0x4d: {  	s12 =	sadd.s32 $0x200, s12;
	s26 =	smov.u32 s10;
	[sflag:s2] =	ssyncset.done @!p1 $0x0  }
0x4e: {  	[sflag:s2] =	ssyncadd.s32 @!p1 $0xFFFFD800  }
0x4f: {  	[tilespmem:s16], [sflag:$0x5] =	stream.indirect.gather [hbm4b:s1+s8], $0x80, s12, s8, $0xb8;
	[tilespmem:$0xD800] =	vst v63  }
0x50: {  	_ =	swait.ge [sflag:s17], $0x2800  }
0x51: {  	s2 =	sadd.s32 $0xFFFFF600, s28;
	p1 =	seq.s32 s29, $0x2800;
	[sflag:s17] =	ssyncset.done $0x0  }
0x52: {  	s10 =	simm.s32 @p1 $0x2;
	s12 =	sshra.s32 @!p1 s29, $0x2;
	[sflag:s17] =	ssyncadd.s32 $0xFFFFD800  }
0x53: {  	[hbm4b:s2+s3] =	stream.linear.scatter [tilespmem:s9], [sflag:$0x6], $0x2800, $0x38;
	[tilespmem:$0xD800] =	vst v63  }
0x54: {  	s14 =	sadd.s32 @!p1 $0x280, s12;
	s2 =	simm.s32 @p1 $0x3800;
	_ =	swait.ge @p1 [sflag:s10], $0x2800  }
0x55: {  	s29 =	sadd.s32 @p1 $0xFFFFFB00, s28;
	s15 =	simm.s32 @p1 $0x0;
	[sflag:s10] =	ssyncset.done @p1 $0x0  }
0x56: {  	s4 =	simm.s32 @!p1 $0x6;
	s5 =	sadd.s32 @!p1 $0x300, s12;
	[sflag:s10] =	ssyncadd.s32 @p1 $0xFFFFD800  }
0x57: {  	[hbm4b:s29+s15] =	stream.linear.scatter @p1 [tilespmem:s2], [sflag:$0x7], $0x2800, $0x38;
	[tilespmem:$0xD800] =	vst v63  }
0x58: {  	s7 =	sadd.s32 @!p1 $0x380, s12;
	s2 =	sadd.s32 @!p1 $0x400, s12;
	_ =	swait.ge @!p1 [sflag:s4], $0x2800  }
0x59: {  	s10 =	simm.s32 @!p1 $0x50;
	s12 =	simm.s32 @!p1 $0x1000;
	[sflag:s4] =	ssyncset.done @!p1 $0x0  }
0x5a: {  	s29 =	smov.u32 s11;
	[sflag:s4] =	ssyncadd.s32 @!p1 $0xFFFFD800;
	s4 =	simm.s32 @!p1 $0x2  }
0x5b: {  	[tilespmem:s12], [sflag:$0x1] =	stream.indirect.gather @!p1 [hbm4b:s1+s10], $0x80, s14, s10, $0xb8;
	[tilespmem:$0xD800] =	vst v63  }
0x5c: {  	s11 =	simm.s32 @!p1 $0x3800;
	_ =	swait.ge @!p1 [sflag:s4], $0x2800  }
0x5d: {  	s12 =	sadd.s32 @!p1 $0xFFFFFB00, s28;
	s14 =	simm.s32 @!p1 $0x0;
	[sflag:s4] =	ssyncset.done @!p1 $0x0  }
0x5e: {  	[sflag:s4] =	ssyncadd.s32 @!p1 $0xFFFFD800;
	s4 =	simm.s32 @!p1 $0x7  }
0x5f: {  	[hbm4b:s12+s14] =	stream.linear.scatter @!p1 [tilespmem:s11], [sflag:$0x7], $0x2800, $0x38;
	[tilespmem:$0xD800] =	vst v63  }
0x60: {  	_ =	swait.ge @!p1 [sflag:s4], $0x2800  }
0x61: {  	[sflag:s4] =	ssyncset.done @!p1 $0x0  }
0x62: {  	[sflag:s4] =	ssyncadd.s32 @!p1 $0xFFFFD800  }
0x63: {  	[tilespmem:s11], [sflag:$0x2] =	stream.indirect.gather @!p1 [hbm4b:s1+s10], $0x80, s5, s10, $0xb8;
	[tilespmem:$0xD800] =	vst v63  }
0x64: {  	_ =	swait.ge [sflag:s18], $0x2800  }
0x65: {  	[sflag:s18] =	ssyncset.done $0x0  }
0x66: {  	s4 =	simm.s32 @p1 $0x4;
	[sflag:s18] =	ssyncadd.s32 $0xFFFFD800  }
0x67: {  	[hbm4b:s28+s3] =	stream.linear.scatter [tilespmem:s13], [sflag:$0x8], $0x2800, $0x38;
	[tilespmem:$0xD800] =	vst v63  }
0x68: {  	_ =	swait.ge @p1 [sflag:s4], $0x2800  }
0x69: {  	s5 =	sadd.s32 @p1 $0x500, s28;
	s11 =	simm.s32 @p1 $0x8800;
	[sflag:s4] =	ssyncset.done @p1 $0x0  }
0x6a: {  	[sflag:s4] =	ssyncadd.s32 @p1 $0xFFFFD800;
	s4 =	simm.s32 @!p1 $0x8  }
0x6b: {  	[hbm4b:s5+s15] =	stream.linear.scatter @p1 [tilespmem:s11], [sflag:$0x9], $0x2800, $0x38;
	[tilespmem:$0xD800] =	vst v63  }
0x6c: {  	_ =	swait.ge @!p1 [sflag:s4], $0x2800  }
0x6d: {  	s5 =	simm.s32 @!p1 $0x6000;
	[sflag:s4] =	ssyncset.done @!p1 $0x0  }
0x6e: {  	[sflag:s4] =	ssyncadd.s32 @!p1 $0xFFFFD800;
	s4 =	simm.s32 @!p1 $0x4  }
0x6f: {  	[tilespmem:s5], [sflag:$0x3] =	stream.indirect.gather @!p1 [hbm4b:s1+s10], $0x80, s7, s10, $0xb8;
	[tilespmem:$0xD800] =	vst v63  }
0x70: {  	_ =	swait.ge @!p1 [sflag:s4], $0x2800  }
0x71: {  	s5 =	sadd.s32 @!p1 $0x500, s28;
	s7 =	simm.s32 @!p1 $0x8800;
	[sflag:s4] =	ssyncset.done @!p1 $0x0  }
0x72: {  	s28 =	smov.u32 s0;
	[sflag:s4] =	ssyncadd.s32 @!p1 $0xFFFFD800;
	s4 =	simm.s32 @!p1 $0x9  }
0x73: {  	[hbm4b:s5+s14] =	stream.linear.scatter @!p1 [tilespmem:s7], [sflag:$0x9], $0x2800, $0x38;
	[tilespmem:$0xD800] =	vst v63  }
.Ltmp0:
0x74: {  	_ =	swait.ge @!p1 [sflag:s4], $0x2800;
	(pc) =	sbr.rel @p0 .LBB2_2-.Ltmp0, $4  }
0x75: {  	[sflag:s4] =	ssyncset.done @!p1 $0x0  }
0x76: {  	[sflag:s4] =	ssyncadd.s32 @!p1 $0xFFFFD800  }
0x77: {  	[tilespmem:s7], [sflag:$0x4] =	stream.indirect.gather @!p1 [hbm4b:s1+s10], $0x80, s2, s10, $0xb8;
	[tilespmem:$0xD800] =	vst v63  }
0x78: {  	s0 =	sadd.s32 $0x1900, s0;
	p1 =	seq.s32 s29, $0x0;
	_ =	swait.ge [sflag:s19], $0x2800  }
0x79: {  	[sflag:s19] =	ssyncset.done $0x0  }
0x7a: {  	s0 =	simm.s32 @!p1 $0xA;
	[sflag:s19] =	ssyncadd.s32 $0xFFFFD800  }
0x7b: {  	[hbm4b:s30+s3] =	stream.linear.scatter [tilespmem:s16], [sflag:$0xA], $0x2800, $0x38;
	[tilespmem:$0xD800] =	vst v63  }
0x7c: {  	_ =	swait.ge @!p1 [sflag:s0], $0x2800  }
0x7d: {  	s2 =	sshra.s32 s29, $0x2;
	[sflag:s0] =	ssyncset.done @!p1 $0x0  }
0x7e: {  	s2 =	sadd.s32 $0x200, s2;
	[sflag:s0] =	ssyncadd.s32 @!p1 $0xFFFFD800  }
0x7f: {  	[tilespmem:s16], [sflag:$0x5] =	stream.indirect.gather [hbm4b:s1+s8], $0x80, s2, s8, $0xb8;
	[tilespmem:$0xD800] =	vst v63  }
0x80: {  	_ =	swait.ge [sflag:s17], $0x2800  }
0x81: {  	p0 =	seq.s32 s29, $0x2800;
	[sflag:s17] =	ssyncset.done $0x0  }
0x82: {  	s30 =	sadd.s32 $0xFFFFF600, s28;
	s2 =	simm.s32 @p0 $0x2;
	[sflag:s17] =	ssyncadd.s32 $0xFFFFD800  }
0x83: {  	[hbm4b:s30+s3] =	stream.linear.scatter [tilespmem:s9], [sflag:$0x6], $0x2800, $0x38;
	[tilespmem:$0xD800] =	vst v63  }
0x84: {  	_ =	swait.ge @p0 [sflag:s2], $0x2800  }
0x85: {  	s4 =	sadd.s32 @p0 $0xFFFFFB00, s28;
	s5 =	simm.s32 @p0 $0x0;
	[sflag:s2] =	ssyncset.done @p0 $0x0  }
0x86: {  	s0 =	simm.s32 @p0 $0x3800;
	[sflag:s2] =	ssyncadd.s32 @p0 $0xFFFFD800;
	s2 =	simm.s32 @!p0 $0x6  }
0x87: {  	[hbm4b:s4+s5] =	stream.linear.scatter @p0 [tilespmem:s0], [sflag:$0x7], $0x2800, $0x38;
	[tilespmem:$0xD800] =	vst v63  }
0x88: {  	s7 =	simm.s32 @!p0 $0x50;
	_ =	swait.ge @!p0 [sflag:s2], $0x2800  }
0x89: {  	s10 =	simm.s32 @!p0 $0x1000;
	s0 =	sshra.s32 @!p0 s29, $0x2;
	[sflag:s2] =	ssyncset.done @!p0 $0x0  }
0x8a: {  	s4 =	sadd.s32 @!p0 $0x280, s0;
	[sflag:s2] =	ssyncadd.s32 @!p0 $0xFFFFD800;
	s2 =	simm.s32 @!p0 $0x2  }
0x8b: {  	[tilespmem:s10], [sflag:$0x1] =	stream.indirect.gather @!p0 [hbm4b:s1+s7], $0x80, s4, s7, $0xb8;
	[tilespmem:$0xD800] =	vst v63  }
0x8c: {  	_ =	swait.ge @!p0 [sflag:s2], $0x2800  }
0x8d: {  	s4 =	simm.s32 @!p0 $0x3800;
	[sflag:s2] =	ssyncset.done @!p0 $0x0  }
0x8e: {  	s10 =	sadd.s32 @!p0 $0xFFFFFB00, s28;
	[sflag:s2] =	ssyncadd.s32 @!p0 $0xFFFFD800;
	s2 =	simm.s32 @!p0 $0x0  }
0x8f: {  	[hbm4b:s10+s2] =	stream.linear.scatter @!p0 [tilespmem:s4], [sflag:$0x7], $0x2800, $0x38;
	[tilespmem:$0xD800] =	vst v63  }
0x90: {  	s10 =	simm.s32 @!p0 $0x7  }
0x91: {  	_ =	swait.ge @!p0 [sflag:s10], $0x2800  }
0x92: {  	[sflag:s10] =	ssyncset.done @!p0 $0x0  }
0x93: {  	[sflag:s10] =	ssyncadd.s32 @!p0 $0xFFFFD800;
	s10 =	sadd.s32 @!p0 $0x300, s0  }
0x94: {  	[tilespmem:s4], [sflag:$0x2] =	stream.indirect.gather @!p0 [hbm4b:s1+s7], $0x80, s10, s7, $0xb8;
	[tilespmem:$0xD800] =	vst v63  }
0x95: {  	_ =	swait.ge [sflag:s18], $0x2800  }
0x96: {  	[sflag:s18] =	ssyncset.done $0x0  }
0x97: {  	s4 =	simm.s32 @p0 $0x4;
	[sflag:s18] =	ssyncadd.s32 $0xFFFFD800  }
0x98: {  	[hbm4b:s28+s3] =	stream.linear.scatter [tilespmem:s13], [sflag:$0x8], $0x2800, $0x38;
	[tilespmem:$0xD800] =	vst v63  }
0x99: {  	_ =	swait.ge @p0 [sflag:s4], $0x2800  }
0x9a: {  	[sflag:s4] =	ssyncset.done @p0 $0x0  }
0x9b: {  	s10 =	sadd.s32 @p0 $0x500, s28;
	[sflag:s4] =	ssyncadd.s32 @p0 $0xFFFFD800;
	s4 =	simm.s32 @p0 $0x8800  }
0x9c: {  	[hbm4b:s10+s5] =	stream.linear.scatter @p0 [tilespmem:s4], [sflag:$0x9], $0x2800, $0x38;
	[tilespmem:$0xD800] =	vst v63  }
0x9d: {  	s4 =	simm.s32 @!p0 $0x8  }
0x9e: {  	_ =	swait.ge @!p0 [sflag:s4], $0x2800  }
0x9f: {  	[sflag:s4] =	ssyncset.done @!p0 $0x0  }
0xa0: {  	s5 =	sadd.s32 @!p0 $0x380, s0;
	[sflag:s4] =	ssyncadd.s32 @!p0 $0xFFFFD800;
	s4 =	simm.s32 @!p0 $0x6000  }
0xa1: {  	[tilespmem:s4], [sflag:$0x3] =	stream.indirect.gather @!p0 [hbm4b:s1+s7], $0x80, s5, s7, $0xb8;
	[tilespmem:$0xD800] =	vst v63  }
0xa2: {  	s4 =	simm.s32 @!p0 $0x4  }
0xa3: {  	_ =	swait.ge @!p0 [sflag:s4], $0x2800  }
0xa4: {  	[sflag:s4] =	ssyncset.done @!p0 $0x0  }
0xa5: {  	s5 =	sadd.s32 @!p0 $0x500, s28;
	[sflag:s4] =	ssyncadd.s32 @!p0 $0xFFFFD800;
	s4 =	simm.s32 @!p0 $0x8800  }
0xa6: {  	[hbm4b:s5+s2] =	stream.linear.scatter @!p0 [tilespmem:s4], [sflag:$0x9], $0x2800, $0x38;
	[tilespmem:$0xD800] =	vst v63  }
0xa7: {  	s2 =	simm.s32 @!p0 $0x9  }
0xa8: {  	_ =	swait.ge @!p0 [sflag:s2], $0x2800  }
0xa9: {  	[sflag:s2] =	ssyncset.done @!p0 $0x0  }
0xaa: {  	s0 =	sadd.s32 @!p0 $0x400, s0;
	[sflag:s2] =	ssyncadd.s32 @!p0 $0xFFFFD800  }
0xab: {  	[tilespmem:s4], [sflag:$0x4] =	stream.indirect.gather @!p0 [hbm4b:s1+s7], $0x80, s0, s7, $0xb8;
	[tilespmem:$0xD800] =	vst v63  }
0xac: {  	_ =	swait.ge [sflag:s19], $0x2800  }
0xad: {  	[sflag:s19] =	ssyncset.done $0x0  }
0xae: {  	[sflag:s19] =	ssyncadd.s32 $0xFFFFD800  }
0xaf: {  	[hbm4b:s26+s3] =	stream.linear.scatter [tilespmem:s16], [sflag:$0xA], $0x2800, $0x38;
	[tilespmem:$0xD800] =	vst v63  }
0xb0: {  	_ =	swait.ge [sflag:s20], $0x2800  }
0xb1: {  	[sflag:s20] =	ssyncset.done $0x0  }
0xb2: {  	[sflag:s20] =	ssyncadd.s32 $0xFFFFD800  }
0xb3: {  	_ =	swait.ge [sflag:s21], $0x2800  }
0xb4: {  	[sflag:s21] =	ssyncset.done $0x0  }
0xb5: {  	[sflag:s21] =	ssyncadd.s32 $0xFFFFD800  }
0xb6: {  	_ =	swait.ge [sflag:s22], $0x2800  }
0xb7: {  	[sflag:s22] =	ssyncset.done $0x0  }
0xb8: {  	[sflag:s22] =	ssyncadd.s32 $0xFFFFD800  }
0xb9: {  	_ =	swait.ge [sflag:s23], $0x2800  }
0xba: {  	[sflag:s23] =	ssyncset.done $0x0  }
0xbb: {  	[sflag:s23] =	ssyncadd.s32 $0xFFFFD800  }
0xbc: {  	_ =	swait.ge [sflag:s24], $0x2800  }
0xbd: {  	s25 =	sadd.s32 $0x1, s25;
	s31 =	rddreg [dreg:$0x5]  }
0xbe: {  	p0 =	sne.s32 s25, s31  }
.Ltmp1:
0xbf: {  	_ = 	snop;
	(pc) =	sbr.rel @p0 .LBB2_1-.Ltmp1, $3  }
0xc0: {  	_ =	sdelay $0x1  }
0xc1: {  	[sflag:s24] =	ssyncset.done $0x0  }
0xc2: {  	[sflag:s24] =	ssyncadd.s32 $0xFFFFD800  }
0xc3: {  	_ =	sfence.sel $0x180000  }
0xc4: {  	[bflag:$0x0] =	sbarrier.arrive $0xFFFF  }
0xc5: {  	_ =	strace $0x90000047  }
0xc6: {  	s0 =	stileid.u32;
	[bflag:$0x2] =	sbarrier.arrive $0xFFFF  }
0xc7: {  	p0 =	sne.s32 s0, $0x0;
	s0 =	rddreg [dreg:$0x3]  }
0xc8: {  	s0 =	sadd.s32 @!p0 $0x100000, s0  }
0xc9: {  	[sflag:s0] =	ssyncadd.tile.s32 @!p0 $0x1;
	_ =	shalt  }
.Lfunc_end2:
_tile_overlayer_lowered:
.L_overlay_start_2:
0xca: {  	(tag) =	ssettag $0x2  }
0xcb: {  	s0 =	rddreg [dreg:$0x0];
	s2 =	stileid.u32  }
0xcc: {  	s1 =	rddreg [dreg:$0x1];
	p0 =	sne.s32 s2, $0x0  }
0xcd: {  	s3 =	rddreg [dreg:$0x2];
	[bflag:$0x3] =	sbarrier.arrive $0xFFFF;
	s2 =	simm.s32 @!p0 $0x1C0B  }
0xce: {  	[timem:s3], [sflag:s2] =	dma.local @!p0 [hbm:s0], s1  }
0xcf: {  	s0 =	simm.s32 @!p0 $0xB  }
0xd0: {  	_ =	swait.ge @!p0 [sflag:s0], s1  }
0xd1: {  	s1 =	ssub.s32 @!p0 $0x0, s1;
	[sflag:s0] =	ssyncset.done @!p0 $0x0  }
0xd2: {  	[sflag:s0] =	ssyncadd.s32 @!p0 s1  }
0xd3: {  	[bflag:$0x3] =	sbarrier.arrive $0xFFFF  }
0xd4: {  	_ =	shalt  }

// kernel: kernel.15.cloned.1.call-start
scs
__scs_entry_jumppad:
0x0: {  	(pc) =	sbr.rel $0x88, $3  }
0x1: {  	(tag) =	ssettag $0x0;
	lr =	simm.s32 $0x1  }
0x2: {  	[smem:$0x3F9F] =	sst lr;
	_ =	strace $0xD0000000  }
0x3: {  	_ = 	snop  }
0x4: {  	_ = 	snop  }
0x5: {  	_ = 	snop  }
0x6: {  	_ = 	snop  }
0x7: {  	_ = 	snop  }
__scs_overlays_trampoline_lowered:
0x8: {  	[smem:$0x3FAE] =	sst s0  }
0x9: {  	[smem:$0x3FAF] =	sst s1  }
0xa: {  	[smem:$0x3FB0] =	sst s2  }
0xb: {  	[smem:$0x3FB1] =	sst s3  }
0xc: {  	[smem:$0x3FB2] =	sst s4  }
0xd: {  	[smem:$0x3FB3] =	sst s5  }
0xe: {  	[smem:$0x3FB4] =	sst s6  }
0xf: {  	[smem:$0x3FB5] =	sst s7  }
0x10: {  	[smem:$0x3FB6] =	sst s8  }
0x11: {  	[smem:$0x3FB7] =	sst s9;
	s0 =	simm.s32 @!p0 $0x0  }
0x12: {  	s1 =	sld [smem:$0x3F9D];
	s0 =	simm.s32 @p0 $0x1  }
0x13: {  	[smem:$0x3FB8] =	sst s0;
	s0 =	simm.s32 @!p1 $0x0  }
0x14: {  	s2 =	sld [smem:$0x3F9C];
	s0 =	simm.s32 @p1 $0x1  }
0x15: {  	[smem:$0x3FB9] =	sst s0;
	s0 =	simm.s32 @!p2 $0x0  }
0x16: {  	s3 =	sld [smem:$0x3FDB];
	s0 =	simm.s32 @p2 $0x1  }
0x17: {  	s4 =	simm.s32 $0x1BF5;
	[smem:$0x3FBB] =	sst s0  }
0x18: {  	s0 =	sld [smem:$0x3F9E];
	_ =	swait.ge [sflag:s4], $0x0  }
0x19: {  	s7 =	sld [smem:$0x3F9F]  }
0x1a: {  	s8 =	sadd.s32 $0xFFFFE003, lr  }
0x1b: {  	s9 =	sadd.s32 $0xFFFFFEF7, lr;
	s5 =	simm.s32 $0xFFFFFFFF;
	p2 =	slt.u32 s8, $0xFFFFF086  }
0x1c: {  	p1 =	slt.u32 s9, $0xF7A;
	s5 =	simm.s32 @!p2 $0x0  }
0x1d: {  	s5 =	simm.s32 @p1 $0x1;
	p0 =	seq.s32 s7, s2  }
0x1e: {  	s7 =	smul.u32 @!p0 $0xF7A, s2;
	p2 =	seq.s32 @!p0 s5, $0x0  }
0x1f: {  	s9 =	smul.u32 $0xF7A, s1;
	s8 =	simm.s32 @!p0 $0x1BF5;
	p2 =	por !p2, p0  }
0x20: {  	[sflag:s8] =	ssyncset.s32 @!p0 $0xFFFFF086;
	s6 =	sadd.s32 @!p0 s3, s7;
	s7 =	simm.s32 @!p0 $0x108  }
0x21: {  	s3 =	sadd.s32 s3, s9;
	s6 =	sadd.s32 @!p0 $0x88, s6;
	s7 =	simm.s32 @p2 $0x1082  }
0x22: {  	[simem:s7], [sflag:s8] =	dma.local @!p0 [hbm:s6], $0xF7A  }
0x23: {  	s9 =	sor.u32 $0xD0000000, s2;
	s6 =	simm.s32 $0x108;
	_ =	swait.ge @!p0 [sflag:s8], $0x0  }
0x24: {  	s3 =	sadd.s32 $0x88, s3;
	s6 =	simm.s32 @!p1 $0x1082;
	[sflag:s4] =	ssyncset.s32 $0xFFFFF086  }
0x25: {  	[simem:s6], [sflag:s4] =	dma.local [hbm:s3], $0xF7A  }
0x26: {  	[smem:$0x3F9F] =	sst s1;
	(tag) =	ssettag s2;
	_ =	strace s9  }
0x27: {  	s1 =	sld [smem:$0x3FAF]  }
0x28: {  	s2 =	sld [smem:$0x3FB0]  }
0x29: {  	s4 =	sld [smem:$0x3FB2]  }
0x2a: {  	p0 =	seq.s32 s5, $0x0;
	s5 =	sld [smem:$0x3FB3]  }
0x2b: {  	s6 =	sld [smem:$0x3FB4]  }
0x2c: {  	s7 =	sld [smem:$0x3FB5]  }
0x2d: {  	s3 =	simm.s32 $0x108;
	s8 =	sld [smem:$0x3FB6]  }
0x2e: {  	s3 =	simm.s32 @!p0 $0x1082;
	s9 =	sld [smem:$0x3FB7]  }
0x2f: {  	lr =	sadd.s32 s0, s3;
	s0 =	sld [smem:$0x3FAE]  }
0x30: {  	s3 =	sld [smem:$0x3FB1]  }
0x31: {  	[smem:$0x3FBA] =	sst s10  }
0x32: {  	s10 =	sld [smem:$0x3FB8];
	_ =	sdelay $0x3  }
0x33: {  	p0 =	seq.s32 s10, $0x1;
	s10 =	sld [smem:$0x3FBA];
	_ =	sdelay $0x3  }
0x34: {  	[smem:$0x3FBA] =	sst s10  }
0x35: {  	s10 =	sld [smem:$0x3FB9];
	_ =	sdelay $0x3  }
0x36: {  	p1 =	seq.s32 s10, $0x1;
	s10 =	sld [smem:$0x3FBA];
	_ =	sdelay $0x3  }
0x37: {  	[smem:$0x3FBA] =	sst s10  }
0x38: {  	s10 =	sld [smem:$0x3FBB]  }
0x39: {  	_ = 	snop;
	(pc) =	sbr.ind lr, $3  }
0x3a: {  	_ = 	snop  }
0x3b: {  	_ = 	snop  }
0x3c: {  	p2 =	seq.s32 s10, $0x1;
	s10 =	sld [smem:$0x3FBA]  }
0x3d: {  	_ =	shalt  }
0x3e: {  	_ =	shalt  }
0x3f: {  	_ =	shalt  }
0x40: {  	_ =	shalt  }
0x41: {  	_ =	shalt  }
0x42: {  	_ =	shalt  }
0x43: {  	_ =	shalt  }
0x44: {  	_ =	shalt  }
0x45: {  	_ =	shalt  }
0x46: {  	_ =	shalt  }
0x47: {  	_ =	shalt  }
0x48: {  	_ =	shalt  }
0x49: {  	_ =	shalt  }
0x4a: {  	_ =	shalt  }
0x4b: {  	_ =	shalt  }
0x4c: {  	_ =	shalt  }
0x4d: {  	_ =	shalt  }
0x4e: {  	_ =	shalt  }
0x4f: {  	_ =	shalt  }
0x50: {  	_ =	shalt  }
0x51: {  	_ =	shalt  }
0x52: {  	_ =	shalt  }
0x53: {  	_ =	shalt  }
0x54: {  	_ =	shalt  }
0x55: {  	_ =	shalt  }
0x56: {  	_ =	shalt  }
0x57: {  	_ =	shalt  }
0x58: {  	_ =	shalt  }
0x59: {  	_ =	shalt  }
0x5a: {  	_ =	shalt  }
0x5b: {  	_ =	shalt  }
0x5c: {  	_ =	shalt  }
0x5d: {  	_ =	shalt  }
0x5e: {  	_ =	shalt  }
0x5f: {  	_ =	shalt  }
0x60: {  	_ =	shalt  }
0x61: {  	_ =	shalt  }
0x62: {  	_ =	shalt  }
0x63: {  	_ =	shalt  }
0x64: {  	_ =	shalt  }
0x65: {  	_ =	shalt  }
0x66: {  	_ =	shalt  }
0x67: {  	_ =	shalt  }
0x68: {  	_ =	shalt  }
0x69: {  	_ =	shalt  }
0x6a: {  	_ =	shalt  }
0x6b: {  	_ =	shalt  }
0x6c: {  	_ =	shalt  }
0x6d: {  	_ =	shalt  }
0x6e: {  	_ =	shalt  }
0x6f: {  	_ =	shalt  }
0x70: {  	_ =	shalt  }
0x71: {  	_ =	shalt  }
0x72: {  	_ =	shalt  }
0x73: {  	_ =	shalt  }
0x74: {  	_ =	shalt  }
0x75: {  	_ =	shalt  }
0x76: {  	_ =	shalt  }
0x77: {  	_ =	shalt  }
0x78: {  	_ =	shalt  }
0x79: {  	_ =	shalt  }
0x7a: {  	_ =	shalt  }
0x7b: {  	_ =	shalt  }
0x7c: {  	_ =	shalt  }
0x7d: {  	_ =	shalt  }
0x7e: {  	_ =	shalt  }
0x7f: {  	_ =	shalt  }
0x80: {  	_ =	shalt  }
0x81: {  	_ =	shalt  }
0x82: {  	_ =	shalt  }
0x83: {  	_ =	shalt  }
0x84: {  	_ =	shalt  }
0x85: {  	_ =	shalt  }
0x86: {  	_ =	shalt  }
0x87: {  	_ =	shalt  }
.Lfunc_end0:
.L_simem_size_0:
called_computation.1_lowered:
.L_overlay_start_0:
0x88: {  	s2 =	sld [smem:$0x3FD9]  }
0x89: {  	s3 =	sld [smem:$0x3FFE];
	_ =	sdelay $0x1  }
0x8a: {  	s1 =	srdreg.scid  }
0x8b: {  	s0 =	sand.u32 $0x1, s1  }
0x8c: {  	s17 =	sshll.u32 s0, $0xA;
	s2 =	sadd.s32 s3, s2  }
0x8d: {  	s2 =	sadd.s32 s2, s17  }
0x8e: {  	[smem:$0x3FC6] =	sst s2  }
0x8f: {  	_ = 	snop  }
0x90: {  	s18 =	sld [smem:$0x3FC9];
	(tm) =	ssettm $0x1  }
0x91: {  	s19 =	sld [smem:$0x3FFB];
	_ =	sdelay $0x3  }
0x92: {  	_ =	strace s19  }
0x93: {  	s2 =	sld [smem:$0x3FFC];
	_ =	sdelay $0x3  }
0x94: {  	_ =	strace s2  }
0x95: {  	s2 =	sld [smem:$0x3FFD];
	_ =	sdelay $0x3  }
0x96: {  	_ =	strace s2  }
0x97: {  	_ =	strace $0x8FFFFFFF  }
0x98: {  	s20 =	sld [smem:$0x3FDB];
	_ =	sdelay $0x1  }
0x99: {  	s4 =	simm.s32 $_scs_section_size  }
0x9a: {  	s5 =	simm.s32 $_size__tile_overlayer_lowered;
	s6 =	simm.s32 $_tile_overlayer_lowered  }
0x9b: {  	s7 =	simm.s32 $0x1BFF;
	s21 =	sshll.u32 s6, $0x1;
	s4 =	sadd.s32 s4, s20  }
0x9c: {  	s22 =	simm.s32 $0x0;
	s5 =	sshll.u32 s5, $0x1;
	s6 =	sadd.s32 s21, s4  }
0x9d: {  	[timem:s22], [sflag:s7] =	dma.local [hbm:s6], s5  }
0x9e: {  	_ =	swait.ge [sflag:s7], s5  }
0x9f: {  	s5 =	ssub.s32 $0x0, s5;
	[sflag:s7] =	ssyncset.done $0x0  }
0xa0: {  	[sflag:s7] =	ssyncadd.s32 s5;
	_ =	sdelay $0x1  }
0xa1: {  	s23 =	simm.s32 $0x1B8B  }
0xa2: {  	_ =	swait.ge [sflag:s23], $0x1  }
0xa3: {  	[sflag:s23] =	ssyncset.done $0x0  }
0xa4: {  	[sflag:s23] =	ssyncadd.s32 $0xFFFFFFFF  }
0xa5: {  	s5 =	sld [smem:$0x0]  }
0xa6: {  	s6 =	sand.u32 $0xFFFFFFFE, s1  }
0xa7: {  	p0 =	sne.s32 s1, s6  }
0xa8: {  	s6 =	sshll.u32 @p0 s6, $0xE  }
0xa9: {  	s6 =	sadd.s32 @p0 $0x11B8D, s6;
	s7 =	sshll.u32 @p0 s5, $0x11  }
0xaa: {  	s6 =	sor.u32 @p0 s7, s6  }
0xab: {  	[sflag:s6] =	ssyncadd.remote.s32 @p0 $0x1;
	_ =	sdelay $0x1  }
0xac: {  	s6 =	simm.s32 @p0 $0x1B8D  }
0xad: {  	_ =	swait.eq @p0 [sflag:s6], $0x1  }
0xae: {  	[sflag:s6] =	ssyncadd.s32 @p0 $0xFFFFFFFF  }
0xaf: {  	s7 =	sshll.u32 @!p0 s1, $0xE  }
0xb0: {  	s7 =	sor.u32 @!p0 $0x4000, s7;
	s6 =	simm.s32 @!p0 $0x1B8D  }
0xb1: {  	s5 =	sshll.u32 @!p0 s5, $0x11;
	s7 =	sadd.s32 @!p0 $0x11B8D, s7;
	_ =	swait.eq @!p0 [sflag:s6], $0x1  }
0xb2: {  	s5 =	sor.u32 @!p0 s5, s7;
	[sflag:s6] =	ssyncadd.s32 @!p0 $0xFFFFFFFF  }
0xb3: {  	s25 =	simm.s32 $0x1B8E;
	s24 =	sld [smem:$0x3FFE];
	[sflag:s5] =	ssyncadd.remote.s32 @!p0 $0x1  }
0xb4: {  	s26 =	simm.s32 $execute0_lowered;
	[smem:$0x3FD2] =	sst s25  }
0xb5: {  	s6 =	sshll.u32 s26, $0x1;
	_ =	strace $0x80000049;
	[dreg:$0x1] =	wrdreg $0xFFFFFFFF  }
0xb6: {  	s28 =	simm.s32 $_size_execute0_lowered;
	s4 =	sadd.s32 s4, s6;
	[dreg:$0x0] =	wrdreg $0x0  }
0xb7: {  	s6 =	sshll.u32 s28, $0x1;
	[dreg:$0x2] =	wrdreg s4  }
0xb8: {  	[dreg:$0x3] =	wrdreg s6  }
0xb9: {  	[dreg:$0x4] =	wrdreg $0xC0  }
0xba: {  	_ =	task [dreg:s22], $0x5FFFF  }
0xbb: {  	[dreg:$0x1] =	wrdreg $0xFFFFFFFF  }
0xbc: {  	[dreg:$0x0] =	wrdreg $0x60  }
0xbd: {  	[dreg:$0x2] =	wrdreg s18  }
0xbe: {  	[dreg:$0x3] =	wrdreg s24  }
0xbf: {  	[dreg:$0x4] =	wrdreg $0xA  }
0xc0: {  	_ =	task.clear_ibuf [dreg:s22], $0x5FFFF;
	_ =	strace $0x90000049  }
0xc1: {  	s29 =	simm.s32 $0xA;
	_ =	strace $0x8000004B  }
0xc2: {  	_ =	swait.ge [sflag:s29], $0x1  }
0xc3: {  	[sflag:s29] =	ssyncadd.s32 $0xFFFFFFFF  }
0xc4: {  	_ =	strace $0x9000004B  }
0xc5: {  	_ =	sfence  }
0xc6: {  	s30 =	sld [smem:$0x0];
	_ =	sdelay $0x2  }
0xc7: {  	s31 =	sshll.u32 s1, $0xD;
	s1 =	sshrl.u32 s1, $0x2  }
0xc8: {  	s4 =	sand.u32 $0x4000, s31;
	s1 =	sadd.s32 s1, s30  }
0xc9: {  	s0 =	sor.u32 s4, s0;
	s1 =	sshll.u32 s1, $0x11  }
0xca: {  	s0 =	sor.u32 s1, s0  }
0xcb: {  	s0 =	sadd.s32 $0x8F2B, s0  }
0xcc: {  	[sflag:s0] =	ssyncadd.remote.s32 $0x1  }
0xcd: {  	_ =	sfence.sel $0xFFFF  }
0xce: {  	[dreg:$0x0] =	wrdreg $0xFFFFFFFF;
	(pc) =	sbr.abs _section_cstart, $3  }
0xcf: {  	[dreg:$0x1] =	wrdreg $0xFFFFFFFF  }
0xd0: {  	_ =	task.clear_ibuf [dreg:s22], $0x2FFFF;
	_ =	strace $0x9FFFFFFF  }
0xd1: {  	(tm) =	ssettm $0x7FFFFFFF  }
tec
execute0_lowered:
.L_overlay_start_1:
0x0: {  	(tag) =	ssettag $0x1  }
0x1: {  	s1 =	rddreg [dreg:$0x0]  }
0x2: {  	s0 =	rddreg [dreg:$0x1];
	s3 =	simm.s32 $0x0;
	s2 =	srdreg.scid  }
0x3: {  	s6 =	stileid.u32;
	s8 =	simm.s32 $0x50;
	s9 =	simm.s32 $0x1000  }
0x4: {  	s13 =	simm.s32 $0x6000;
	s16 =	simm.s32 $0xB000;
	s17 =	simm.s32 $0x1  }
0x5: {  	s18 =	simm.s32 $0x3;
	s19 =	simm.s32 $0x5;
	s20 =	simm.s32 $0x6  }
0x6: {  	s21 =	simm.s32 $0x7;
	s22 =	simm.s32 $0x8;
	s23 =	simm.s32 $0x9  }
0x7: {  	s24 =	simm.s32 $0xA;
	[smem:$0x7FF] =	sst s3;
	s2 =	sand.u32 $0x1, s2  }
0x8: {  	s4 =	sshll.u32 s6, $0xA;
	s6 =	smul.u32 $0xFA00, s6;
	s5 =	sshll.u32 s2, $0x9  }
0x9: {  	_ =	strace $0x8000004A;
	s29 =	ssub.s32 $0x2, s2;
	s4 =	sor.u32 s5, s4  }
0xa: {  	s2 =	smul.u32 $0x7D00, s2;
	s30 =	sshrl.u32 s29, $0x1;
	s4 =	sadd.s32 s4, s0  }
0xb: {  	s0 =	sadd.s32 s6, s0;
	s5 =	ssub.s32 s29, s30;
	s4 =	sadd.s32 $0xFE400, s4  }
0xc: {  	s0 =	sadd.s32 s2, s0;
	s31 =	smax.u32 s5, $0x1;
	[dreg:$0x3] =	wrdreg s4  }
0xd: {  	s25 =	simm.s32 $0x0;
	[dreg:$0x4] =	wrdreg s31;
	s6 =	sadd.s32 $0x102E00, s0  }
.LBB2_1:
0xe: {  	s0 =	rddreg [dreg:$0x3];
	s7 =	simm.s32 $0xB  }
0xf: {  	[tilespmem:s3], [sflag:$0xB] =	stream.linear.gather [hbm4b:s0+s3], $0xC80, $0x38;
	[tilespmem:$0xD800] =	vst v63  }
0x10: {  	_ =	swait.ge [sflag:s7], $0xC80  }
0x11: {  	[sflag:s7] =	ssyncset.done $0x0  }
0x12: {  	[sflag:s7] =	ssyncadd.s32 $0xFFFFF380  }
0x13: {  	[tilespmem:s9], [sflag:$0x1] =	stream.indirect.gather [hbm4b:s1+s8], $0x80, s3, s8, $0xb8;
	[tilespmem:$0xD800] =	vst v63  }
0x14: {  	s10 =	simm.s32 $0x80;
	s2 =	simm.s32 $0x3800  }
0x15: {  	[tilespmem:s2], [sflag:$0x2] =	stream.indirect.gather [hbm4b:s1+s8], $0x80, s10, s8, $0xb8;
	[tilespmem:$0xD800] =	vst v63  }
0x16: {  	s11 =	simm.s32 $0x100;
	p0 =	por $0x1, $0x1  }
0x17: {  	[tilespmem:s13], [sflag:$0x3] =	stream.indirect.gather [hbm4b:s1+s8], $0x80, s11, s8, $0xb8;
	[tilespmem:$0xD800] =	vst v63  }
0x18: {  	s12 =	simm.s32 $0x180;
	s14 =	simm.s32 $0x8800;
	s0 =	simm.s32 @!p0 $0xA  }
0x19: {  	[tilespmem:s14], [sflag:$0x4] =	stream.indirect.gather [hbm4b:s1+s8], $0x80, s12, s8, $0xb8;
	[tilespmem:$0xD800] =	vst v63  }
0x1a: {  	_ =	swait.ge @!p0 [sflag:s0], $0x2800  }
0x1b: {  	[sflag:s0] =	ssyncset.done @!p0 $0x0  }
0x1c: {  	s15 =	simm.s32 $0x200;
	[sflag:s0] =	ssyncadd.s32 @!p0 $0xFFFFD800  }
0x1d: {  	[tilespmem:s16], [sflag:$0x5] =	stream.indirect.gather [hbm4b:s1+s8], $0x80, s15, s8, $0xb8;
	[tilespmem:$0xD800] =	vst v63  }
0x1e: {  	_ =	swait.ge [sflag:s17], $0x2800  }
0x1f: {  	p0 =	por $0x0, $0x0;
	[sflag:s17] =	ssyncset.done $0x0  }
0x20: {  	s26 =	sadd.s32 $0xFFFFF600, s6;
	s2 =	simm.s32 @p0 $0x2;
	[sflag:s17] =	ssyncadd.s32 $0xFFFFD800  }
0x21: {  	[hbm4b:s26+s3] =	stream.linear.scatter [tilespmem:s9], [sflag:$0x6], $0x2800, $0x38;
	[tilespmem:$0xD800] =	vst v63  }
0x22: {  	_ =	swait.ge @p0 [sflag:s2], $0x2800  }
0x23: {  	s0 =	simm.s32 @p0 $0x3800;
	s10 =	sadd.s32 @p0 $0xFFFFFB00, s6;
	[sflag:s2] =	ssyncset.done @p0 $0x0  }
0x24: {  	s26 =	simm.s32 @p0 $0x0;
	[sflag:s2] =	ssyncadd.s32 @p0 $0xFFFFD800;
	s2 =	simm.s32 @!p0 $0x6  }
0x25: {  	[hbm4b:s10+s26] =	stream.linear.scatter @p0 [tilespmem:s0], [sflag:$0x7], $0x2800, $0x38;
	[tilespmem:$0xD800] =	vst v63  }
0x26: {  	_ =	swait.ge @!p0 [sflag:s2], $0x2800  }
0x27: {  	s28 =	simm.s32 @!p0 $0x1000;
	s0 =	simm.s32 @!p0 $0x280;
	[sflag:s2] =	ssyncset.done @!p0 $0x0  }
0x28: {  	s10 =	simm.s32 @!p0 $0x50;
	[sflag:s2] =	ssyncadd.s32 @!p0 $0xFFFFD800;
	s2 =	simm.s32 @!p0 $0x2  }
0x29: {  	[tilespmem:s28], [sflag:$0x1] =	stream.indirect.gather @!p0 [hbm4b:s1+s10], $0x80, s0, s10, $0xb8;
	[tilespmem:$0xD800] =	vst v63  }
0x2a: {  	_ =	swait.ge @!p0 [sflag:s2], $0x2800  }
0x2b: {  	s29 =	simm.s32 @!p0 $0x0;
	s0 =	simm.s32 @!p0 $0x3800;
	[sflag:s2] =	ssyncset.done @!p0 $0x0  }
0x2c: {  	s28 =	sadd.s32 @!p0 $0xFFFFFB00, s6;
	[sflag:s2] =	ssyncadd.s32 @!p0 $0xFFFFD800;
	s2 =	simm.s32 @!p0 $0x7  }
0x2d: {  	[hbm4b:s28+s29] =	stream.linear.scatter @!p0 [tilespmem:s0], [sflag:$0x7], $0x2800, $0x38;
	[tilespmem:$0xD800] =	vst v63  }
0x2e: {  	_ =	swait.ge @!p0 [sflag:s2], $0x2800  }
0x2f: {  	[sflag:s2] =	ssyncset.done @!p0 $0x0  }
0x30: {  	s28 =	simm.s32 @!p0 $0x300;
	[sflag:s2] =	ssyncadd.s32 @!p0 $0xFFFFD800  }
0x31: {  	[tilespmem:s0], [sflag:$0x2] =	stream.indirect.gather @!p0 [hbm4b:s1+s10], $0x80, s28, s10, $0xb8;
	[tilespmem:$0xD800] =	vst v63  }
0x32: {  	_ =	swait.ge [sflag:s18], $0x2800  }
0x33: {  	[sflag:s18] =	ssyncset.done $0x0  }
0x34: {  	s0 =	simm.s32 @p0 $0x4;
	[sflag:s18] =	ssyncadd.s32 $0xFFFFD800  }
0x35: {  	[hbm4b:s6+s3] =	stream.linear.scatter [tilespmem:s13], [sflag:$0x8], $0x2800, $0x38;
	[tilespmem:$0xD800] =	vst v63  }
0x36: {  	_ =	swait.ge @p0 [sflag:s0], $0x2800  }
0x37: {  	s2 =	sadd.s32 @p0 $0x500, s6;
	[sflag:s0] =	ssyncset.done @p0 $0x0  }
0x38: {  	s28 =	simm.s32 @p0 $0x8800;
	[sflag:s0] =	ssyncadd.s32 @p0 $0xFFFFD800;
	s0 =	simm.s32 @!p0 $0x8  }
0x39: {  	[hbm4b:s2+s26] =	stream.linear.scatter @p0 [tilespmem:s28], [sflag:$0x9], $0x2800, $0x38;
	[tilespmem:$0xD800] =	vst v63  }
0x3a: {  	_ =	swait.ge @!p0 [sflag:s0], $0x2800  }
0x3b: {  	s2 =	simm.s32 @!p0 $0x380;
	[sflag:s0] =	ssyncset.done @!p0 $0x0  }
0x3c: {  	s26 =	simm.s32 @!p0 $0x6000;
	[sflag:s0] =	ssyncadd.s32 @!p0 $0xFFFFD800;
	s0 =	simm.s32 @!p0 $0x4  }
0x3d: {  	[tilespmem:s26], [sflag:$0x3] =	stream.indirect.gather @!p0 [hbm4b:s1+s10], $0x80, s2, s10, $0xb8;
	[tilespmem:$0xD800] =	vst v63  }
0x3e: {  	_ =	swait.ge @!p0 [sflag:s0], $0x2800  }
0x3f: {  	s2 =	sadd.s32 @!p0 $0x500, s6;
	[sflag:s0] =	ssyncset.done @!p0 $0x0  }
0x40: {  	s26 =	simm.s32 @!p0 $0x8800;
	[sflag:s0] =	ssyncadd.s32 @!p0 $0xFFFFD800;
	s0 =	simm.s32 @!p0 $0x9  }
0x41: {  	[hbm4b:s2+s29] =	stream.linear.scatter @!p0 [tilespmem:s26], [sflag:$0x9], $0x2800, $0x38;
	[tilespmem:$0xD800] =	vst v63  }
0x42: {  	s30 =	sadd.s32 $0xA00, s6;
	s31 =	simm.s32 $0x1400;
	_ =	swait.ge @!p0 [sflag:s0], $0x2800  }
0x43: {  	p1 =	por $0x0, $0x0;
	s28 =	sadd.s32 $0x1900, s6;
	[sflag:s0] =	ssyncset.done @!p0 $0x0  }
0x44: {  	s29 =	simm.s32 $0xA00;
	s2 =	simm.s32 @!p0 $0x400;
	[sflag:s0] =	ssyncadd.s32 @!p0 $0xFFFFD800  }
0x45: {  	[tilespmem:s26], [sflag:$0x4] =	stream.indirect.gather @!p0 [hbm4b:s1+s10], $0x80, s2, s10, $0xb8;
	[tilespmem:$0xD800] =	vst v63  }
0x46: {  	s0 =	sadd.s32 $0x1900, s28;
	s26 =	sadd.s32 $0xA00, s28;
	_ =	swait.ge [sflag:s19], $0x2800  }
.LBB2_2:
0x47: {  	s2 =	simm.s32 @!p1 $0xA  }
0x48: {  	[sflag:s19] =	ssyncset.done $0x0;
	s11 =	smov.u32 s31;
	s31 =	sadd.s32 $0xA00, s31  }
0x49: {  	s10 =	sadd.s32 $0xA00, s0;
	p0 =	sne.s32 s31, $0x3200;
	[sflag:s19] =	ssyncadd.s32 $0xFFFFD800  }
0x4a: {  	[hbm4b:s30+s3] =	stream.linear.scatter [tilespmem:s16], [sflag:$0xA], $0x2800, $0x38;
	[tilespmem:$0xD800] =	vst v63  }
0x4b: {  	s12 =	sshra.s32 s29, $0x2;
	s30 =	smov.u32 s26;
	_ =	swait.ge @!p1 [sflag:s2], $0x2800  }
0x4c: {  	s12 =	sadd.s32 $0x200, s12;
	s26 =	smov.u32 s10;
	[sflag:s2] =	ssyncset.done @!p1 $0x0  }
0x4d: {  	[sflag:s2] =	ssyncadd.s32 @!p1 $0xFFFFD800  }
0x4e: {  	[tilespmem:s16], [sflag:$0x5] =	stream.indirect.gather [hbm4b:s1+s8], $0x80, s12, s8, $0xb8;
	[tilespmem:$0xD800] =	vst v63  }
0x4f: {  	_ =	swait.ge [sflag:s17], $0x2800  }
0x50: {  	s2 =	sadd.s32 $0xFFFFF600, s28;
	p1 =	seq.s32 s29, $0x2800;
	[sflag:s17] =	ssyncset.done $0x0  }
0x51: {  	s10 =	simm.s32 @p1 $0x2;
	s12 =	sshra.s32 @!p1 s29, $0x2;
	[sflag:s17] =	ssyncadd.s32 $0xFFFFD800  }
0x52: {  	[hbm4b:s2+s3] =	stream.linear.scatter [tilespmem:s9], [sflag:$0x6], $0x2800, $0x38;
	[tilespmem:$0xD800] =	vst v63  }
0x53: {  	s14 =	sadd.s32 @!p1 $0x280, s12;
	s2 =	simm.s32 @p1 $0x3800;
	_ =	swait.ge @p1 [sflag:s10], $0x2800  }
0x54: {  	s29 =	sadd.s32 @p1 $0xFFFFFB00, s28;
	s15 =	simm.s32 @p1 $0x0;
	[sflag:s10] =	ssyncset.done @p1 $0x0  }
0x55: {  	s4 =	simm.s32 @!p1 $0x6;
	s5 =	sadd.s32 @!p1 $0x300, s12;
	[sflag:s10] =	ssyncadd.s32 @p1 $0xFFFFD800  }
0x56: {  	[hbm4b:s29+s15] =	stream.linear.scatter @p1 [tilespmem:s2], [sflag:$0x7], $0x2800, $0x38;
	[tilespmem:$0xD800] =	vst v63  }
0x57: {  	s7 =	sadd.s32 @!p1 $0x380, s12;
	s2 =	sadd.s32 @!p1 $0x400, s12;
	_ =	swait.ge @!p1 [sflag:s4], $0x2800  }
0x58: {  	s10 =	simm.s32 @!p1 $0x50;
	s12 =	simm.s32 @!p1 $0x1000;
	[sflag:s4] =	ssyncset.done @!p1 $0x0  }
0x59: {  	s29 =	smov.u32 s11;
	[sflag:s4] =	ssyncadd.s32 @!p1 $0xFFFFD800;
	s4 =	simm.s32 @!p1 $0x2  }
0x5a: {  	[tilespmem:s12], [sflag:$0x1] =	stream.indirect.gather @!p1 [hbm4b:s1+s10], $0x80, s14, s10, $0xb8;
	[tilespmem:$0xD800] =	vst v63  }
0x5b: {  	s11 =	simm.s32 @!p1 $0x3800;
	_ =	swait.ge @!p1 [sflag:s4], $0x2800  }
0x5c: {  	s12 =	sadd.s32 @!p1 $0xFFFFFB00, s28;
	s14 =	simm.s32 @!p1 $0x0;
	[sflag:s4] =	ssyncset.done @!p1 $0x0  }
0x5d: {  	[sflag:s4] =	ssyncadd.s32 @!p1 $0xFFFFD800;
	s4 =	simm.s32 @!p1 $0x7  }
0x5e: {  	[hbm4b:s12+s14] =	stream.linear.scatter @!p1 [tilespmem:s11], [sflag:$0x7], $0x2800, $0x38;
	[tilespmem:$0xD800] =	vst v63  }
0x5f: {  	_ =	swait.ge @!p1 [sflag:s4], $0x2800  }
0x60: {  	[sflag:s4] =	ssyncset.done @!p1 $0x0  }
0x61: {  	[sflag:s4] =	ssyncadd.s32 @!p1 $0xFFFFD800  }
0x62: {  	[tilespmem:s11], [sflag:$0x2] =	stream.indirect.gather @!p1 [hbm4b:s1+s10], $0x80, s5, s10, $0xb8;
	[tilespmem:$0xD800] =	vst v63  }
0x63: {  	_ =	swait.ge [sflag:s18], $0x2800  }
0x64: {  	[sflag:s18] =	ssyncset.done $0x0  }
0x65: {  	s4 =	simm.s32 @p1 $0x4;
	[sflag:s18] =	ssyncadd.s32 $0xFFFFD800  }
0x66: {  	[hbm4b:s28+s3] =	stream.linear.scatter [tilespmem:s13], [sflag:$0x8], $0x2800, $0x38;
	[tilespmem:$0xD800] =	vst v63  }
0x67: {  	_ =	swait.ge @p1 [sflag:s4], $0x2800  }
0x68: {  	s5 =	sadd.s32 @p1 $0x500, s28;
	s11 =	simm.s32 @p1 $0x8800;
	[sflag:s4] =	ssyncset.done @p1 $0x0  }
0x69: {  	[sflag:s4] =	ssyncadd.s32 @p1 $0xFFFFD800;
	s4 =	simm.s32 @!p1 $0x8  }
0x6a: {  	[hbm4b:s5+s15] =	stream.linear.scatter @p1 [tilespmem:s11], [sflag:$0x9], $0x2800, $0x38;
	[tilespmem:$0xD800] =	vst v63  }
0x6b: {  	_ =	swait.ge @!p1 [sflag:s4], $0x2800  }
0x6c: {  	s5 =	simm.s32 @!p1 $0x6000;
	[sflag:s4] =	ssyncset.done @!p1 $0x0  }
0x6d: {  	[sflag:s4] =	ssyncadd.s32 @!p1 $0xFFFFD800;
	s4 =	simm.s32 @!p1 $0x4  }
0x6e: {  	[tilespmem:s5], [sflag:$0x3] =	stream.indirect.gather @!p1 [hbm4b:s1+s10], $0x80, s7, s10, $0xb8;
	[tilespmem:$0xD800] =	vst v63  }
0x6f: {  	_ =	swait.ge @!p1 [sflag:s4], $0x2800  }
0x70: {  	s5 =	sadd.s32 @!p1 $0x500, s28;
	s7 =	simm.s32 @!p1 $0x8800;
	[sflag:s4] =	ssyncset.done @!p1 $0x0  }
0x71: {  	s28 =	smov.u32 s0;
	[sflag:s4] =	ssyncadd.s32 @!p1 $0xFFFFD800;
	s4 =	simm.s32 @!p1 $0x9  }
0x72: {  	[hbm4b:s5+s14] =	stream.linear.scatter @!p1 [tilespmem:s7], [sflag:$0x9], $0x2800, $0x38;
	[tilespmem:$0xD800] =	vst v63  }
.Ltmp0:
0x73: {  	_ =	swait.ge @!p1 [sflag:s4], $0x2800;
	(pc) =	sbr.rel @p0 .LBB2_2-.Ltmp0, $4  }
0x74: {  	[sflag:s4] =	ssyncset.done @!p1 $0x0  }
0x75: {  	[sflag:s4] =	ssyncadd.s32 @!p1 $0xFFFFD800  }
0x76: {  	[tilespmem:s7], [sflag:$0x4] =	stream.indirect.gather @!p1 [hbm4b:s1+s10], $0x80, s2, s10, $0xb8;
	[tilespmem:$0xD800] =	vst v63  }
0x77: {  	s0 =	sadd.s32 $0x1900, s0;
	p1 =	seq.s32 s29, $0x0;
	_ =	swait.ge [sflag:s19], $0x2800  }
0x78: {  	[sflag:s19] =	ssyncset.done $0x0  }
0x79: {  	s0 =	simm.s32 @!p1 $0xA;
	[sflag:s19] =	ssyncadd.s32 $0xFFFFD800  }
0x7a: {  	[hbm4b:s30+s3] =	stream.linear.scatter [tilespmem:s16], [sflag:$0xA], $0x2800, $0x38;
	[tilespmem:$0xD800] =	vst v63  }
0x7b: {  	_ =	swait.ge @!p1 [sflag:s0], $0x2800  }
0x7c: {  	s2 =	sshra.s32 s29, $0x2;
	[sflag:s0] =	ssyncset.done @!p1 $0x0  }
0x7d: {  	s2 =	sadd.s32 $0x200, s2;
	[sflag:s0] =	ssyncadd.s32 @!p1 $0xFFFFD800  }
0x7e: {  	[tilespmem:s16], [sflag:$0x5] =	stream.indirect.gather [hbm4b:s1+s8], $0x80, s2, s8, $0xb8;
	[tilespmem:$0xD800] =	vst v63  }
0x7f: {  	_ =	swait.ge [sflag:s17], $0x2800  }
0x80: {  	p0 =	seq.s32 s29, $0x2800;
	[sflag:s17] =	ssyncset.done $0x0  }
0x81: {  	s30 =	sadd.s32 $0xFFFFF600, s28;
	s2 =	simm.s32 @p0 $0x2;
	[sflag:s17] =	ssyncadd.s32 $0xFFFFD800  }
0x82: {  	[hbm4b:s30+s3] =	stream.linear.scatter [tilespmem:s9], [sflag:$0x6], $0x2800, $0x38;
	[tilespmem:$0xD800] =	vst v63  }
0x83: {  	_ =	swait.ge @p0 [sflag:s2], $0x2800  }
0x84: {  	s4 =	sadd.s32 @p0 $0xFFFFFB00, s28;
	s5 =	simm.s32 @p0 $0x0;
	[sflag:s2] =	ssyncset.done @p0 $0x0  }
0x85: {  	s0 =	simm.s32 @p0 $0x3800;
	[sflag:s2] =	ssyncadd.s32 @p0 $0xFFFFD800;
	s2 =	simm.s32 @!p0 $0x6  }
0x86: {  	[hbm4b:s4+s5] =	stream.linear.scatter @p0 [tilespmem:s0], [sflag:$0x7], $0x2800, $0x38;
	[tilespmem:$0xD800] =	vst v63  }
0x87: {  	s7 =	simm.s32 @!p0 $0x50;
	_ =	swait.ge @!p0 [sflag:s2], $0x2800  }
0x88: {  	s10 =	simm.s32 @!p0 $0x1000;
	s0 =	sshra.s32 @!p0 s29, $0x2;
	[sflag:s2] =	ssyncset.done @!p0 $0x0  }
0x89: {  	s4 =	sadd.s32 @!p0 $0x280, s0;
	[sflag:s2] =	ssyncadd.s32 @!p0 $0xFFFFD800;
	s2 =	simm.s32 @!p0 $0x2  }
0x8a: {  	[tilespmem:s10], [sflag:$0x1] =	stream.indirect.gather @!p0 [hbm4b:s1+s7], $0x80, s4, s7, $0xb8;
	[tilespmem:$0xD800] =	vst v63  }
0x8b: {  	_ =	swait.ge @!p0 [sflag:s2], $0x2800  }
0x8c: {  	s4 =	simm.s32 @!p0 $0x3800;
	[sflag:s2] =	ssyncset.done @!p0 $0x0  }
0x8d: {  	s10 =	sadd.s32 @!p0 $0xFFFFFB00, s28;
	[sflag:s2] =	ssyncadd.s32 @!p0 $0xFFFFD800;
	s2 =	simm.s32 @!p0 $0x0  }
0x8e: {  	[hbm4b:s10+s2] =	stream.linear.scatter @!p0 [tilespmem:s4], [sflag:$0x7], $0x2800, $0x38;
	[tilespmem:$0xD800] =	vst v63  }
0x8f: {  	s10 =	simm.s32 @!p0 $0x7  }
0x90: {  	_ =	swait.ge @!p0 [sflag:s10], $0x2800  }
0x91: {  	[sflag:s10] =	ssyncset.done @!p0 $0x0  }
0x92: {  	[sflag:s10] =	ssyncadd.s32 @!p0 $0xFFFFD800;
	s10 =	sadd.s32 @!p0 $0x300, s0  }
0x93: {  	[tilespmem:s4], [sflag:$0x2] =	stream.indirect.gather @!p0 [hbm4b:s1+s7], $0x80, s10, s7, $0xb8;
	[tilespmem:$0xD800] =	vst v63  }
0x94: {  	_ =	swait.ge [sflag:s18], $0x2800  }
0x95: {  	[sflag:s18] =	ssyncset.done $0x0  }
0x96: {  	s4 =	simm.s32 @p0 $0x4;
	[sflag:s18] =	ssyncadd.s32 $0xFFFFD800  }
0x97: {  	[hbm4b:s28+s3] =	stream.linear.scatter [tilespmem:s13], [sflag:$0x8], $0x2800, $0x38;
	[tilespmem:$0xD800] =	vst v63  }
0x98: {  	_ =	swait.ge @p0 [sflag:s4], $0x2800  }
0x99: {  	[sflag:s4] =	ssyncset.done @p0 $0x0  }
0x9a: {  	s10 =	sadd.s32 @p0 $0x500, s28;
	[sflag:s4] =	ssyncadd.s32 @p0 $0xFFFFD800;
	s4 =	simm.s32 @p0 $0x8800  }
0x9b: {  	[hbm4b:s10+s5] =	stream.linear.scatter @p0 [tilespmem:s4], [sflag:$0x9], $0x2800, $0x38;
	[tilespmem:$0xD800] =	vst v63  }
0x9c: {  	s4 =	simm.s32 @!p0 $0x8  }
0x9d: {  	_ =	swait.ge @!p0 [sflag:s4], $0x2800  }
0x9e: {  	[sflag:s4] =	ssyncset.done @!p0 $0x0  }
0x9f: {  	s5 =	sadd.s32 @!p0 $0x380, s0;
	[sflag:s4] =	ssyncadd.s32 @!p0 $0xFFFFD800;
	s4 =	simm.s32 @!p0 $0x6000  }
0xa0: {  	[tilespmem:s4], [sflag:$0x3] =	stream.indirect.gather @!p0 [hbm4b:s1+s7], $0x80, s5, s7, $0xb8;
	[tilespmem:$0xD800] =	vst v63  }
0xa1: {  	s4 =	simm.s32 @!p0 $0x4  }
0xa2: {  	_ =	swait.ge @!p0 [sflag:s4], $0x2800  }
0xa3: {  	[sflag:s4] =	ssyncset.done @!p0 $0x0  }
0xa4: {  	s5 =	sadd.s32 @!p0 $0x500, s28;
	[sflag:s4] =	ssyncadd.s32 @!p0 $0xFFFFD800;
	s4 =	simm.s32 @!p0 $0x8800  }
0xa5: {  	[hbm4b:s5+s2] =	stream.linear.scatter @!p0 [tilespmem:s4], [sflag:$0x9], $0x2800, $0x38;
	[tilespmem:$0xD800] =	vst v63  }
0xa6: {  	s2 =	simm.s32 @!p0 $0x9  }
0xa7: {  	_ =	swait.ge @!p0 [sflag:s2], $0x2800  }
0xa8: {  	[sflag:s2] =	ssyncset.done @!p0 $0x0  }
0xa9: {  	s0 =	sadd.s32 @!p0 $0x400, s0;
	[sflag:s2] =	ssyncadd.s32 @!p0 $0xFFFFD800  }
0xaa: {  	[tilespmem:s4], [sflag:$0x4] =	stream.indirect.gather @!p0 [hbm4b:s1+s7], $0x80, s0, s7, $0xb8;
	[tilespmem:$0xD800] =	vst v63  }
0xab: {  	_ =	swait.ge [sflag:s19], $0x2800  }
0xac: {  	[sflag:s19] =	ssyncset.done $0x0  }
0xad: {  	[sflag:s19] =	ssyncadd.s32 $0xFFFFD800  }
0xae: {  	[hbm4b:s26+s3] =	stream.linear.scatter [tilespmem:s16], [sflag:$0xA], $0x2800, $0x38;
	[tilespmem:$0xD800] =	vst v63  }
0xaf: {  	_ =	swait.ge [sflag:s20], $0x2800  }
0xb0: {  	[sflag:s20] =	ssyncset.done $0x0  }
0xb1: {  	[sflag:s20] =	ssyncadd.s32 $0xFFFFD800  }
0xb2: {  	_ =	swait.ge [sflag:s21], $0x2800  }
0xb3: {  	[sflag:s21] =	ssyncset.done $0x0  }
0xb4: {  	[sflag:s21] =	ssyncadd.s32 $0xFFFFD800  }
0xb5: {  	_ =	swait.ge [sflag:s22], $0x2800  }
0xb6: {  	[sflag:s22] =	ssyncset.done $0x0  }
0xb7: {  	[sflag:s22] =	ssyncadd.s32 $0xFFFFD800  }
0xb8: {  	_ =	swait.ge [sflag:s23], $0x2800  }
0xb9: {  	[sflag:s23] =	ssyncset.done $0x0  }
0xba: {  	[sflag:s23] =	ssyncadd.s32 $0xFFFFD800  }
0xbb: {  	_ =	swait.ge [sflag:s24], $0x2800  }
0xbc: {  	s25 =	sadd.s32 $0x1, s25;
	s31 =	rddreg [dreg:$0x4]  }
0xbd: {  	p0 =	sne.s32 s25, s31  }
.Ltmp1:
0xbe: {  	_ = 	snop;
	(pc) =	sbr.rel @p0 .LBB2_1-.Ltmp1, $3  }
0xbf: {  	_ =	sdelay $0x1  }
0xc0: {  	[sflag:s24] =	ssyncset.done $0x0  }
0xc1: {  	[sflag:s24] =	ssyncadd.s32 $0xFFFFD800  }
0xc2: {  	_ =	sfence.sel $0x180000  }
0xc3: {  	[bflag:$0x0] =	sbarrier.arrive $0xFFFF  }
0xc4: {  	_ =	strace $0x9000004A  }
0xc5: {  	s0 =	stileid.u32;
	[bflag:$0x2] =	sbarrier.arrive $0xFFFF  }
0xc6: {  	p0 =	sne.s32 s0, $0x0;
	s0 =	rddreg [dreg:$0x2]  }
0xc7: {  	s0 =	sadd.s32 @!p0 $0x100000, s0  }
0xc8: {  	[sflag:s0] =	ssyncadd.tile.s32 @!p0 $0x1;
	_ =	shalt  }
.Lfunc_end2:
_tile_overlayer_lowered:
.L_overlay_start_2:
0xc9: {  	(tag) =	ssettag $0x2  }
0xca: {  	s0 =	rddreg [dreg:$0x0];
	s2 =	stileid.u32  }
0xcb: {  	s1 =	rddreg [dreg:$0x1];
	p0 =	sne.s32 s2, $0x0  }
0xcc: {  	s3 =	rddreg [dreg:$0x2];
	[bflag:$0x3] =	sbarrier.arrive $0xFFFF;
	s2 =	simm.s32 @!p0 $0x1C0B  }
0xcd: {  	[timem:s3], [sflag:s2] =	dma.local @!p0 [hbm:s0], s1  }
0xce: {  	s0 =	simm.s32 @!p0 $0xB  }
0xcf: {  	_ =	swait.ge @!p0 [sflag:s0], s1  }
0xd0: {  	s1 =	ssub.s32 @!p0 $0x0, s1;
	[sflag:s0] =	ssyncset.done @!p0 $0x0  }
0xd1: {  	[sflag:s0] =	ssyncadd.s32 @!p0 s1  }
0xd2: {  	[bflag:$0x3] =	sbarrier.arrive $0xFFFF  }
0xd3: {  	_ =	shalt  }

// kernel: kernel.18.cloned.1.call-start
scs
__scs_entry_jumppad:
0x0: {  	(pc) =	sbr.rel $0x88, $3  }
0x1: {  	(tag) =	ssettag $0x0;
	lr =	simm.s32 $0x1  }
0x2: {  	[smem:$0x3F9F] =	sst lr;
	_ =	strace $0xD0000000  }
0x3: {  	_ = 	snop  }
0x4: {  	_ = 	snop  }
0x5: {  	_ = 	snop  }
0x6: {  	_ = 	snop  }
0x7: {  	_ = 	snop  }
__scs_overlays_trampoline_lowered:
0x8: {  	[smem:$0x3FAE] =	sst s0  }
0x9: {  	[smem:$0x3FAF] =	sst s1  }
0xa: {  	[smem:$0x3FB0] =	sst s2  }
0xb: {  	[smem:$0x3FB1] =	sst s3  }
0xc: {  	[smem:$0x3FB2] =	sst s4  }
0xd: {  	[smem:$0x3FB3] =	sst s5  }
0xe: {  	[smem:$0x3FB4] =	sst s6  }
0xf: {  	[smem:$0x3FB5] =	sst s7  }
0x10: {  	[smem:$0x3FB6] =	sst s8  }
0x11: {  	[smem:$0x3FB7] =	sst s9;
	s0 =	simm.s32 @!p0 $0x0  }
0x12: {  	s1 =	sld [smem:$0x3F9D];
	s0 =	simm.s32 @p0 $0x1  }
0x13: {  	[smem:$0x3FB8] =	sst s0;
	s0 =	simm.s32 @!p1 $0x0  }
0x14: {  	s2 =	sld [smem:$0x3F9C];
	s0 =	simm.s32 @p1 $0x1  }
0x15: {  	[smem:$0x3FB9] =	sst s0;
	s0 =	simm.s32 @!p2 $0x0  }
0x16: {  	s3 =	sld [smem:$0x3FDB];
	s0 =	simm.s32 @p2 $0x1  }
0x17: {  	s4 =	simm.s32 $0x1BF5;
	[smem:$0x3FBB] =	sst s0  }
0x18: {  	s0 =	sld [smem:$0x3F9E];
	_ =	swait.ge [sflag:s4], $0x0  }
0x19: {  	s7 =	sld [smem:$0x3F9F]  }
0x1a: {  	s8 =	sadd.s32 $0xFFFFE003, lr  }
0x1b: {  	s9 =	sadd.s32 $0xFFFFFEF7, lr;
	s5 =	simm.s32 $0xFFFFFFFF;
	p2 =	slt.u32 s8, $0xFFFFF086  }
0x1c: {  	p1 =	slt.u32 s9, $0xF7A;
	s5 =	simm.s32 @!p2 $0x0  }
0x1d: {  	s5 =	simm.s32 @p1 $0x1;
	p0 =	seq.s32 s7, s2  }
0x1e: {  	s7 =	smul.u32 @!p0 $0xF7A, s2;
	p2 =	seq.s32 @!p0 s5, $0x0  }
0x1f: {  	s9 =	smul.u32 $0xF7A, s1;
	s8 =	simm.s32 @!p0 $0x1BF5;
	p2 =	por !p2, p0  }
0x20: {  	[sflag:s8] =	ssyncset.s32 @!p0 $0xFFFFF086;
	s6 =	sadd.s32 @!p0 s3, s7;
	s7 =	simm.s32 @!p0 $0x108  }
0x21: {  	s3 =	sadd.s32 s3, s9;
	s6 =	sadd.s32 @!p0 $0x88, s6;
	s7 =	simm.s32 @p2 $0x1082  }
0x22: {  	[simem:s7], [sflag:s8] =	dma.local @!p0 [hbm:s6], $0xF7A  }
0x23: {  	s9 =	sor.u32 $0xD0000000, s2;
	s6 =	simm.s32 $0x108;
	_ =	swait.ge @!p0 [sflag:s8], $0x0  }
0x24: {  	s3 =	sadd.s32 $0x88, s3;
	s6 =	simm.s32 @!p1 $0x1082;
	[sflag:s4] =	ssyncset.s32 $0xFFFFF086  }
0x25: {  	[simem:s6], [sflag:s4] =	dma.local [hbm:s3], $0xF7A  }
0x26: {  	[smem:$0x3F9F] =	sst s1;
	(tag) =	ssettag s2;
	_ =	strace s9  }
0x27: {  	s1 =	sld [smem:$0x3FAF]  }
0x28: {  	s2 =	sld [smem:$0x3FB0]  }
0x29: {  	s4 =	sld [smem:$0x3FB2]  }
0x2a: {  	p0 =	seq.s32 s5, $0x0;
	s5 =	sld [smem:$0x3FB3]  }
0x2b: {  	s6 =	sld [smem:$0x3FB4]  }
0x2c: {  	s7 =	sld [smem:$0x3FB5]  }
0x2d: {  	s3 =	simm.s32 $0x108;
	s8 =	sld [smem:$0x3FB6]  }
0x2e: {  	s3 =	simm.s32 @!p0 $0x1082;
	s9 =	sld [smem:$0x3FB7]  }
0x2f: {  	lr =	sadd.s32 s0, s3;
	s0 =	sld [smem:$0x3FAE]  }
0x30: {  	s3 =	sld [smem:$0x3FB1]  }
0x31: {  	[smem:$0x3FBA] =	sst s10  }
0x32: {  	s10 =	sld [smem:$0x3FB8];
	_ =	sdelay $0x3  }
0x33: {  	p0 =	seq.s32 s10, $0x1;
	s10 =	sld [smem:$0x3FBA];
	_ =	sdelay $0x3  }
0x34: {  	[smem:$0x3FBA] =	sst s10  }
0x35: {  	s10 =	sld [smem:$0x3FB9];
	_ =	sdelay $0x3  }
0x36: {  	p1 =	seq.s32 s10, $0x1;
	s10 =	sld [smem:$0x3FBA];
	_ =	sdelay $0x3  }
0x37: {  	[smem:$0x3FBA] =	sst s10  }
0x38: {  	s10 =	sld [smem:$0x3FBB]  }
0x39: {  	_ = 	snop;
	(pc) =	sbr.ind lr, $3  }
0x3a: {  	_ = 	snop  }
0x3b: {  	_ = 	snop  }
0x3c: {  	p2 =	seq.s32 s10, $0x1;
	s10 =	sld [smem:$0x3FBA]  }
0x3d: {  	_ =	shalt  }
0x3e: {  	_ =	shalt  }
0x3f: {  	_ =	shalt  }
0x40: {  	_ =	shalt  }
0x41: {  	_ =	shalt  }
0x42: {  	_ =	shalt  }
0x43: {  	_ =	shalt  }
0x44: {  	_ =	shalt  }
0x45: {  	_ =	shalt  }
0x46: {  	_ =	shalt  }
0x47: {  	_ =	shalt  }
0x48: {  	_ =	shalt  }
0x49: {  	_ =	shalt  }
0x4a: {  	_ =	shalt  }
0x4b: {  	_ =	shalt  }
0x4c: {  	_ =	shalt  }
0x4d: {  	_ =	shalt  }
0x4e: {  	_ =	shalt  }
0x4f: {  	_ =	shalt  }
0x50: {  	_ =	shalt  }
0x51: {  	_ =	shalt  }
0x52: {  	_ =	shalt  }
0x53: {  	_ =	shalt  }
0x54: {  	_ =	shalt  }
0x55: {  	_ =	shalt  }
0x56: {  	_ =	shalt  }
0x57: {  	_ =	shalt  }
0x58: {  	_ =	shalt  }
0x59: {  	_ =	shalt  }
0x5a: {  	_ =	shalt  }
0x5b: {  	_ =	shalt  }
0x5c: {  	_ =	shalt  }
0x5d: {  	_ =	shalt  }
0x5e: {  	_ =	shalt  }
0x5f: {  	_ =	shalt  }
0x60: {  	_ =	shalt  }
0x61: {  	_ =	shalt  }
0x62: {  	_ =	shalt  }
0x63: {  	_ =	shalt  }
0x64: {  	_ =	shalt  }
0x65: {  	_ =	shalt  }
0x66: {  	_ =	shalt  }
0x67: {  	_ =	shalt  }
0x68: {  	_ =	shalt  }
0x69: {  	_ =	shalt  }
0x6a: {  	_ =	shalt  }
0x6b: {  	_ =	shalt  }
0x6c: {  	_ =	shalt  }
0x6d: {  	_ =	shalt  }
0x6e: {  	_ =	shalt  }
0x6f: {  	_ =	shalt  }
0x70: {  	_ =	shalt  }
0x71: {  	_ =	shalt  }
0x72: {  	_ =	shalt  }
0x73: {  	_ =	shalt  }
0x74: {  	_ =	shalt  }
0x75: {  	_ =	shalt  }
0x76: {  	_ =	shalt  }
0x77: {  	_ =	shalt  }
0x78: {  	_ =	shalt  }
0x79: {  	_ =	shalt  }
0x7a: {  	_ =	shalt  }
0x7b: {  	_ =	shalt  }
0x7c: {  	_ =	shalt  }
0x7d: {  	_ =	shalt  }
0x7e: {  	_ =	shalt  }
0x7f: {  	_ =	shalt  }
0x80: {  	_ =	shalt  }
0x81: {  	_ =	shalt  }
0x82: {  	_ =	shalt  }
0x83: {  	_ =	shalt  }
0x84: {  	_ =	shalt  }
0x85: {  	_ =	shalt  }
0x86: {  	_ =	shalt  }
0x87: {  	_ =	shalt  }
.Lfunc_end0:
.L_simem_size_0:
called_computation.2_lowered:
.L_overlay_start_0:
0x88: {  	s2 =	sld [smem:$0x3FD9]  }
0x89: {  	s3 =	sld [smem:$0x3FFE];
	_ =	sdelay $0x1  }
0x8a: {  	s1 =	srdreg.scid  }
0x8b: {  	s0 =	sand.u32 $0x1, s1  }
0x8c: {  	s17 =	sshll.u32 s0, $0xA;
	s2 =	sadd.s32 s3, s2  }
0x8d: {  	s2 =	sadd.s32 s2, s17  }
0x8e: {  	[smem:$0x3FC6] =	sst s2  }
0x8f: {  	_ = 	snop  }
0x90: {  	s18 =	sld [smem:$0x3FC9];
	(tm) =	ssettm $0x1  }
0x91: {  	s19 =	sld [smem:$0x3FFB];
	_ =	sdelay $0x3  }
0x92: {  	_ =	strace s19  }
0x93: {  	s2 =	sld [smem:$0x3FFC];
	_ =	sdelay $0x3  }
0x94: {  	_ =	strace s2  }
0x95: {  	s2 =	sld [smem:$0x3FFD];
	_ =	sdelay $0x3  }
0x96: {  	_ =	strace s2  }
0x97: {  	_ =	strace $0x8FFFFFFF  }
0x98: {  	s20 =	sld [smem:$0x3FDB];
	_ =	sdelay $0x1  }
0x99: {  	s4 =	simm.s32 $_scs_section_size  }
0x9a: {  	s5 =	simm.s32 $_size__tile_overlayer_lowered;
	s6 =	simm.s32 $_tile_overlayer_lowered  }
0x9b: {  	s7 =	simm.s32 $0x1BFF;
	s21 =	sshll.u32 s6, $0x1;
	s4 =	sadd.s32 s4, s20  }
0x9c: {  	s22 =	simm.s32 $0x0;
	s5 =	sshll.u32 s5, $0x1;
	s6 =	sadd.s32 s21, s4  }
0x9d: {  	[timem:s22], [sflag:s7] =	dma.local [hbm:s6], s5  }
0x9e: {  	_ =	swait.ge [sflag:s7], s5  }
0x9f: {  	s5 =	ssub.s32 $0x0, s5;
	[sflag:s7] =	ssyncset.done $0x0  }
0xa0: {  	[sflag:s7] =	ssyncadd.s32 s5;
	_ =	sdelay $0x1  }
0xa1: {  	s23 =	simm.s32 $0x1B8B  }
0xa2: {  	_ =	swait.ge [sflag:s23], $0x1  }
0xa3: {  	[sflag:s23] =	ssyncset.done $0x0  }
0xa4: {  	[sflag:s23] =	ssyncadd.s32 $0xFFFFFFFF  }
0xa5: {  	s5 =	sld [smem:$0x0]  }
0xa6: {  	s6 =	sand.u32 $0xFFFFFFFE, s1  }
0xa7: {  	p0 =	sne.s32 s1, s6  }
0xa8: {  	s6 =	sshll.u32 @p0 s6, $0xE  }
0xa9: {  	s6 =	sadd.s32 @p0 $0x11B8D, s6;
	s7 =	sshll.u32 @p0 s5, $0x11  }
0xaa: {  	s6 =	sor.u32 @p0 s7, s6  }
0xab: {  	[sflag:s6] =	ssyncadd.remote.s32 @p0 $0x1;
	_ =	sdelay $0x1  }
0xac: {  	s6 =	simm.s32 @p0 $0x1B8D  }
0xad: {  	_ =	swait.eq @p0 [sflag:s6], $0x1  }
0xae: {  	[sflag:s6] =	ssyncadd.s32 @p0 $0xFFFFFFFF  }
0xaf: {  	s7 =	sshll.u32 @!p0 s1, $0xE  }
0xb0: {  	s7 =	sor.u32 @!p0 $0x4000, s7;
	s6 =	simm.s32 @!p0 $0x1B8D  }
0xb1: {  	s5 =	sshll.u32 @!p0 s5, $0x11;
	s7 =	sadd.s32 @!p0 $0x11B8D, s7;
	_ =	swait.eq @!p0 [sflag:s6], $0x1  }
0xb2: {  	s5 =	sor.u32 @!p0 s5, s7;
	[sflag:s6] =	ssyncadd.s32 @!p0 $0xFFFFFFFF  }
0xb3: {  	s25 =	simm.s32 $0x1B8E;
	s24 =	sld [smem:$0x3FFE];
	[sflag:s5] =	ssyncadd.remote.s32 @!p0 $0x1  }
0xb4: {  	s26 =	simm.s32 $execute0_lowered;
	[smem:$0x3FD2] =	sst s25  }
0xb5: {  	s6 =	sshll.u32 s26, $0x1;
	_ =	strace $0x8000004C;
	[dreg:$0x1] =	wrdreg $0xFFFFFFFF  }
0xb6: {  	s28 =	simm.s32 $_size_execute0_lowered;
	s4 =	sadd.s32 s4, s6;
	[dreg:$0x0] =	wrdreg $0x0  }
0xb7: {  	s6 =	sshll.u32 s28, $0x1;
	[dreg:$0x2] =	wrdreg s4  }
0xb8: {  	[dreg:$0x3] =	wrdreg s6  }
0xb9: {  	[dreg:$0x4] =	wrdreg $0xC0  }
0xba: {  	_ =	task [dreg:s22], $0x5FFFF  }
0xbb: {  	[dreg:$0x1] =	wrdreg $0xFFFFFFFF  }
0xbc: {  	[dreg:$0x0] =	wrdreg $0x60  }
0xbd: {  	[dreg:$0x2] =	wrdreg s18  }
0xbe: {  	[dreg:$0x3] =	wrdreg s24  }
0xbf: {  	[dreg:$0x4] =	wrdreg $0xB  }
0xc0: {  	_ =	task.clear_ibuf [dreg:s22], $0x5FFFF;
	_ =	strace $0x9000004C  }
0xc1: {  	s29 =	simm.s32 $0xB;
	_ =	strace $0x8000004E  }
0xc2: {  	_ =	swait.ge [sflag:s29], $0x1  }
0xc3: {  	[sflag:s29] =	ssyncadd.s32 $0xFFFFFFFF  }
0xc4: {  	_ =	strace $0x9000004E  }
0xc5: {  	_ =	sfence  }
0xc6: {  	s30 =	sld [smem:$0x0];
	_ =	sdelay $0x2  }
0xc7: {  	s31 =	sshll.u32 s1, $0xD;
	s1 =	sshrl.u32 s1, $0x2  }
0xc8: {  	s4 =	sand.u32 $0x4000, s31;
	s1 =	sadd.s32 s1, s30  }
0xc9: {  	s0 =	sor.u32 s4, s0;
	s1 =	sshll.u32 s1, $0x11  }
0xca: {  	s0 =	sor.u32 s1, s0  }
0xcb: {  	s0 =	sadd.s32 $0x8F2B, s0  }
0xcc: {  	[sflag:s0] =	ssyncadd.remote.s32 $0x1  }
0xcd: {  	_ =	sfence.sel $0xFFFF  }
0xce: {  	[dreg:$0x0] =	wrdreg $0xFFFFFFFF;
	(pc) =	sbr.abs _section_cstart, $3  }
0xcf: {  	[dreg:$0x1] =	wrdreg $0xFFFFFFFF  }
0xd0: {  	_ =	task.clear_ibuf [dreg:s22], $0x2FFFF;
	_ =	strace $0x9FFFFFFF  }
0xd1: {  	(tm) =	ssettm $0x7FFFFFFF  }
tec
execute0_lowered:
.L_overlay_start_1:
0x0: {  	(tag) =	ssettag $0x1  }
0x1: {  	s1 =	rddreg [dreg:$0x0]  }
0x2: {  	s0 =	rddreg [dreg:$0x1];
	s3 =	simm.s32 $0x0;
	s2 =	srdreg.scid  }
0x3: {  	s6 =	stileid.u32;
	s8 =	simm.s32 $0x50;
	s9 =	simm.s32 $0x1000  }
0x4: {  	s13 =	simm.s32 $0x6000;
	s16 =	simm.s32 $0xB000;
	s17 =	simm.s32 $0x1  }
0x5: {  	s18 =	simm.s32 $0x3;
	s19 =	simm.s32 $0x5;
	s20 =	simm.s32 $0x6  }
0x6: {  	s21 =	simm.s32 $0x7;
	s22 =	simm.s32 $0x8;
	s23 =	simm.s32 $0x9  }
0x7: {  	s24 =	simm.s32 $0xA;
	[smem:$0x7FF] =	sst s3;
	s2 =	sand.u32 $0x1, s2  }
0x8: {  	s4 =	sshll.u32 s6, $0xA;
	s6 =	smul.u32 $0xFA00, s6;
	s5 =	sshll.u32 s2, $0x9  }
0x9: {  	_ =	strace $0x8000004D;
	s29 =	ssub.s32 $0x2, s2;
	s4 =	sor.u32 s5, s4  }
0xa: {  	s2 =	smul.u32 $0x7D00, s2;
	s30 =	sshrl.u32 s29, $0x1;
	s4 =	sadd.s32 s4, s0  }
0xb: {  	s0 =	sadd.s32 s6, s0;
	s5 =	ssub.s32 s29, s30;
	s4 =	sadd.s32 $0x1FC400, s4  }
0xc: {  	s0 =	sadd.s32 s2, s0;
	s31 =	smax.u32 s5, $0x1;
	[dreg:$0x3] =	wrdreg s4  }
0xd: {  	s25 =	simm.s32 $0x0;
	[dreg:$0x4] =	wrdreg s31;
	s6 =	sadd.s32 $0x200E00, s0  }
.LBB2_1:
0xe: {  	s0 =	rddreg [dreg:$0x3];
	s7 =	simm.s32 $0xB  }
0xf: {  	[tilespmem:s3], [sflag:$0xB] =	stream.linear.gather [hbm4b:s0+s3], $0xC80, $0x38;
	[tilespmem:$0xD800] =	vst v63  }
0x10: {  	_ =	swait.ge [sflag:s7], $0xC80  }
0x11: {  	[sflag:s7] =	ssyncset.done $0x0  }
0x12: {  	[sflag:s7] =	ssyncadd.s32 $0xFFFFF380  }
0x13: {  	[tilespmem:s9], [sflag:$0x1] =	stream.indirect.gather [hbm4b:s1+s8], $0x80, s3, s8, $0xb8;
	[tilespmem:$0xD800] =	vst v63  }
0x14: {  	s10 =	simm.s32 $0x80;
	s2 =	simm.s32 $0x3800  }
0x15: {  	[tilespmem:s2], [sflag:$0x2] =	stream.indirect.gather [hbm4b:s1+s8], $0x80, s10, s8, $0xb8;
	[tilespmem:$0xD800] =	vst v63  }
0x16: {  	s11 =	simm.s32 $0x100;
	p0 =	por $0x1, $0x1  }
0x17: {  	[tilespmem:s13], [sflag:$0x3] =	stream.indirect.gather [hbm4b:s1+s8], $0x80, s11, s8, $0xb8;
	[tilespmem:$0xD800] =	vst v63  }
0x18: {  	s12 =	simm.s32 $0x180;
	s14 =	simm.s32 $0x8800;
	s0 =	simm.s32 @!p0 $0xA  }
0x19: {  	[tilespmem:s14], [sflag:$0x4] =	stream.indirect.gather [hbm4b:s1+s8], $0x80, s12, s8, $0xb8;
	[tilespmem:$0xD800] =	vst v63  }
0x1a: {  	_ =	swait.ge @!p0 [sflag:s0], $0x2800  }
0x1b: {  	[sflag:s0] =	ssyncset.done @!p0 $0x0  }
0x1c: {  	s15 =	simm.s32 $0x200;
	[sflag:s0] =	ssyncadd.s32 @!p0 $0xFFFFD800  }
0x1d: {  	[tilespmem:s16], [sflag:$0x5] =	stream.indirect.gather [hbm4b:s1+s8], $0x80, s15, s8, $0xb8;
	[tilespmem:$0xD800] =	vst v63  }
0x1e: {  	_ =	swait.ge [sflag:s17], $0x2800  }
0x1f: {  	p0 =	por $0x0, $0x0;
	[sflag:s17] =	ssyncset.done $0x0  }
0x20: {  	s26 =	sadd.s32 $0xFFFFF600, s6;
	s2 =	simm.s32 @p0 $0x2;
	[sflag:s17] =	ssyncadd.s32 $0xFFFFD800  }
0x21: {  	[hbm4b:s26+s3] =	stream.linear.scatter [tilespmem:s9], [sflag:$0x6], $0x2800, $0x38;
	[tilespmem:$0xD800] =	vst v63  }
0x22: {  	_ =	swait.ge @p0 [sflag:s2], $0x2800  }
0x23: {  	s0 =	simm.s32 @p0 $0x3800;
	s10 =	sadd.s32 @p0 $0xFFFFFB00, s6;
	[sflag:s2] =	ssyncset.done @p0 $0x0  }
0x24: {  	s26 =	simm.s32 @p0 $0x0;
	[sflag:s2] =	ssyncadd.s32 @p0 $0xFFFFD800;
	s2 =	simm.s32 @!p0 $0x6  }
0x25: {  	[hbm4b:s10+s26] =	stream.linear.scatter @p0 [tilespmem:s0], [sflag:$0x7], $0x2800, $0x38;
	[tilespmem:$0xD800] =	vst v63  }
0x26: {  	_ =	swait.ge @!p0 [sflag:s2], $0x2800  }
0x27: {  	s28 =	simm.s32 @!p0 $0x1000;
	s0 =	simm.s32 @!p0 $0x280;
	[sflag:s2] =	ssyncset.done @!p0 $0x0  }
0x28: {  	s10 =	simm.s32 @!p0 $0x50;
	[sflag:s2] =	ssyncadd.s32 @!p0 $0xFFFFD800;
	s2 =	simm.s32 @!p0 $0x2  }
0x29: {  	[tilespmem:s28], [sflag:$0x1] =	stream.indirect.gather @!p0 [hbm4b:s1+s10], $0x80, s0, s10, $0xb8;
	[tilespmem:$0xD800] =	vst v63  }
0x2a: {  	_ =	swait.ge @!p0 [sflag:s2], $0x2800  }
0x2b: {  	s29 =	simm.s32 @!p0 $0x0;
	s0 =	simm.s32 @!p0 $0x3800;
	[sflag:s2] =	ssyncset.done @!p0 $0x0  }
0x2c: {  	s28 =	sadd.s32 @!p0 $0xFFFFFB00, s6;
	[sflag:s2] =	ssyncadd.s32 @!p0 $0xFFFFD800;
	s2 =	simm.s32 @!p0 $0x7  }
0x2d: {  	[hbm4b:s28+s29] =	stream.linear.scatter @!p0 [tilespmem:s0], [sflag:$0x7], $0x2800, $0x38;
	[tilespmem:$0xD800] =	vst v63  }
0x2e: {  	_ =	swait.ge @!p0 [sflag:s2], $0x2800  }
0x2f: {  	[sflag:s2] =	ssyncset.done @!p0 $0x0  }
0x30: {  	s28 =	simm.s32 @!p0 $0x300;
	[sflag:s2] =	ssyncadd.s32 @!p0 $0xFFFFD800  }
0x31: {  	[tilespmem:s0], [sflag:$0x2] =	stream.indirect.gather @!p0 [hbm4b:s1+s10], $0x80, s28, s10, $0xb8;
	[tilespmem:$0xD800] =	vst v63  }
0x32: {  	_ =	swait.ge [sflag:s18], $0x2800  }
0x33: {  	[sflag:s18] =	ssyncset.done $0x0  }
0x34: {  	s0 =	simm.s32 @p0 $0x4;
	[sflag:s18] =	ssyncadd.s32 $0xFFFFD800  }
0x35: {  	[hbm4b:s6+s3] =	stream.linear.scatter [tilespmem:s13], [sflag:$0x8], $0x2800, $0x38;
	[tilespmem:$0xD800] =	vst v63  }
0x36: {  	_ =	swait.ge @p0 [sflag:s0], $0x2800  }
0x37: {  	s2 =	sadd.s32 @p0 $0x500, s6;
	[sflag:s0] =	ssyncset.done @p0 $0x0  }
0x38: {  	s28 =	simm.s32 @p0 $0x8800;
	[sflag:s0] =	ssyncadd.s32 @p0 $0xFFFFD800;
	s0 =	simm.s32 @!p0 $0x8  }
0x39: {  	[hbm4b:s2+s26] =	stream.linear.scatter @p0 [tilespmem:s28], [sflag:$0x9], $0x2800, $0x38;
	[tilespmem:$0xD800] =	vst v63  }
0x3a: {  	_ =	swait.ge @!p0 [sflag:s0], $0x2800  }
0x3b: {  	s2 =	simm.s32 @!p0 $0x380;
	[sflag:s0] =	ssyncset.done @!p0 $0x0  }
0x3c: {  	s26 =	simm.s32 @!p0 $0x6000;
	[sflag:s0] =	ssyncadd.s32 @!p0 $0xFFFFD800;
	s0 =	simm.s32 @!p0 $0x4  }
0x3d: {  	[tilespmem:s26], [sflag:$0x3] =	stream.indirect.gather @!p0 [hbm4b:s1+s10], $0x80, s2, s10, $0xb8;
	[tilespmem:$0xD800] =	vst v63  }
0x3e: {  	_ =	swait.ge @!p0 [sflag:s0], $0x2800  }
0x3f: {  	s2 =	sadd.s32 @!p0 $0x500, s6;
	[sflag:s0] =	ssyncset.done @!p0 $0x0  }
0x40: {  	s26 =	simm.s32 @!p0 $0x8800;
	[sflag:s0] =	ssyncadd.s32 @!p0 $0xFFFFD800;
	s0 =	simm.s32 @!p0 $0x9  }
0x41: {  	[hbm4b:s2+s29] =	stream.linear.scatter @!p0 [tilespmem:s26], [sflag:$0x9], $0x2800, $0x38;
	[tilespmem:$0xD800] =	vst v63  }
0x42: {  	s30 =	sadd.s32 $0xA00, s6;
	s31 =	simm.s32 $0x1400;
	_ =	swait.ge @!p0 [sflag:s0], $0x2800  }
0x43: {  	p1 =	por $0x0, $0x0;
	s28 =	sadd.s32 $0x1900, s6;
	[sflag:s0] =	ssyncset.done @!p0 $0x0  }
0x44: {  	s29 =	simm.s32 $0xA00;
	s2 =	simm.s32 @!p0 $0x400;
	[sflag:s0] =	ssyncadd.s32 @!p0 $0xFFFFD800  }
0x45: {  	[tilespmem:s26], [sflag:$0x4] =	stream.indirect.gather @!p0 [hbm4b:s1+s10], $0x80, s2, s10, $0xb8;
	[tilespmem:$0xD800] =	vst v63  }
0x46: {  	s0 =	sadd.s32 $0x1900, s28;
	s26 =	sadd.s32 $0xA00, s28;
	_ =	swait.ge [sflag:s19], $0x2800  }
.LBB2_2:
0x47: {  	s2 =	simm.s32 @!p1 $0xA  }
0x48: {  	[sflag:s19] =	ssyncset.done $0x0;
	s11 =	smov.u32 s31;
	s31 =	sadd.s32 $0xA00, s31  }
0x49: {  	s10 =	sadd.s32 $0xA00, s0;
	p0 =	sne.s32 s31, $0x3200;
	[sflag:s19] =	ssyncadd.s32 $0xFFFFD800  }
0x4a: {  	[hbm4b:s30+s3] =	stream.linear.scatter [tilespmem:s16], [sflag:$0xA], $0x2800, $0x38;
	[tilespmem:$0xD800] =	vst v63  }
0x4b: {  	s12 =	sshra.s32 s29, $0x2;
	s30 =	smov.u32 s26;
	_ =	swait.ge @!p1 [sflag:s2], $0x2800  }
0x4c: {  	s12 =	sadd.s32 $0x200, s12;
	s26 =	smov.u32 s10;
	[sflag:s2] =	ssyncset.done @!p1 $0x0  }
0x4d: {  	[sflag:s2] =	ssyncadd.s32 @!p1 $0xFFFFD800  }
0x4e: {  	[tilespmem:s16], [sflag:$0x5] =	stream.indirect.gather [hbm4b:s1+s8], $0x80, s12, s8, $0xb8;
	[tilespmem:$0xD800] =	vst v63  }
0x4f: {  	_ =	swait.ge [sflag:s17], $0x2800  }
0x50: {  	s2 =	sadd.s32 $0xFFFFF600, s28;
	p1 =	seq.s32 s29, $0x2800;
	[sflag:s17] =	ssyncset.done $0x0  }
0x51: {  	s10 =	simm.s32 @p1 $0x2;
	s12 =	sshra.s32 @!p1 s29, $0x2;
	[sflag:s17] =	ssyncadd.s32 $0xFFFFD800  }
0x52: {  	[hbm4b:s2+s3] =	stream.linear.scatter [tilespmem:s9], [sflag:$0x6], $0x2800, $0x38;
	[tilespmem:$0xD800] =	vst v63  }
0x53: {  	s14 =	sadd.s32 @!p1 $0x280, s12;
	s2 =	simm.s32 @p1 $0x3800;
	_ =	swait.ge @p1 [sflag:s10], $0x2800  }
0x54: {  	s29 =	sadd.s32 @p1 $0xFFFFFB00, s28;
	s15 =	simm.s32 @p1 $0x0;
	[sflag:s10] =	ssyncset.done @p1 $0x0  }
0x55: {  	s4 =	simm.s32 @!p1 $0x6;
	s5 =	sadd.s32 @!p1 $0x300, s12;
	[sflag:s10] =	ssyncadd.s32 @p1 $0xFFFFD800  }
0x56: {  	[hbm4b:s29+s15] =	stream.linear.scatter @p1 [tilespmem:s2], [sflag:$0x7], $0x2800, $0x38;
	[tilespmem:$0xD800] =	vst v63  }
0x57: {  	s7 =	sadd.s32 @!p1 $0x380, s12;
	s2 =	sadd.s32 @!p1 $0x400, s12;
	_ =	swait.ge @!p1 [sflag:s4], $0x2800  }
0x58: {  	s10 =	simm.s32 @!p1 $0x50;
	s12 =	simm.s32 @!p1 $0x1000;
	[sflag:s4] =	ssyncset.done @!p1 $0x0  }
0x59: {  	s29 =	smov.u32 s11;
	[sflag:s4] =	ssyncadd.s32 @!p1 $0xFFFFD800;
	s4 =	simm.s32 @!p1 $0x2  }
0x5a: {  	[tilespmem:s12], [sflag:$0x1] =	stream.indirect.gather @!p1 [hbm4b:s1+s10], $0x80, s14, s10, $0xb8;
	[tilespmem:$0xD800] =	vst v63  }
0x5b: {  	s11 =	simm.s32 @!p1 $0x3800;
	_ =	swait.ge @!p1 [sflag:s4], $0x2800  }
0x5c: {  	s12 =	sadd.s32 @!p1 $0xFFFFFB00, s28;
	s14 =	simm.s32 @!p1 $0x0;
	[sflag:s4] =	ssyncset.done @!p1 $0x0  }
0x5d: {  	[sflag:s4] =	ssyncadd.s32 @!p1 $0xFFFFD800;
	s4 =	simm.s32 @!p1 $0x7  }
0x5e: {  	[hbm4b:s12+s14] =	stream.linear.scatter @!p1 [tilespmem:s11], [sflag:$0x7], $0x2800, $0x38;
	[tilespmem:$0xD800] =	vst v63  }
0x5f: {  	_ =	swait.ge @!p1 [sflag:s4], $0x2800  }
0x60: {  	[sflag:s4] =	ssyncset.done @!p1 $0x0  }
0x61: {  	[sflag:s4] =	ssyncadd.s32 @!p1 $0xFFFFD800  }
0x62: {  	[tilespmem:s11], [sflag:$0x2] =	stream.indirect.gather @!p1 [hbm4b:s1+s10], $0x80, s5, s10, $0xb8;
	[tilespmem:$0xD800] =	vst v63  }
0x63: {  	_ =	swait.ge [sflag:s18], $0x2800  }
0x64: {  	[sflag:s18] =	ssyncset.done $0x0  }
0x65: {  	s4 =	simm.s32 @p1 $0x4;
	[sflag:s18] =	ssyncadd.s32 $0xFFFFD800  }
0x66: {  	[hbm4b:s28+s3] =	stream.linear.scatter [tilespmem:s13], [sflag:$0x8], $0x2800, $0x38;
	[tilespmem:$0xD800] =	vst v63  }
0x67: {  	_ =	swait.ge @p1 [sflag:s4], $0x2800  }
0x68: {  	s5 =	sadd.s32 @p1 $0x500, s28;
	s11 =	simm.s32 @p1 $0x8800;
	[sflag:s4] =	ssyncset.done @p1 $0x0  }
0x69: {  	[sflag:s4] =	ssyncadd.s32 @p1 $0xFFFFD800;
	s4 =	simm.s32 @!p1 $0x8  }
0x6a: {  	[hbm4b:s5+s15] =	stream.linear.scatter @p1 [tilespmem:s11], [sflag:$0x9], $0x2800, $0x38;
	[tilespmem:$0xD800] =	vst v63  }
0x6b: {  	_ =	swait.ge @!p1 [sflag:s4], $0x2800  }
0x6c: {  	s5 =	simm.s32 @!p1 $0x6000;
	[sflag:s4] =	ssyncset.done @!p1 $0x0  }
0x6d: {  	[sflag:s4] =	ssyncadd.s32 @!p1 $0xFFFFD800;
	s4 =	simm.s32 @!p1 $0x4  }
0x6e: {  	[tilespmem:s5], [sflag:$0x3] =	stream.indirect.gather @!p1 [hbm4b:s1+s10], $0x80, s7, s10, $0xb8;
	[tilespmem:$0xD800] =	vst v63  }
0x6f: {  	_ =	swait.ge @!p1 [sflag:s4], $0x2800  }
0x70: {  	s5 =	sadd.s32 @!p1 $0x500, s28;
	s7 =	simm.s32 @!p1 $0x8800;
	[sflag:s4] =	ssyncset.done @!p1 $0x0  }
0x71: {  	s28 =	smov.u32 s0;
	[sflag:s4] =	ssyncadd.s32 @!p1 $0xFFFFD800;
	s4 =	simm.s32 @!p1 $0x9  }
0x72: {  	[hbm4b:s5+s14] =	stream.linear.scatter @!p1 [tilespmem:s7], [sflag:$0x9], $0x2800, $0x38;
	[tilespmem:$0xD800] =	vst v63  }
.Ltmp0:
0x73: {  	_ =	swait.ge @!p1 [sflag:s4], $0x2800;
	(pc) =	sbr.rel @p0 .LBB2_2-.Ltmp0, $4  }
0x74: {  	[sflag:s4] =	ssyncset.done @!p1 $0x0  }
0x75: {  	[sflag:s4] =	ssyncadd.s32 @!p1 $0xFFFFD800  }
0x76: {  	[tilespmem:s7], [sflag:$0x4] =	stream.indirect.gather @!p1 [hbm4b:s1+s10], $0x80, s2, s10, $0xb8;
	[tilespmem:$0xD800] =	vst v63  }
0x77: {  	s0 =	sadd.s32 $0x1900, s0;
	p1 =	seq.s32 s29, $0x0;
	_ =	swait.ge [sflag:s19], $0x2800  }
0x78: {  	[sflag:s19] =	ssyncset.done $0x0  }
0x79: {  	s0 =	simm.s32 @!p1 $0xA;
	[sflag:s19] =	ssyncadd.s32 $0xFFFFD800  }
0x7a: {  	[hbm4b:s30+s3] =	stream.linear.scatter [tilespmem:s16], [sflag:$0xA], $0x2800, $0x38;
	[tilespmem:$0xD800] =	vst v63  }
0x7b: {  	_ =	swait.ge @!p1 [sflag:s0], $0x2800  }
0x7c: {  	s2 =	sshra.s32 s29, $0x2;
	[sflag:s0] =	ssyncset.done @!p1 $0x0  }
0x7d: {  	s2 =	sadd.s32 $0x200, s2;
	[sflag:s0] =	ssyncadd.s32 @!p1 $0xFFFFD800  }
0x7e: {  	[tilespmem:s16], [sflag:$0x5] =	stream.indirect.gather [hbm4b:s1+s8], $0x80, s2, s8, $0xb8;
	[tilespmem:$0xD800] =	vst v63  }
0x7f: {  	_ =	swait.ge [sflag:s17], $0x2800  }
0x80: {  	p0 =	seq.s32 s29, $0x2800;
	[sflag:s17] =	ssyncset.done $0x0  }
0x81: {  	s30 =	sadd.s32 $0xFFFFF600, s28;
	s2 =	simm.s32 @p0 $0x2;
	[sflag:s17] =	ssyncadd.s32 $0xFFFFD800  }
0x82: {  	[hbm4b:s30+s3] =	stream.linear.scatter [tilespmem:s9], [sflag:$0x6], $0x2800, $0x38;
	[tilespmem:$0xD800] =	vst v63  }
0x83: {  	_ =	swait.ge @p0 [sflag:s2], $0x2800  }
0x84: {  	s4 =	sadd.s32 @p0 $0xFFFFFB00, s28;
	s5 =	simm.s32 @p0 $0x0;
	[sflag:s2] =	ssyncset.done @p0 $0x0  }
0x85: {  	s0 =	simm.s32 @p0 $0x3800;
	[sflag:s2] =	ssyncadd.s32 @p0 $0xFFFFD800;
	s2 =	simm.s32 @!p0 $0x6  }
0x86: {  	[hbm4b:s4+s5] =	stream.linear.scatter @p0 [tilespmem:s0], [sflag:$0x7], $0x2800, $0x38;
	[tilespmem:$0xD800] =	vst v63  }
0x87: {  	s7 =	simm.s32 @!p0 $0x50;
	_ =	swait.ge @!p0 [sflag:s2], $0x2800  }
0x88: {  	s10 =	simm.s32 @!p0 $0x1000;
	s0 =	sshra.s32 @!p0 s29, $0x2;
	[sflag:s2] =	ssyncset.done @!p0 $0x0  }
0x89: {  	s4 =	sadd.s32 @!p0 $0x280, s0;
	[sflag:s2] =	ssyncadd.s32 @!p0 $0xFFFFD800;
	s2 =	simm.s32 @!p0 $0x2  }
0x8a: {  	[tilespmem:s10], [sflag:$0x1] =	stream.indirect.gather @!p0 [hbm4b:s1+s7], $0x80, s4, s7, $0xb8;
	[tilespmem:$0xD800] =	vst v63  }
0x8b: {  	_ =	swait.ge @!p0 [sflag:s2], $0x2800  }
0x8c: {  	s4 =	simm.s32 @!p0 $0x3800;
	[sflag:s2] =	ssyncset.done @!p0 $0x0  }
0x8d: {  	s10 =	sadd.s32 @!p0 $0xFFFFFB00, s28;
	[sflag:s2] =	ssyncadd.s32 @!p0 $0xFFFFD800;
	s2 =	simm.s32 @!p0 $0x0  }
0x8e: {  	[hbm4b:s10+s2] =	stream.linear.scatter @!p0 [tilespmem:s4], [sflag:$0x7], $0x2800, $0x38;
	[tilespmem:$0xD800] =	vst v63  }
0x8f: {  	s10 =	simm.s32 @!p0 $0x7  }
0x90: {  	_ =	swait.ge @!p0 [sflag:s10], $0x2800  }
0x91: {  	[sflag:s10] =	ssyncset.done @!p0 $0x0  }
0x92: {  	[sflag:s10] =	ssyncadd.s32 @!p0 $0xFFFFD800;
	s10 =	sadd.s32 @!p0 $0x300, s0  }
0x93: {  	[tilespmem:s4], [sflag:$0x2] =	stream.indirect.gather @!p0 [hbm4b:s1+s7], $0x80, s10, s7, $0xb8;
	[tilespmem:$0xD800] =	vst v63  }
0x94: {  	_ =	swait.ge [sflag:s18], $0x2800  }
0x95: {  	[sflag:s18] =	ssyncset.done $0x0  }
0x96: {  	s4 =	simm.s32 @p0 $0x4;
	[sflag:s18] =	ssyncadd.s32 $0xFFFFD800  }
0x97: {  	[hbm4b:s28+s3] =	stream.linear.scatter [tilespmem:s13], [sflag:$0x8], $0x2800, $0x38;
	[tilespmem:$0xD800] =	vst v63  }
0x98: {  	_ =	swait.ge @p0 [sflag:s4], $0x2800  }
0x99: {  	[sflag:s4] =	ssyncset.done @p0 $0x0  }
0x9a: {  	s10 =	sadd.s32 @p0 $0x500, s28;
	[sflag:s4] =	ssyncadd.s32 @p0 $0xFFFFD800;
	s4 =	simm.s32 @p0 $0x8800  }
0x9b: {  	[hbm4b:s10+s5] =	stream.linear.scatter @p0 [tilespmem:s4], [sflag:$0x9], $0x2800, $0x38;
	[tilespmem:$0xD800] =	vst v63  }
0x9c: {  	s4 =	simm.s32 @!p0 $0x8  }
0x9d: {  	_ =	swait.ge @!p0 [sflag:s4], $0x2800  }
0x9e: {  	[sflag:s4] =	ssyncset.done @!p0 $0x0  }
0x9f: {  	s5 =	sadd.s32 @!p0 $0x380, s0;
	[sflag:s4] =	ssyncadd.s32 @!p0 $0xFFFFD800;
	s4 =	simm.s32 @!p0 $0x6000  }
0xa0: {  	[tilespmem:s4], [sflag:$0x3] =	stream.indirect.gather @!p0 [hbm4b:s1+s7], $0x80, s5, s7, $0xb8;
	[tilespmem:$0xD800] =	vst v63  }
0xa1: {  	s4 =	simm.s32 @!p0 $0x4  }
0xa2: {  	_ =	swait.ge @!p0 [sflag:s4], $0x2800  }
0xa3: {  	[sflag:s4] =	ssyncset.done @!p0 $0x0  }
0xa4: {  	s5 =	sadd.s32 @!p0 $0x500, s28;
	[sflag:s4] =	ssyncadd.s32 @!p0 $0xFFFFD800;
	s4 =	simm.s32 @!p0 $0x8800  }
0xa5: {  	[hbm4b:s5+s2] =	stream.linear.scatter @!p0 [tilespmem:s4], [sflag:$0x9], $0x2800, $0x38;
	[tilespmem:$0xD800] =	vst v63  }
0xa6: {  	s2 =	simm.s32 @!p0 $0x9  }
0xa7: {  	_ =	swait.ge @!p0 [sflag:s2], $0x2800  }
0xa8: {  	[sflag:s2] =	ssyncset.done @!p0 $0x0  }
0xa9: {  	s0 =	sadd.s32 @!p0 $0x400, s0;
	[sflag:s2] =	ssyncadd.s32 @!p0 $0xFFFFD800  }
0xaa: {  	[tilespmem:s4], [sflag:$0x4] =	stream.indirect.gather @!p0 [hbm4b:s1+s7], $0x80, s0, s7, $0xb8;
	[tilespmem:$0xD800] =	vst v63  }
0xab: {  	_ =	swait.ge [sflag:s19], $0x2800  }
0xac: {  	[sflag:s19] =	ssyncset.done $0x0  }
0xad: {  	[sflag:s19] =	ssyncadd.s32 $0xFFFFD800  }
0xae: {  	[hbm4b:s26+s3] =	stream.linear.scatter [tilespmem:s16], [sflag:$0xA], $0x2800, $0x38;
	[tilespmem:$0xD800] =	vst v63  }
0xaf: {  	_ =	swait.ge [sflag:s20], $0x2800  }
0xb0: {  	[sflag:s20] =	ssyncset.done $0x0  }
0xb1: {  	[sflag:s20] =	ssyncadd.s32 $0xFFFFD800  }
0xb2: {  	_ =	swait.ge [sflag:s21], $0x2800  }
0xb3: {  	[sflag:s21] =	ssyncset.done $0x0  }
0xb4: {  	[sflag:s21] =	ssyncadd.s32 $0xFFFFD800  }
0xb5: {  	_ =	swait.ge [sflag:s22], $0x2800  }
0xb6: {  	[sflag:s22] =	ssyncset.done $0x0  }
0xb7: {  	[sflag:s22] =	ssyncadd.s32 $0xFFFFD800  }
0xb8: {  	_ =	swait.ge [sflag:s23], $0x2800  }
0xb9: {  	[sflag:s23] =	ssyncset.done $0x0  }
0xba: {  	[sflag:s23] =	ssyncadd.s32 $0xFFFFD800  }
0xbb: {  	_ =	swait.ge [sflag:s24], $0x2800  }
0xbc: {  	s25 =	sadd.s32 $0x1, s25;
	s31 =	rddreg [dreg:$0x4]  }
0xbd: {  	p0 =	sne.s32 s25, s31  }
.Ltmp1:
0xbe: {  	_ = 	snop;
	(pc) =	sbr.rel @p0 .LBB2_1-.Ltmp1, $3  }
0xbf: {  	_ =	sdelay $0x1  }
0xc0: {  	[sflag:s24] =	ssyncset.done $0x0  }
0xc1: {  	[sflag:s24] =	ssyncadd.s32 $0xFFFFD800  }
0xc2: {  	_ =	sfence.sel $0x180000  }
0xc3: {  	[bflag:$0x0] =	sbarrier.arrive $0xFFFF  }
0xc4: {  	_ =	strace $0x9000004D  }
0xc5: {  	s0 =	stileid.u32;
	[bflag:$0x2] =	sbarrier.arrive $0xFFFF  }
0xc6: {  	p0 =	sne.s32 s0, $0x0;
	s0 =	rddreg [dreg:$0x2]  }
0xc7: {  	s0 =	sadd.s32 @!p0 $0x100000, s0  }
0xc8: {  	[sflag:s0] =	ssyncadd.tile.s32 @!p0 $0x1;
	_ =	shalt  }
.Lfunc_end2:
_tile_overlayer_lowered:
.L_overlay_start_2:
0xc9: {  	(tag) =	ssettag $0x2  }
0xca: {  	s0 =	rddreg [dreg:$0x0];
	s2 =	stileid.u32  }
0xcb: {  	s1 =	rddreg [dreg:$0x1];
	p0 =	sne.s32 s2, $0x0  }
0xcc: {  	s3 =	rddreg [dreg:$0x2];
	[bflag:$0x3] =	sbarrier.arrive $0xFFFF;
	s2 =	simm.s32 @!p0 $0x1C0B  }
0xcd: {  	[timem:s3], [sflag:s2] =	dma.local @!p0 [hbm:s0], s1  }
0xce: {  	s0 =	simm.s32 @!p0 $0xB  }
0xcf: {  	_ =	swait.ge @!p0 [sflag:s0], s1  }
0xd0: {  	s1 =	ssub.s32 @!p0 $0x0, s1;
	[sflag:s0] =	ssyncset.done @!p0 $0x0  }
0xd1: {  	[sflag:s0] =	ssyncadd.s32 @!p0 s1  }
0xd2: {  	[bflag:$0x3] =	sbarrier.arrive $0xFFFF  }
0xd3: {  	_ =	shalt  }

// kernel: kernel.21.cloned.1.call-start
scs
__scs_entry_jumppad:
0x0: {  	(pc) =	sbr.rel $0x88, $3  }
0x1: {  	(tag) =	ssettag $0x0;
	lr =	simm.s32 $0x1  }
0x2: {  	[smem:$0x3F9F] =	sst lr;
	_ =	strace $0xD0000000  }
0x3: {  	_ = 	snop  }
0x4: {  	_ = 	snop  }
0x5: {  	_ = 	snop  }
0x6: {  	_ = 	snop  }
0x7: {  	_ = 	snop  }
__scs_overlays_trampoline_lowered:
0x8: {  	[smem:$0x3FAE] =	sst s0  }
0x9: {  	[smem:$0x3FAF] =	sst s1  }
0xa: {  	[smem:$0x3FB0] =	sst s2  }
0xb: {  	[smem:$0x3FB1] =	sst s3  }
0xc: {  	[smem:$0x3FB2] =	sst s4  }
0xd: {  	[smem:$0x3FB3] =	sst s5  }
0xe: {  	[smem:$0x3FB4] =	sst s6  }
0xf: {  	[smem:$0x3FB5] =	sst s7  }
0x10: {  	[smem:$0x3FB6] =	sst s8  }
0x11: {  	[smem:$0x3FB7] =	sst s9;
	s0 =	simm.s32 @!p0 $0x0  }
0x12: {  	s1 =	sld [smem:$0x3F9D];
	s0 =	simm.s32 @p0 $0x1  }
0x13: {  	[smem:$0x3FB8] =	sst s0;
	s0 =	simm.s32 @!p1 $0x0  }
0x14: {  	s2 =	sld [smem:$0x3F9C];
	s0 =	simm.s32 @p1 $0x1  }
0x15: {  	[smem:$0x3FB9] =	sst s0;
	s0 =	simm.s32 @!p2 $0x0  }
0x16: {  	s3 =	sld [smem:$0x3FDB];
	s0 =	simm.s32 @p2 $0x1  }
0x17: {  	s4 =	simm.s32 $0x1BF5;
	[smem:$0x3FBB] =	sst s0  }
0x18: {  	s0 =	sld [smem:$0x3F9E];
	_ =	swait.ge [sflag:s4], $0x0  }
0x19: {  	s7 =	sld [smem:$0x3F9F]  }
0x1a: {  	s8 =	sadd.s32 $0xFFFFE003, lr  }
0x1b: {  	s9 =	sadd.s32 $0xFFFFFEF7, lr;
	s5 =	simm.s32 $0xFFFFFFFF;
	p2 =	slt.u32 s8, $0xFFFFF086  }
0x1c: {  	p1 =	slt.u32 s9, $0xF7A;
	s5 =	simm.s32 @!p2 $0x0  }
0x1d: {  	s5 =	simm.s32 @p1 $0x1;
	p0 =	seq.s32 s7, s2  }
0x1e: {  	s7 =	smul.u32 @!p0 $0xF7A, s2;
	p2 =	seq.s32 @!p0 s5, $0x0  }
0x1f: {  	s9 =	smul.u32 $0xF7A, s1;
	s8 =	simm.s32 @!p0 $0x1BF5;
	p2 =	por !p2, p0  }
0x20: {  	[sflag:s8] =	ssyncset.s32 @!p0 $0xFFFFF086;
	s6 =	sadd.s32 @!p0 s3, s7;
	s7 =	simm.s32 @!p0 $0x108  }
0x21: {  	s3 =	sadd.s32 s3, s9;
	s6 =	sadd.s32 @!p0 $0x88, s6;
	s7 =	simm.s32 @p2 $0x1082  }
0x22: {  	[simem:s7], [sflag:s8] =	dma.local @!p0 [hbm:s6], $0xF7A  }
0x23: {  	s9 =	sor.u32 $0xD0000000, s2;
	s6 =	simm.s32 $0x108;
	_ =	swait.ge @!p0 [sflag:s8], $0x0  }
0x24: {  	s3 =	sadd.s32 $0x88, s3;
	s6 =	simm.s32 @!p1 $0x1082;
	[sflag:s4] =	ssyncset.s32 $0xFFFFF086  }
0x25: {  	[simem:s6], [sflag:s4] =	dma.local [hbm:s3], $0xF7A  }
0x26: {  	[smem:$0x3F9F] =	sst s1;
	(tag) =	ssettag s2;
	_ =	strace s9  }
0x27: {  	s1 =	sld [smem:$0x3FAF]  }
0x28: {  	s2 =	sld [smem:$0x3FB0]  }
0x29: {  	s4 =	sld [smem:$0x3FB2]  }
0x2a: {  	p0 =	seq.s32 s5, $0x0;
	s5 =	sld [smem:$0x3FB3]  }
0x2b: {  	s6 =	sld [smem:$0x3FB4]  }
0x2c: {  	s7 =	sld [smem:$0x3FB5]  }
0x2d: {  	s3 =	simm.s32 $0x108;
	s8 =	sld [smem:$0x3FB6]  }
0x2e: {  	s3 =	simm.s32 @!p0 $0x1082;
	s9 =	sld [smem:$0x3FB7]  }
0x2f: {  	lr =	sadd.s32 s0, s3;
	s0 =	sld [smem:$0x3FAE]  }
0x30: {  	s3 =	sld [smem:$0x3FB1]  }
0x31: {  	[smem:$0x3FBA] =	sst s10  }
0x32: {  	s10 =	sld [smem:$0x3FB8];
	_ =	sdelay $0x3  }
0x33: {  	p0 =	seq.s32 s10, $0x1;
	s10 =	sld [smem:$0x3FBA];
	_ =	sdelay $0x3  }
0x34: {  	[smem:$0x3FBA] =	sst s10  }
0x35: {  	s10 =	sld [smem:$0x3FB9];
	_ =	sdelay $0x3  }
0x36: {  	p1 =	seq.s32 s10, $0x1;
	s10 =	sld [smem:$0x3FBA];
	_ =	sdelay $0x3  }
0x37: {  	[smem:$0x3FBA] =	sst s10  }
0x38: {  	s10 =	sld [smem:$0x3FBB]  }
0x39: {  	_ = 	snop;
	(pc) =	sbr.ind lr, $3  }
0x3a: {  	_ = 	snop  }
0x3b: {  	_ = 	snop  }
0x3c: {  	p2 =	seq.s32 s10, $0x1;
	s10 =	sld [smem:$0x3FBA]  }
0x3d: {  	_ =	shalt  }
0x3e: {  	_ =	shalt  }
0x3f: {  	_ =	shalt  }
0x40: {  	_ =	shalt  }
0x41: {  	_ =	shalt  }
0x42: {  	_ =	shalt  }
0x43: {  	_ =	shalt  }
0x44: {  	_ =	shalt  }
0x45: {  	_ =	shalt  }
0x46: {  	_ =	shalt  }
0x47: {  	_ =	shalt  }
0x48: {  	_ =	shalt  }
0x49: {  	_ =	shalt  }
0x4a: {  	_ =	shalt  }
0x4b: {  	_ =	shalt  }
0x4c: {  	_ =	shalt  }
0x4d: {  	_ =	shalt  }
0x4e: {  	_ =	shalt  }
0x4f: {  	_ =	shalt  }
0x50: {  	_ =	shalt  }
0x51: {  	_ =	shalt  }
0x52: {  	_ =	shalt  }
0x53: {  	_ =	shalt  }
0x54: {  	_ =	shalt  }
0x55: {  	_ =	shalt  }
0x56: {  	_ =	shalt  }
0x57: {  	_ =	shalt  }
0x58: {  	_ =	shalt  }
0x59: {  	_ =	shalt  }
0x5a: {  	_ =	shalt  }
0x5b: {  	_ =	shalt  }
0x5c: {  	_ =	shalt  }
0x5d: {  	_ =	shalt  }
0x5e: {  	_ =	shalt  }
0x5f: {  	_ =	shalt  }
0x60: {  	_ =	shalt  }
0x61: {  	_ =	shalt  }
0x62: {  	_ =	shalt  }
0x63: {  	_ =	shalt  }
0x64: {  	_ =	shalt  }
0x65: {  	_ =	shalt  }
0x66: {  	_ =	shalt  }
0x67: {  	_ =	shalt  }
0x68: {  	_ =	shalt  }
0x69: {  	_ =	shalt  }
0x6a: {  	_ =	shalt  }
0x6b: {  	_ =	shalt  }
0x6c: {  	_ =	shalt  }
0x6d: {  	_ =	shalt  }
0x6e: {  	_ =	shalt  }
0x6f: {  	_ =	shalt  }
0x70: {  	_ =	shalt  }
0x71: {  	_ =	shalt  }
0x72: {  	_ =	shalt  }
0x73: {  	_ =	shalt  }
0x74: {  	_ =	shalt  }
0x75: {  	_ =	shalt  }
0x76: {  	_ =	shalt  }
0x77: {  	_ =	shalt  }
0x78: {  	_ =	shalt  }
0x79: {  	_ =	shalt  }
0x7a: {  	_ =	shalt  }
0x7b: {  	_ =	shalt  }
0x7c: {  	_ =	shalt  }
0x7d: {  	_ =	shalt  }
0x7e: {  	_ =	shalt  }
0x7f: {  	_ =	shalt  }
0x80: {  	_ =	shalt  }
0x81: {  	_ =	shalt  }
0x82: {  	_ =	shalt  }
0x83: {  	_ =	shalt  }
0x84: {  	_ =	shalt  }
0x85: {  	_ =	shalt  }
0x86: {  	_ =	shalt  }
0x87: {  	_ =	shalt  }
.Lfunc_end0:
.L_simem_size_0:
called_computation.3_lowered:
.L_overlay_start_0:
0x88: {  	s2 =	sld [smem:$0x3FD9]  }
0x89: {  	s3 =	sld [smem:$0x3FFE];
	_ =	sdelay $0x1  }
0x8a: {  	s1 =	srdreg.scid  }
0x8b: {  	s0 =	sand.u32 $0x1, s1  }
0x8c: {  	s17 =	sshll.u32 s0, $0xA;
	s2 =	sadd.s32 s3, s2  }
0x8d: {  	s2 =	sadd.s32 s2, s17  }
0x8e: {  	[smem:$0x3FC6] =	sst s2  }
0x8f: {  	_ = 	snop  }
0x90: {  	s18 =	sld [smem:$0x3FC9];
	(tm) =	ssettm $0x1  }
0x91: {  	s19 =	sld [smem:$0x3FFB];
	_ =	sdelay $0x3  }
0x92: {  	_ =	strace s19  }
0x93: {  	s2 =	sld [smem:$0x3FFC];
	_ =	sdelay $0x3  }
0x94: {  	_ =	strace s2  }
0x95: {  	s2 =	sld [smem:$0x3FFD];
	_ =	sdelay $0x3  }
0x96: {  	_ =	strace s2  }
0x97: {  	_ =	strace $0x8FFFFFFF  }
0x98: {  	s20 =	sld [smem:$0x3FDB];
	_ =	sdelay $0x1  }
0x99: {  	s4 =	simm.s32 $_scs_section_size  }
0x9a: {  	s5 =	simm.s32 $_size__tile_overlayer_lowered;
	s6 =	simm.s32 $_tile_overlayer_lowered  }
0x9b: {  	s7 =	simm.s32 $0x1BFF;
	s21 =	sshll.u32 s6, $0x1;
	s4 =	sadd.s32 s4, s20  }
0x9c: {  	s22 =	simm.s32 $0x0;
	s5 =	sshll.u32 s5, $0x1;
	s6 =	sadd.s32 s21, s4  }
0x9d: {  	[timem:s22], [sflag:s7] =	dma.local [hbm:s6], s5  }
0x9e: {  	_ =	swait.ge [sflag:s7], s5  }
0x9f: {  	s5 =	ssub.s32 $0x0, s5;
	[sflag:s7] =	ssyncset.done $0x0  }
0xa0: {  	[sflag:s7] =	ssyncadd.s32 s5;
	_ =	sdelay $0x1  }
0xa1: {  	s23 =	simm.s32 $0x1B8B  }
0xa2: {  	_ =	swait.ge [sflag:s23], $0x1  }
0xa3: {  	[sflag:s23] =	ssyncset.done $0x0  }
0xa4: {  	[sflag:s23] =	ssyncadd.s32 $0xFFFFFFFF  }
0xa5: {  	s5 =	sld [smem:$0x0]  }
0xa6: {  	s6 =	sand.u32 $0xFFFFFFFE, s1  }
0xa7: {  	p0 =	sne.s32 s1, s6  }
0xa8: {  	s6 =	sshll.u32 @p0 s6, $0xE  }
0xa9: {  	s6 =	sadd.s32 @p0 $0x11B8D, s6;
	s7 =	sshll.u32 @p0 s5, $0x11  }
0xaa: {  	s6 =	sor.u32 @p0 s7, s6  }
0xab: {  	[sflag:s6] =	ssyncadd.remote.s32 @p0 $0x1;
	_ =	sdelay $0x1  }
0xac: {  	s6 =	simm.s32 @p0 $0x1B8D  }
0xad: {  	_ =	swait.eq @p0 [sflag:s6], $0x1  }
0xae: {  	[sflag:s6] =	ssyncadd.s32 @p0 $0xFFFFFFFF  }
0xaf: {  	s7 =	sshll.u32 @!p0 s1, $0xE  }
0xb0: {  	s7 =	sor.u32 @!p0 $0x4000, s7;
	s6 =	simm.s32 @!p0 $0x1B8D  }
0xb1: {  	s5 =	sshll.u32 @!p0 s5, $0x11;
	s7 =	sadd.s32 @!p0 $0x11B8D, s7;
	_ =	swait.eq @!p0 [sflag:s6], $0x1  }
0xb2: {  	s5 =	sor.u32 @!p0 s5, s7;
	[sflag:s6] =	ssyncadd.s32 @!p0 $0xFFFFFFFF  }
0xb3: {  	s25 =	simm.s32 $0x1B8E;
	s24 =	sld [smem:$0x3FFE];
	[sflag:s5] =	ssyncadd.remote.s32 @!p0 $0x1  }
0xb4: {  	s26 =	simm.s32 $execute0_lowered;
	[smem:$0x3FD2] =	sst s25  }
0xb5: {  	s6 =	sshll.u32 s26, $0x1;
	_ =	strace $0x8000004F;
	[dreg:$0x1] =	wrdreg $0xFFFFFFFF  }
0xb6: {  	s28 =	simm.s32 $_size_execute0_lowered;
	s4 =	sadd.s32 s4, s6;
	[dreg:$0x0] =	wrdreg $0x0  }
0xb7: {  	s6 =	sshll.u32 s28, $0x1;
	[dreg:$0x2] =	wrdreg s4  }
0xb8: {  	[dreg:$0x3] =	wrdreg s6  }
0xb9: {  	[dreg:$0x4] =	wrdreg $0xC0  }
0xba: {  	_ =	task [dreg:s22], $0x5FFFF  }
0xbb: {  	[dreg:$0x1] =	wrdreg $0xFFFFFFFF  }
0xbc: {  	[dreg:$0x0] =	wrdreg $0x60  }
0xbd: {  	[dreg:$0x2] =	wrdreg s18  }
0xbe: {  	[dreg:$0x3] =	wrdreg s24  }
0xbf: {  	[dreg:$0x4] =	wrdreg $0xC  }
0xc0: {  	_ =	task.clear_ibuf [dreg:s22], $0x5FFFF;
	_ =	strace $0x9000004F  }
0xc1: {  	s29 =	simm.s32 $0xC;
	_ =	strace $0x80000051  }
0xc2: {  	_ =	swait.ge [sflag:s29], $0x1  }
0xc3: {  	[sflag:s29] =	ssyncadd.s32 $0xFFFFFFFF  }
0xc4: {  	_ =	strace $0x90000051  }
0xc5: {  	_ =	sfence  }
0xc6: {  	s30 =	sld [smem:$0x0];
	_ =	sdelay $0x2  }
0xc7: {  	s31 =	sshll.u32 s1, $0xD;
	s1 =	sshrl.u32 s1, $0x2  }
0xc8: {  	s4 =	sand.u32 $0x4000, s31;
	s1 =	sadd.s32 s1, s30  }
0xc9: {  	s0 =	sor.u32 s4, s0;
	s1 =	sshll.u32 s1, $0x11  }
0xca: {  	s0 =	sor.u32 s1, s0  }
0xcb: {  	s0 =	sadd.s32 $0x8F2B, s0  }
0xcc: {  	[sflag:s0] =	ssyncadd.remote.s32 $0x1  }
0xcd: {  	_ =	sfence.sel $0xFFFF  }
0xce: {  	[dreg:$0x0] =	wrdreg $0xFFFFFFFF;
	(pc) =	sbr.abs _section_cstart, $3  }
0xcf: {  	[dreg:$0x1] =	wrdreg $0xFFFFFFFF  }
0xd0: {  	_ =	task.clear_ibuf [dreg:s22], $0x2FFFF;
	_ =	strace $0x9FFFFFFF  }
0xd1: {  	(tm) =	ssettm $0x7FFFFFFF  }
tec
execute0_lowered:
.L_overlay_start_1:
0x0: {  	(tag) =	ssettag $0x1  }
0x1: {  	s1 =	rddreg [dreg:$0x0]  }
0x2: {  	s0 =	rddreg [dreg:$0x1];
	s3 =	simm.s32 $0x0;
	s2 =	srdreg.scid  }
0x3: {  	s6 =	stileid.u32;
	s8 =	simm.s32 $0x50;
	s9 =	simm.s32 $0x1000  }
0x4: {  	s13 =	simm.s32 $0x6000;
	s16 =	simm.s32 $0xB000;
	s17 =	simm.s32 $0x1  }
0x5: {  	s18 =	simm.s32 $0x3;
	s19 =	simm.s32 $0x5;
	s20 =	simm.s32 $0x6  }
0x6: {  	s21 =	simm.s32 $0x7;
	s22 =	simm.s32 $0x8;
	s23 =	simm.s32 $0x9  }
0x7: {  	s24 =	simm.s32 $0xA;
	[smem:$0x7FF] =	sst s3;
	s2 =	sand.u32 $0x1, s2  }
0x8: {  	s4 =	sshll.u32 s6, $0xA;
	s6 =	smul.u32 $0xFA00, s6;
	s5 =	sshll.u32 s2, $0x9  }
0x9: {  	_ =	strace $0x80000050;
	s29 =	ssub.s32 $0x2, s2;
	s4 =	sor.u32 s5, s4  }
0xa: {  	s2 =	smul.u32 $0x7D00, s2;
	s30 =	sshrl.u32 s29, $0x1;
	s4 =	sadd.s32 s4, s0  }
0xb: {  	s0 =	sadd.s32 s6, s0;
	s5 =	ssub.s32 s29, s30;
	s4 =	sadd.s32 $0x2FA400, s4  }
0xc: {  	s0 =	sadd.s32 s2, s0;
	s31 =	smax.u32 s5, $0x1;
	[dreg:$0x3] =	wrdreg s4  }
0xd: {  	s25 =	simm.s32 $0x0;
	[dreg:$0x4] =	wrdreg s31;
	s6 =	sadd.s32 $0x2FEE00, s0  }
.LBB2_1:
0xe: {  	s0 =	rddreg [dreg:$0x3];
	s7 =	simm.s32 $0xB  }
0xf: {  	[tilespmem:s3], [sflag:$0xB] =	stream.linear.gather [hbm4b:s0+s3], $0xC80, $0x38;
	[tilespmem:$0xD800] =	vst v63  }
0x10: {  	_ =	swait.ge [sflag:s7], $0xC80  }
0x11: {  	[sflag:s7] =	ssyncset.done $0x0  }
0x12: {  	[sflag:s7] =	ssyncadd.s32 $0xFFFFF380  }
0x13: {  	[tilespmem:s9], [sflag:$0x1] =	stream.indirect.gather [hbm4b:s1+s8], $0x80, s3, s8, $0xb8;
	[tilespmem:$0xD800] =	vst v63  }
0x14: {  	s10 =	simm.s32 $0x80;
	s2 =	simm.s32 $0x3800  }
0x15: {  	[tilespmem:s2], [sflag:$0x2] =	stream.indirect.gather [hbm4b:s1+s8], $0x80, s10, s8, $0xb8;
	[tilespmem:$0xD800] =	vst v63  }
0x16: {  	s11 =	simm.s32 $0x100;
	p0 =	por $0x1, $0x1  }
0x17: {  	[tilespmem:s13], [sflag:$0x3] =	stream.indirect.gather [hbm4b:s1+s8], $0x80, s11, s8, $0xb8;
	[tilespmem:$0xD800] =	vst v63  }
0x18: {  	s12 =	simm.s32 $0x180;
	s14 =	simm.s32 $0x8800;
	s0 =	simm.s32 @!p0 $0xA  }
0x19: {  	[tilespmem:s14], [sflag:$0x4] =	stream.indirect.gather [hbm4b:s1+s8], $0x80, s12, s8, $0xb8;
	[tilespmem:$0xD800] =	vst v63  }
0x1a: {  	_ =	swait.ge @!p0 [sflag:s0], $0x2800  }
0x1b: {  	[sflag:s0] =	ssyncset.done @!p0 $0x0  }
0x1c: {  	s15 =	simm.s32 $0x200;
	[sflag:s0] =	ssyncadd.s32 @!p0 $0xFFFFD800  }
0x1d: {  	[tilespmem:s16], [sflag:$0x5] =	stream.indirect.gather [hbm4b:s1+s8], $0x80, s15, s8, $0xb8;
	[tilespmem:$0xD800] =	vst v63  }
0x1e: {  	_ =	swait.ge [sflag:s17], $0x2800  }
0x1f: {  	p0 =	por $0x0, $0x0;
	[sflag:s17] =	ssyncset.done $0x0  }
0x20: {  	s26 =	sadd.s32 $0xFFFFF600, s6;
	s2 =	simm.s32 @p0 $0x2;
	[sflag:s17] =	ssyncadd.s32 $0xFFFFD800  }
0x21: {  	[hbm4b:s26+s3] =	stream.linear.scatter [tilespmem:s9], [sflag:$0x6], $0x2800, $0x38;
	[tilespmem:$0xD800] =	vst v63  }
0x22: {  	_ =	swait.ge @p0 [sflag:s2], $0x2800  }
0x23: {  	s0 =	simm.s32 @p0 $0x3800;
	s10 =	sadd.s32 @p0 $0xFFFFFB00, s6;
	[sflag:s2] =	ssyncset.done @p0 $0x0  }
0x24: {  	s26 =	simm.s32 @p0 $0x0;
	[sflag:s2] =	ssyncadd.s32 @p0 $0xFFFFD800;
	s2 =	simm.s32 @!p0 $0x6  }
0x25: {  	[hbm4b:s10+s26] =	stream.linear.scatter @p0 [tilespmem:s0], [sflag:$0x7], $0x2800, $0x38;
	[tilespmem:$0xD800] =	vst v63  }
0x26: {  	_ =	swait.ge @!p0 [sflag:s2], $0x2800  }
0x27: {  	s28 =	simm.s32 @!p0 $0x1000;
	s0 =	simm.s32 @!p0 $0x280;
	[sflag:s2] =	ssyncset.done @!p0 $0x0  }
0x28: {  	s10 =	simm.s32 @!p0 $0x50;
	[sflag:s2] =	ssyncadd.s32 @!p0 $0xFFFFD800;
	s2 =	simm.s32 @!p0 $0x2  }
0x29: {  	[tilespmem:s28], [sflag:$0x1] =	stream.indirect.gather @!p0 [hbm4b:s1+s10], $0x80, s0, s10, $0xb8;
	[tilespmem:$0xD800] =	vst v63  }
0x2a: {  	_ =	swait.ge @!p0 [sflag:s2], $0x2800  }
0x2b: {  	s29 =	simm.s32 @!p0 $0x0;
	s0 =	simm.s32 @!p0 $0x3800;
	[sflag:s2] =	ssyncset.done @!p0 $0x0  }
0x2c: {  	s28 =	sadd.s32 @!p0 $0xFFFFFB00, s6;
	[sflag:s2] =	ssyncadd.s32 @!p0 $0xFFFFD800;
	s2 =	simm.s32 @!p0 $0x7  }
0x2d: {  	[hbm4b:s28+s29] =	stream.linear.scatter @!p0 [tilespmem:s0], [sflag:$0x7], $0x2800, $0x38;
	[tilespmem:$0xD800] =	vst v63  }
0x2e: {  	_ =	swait.ge @!p0 [sflag:s2], $0x2800  }
0x2f: {  	[sflag:s2] =	ssyncset.done @!p0 $0x0  }
0x30: {  	s28 =	simm.s32 @!p0 $0x300;
	[sflag:s2] =	ssyncadd.s32 @!p0 $0xFFFFD800  }
0x31: {  	[tilespmem:s0], [sflag:$0x2] =	stream.indirect.gather @!p0 [hbm4b:s1+s10], $0x80, s28, s10, $0xb8;
	[tilespmem:$0xD800] =	vst v63  }
0x32: {  	_ =	swait.ge [sflag:s18], $0x2800  }
0x33: {  	[sflag:s18] =	ssyncset.done $0x0  }
0x34: {  	s0 =	simm.s32 @p0 $0x4;
	[sflag:s18] =	ssyncadd.s32 $0xFFFFD800  }
0x35: {  	[hbm4b:s6+s3] =	stream.linear.scatter [tilespmem:s13], [sflag:$0x8], $0x2800, $0x38;
	[tilespmem:$0xD800] =	vst v63  }
0x36: {  	_ =	swait.ge @p0 [sflag:s0], $0x2800  }
0x37: {  	s2 =	sadd.s32 @p0 $0x500, s6;
	[sflag:s0] =	ssyncset.done @p0 $0x0  }
0x38: {  	s28 =	simm.s32 @p0 $0x8800;
	[sflag:s0] =	ssyncadd.s32 @p0 $0xFFFFD800;
	s0 =	simm.s32 @!p0 $0x8  }
0x39: {  	[hbm4b:s2+s26] =	stream.linear.scatter @p0 [tilespmem:s28], [sflag:$0x9], $0x2800, $0x38;
	[tilespmem:$0xD800] =	vst v63  }
0x3a: {  	_ =	swait.ge @!p0 [sflag:s0], $0x2800  }
0x3b: {  	s2 =	simm.s32 @!p0 $0x380;
	[sflag:s0] =	ssyncset.done @!p0 $0x0  }
0x3c: {  	s26 =	simm.s32 @!p0 $0x6000;
	[sflag:s0] =	ssyncadd.s32 @!p0 $0xFFFFD800;
	s0 =	simm.s32 @!p0 $0x4  }
0x3d: {  	[tilespmem:s26], [sflag:$0x3] =	stream.indirect.gather @!p0 [hbm4b:s1+s10], $0x80, s2, s10, $0xb8;
	[tilespmem:$0xD800] =	vst v63  }
0x3e: {  	_ =	swait.ge @!p0 [sflag:s0], $0x2800  }
0x3f: {  	s2 =	sadd.s32 @!p0 $0x500, s6;
	[sflag:s0] =	ssyncset.done @!p0 $0x0  }
0x40: {  	s26 =	simm.s32 @!p0 $0x8800;
	[sflag:s0] =	ssyncadd.s32 @!p0 $0xFFFFD800;
	s0 =	simm.s32 @!p0 $0x9  }
0x41: {  	[hbm4b:s2+s29] =	stream.linear.scatter @!p0 [tilespmem:s26], [sflag:$0x9], $0x2800, $0x38;
	[tilespmem:$0xD800] =	vst v63  }
0x42: {  	s30 =	sadd.s32 $0xA00, s6;
	s31 =	simm.s32 $0x1400;
	_ =	swait.ge @!p0 [sflag:s0], $0x2800  }
0x43: {  	p1 =	por $0x0, $0x0;
	s28 =	sadd.s32 $0x1900, s6;
	[sflag:s0] =	ssyncset.done @!p0 $0x0  }
0x44: {  	s29 =	simm.s32 $0xA00;
	s2 =	simm.s32 @!p0 $0x400;
	[sflag:s0] =	ssyncadd.s32 @!p0 $0xFFFFD800  }
0x45: {  	[tilespmem:s26], [sflag:$0x4] =	stream.indirect.gather @!p0 [hbm4b:s1+s10], $0x80, s2, s10, $0xb8;
	[tilespmem:$0xD800] =	vst v63  }
0x46: {  	s0 =	sadd.s32 $0x1900, s28;
	s26 =	sadd.s32 $0xA00, s28;
	_ =	swait.ge [sflag:s19], $0x2800  }
.LBB2_2:
0x47: {  	s2 =	simm.s32 @!p1 $0xA  }
0x48: {  	[sflag:s19] =	ssyncset.done $0x0;
	s11 =	smov.u32 s31;
	s31 =	sadd.s32 $0xA00, s31  }
0x49: {  	s10 =	sadd.s32 $0xA00, s0;
	p0 =	sne.s32 s31, $0x3200;
	[sflag:s19] =	ssyncadd.s32 $0xFFFFD800  }
0x4a: {  	[hbm4b:s30+s3] =	stream.linear.scatter [tilespmem:s16], [sflag:$0xA], $0x2800, $0x38;
	[tilespmem:$0xD800] =	vst v63  }
0x4b: {  	s12 =	sshra.s32 s29, $0x2;
	s30 =	smov.u32 s26;
	_ =	swait.ge @!p1 [sflag:s2], $0x2800  }
0x4c: {  	s12 =	sadd.s32 $0x200, s12;
	s26 =	smov.u32 s10;
	[sflag:s2] =	ssyncset.done @!p1 $0x0  }
0x4d: {  	[sflag:s2] =	ssyncadd.s32 @!p1 $0xFFFFD800  }
0x4e: {  	[tilespmem:s16], [sflag:$0x5] =	stream.indirect.gather [hbm4b:s1+s8], $0x80, s12, s8, $0xb8;
	[tilespmem:$0xD800] =	vst v63  }
0x4f: {  	_ =	swait.ge [sflag:s17], $0x2800  }
0x50: {  	s2 =	sadd.s32 $0xFFFFF600, s28;
	p1 =	seq.s32 s29, $0x2800;
	[sflag:s17] =	ssyncset.done $0x0  }
0x51: {  	s10 =	simm.s32 @p1 $0x2;
	s12 =	sshra.s32 @!p1 s29, $0x2;
	[sflag:s17] =	ssyncadd.s32 $0xFFFFD800  }
0x52: {  	[hbm4b:s2+s3] =	stream.linear.scatter [tilespmem:s9], [sflag:$0x6], $0x2800, $0x38;
	[tilespmem:$0xD800] =	vst v63  }
0x53: {  	s14 =	sadd.s32 @!p1 $0x280, s12;
	s2 =	simm.s32 @p1 $0x3800;
	_ =	swait.ge @p1 [sflag:s10], $0x2800  }
0x54: {  	s29 =	sadd.s32 @p1 $0xFFFFFB00, s28;
	s15 =	simm.s32 @p1 $0x0;
	[sflag:s10] =	ssyncset.done @p1 $0x0  }
0x55: {  	s4 =	simm.s32 @!p1 $0x6;
	s5 =	sadd.s32 @!p1 $0x300, s12;
	[sflag:s10] =	ssyncadd.s32 @p1 $0xFFFFD800  }
0x56: {  	[hbm4b:s29+s15] =	stream.linear.scatter @p1 [tilespmem:s2], [sflag:$0x7], $0x2800, $0x38;
	[tilespmem:$0xD800] =	vst v63  }
0x57: {  	s7 =	sadd.s32 @!p1 $0x380, s12;
	s2 =	sadd.s32 @!p1 $0x400, s12;
	_ =	swait.ge @!p1 [sflag:s4], $0x2800  }
0x58: {  	s10 =	simm.s32 @!p1 $0x50;
	s12 =	simm.s32 @!p1 $0x1000;
	[sflag:s4] =	ssyncset.done @!p1 $0x0  }
0x59: {  	s29 =	smov.u32 s11;
	[sflag:s4] =	ssyncadd.s32 @!p1 $0xFFFFD800;
	s4 =	simm.s32 @!p1 $0x2  }
0x5a: {  	[tilespmem:s12], [sflag:$0x1] =	stream.indirect.gather @!p1 [hbm4b:s1+s10], $0x80, s14, s10, $0xb8;
	[tilespmem:$0xD800] =	vst v63  }
0x5b: {  	s11 =	simm.s32 @!p1 $0x3800;
	_ =	swait.ge @!p1 [sflag:s4], $0x2800  }
0x5c: {  	s12 =	sadd.s32 @!p1 $0xFFFFFB00, s28;
	s14 =	simm.s32 @!p1 $0x0;
	[sflag:s4] =	ssyncset.done @!p1 $0x0  }
0x5d: {  	[sflag:s4] =	ssyncadd.s32 @!p1 $0xFFFFD800;
	s4 =	simm.s32 @!p1 $0x7  }
0x5e: {  	[hbm4b:s12+s14] =	stream.linear.scatter @!p1 [tilespmem:s11], [sflag:$0x7], $0x2800, $0x38;
	[tilespmem:$0xD800] =	vst v63  }
0x5f: {  	_ =	swait.ge @!p1 [sflag:s4], $0x2800  }
0x60: {  	[sflag:s4] =	ssyncset.done @!p1 $0x0  }
0x61: {  	[sflag:s4] =	ssyncadd.s32 @!p1 $0xFFFFD800  }
0x62: {  	[tilespmem:s11], [sflag:$0x2] =	stream.indirect.gather @!p1 [hbm4b:s1+s10], $0x80, s5, s10, $0xb8;
	[tilespmem:$0xD800] =	vst v63  }
0x63: {  	_ =	swait.ge [sflag:s18], $0x2800  }
0x64: {  	[sflag:s18] =	ssyncset.done $0x0  }
0x65: {  	s4 =	simm.s32 @p1 $0x4;
	[sflag:s18] =	ssyncadd.s32 $0xFFFFD800  }
0x66: {  	[hbm4b:s28+s3] =	stream.linear.scatter [tilespmem:s13], [sflag:$0x8], $0x2800, $0x38;
	[tilespmem:$0xD800] =	vst v63  }
0x67: {  	_ =	swait.ge @p1 [sflag:s4], $0x2800  }
0x68: {  	s5 =	sadd.s32 @p1 $0x500, s28;
	s11 =	simm.s32 @p1 $0x8800;
	[sflag:s4] =	ssyncset.done @p1 $0x0  }
0x69: {  	[sflag:s4] =	ssyncadd.s32 @p1 $0xFFFFD800;
	s4 =	simm.s32 @!p1 $0x8  }
0x6a: {  	[hbm4b:s5+s15] =	stream.linear.scatter @p1 [tilespmem:s11], [sflag:$0x9], $0x2800, $0x38;
	[tilespmem:$0xD800] =	vst v63  }
0x6b: {  	_ =	swait.ge @!p1 [sflag:s4], $0x2800  }
0x6c: {  	s5 =	simm.s32 @!p1 $0x6000;
	[sflag:s4] =	ssyncset.done @!p1 $0x0  }
0x6d: {  	[sflag:s4] =	ssyncadd.s32 @!p1 $0xFFFFD800;
	s4 =	simm.s32 @!p1 $0x4  }
0x6e: {  	[tilespmem:s5], [sflag:$0x3] =	stream.indirect.gather @!p1 [hbm4b:s1+s10], $0x80, s7, s10, $0xb8;
	[tilespmem:$0xD800] =	vst v63  }
0x6f: {  	_ =	swait.ge @!p1 [sflag:s4], $0x2800  }
0x70: {  	s5 =	sadd.s32 @!p1 $0x500, s28;
	s7 =	simm.s32 @!p1 $0x8800;
	[sflag:s4] =	ssyncset.done @!p1 $0x0  }
0x71: {  	s28 =	smov.u32 s0;
	[sflag:s4] =	ssyncadd.s32 @!p1 $0xFFFFD800;
	s4 =	simm.s32 @!p1 $0x9  }
0x72: {  	[hbm4b:s5+s14] =	stream.linear.scatter @!p1 [tilespmem:s7], [sflag:$0x9], $0x2800, $0x38;
	[tilespmem:$0xD800] =	vst v63  }
.Ltmp0:
0x73: {  	_ =	swait.ge @!p1 [sflag:s4], $0x2800;
	(pc) =	sbr.rel @p0 .LBB2_2-.Ltmp0, $4  }
0x74: {  	[sflag:s4] =	ssyncset.done @!p1 $0x0  }
0x75: {  	[sflag:s4] =	ssyncadd.s32 @!p1 $0xFFFFD800  }
0x76: {  	[tilespmem:s7], [sflag:$0x4] =	stream.indirect.gather @!p1 [hbm4b:s1+s10], $0x80, s2, s10, $0xb8;
	[tilespmem:$0xD800] =	vst v63  }
0x77: {  	s0 =	sadd.s32 $0x1900, s0;
	p1 =	seq.s32 s29, $0x0;
	_ =	swait.ge [sflag:s19], $0x2800  }
0x78: {  	[sflag:s19] =	ssyncset.done $0x0  }
0x79: {  	s0 =	simm.s32 @!p1 $0xA;
	[sflag:s19] =	ssyncadd.s32 $0xFFFFD800  }
0x7a: {  	[hbm4b:s30+s3] =	stream.linear.scatter [tilespmem:s16], [sflag:$0xA], $0x2800, $0x38;
	[tilespmem:$0xD800] =	vst v63  }
0x7b: {  	_ =	swait.ge @!p1 [sflag:s0], $0x2800  }
0x7c: {  	s2 =	sshra.s32 s29, $0x2;
	[sflag:s0] =	ssyncset.done @!p1 $0x0  }
0x7d: {  	s2 =	sadd.s32 $0x200, s2;
	[sflag:s0] =	ssyncadd.s32 @!p1 $0xFFFFD800  }
0x7e: {  	[tilespmem:s16], [sflag:$0x5] =	stream.indirect.gather [hbm4b:s1+s8], $0x80, s2, s8, $0xb8;
	[tilespmem:$0xD800] =	vst v63  }
0x7f: {  	_ =	swait.ge [sflag:s17], $0x2800  }
0x80: {  	p0 =	seq.s32 s29, $0x2800;
	[sflag:s17] =	ssyncset.done $0x0  }
0x81: {  	s30 =	sadd.s32 $0xFFFFF600, s28;
	s2 =	simm.s32 @p0 $0x2;
	[sflag:s17] =	ssyncadd.s32 $0xFFFFD800  }
0x82: {  	[hbm4b:s30+s3] =	stream.linear.scatter [tilespmem:s9], [sflag:$0x6], $0x2800, $0x38;
	[tilespmem:$0xD800] =	vst v63  }
0x83: {  	_ =	swait.ge @p0 [sflag:s2], $0x2800  }
0x84: {  	s4 =	sadd.s32 @p0 $0xFFFFFB00, s28;
	s5 =	simm.s32 @p0 $0x0;
	[sflag:s2] =	ssyncset.done @p0 $0x0  }
0x85: {  	s0 =	simm.s32 @p0 $0x3800;
	[sflag:s2] =	ssyncadd.s32 @p0 $0xFFFFD800;
	s2 =	simm.s32 @!p0 $0x6  }
0x86: {  	[hbm4b:s4+s5] =	stream.linear.scatter @p0 [tilespmem:s0], [sflag:$0x7], $0x2800, $0x38;
	[tilespmem:$0xD800] =	vst v63  }
0x87: {  	s7 =	simm.s32 @!p0 $0x50;
	_ =	swait.ge @!p0 [sflag:s2], $0x2800  }
0x88: {  	s10 =	simm.s32 @!p0 $0x1000;
	s0 =	sshra.s32 @!p0 s29, $0x2;
	[sflag:s2] =	ssyncset.done @!p0 $0x0  }
0x89: {  	s4 =	sadd.s32 @!p0 $0x280, s0;
	[sflag:s2] =	ssyncadd.s32 @!p0 $0xFFFFD800;
	s2 =	simm.s32 @!p0 $0x2  }
0x8a: {  	[tilespmem:s10], [sflag:$0x1] =	stream.indirect.gather @!p0 [hbm4b:s1+s7], $0x80, s4, s7, $0xb8;
	[tilespmem:$0xD800] =	vst v63  }
0x8b: {  	_ =	swait.ge @!p0 [sflag:s2], $0x2800  }
0x8c: {  	s4 =	simm.s32 @!p0 $0x3800;
	[sflag:s2] =	ssyncset.done @!p0 $0x0  }
0x8d: {  	s10 =	sadd.s32 @!p0 $0xFFFFFB00, s28;
	[sflag:s2] =	ssyncadd.s32 @!p0 $0xFFFFD800;
	s2 =	simm.s32 @!p0 $0x0  }
0x8e: {  	[hbm4b:s10+s2] =	stream.linear.scatter @!p0 [tilespmem:s4], [sflag:$0x7], $0x2800, $0x38;
	[tilespmem:$0xD800] =	vst v63  }
0x8f: {  	s10 =	simm.s32 @!p0 $0x7  }
0x90: {  	_ =	swait.ge @!p0 [sflag:s10], $0x2800  }
0x91: {  	[sflag:s10] =	ssyncset.done @!p0 $0x0  }
0x92: {  	[sflag:s10] =	ssyncadd.s32 @!p0 $0xFFFFD800;
	s10 =	sadd.s32 @!p0 $0x300, s0  }
0x93: {  	[tilespmem:s4], [sflag:$0x2] =	stream.indirect.gather @!p0 [hbm4b:s1+s7], $0x80, s10, s7, $0xb8;
	[tilespmem:$0xD800] =	vst v63  }
0x94: {  	_ =	swait.ge [sflag:s18], $0x2800  }
0x95: {  	[sflag:s18] =	ssyncset.done $0x0  }
0x96: {  	s4 =	simm.s32 @p0 $0x4;
	[sflag:s18] =	ssyncadd.s32 $0xFFFFD800  }
0x97: {  	[hbm4b:s28+s3] =	stream.linear.scatter [tilespmem:s13], [sflag:$0x8], $0x2800, $0x38;
	[tilespmem:$0xD800] =	vst v63  }
0x98: {  	_ =	swait.ge @p0 [sflag:s4], $0x2800  }
0x99: {  	[sflag:s4] =	ssyncset.done @p0 $0x0  }
0x9a: {  	s10 =	sadd.s32 @p0 $0x500, s28;
	[sflag:s4] =	ssyncadd.s32 @p0 $0xFFFFD800;
	s4 =	simm.s32 @p0 $0x8800  }
0x9b: {  	[hbm4b:s10+s5] =	stream.linear.scatter @p0 [tilespmem:s4], [sflag:$0x9], $0x2800, $0x38;
	[tilespmem:$0xD800] =	vst v63  }
0x9c: {  	s4 =	simm.s32 @!p0 $0x8  }
0x9d: {  	_ =	swait.ge @!p0 [sflag:s4], $0x2800  }
0x9e: {  	[sflag:s4] =	ssyncset.done @!p0 $0x0  }
0x9f: {  	s5 =	sadd.s32 @!p0 $0x380, s0;
	[sflag:s4] =	ssyncadd.s32 @!p0 $0xFFFFD800;
	s4 =	simm.s32 @!p0 $0x6000  }
0xa0: {  	[tilespmem:s4], [sflag:$0x3] =	stream.indirect.gather @!p0 [hbm4b:s1+s7], $0x80, s5, s7, $0xb8;
	[tilespmem:$0xD800] =	vst v63  }
0xa1: {  	s4 =	simm.s32 @!p0 $0x4  }
0xa2: {  	_ =	swait.ge @!p0 [sflag:s4], $0x2800  }
0xa3: {  	[sflag:s4] =	ssyncset.done @!p0 $0x0  }
0xa4: {  	s5 =	sadd.s32 @!p0 $0x500, s28;
	[sflag:s4] =	ssyncadd.s32 @!p0 $0xFFFFD800;
	s4 =	simm.s32 @!p0 $0x8800  }
0xa5: {  	[hbm4b:s5+s2] =	stream.linear.scatter @!p0 [tilespmem:s4], [sflag:$0x9], $0x2800, $0x38;
	[tilespmem:$0xD800] =	vst v63  }
0xa6: {  	s2 =	simm.s32 @!p0 $0x9  }
0xa7: {  	_ =	swait.ge @!p0 [sflag:s2], $0x2800  }
0xa8: {  	[sflag:s2] =	ssyncset.done @!p0 $0x0  }
0xa9: {  	s0 =	sadd.s32 @!p0 $0x400, s0;
	[sflag:s2] =	ssyncadd.s32 @!p0 $0xFFFFD800  }
0xaa: {  	[tilespmem:s4], [sflag:$0x4] =	stream.indirect.gather @!p0 [hbm4b:s1+s7], $0x80, s0, s7, $0xb8;
	[tilespmem:$0xD800] =	vst v63  }
0xab: {  	_ =	swait.ge [sflag:s19], $0x2800  }
0xac: {  	[sflag:s19] =	ssyncset.done $0x0  }
0xad: {  	[sflag:s19] =	ssyncadd.s32 $0xFFFFD800  }
0xae: {  	[hbm4b:s26+s3] =	stream.linear.scatter [tilespmem:s16], [sflag:$0xA], $0x2800, $0x38;
	[tilespmem:$0xD800] =	vst v63  }
0xaf: {  	_ =	swait.ge [sflag:s20], $0x2800  }
0xb0: {  	[sflag:s20] =	ssyncset.done $0x0  }
0xb1: {  	[sflag:s20] =	ssyncadd.s32 $0xFFFFD800  }
0xb2: {  	_ =	swait.ge [sflag:s21], $0x2800  }
0xb3: {  	[sflag:s21] =	ssyncset.done $0x0  }
0xb4: {  	[sflag:s21] =	ssyncadd.s32 $0xFFFFD800  }
0xb5: {  	_ =	swait.ge [sflag:s22], $0x2800  }
0xb6: {  	[sflag:s22] =	ssyncset.done $0x0  }
0xb7: {  	[sflag:s22] =	ssyncadd.s32 $0xFFFFD800  }
0xb8: {  	_ =	swait.ge [sflag:s23], $0x2800  }
0xb9: {  	[sflag:s23] =	ssyncset.done $0x0  }
0xba: {  	[sflag:s23] =	ssyncadd.s32 $0xFFFFD800  }
0xbb: {  	_ =	swait.ge [sflag:s24], $0x2800  }
0xbc: {  	s25 =	sadd.s32 $0x1, s25;
	s31 =	rddreg [dreg:$0x4]  }
0xbd: {  	p0 =	sne.s32 s25, s31  }
.Ltmp1:
0xbe: {  	_ = 	snop;
	(pc) =	sbr.rel @p0 .LBB2_1-.Ltmp1, $3  }
0xbf: {  	_ =	sdelay $0x1  }
0xc0: {  	[sflag:s24] =	ssyncset.done $0x0  }
0xc1: {  	[sflag:s24] =	ssyncadd.s32 $0xFFFFD800  }
0xc2: {  	_ =	sfence.sel $0x180000  }
0xc3: {  	[bflag:$0x0] =	sbarrier.arrive $0xFFFF  }
0xc4: {  	_ =	strace $0x90000050  }
0xc5: {  	s0 =	stileid.u32;
	[bflag:$0x2] =	sbarrier.arrive $0xFFFF  }
0xc6: {  	p0 =	sne.s32 s0, $0x0;
	s0 =	rddreg [dreg:$0x2]  }
0xc7: {  	s0 =	sadd.s32 @!p0 $0x100000, s0  }
0xc8: {  	[sflag:s0] =	ssyncadd.tile.s32 @!p0 $0x1;
	_ =	shalt  }
.Lfunc_end2:
_tile_overlayer_lowered:
.L_overlay_start_2:
0xc9: {  	(tag) =	ssettag $0x2  }
0xca: {  	s0 =	rddreg [dreg:$0x0];
	s2 =	stileid.u32  }
0xcb: {  	s1 =	rddreg [dreg:$0x1];
	p0 =	sne.s32 s2, $0x0  }
0xcc: {  	s3 =	rddreg [dreg:$0x2];
	[bflag:$0x3] =	sbarrier.arrive $0xFFFF;
	s2 =	simm.s32 @!p0 $0x1C0B  }
0xcd: {  	[timem:s3], [sflag:s2] =	dma.local @!p0 [hbm:s0], s1  }
0xce: {  	s0 =	simm.s32 @!p0 $0xB  }
0xcf: {  	_ =	swait.ge @!p0 [sflag:s0], s1  }
0xd0: {  	s1 =	ssub.s32 @!p0 $0x0, s1;
	[sflag:s0] =	ssyncset.done @!p0 $0x0  }
0xd1: {  	[sflag:s0] =	ssyncadd.s32 @!p0 s1  }
0xd2: {  	[bflag:$0x3] =	sbarrier.arrive $0xFFFF  }
0xd3: {  	_ =	shalt  }

// kernel: kernel.24.cloned.1.call-start
scs
__scs_entry_jumppad:
0x0: {  	(pc) =	sbr.rel $0x88, $3  }
0x1: {  	(tag) =	ssettag $0x0;
	lr =	simm.s32 $0x1  }
0x2: {  	[smem:$0x3F9F] =	sst lr;
	_ =	strace $0xD0000000  }
0x3: {  	_ = 	snop  }
0x4: {  	_ = 	snop  }
0x5: {  	_ = 	snop  }
0x6: {  	_ = 	snop  }
0x7: {  	_ = 	snop  }
__scs_overlays_trampoline_lowered:
0x8: {  	[smem:$0x3FAE] =	sst s0  }
0x9: {  	[smem:$0x3FAF] =	sst s1  }
0xa: {  	[smem:$0x3FB0] =	sst s2  }
0xb: {  	[smem:$0x3FB1] =	sst s3  }
0xc: {  	[smem:$0x3FB2] =	sst s4  }
0xd: {  	[smem:$0x3FB3] =	sst s5  }
0xe: {  	[smem:$0x3FB4] =	sst s6  }
0xf: {  	[smem:$0x3FB5] =	sst s7  }
0x10: {  	[smem:$0x3FB6] =	sst s8  }
0x11: {  	[smem:$0x3FB7] =	sst s9;
	s0 =	simm.s32 @!p0 $0x0  }
0x12: {  	s1 =	sld [smem:$0x3F9D];
	s0 =	simm.s32 @p0 $0x1  }
0x13: {  	[smem:$0x3FB8] =	sst s0;
	s0 =	simm.s32 @!p1 $0x0  }
0x14: {  	s2 =	sld [smem:$0x3F9C];
	s0 =	simm.s32 @p1 $0x1  }
0x15: {  	[smem:$0x3FB9] =	sst s0;
	s0 =	simm.s32 @!p2 $0x0  }
0x16: {  	s3 =	sld [smem:$0x3FDB];
	s0 =	simm.s32 @p2 $0x1  }
0x17: {  	s4 =	simm.s32 $0x1BF5;
	[smem:$0x3FBB] =	sst s0  }
0x18: {  	s0 =	sld [smem:$0x3F9E];
	_ =	swait.ge [sflag:s4], $0x0  }
0x19: {  	s7 =	sld [smem:$0x3F9F]  }
0x1a: {  	s8 =	sadd.s32 $0xFFFFE003, lr  }
0x1b: {  	s9 =	sadd.s32 $0xFFFFFEF7, lr;
	s5 =	simm.s32 $0xFFFFFFFF;
	p2 =	slt.u32 s8, $0xFFFFF086  }
0x1c: {  	p1 =	slt.u32 s9, $0xF7A;
	s5 =	simm.s32 @!p2 $0x0  }
0x1d: {  	s5 =	simm.s32 @p1 $0x1;
	p0 =	seq.s32 s7, s2  }
0x1e: {  	s7 =	smul.u32 @!p0 $0xF7A, s2;
	p2 =	seq.s32 @!p0 s5, $0x0  }
0x1f: {  	s9 =	smul.u32 $0xF7A, s1;
	s8 =	simm.s32 @!p0 $0x1BF5;
	p2 =	por !p2, p0  }
0x20: {  	[sflag:s8] =	ssyncset.s32 @!p0 $0xFFFFF086;
	s6 =	sadd.s32 @!p0 s3, s7;
	s7 =	simm.s32 @!p0 $0x108  }
0x21: {  	s3 =	sadd.s32 s3, s9;
	s6 =	sadd.s32 @!p0 $0x88, s6;
	s7 =	simm.s32 @p2 $0x1082  }
0x22: {  	[simem:s7], [sflag:s8] =	dma.local @!p0 [hbm:s6], $0xF7A  }
0x23: {  	s9 =	sor.u32 $0xD0000000, s2;
	s6 =	simm.s32 $0x108;
	_ =	swait.ge @!p0 [sflag:s8], $0x0  }
0x24: {  	s3 =	sadd.s32 $0x88, s3;
	s6 =	simm.s32 @!p1 $0x1082;
	[sflag:s4] =	ssyncset.s32 $0xFFFFF086  }
0x25: {  	[simem:s6], [sflag:s4] =	dma.local [hbm:s3], $0xF7A  }
0x26: {  	[smem:$0x3F9F] =	sst s1;
	(tag) =	ssettag s2;
	_ =	strace s9  }
0x27: {  	s1 =	sld [smem:$0x3FAF]  }
0x28: {  	s2 =	sld [smem:$0x3FB0]  }
0x29: {  	s4 =	sld [smem:$0x3FB2]  }
0x2a: {  	p0 =	seq.s32 s5, $0x0;
	s5 =	sld [smem:$0x3FB3]  }
0x2b: {  	s6 =	sld [smem:$0x3FB4]  }
0x2c: {  	s7 =	sld [smem:$0x3FB5]  }
0x2d: {  	s3 =	simm.s32 $0x108;
	s8 =	sld [smem:$0x3FB6]  }
0x2e: {  	s3 =	simm.s32 @!p0 $0x1082;
	s9 =	sld [smem:$0x3FB7]  }
0x2f: {  	lr =	sadd.s32 s0, s3;
	s0 =	sld [smem:$0x3FAE]  }
0x30: {  	s3 =	sld [smem:$0x3FB1]  }
0x31: {  	[smem:$0x3FBA] =	sst s10  }
0x32: {  	s10 =	sld [smem:$0x3FB8];
	_ =	sdelay $0x3  }
0x33: {  	p0 =	seq.s32 s10, $0x1;
	s10 =	sld [smem:$0x3FBA];
	_ =	sdelay $0x3  }
0x34: {  	[smem:$0x3FBA] =	sst s10  }
0x35: {  	s10 =	sld [smem:$0x3FB9];
	_ =	sdelay $0x3  }
0x36: {  	p1 =	seq.s32 s10, $0x1;
	s10 =	sld [smem:$0x3FBA];
	_ =	sdelay $0x3  }
0x37: {  	[smem:$0x3FBA] =	sst s10  }
0x38: {  	s10 =	sld [smem:$0x3FBB]  }
0x39: {  	_ = 	snop;
	(pc) =	sbr.ind lr, $3  }
0x3a: {  	_ = 	snop  }
0x3b: {  	_ = 	snop  }
0x3c: {  	p2 =	seq.s32 s10, $0x1;
	s10 =	sld [smem:$0x3FBA]  }
0x3d: {  	_ =	shalt  }
0x3e: {  	_ =	shalt  }
0x3f: {  	_ =	shalt  }
0x40: {  	_ =	shalt  }
0x41: {  	_ =	shalt  }
0x42: {  	_ =	shalt  }
0x43: {  	_ =	shalt  }
0x44: {  	_ =	shalt  }
0x45: {  	_ =	shalt  }
0x46: {  	_ =	shalt  }
0x47: {  	_ =	shalt  }
0x48: {  	_ =	shalt  }
0x49: {  	_ =	shalt  }
0x4a: {  	_ =	shalt  }
0x4b: {  	_ =	shalt  }
0x4c: {  	_ =	shalt  }
0x4d: {  	_ =	shalt  }
0x4e: {  	_ =	shalt  }
0x4f: {  	_ =	shalt  }
0x50: {  	_ =	shalt  }
0x51: {  	_ =	shalt  }
0x52: {  	_ =	shalt  }
0x53: {  	_ =	shalt  }
0x54: {  	_ =	shalt  }
0x55: {  	_ =	shalt  }
0x56: {  	_ =	shalt  }
0x57: {  	_ =	shalt  }
0x58: {  	_ =	shalt  }
0x59: {  	_ =	shalt  }
0x5a: {  	_ =	shalt  }
0x5b: {  	_ =	shalt  }
0x5c: {  	_ =	shalt  }
0x5d: {  	_ =	shalt  }
0x5e: {  	_ =	shalt  }
0x5f: {  	_ =	shalt  }
0x60: {  	_ =	shalt  }
0x61: {  	_ =	shalt  }
0x62: {  	_ =	shalt  }
0x63: {  	_ =	shalt  }
0x64: {  	_ =	shalt  }
0x65: {  	_ =	shalt  }
0x66: {  	_ =	shalt  }
0x67: {  	_ =	shalt  }
0x68: {  	_ =	shalt  }
0x69: {  	_ =	shalt  }
0x6a: {  	_ =	shalt  }
0x6b: {  	_ =	shalt  }
0x6c: {  	_ =	shalt  }
0x6d: {  	_ =	shalt  }
0x6e: {  	_ =	shalt  }
0x6f: {  	_ =	shalt  }
0x70: {  	_ =	shalt  }
0x71: {  	_ =	shalt  }
0x72: {  	_ =	shalt  }
0x73: {  	_ =	shalt  }
0x74: {  	_ =	shalt  }
0x75: {  	_ =	shalt  }
0x76: {  	_ =	shalt  }
0x77: {  	_ =	shalt  }
0x78: {  	_ =	shalt  }
0x79: {  	_ =	shalt  }
0x7a: {  	_ =	shalt  }
0x7b: {  	_ =	shalt  }
0x7c: {  	_ =	shalt  }
0x7d: {  	_ =	shalt  }
0x7e: {  	_ =	shalt  }
0x7f: {  	_ =	shalt  }
0x80: {  	_ =	shalt  }
0x81: {  	_ =	shalt  }
0x82: {  	_ =	shalt  }
0x83: {  	_ =	shalt  }
0x84: {  	_ =	shalt  }
0x85: {  	_ =	shalt  }
0x86: {  	_ =	shalt  }
0x87: {  	_ =	shalt  }
.Lfunc_end0:
.L_simem_size_0:
called_computation.4_lowered:
.L_overlay_start_0:
0x88: {  	s2 =	sld [smem:$0x3FD9]  }
0x89: {  	s3 =	sld [smem:$0x3FFE];
	_ =	sdelay $0x1  }
0x8a: {  	s1 =	srdreg.scid  }
0x8b: {  	s0 =	sand.u32 $0x1, s1  }
0x8c: {  	s17 =	sshll.u32 s0, $0xA;
	s2 =	sadd.s32 s3, s2  }
0x8d: {  	s2 =	sadd.s32 s2, s17  }
0x8e: {  	[smem:$0x3FC6] =	sst s2  }
0x8f: {  	_ = 	snop  }
0x90: {  	s18 =	sld [smem:$0x3FC9];
	(tm) =	ssettm $0x1  }
0x91: {  	s19 =	sld [smem:$0x3FFB];
	_ =	sdelay $0x3  }
0x92: {  	_ =	strace s19  }
0x93: {  	s2 =	sld [smem:$0x3FFC];
	_ =	sdelay $0x3  }
0x94: {  	_ =	strace s2  }
0x95: {  	s2 =	sld [smem:$0x3FFD];
	_ =	sdelay $0x3  }
0x96: {  	_ =	strace s2  }
0x97: {  	_ =	strace $0x8FFFFFFF  }
0x98: {  	s20 =	sld [smem:$0x3FDB];
	_ =	sdelay $0x1  }
0x99: {  	s4 =	simm.s32 $_scs_section_size  }
0x9a: {  	s5 =	simm.s32 $_size__tile_overlayer_lowered;
	s6 =	simm.s32 $_tile_overlayer_lowered  }
0x9b: {  	s7 =	simm.s32 $0x1BFF;
	s21 =	sshll.u32 s6, $0x1;
	s4 =	sadd.s32 s4, s20  }
0x9c: {  	s22 =	simm.s32 $0x0;
	s5 =	sshll.u32 s5, $0x1;
	s6 =	sadd.s32 s21, s4  }
0x9d: {  	[timem:s22], [sflag:s7] =	dma.local [hbm:s6], s5  }
0x9e: {  	_ =	swait.ge [sflag:s7], s5  }
0x9f: {  	s5 =	ssub.s32 $0x0, s5;
	[sflag:s7] =	ssyncset.done $0x0  }
0xa0: {  	[sflag:s7] =	ssyncadd.s32 s5;
	_ =	sdelay $0x1  }
0xa1: {  	s23 =	simm.s32 $0x1B8B  }
0xa2: {  	_ =	swait.ge [sflag:s23], $0x1  }
0xa3: {  	[sflag:s23] =	ssyncset.done $0x0  }
0xa4: {  	[sflag:s23] =	ssyncadd.s32 $0xFFFFFFFF  }
0xa5: {  	s5 =	sld [smem:$0x0]  }
0xa6: {  	s6 =	sand.u32 $0xFFFFFFFE, s1  }
0xa7: {  	p0 =	sne.s32 s1, s6  }
0xa8: {  	s6 =	sshll.u32 @p0 s6, $0xE  }
0xa9: {  	s6 =	sadd.s32 @p0 $0x11B8D, s6;
	s7 =	sshll.u32 @p0 s5, $0x11  }
0xaa: {  	s6 =	sor.u32 @p0 s7, s6  }
0xab: {  	[sflag:s6] =	ssyncadd.remote.s32 @p0 $0x1;
	_ =	sdelay $0x1  }
0xac: {  	s6 =	simm.s32 @p0 $0x1B8D  }
0xad: {  	_ =	swait.eq @p0 [sflag:s6], $0x1  }
0xae: {  	[sflag:s6] =	ssyncadd.s32 @p0 $0xFFFFFFFF  }
0xaf: {  	s7 =	sshll.u32 @!p0 s1, $0xE  }
0xb0: {  	s7 =	sor.u32 @!p0 $0x4000, s7;
	s6 =	simm.s32 @!p0 $0x1B8D  }
0xb1: {  	s5 =	sshll.u32 @!p0 s5, $0x11;
	s7 =	sadd.s32 @!p0 $0x11B8D, s7;
	_ =	swait.eq @!p0 [sflag:s6], $0x1  }
0xb2: {  	s5 =	sor.u32 @!p0 s5, s7;
	[sflag:s6] =	ssyncadd.s32 @!p0 $0xFFFFFFFF  }
0xb3: {  	s25 =	simm.s32 $0x1B8E;
	s24 =	sld [smem:$0x3FFE];
	[sflag:s5] =	ssyncadd.remote.s32 @!p0 $0x1  }
0xb4: {  	s26 =	simm.s32 $execute0_lowered;
	[smem:$0x3FD2] =	sst s25  }
0xb5: {  	s6 =	sshll.u32 s26, $0x1;
	_ =	strace $0x80000052;
	[dreg:$0x1] =	wrdreg $0xFFFFFFFF  }
0xb6: {  	s28 =	simm.s32 $_size_execute0_lowered;
	s4 =	sadd.s32 s4, s6;
	[dreg:$0x0] =	wrdreg $0x0  }
0xb7: {  	s6 =	sshll.u32 s28, $0x1;
	[dreg:$0x2] =	wrdreg s4  }
0xb8: {  	[dreg:$0x3] =	wrdreg s6  }
0xb9: {  	[dreg:$0x4] =	wrdreg $0xC0  }
0xba: {  	_ =	task [dreg:s22], $0x5FFFF  }
0xbb: {  	[dreg:$0x1] =	wrdreg $0xFFFFFFFF  }
0xbc: {  	[dreg:$0x0] =	wrdreg $0x60  }
0xbd: {  	[dreg:$0x2] =	wrdreg s18  }
0xbe: {  	[dreg:$0x3] =	wrdreg s24  }
0xbf: {  	[dreg:$0x4] =	wrdreg $0xD  }
0xc0: {  	_ =	task.clear_ibuf [dreg:s22], $0x5FFFF;
	_ =	strace $0x90000052  }
0xc1: {  	s29 =	simm.s32 $0xD;
	_ =	strace $0x80000054  }
0xc2: {  	_ =	swait.ge [sflag:s29], $0x1  }
0xc3: {  	[sflag:s29] =	ssyncadd.s32 $0xFFFFFFFF  }
0xc4: {  	_ =	strace $0x90000054  }
0xc5: {  	_ =	sfence  }
0xc6: {  	s30 =	sld [smem:$0x0];
	_ =	sdelay $0x2  }
0xc7: {  	s31 =	sshll.u32 s1, $0xD;
	s1 =	sshrl.u32 s1, $0x2  }
0xc8: {  	s4 =	sand.u32 $0x4000, s31;
	s1 =	sadd.s32 s1, s30  }
0xc9: {  	s0 =	sor.u32 s4, s0;
	s1 =	sshll.u32 s1, $0x11  }
0xca: {  	s0 =	sor.u32 s1, s0  }
0xcb: {  	s0 =	sadd.s32 $0x8F2B, s0  }
0xcc: {  	[sflag:s0] =	ssyncadd.remote.s32 $0x1  }
0xcd: {  	_ =	sfence.sel $0xFFFF  }
0xce: {  	[dreg:$0x0] =	wrdreg $0xFFFFFFFF;
	(pc) =	sbr.abs _section_cstart, $3  }
0xcf: {  	[dreg:$0x1] =	wrdreg $0xFFFFFFFF  }
0xd0: {  	_ =	task.clear_ibuf [dreg:s22], $0x2FFFF;
	_ =	strace $0x9FFFFFFF  }
0xd1: {  	(tm) =	ssettm $0x7FFFFFFF  }
tec
execute0_lowered:
.L_overlay_start_1:
0x0: {  	(tag) =	ssettag $0x1  }
0x1: {  	s1 =	rddreg [dreg:$0x0]  }
0x2: {  	s0 =	rddreg [dreg:$0x1];
	s3 =	simm.s32 $0x0;
	s2 =	srdreg.scid  }
0x3: {  	s6 =	stileid.u32;
	s8 =	simm.s32 $0x50;
	s9 =	simm.s32 $0x1000  }
0x4: {  	s13 =	simm.s32 $0x6000;
	s16 =	simm.s32 $0xB000;
	s17 =	simm.s32 $0x1  }
0x5: {  	s18 =	simm.s32 $0x3;
	s19 =	simm.s32 $0x5;
	s20 =	simm.s32 $0x6  }
0x6: {  	s21 =	simm.s32 $0x7;
	s22 =	simm.s32 $0x8;
	s23 =	simm.s32 $0x9  }
0x7: {  	s24 =	simm.s32 $0xA;
	[smem:$0x7FF] =	sst s3;
	s2 =	sand.u32 $0x1, s2  }
0x8: {  	s4 =	sshll.u32 s6, $0xA;
	s6 =	smul.u32 $0xFA00, s6;
	s5 =	sshll.u32 s2, $0x9  }
0x9: {  	_ =	strace $0x80000053;
	s29 =	ssub.s32 $0x2, s2;
	s4 =	sor.u32 s5, s4  }
0xa: {  	s2 =	smul.u32 $0x7D00, s2;
	s30 =	sshrl.u32 s29, $0x1;
	s4 =	sadd.s32 s4, s0  }
0xb: {  	s0 =	sadd.s32 s6, s0;
	s5 =	ssub.s32 s29, s30;
	s4 =	sadd.s32 $0x3F8400, s4  }
0xc: {  	s0 =	sadd.s32 s2, s0;
	s31 =	smax.u32 s5, $0x1;
	[dreg:$0x3] =	wrdreg s4  }
0xd: {  	s25 =	simm.s32 $0x0;
	[dreg:$0x4] =	wrdreg s31;
	s6 =	sadd.s32 $0x3FCE00, s0  }
.LBB2_1:
0xe: {  	s0 =	rddreg [dreg:$0x3];
	s7 =	simm.s32 $0xB  }
0xf: {  	[tilespmem:s3], [sflag:$0xB] =	stream.linear.gather [hbm4b:s0+s3], $0xC80, $0x38;
	[tilespmem:$0xD800] =	vst v63  }
0x10: {  	_ =	swait.ge [sflag:s7], $0xC80  }
0x11: {  	[sflag:s7] =	ssyncset.done $0x0  }
0x12: {  	[sflag:s7] =	ssyncadd.s32 $0xFFFFF380  }
0x13: {  	[tilespmem:s9], [sflag:$0x1] =	stream.indirect.gather [hbm4b:s1+s8], $0x80, s3, s8, $0xb8;
	[tilespmem:$0xD800] =	vst v63  }
0x14: {  	s10 =	simm.s32 $0x80;
	s2 =	simm.s32 $0x3800  }
0x15: {  	[tilespmem:s2], [sflag:$0x2] =	stream.indirect.gather [hbm4b:s1+s8], $0x80, s10, s8, $0xb8;
	[tilespmem:$0xD800] =	vst v63  }
0x16: {  	s11 =	simm.s32 $0x100;
	p0 =	por $0x1, $0x1  }
0x17: {  	[tilespmem:s13], [sflag:$0x3] =	stream.indirect.gather [hbm4b:s1+s8], $0x80, s11, s8, $0xb8;
	[tilespmem:$0xD800] =	vst v63  }
0x18: {  	s12 =	simm.s32 $0x180;
	s14 =	simm.s32 $0x8800;
	s0 =	simm.s32 @!p0 $0xA  }
0x19: {  	[tilespmem:s14], [sflag:$0x4] =	stream.indirect.gather [hbm4b:s1+s8], $0x80, s12, s8, $0xb8;
	[tilespmem:$0xD800] =	vst v63  }
0x1a: {  	_ =	swait.ge @!p0 [sflag:s0], $0x2800  }
0x1b: {  	[sflag:s0] =	ssyncset.done @!p0 $0x0  }
0x1c: {  	s15 =	simm.s32 $0x200;
	[sflag:s0] =	ssyncadd.s32 @!p0 $0xFFFFD800  }
0x1d: {  	[tilespmem:s16], [sflag:$0x5] =	stream.indirect.gather [hbm4b:s1+s8], $0x80, s15, s8, $0xb8;
	[tilespmem:$0xD800] =	vst v63  }
0x1e: {  	_ =	swait.ge [sflag:s17], $0x2800  }
0x1f: {  	p0 =	por $0x0, $0x0;
	[sflag:s17] =	ssyncset.done $0x0  }
0x20: {  	s26 =	sadd.s32 $0xFFFFF600, s6;
	s2 =	simm.s32 @p0 $0x2;
	[sflag:s17] =	ssyncadd.s32 $0xFFFFD800  }
0x21: {  	[hbm4b:s26+s3] =	stream.linear.scatter [tilespmem:s9], [sflag:$0x6], $0x2800, $0x38;
	[tilespmem:$0xD800] =	vst v63  }
0x22: {  	_ =	swait.ge @p0 [sflag:s2], $0x2800  }
0x23: {  	s0 =	simm.s32 @p0 $0x3800;
	s10 =	sadd.s32 @p0 $0xFFFFFB00, s6;
	[sflag:s2] =	ssyncset.done @p0 $0x0  }
0x24: {  	s26 =	simm.s32 @p0 $0x0;
	[sflag:s2] =	ssyncadd.s32 @p0 $0xFFFFD800;
	s2 =	simm.s32 @!p0 $0x6  }
0x25: {  	[hbm4b:s10+s26] =	stream.linear.scatter @p0 [tilespmem:s0], [sflag:$0x7], $0x2800, $0x38;
	[tilespmem:$0xD800] =	vst v63  }
0x26: {  	_ =	swait.ge @!p0 [sflag:s2], $0x2800  }
0x27: {  	s28 =	simm.s32 @!p0 $0x1000;
	s0 =	simm.s32 @!p0 $0x280;
	[sflag:s2] =	ssyncset.done @!p0 $0x0  }
0x28: {  	s10 =	simm.s32 @!p0 $0x50;
	[sflag:s2] =	ssyncadd.s32 @!p0 $0xFFFFD800;
	s2 =	simm.s32 @!p0 $0x2  }
0x29: {  	[tilespmem:s28], [sflag:$0x1] =	stream.indirect.gather @!p0 [hbm4b:s1+s10], $0x80, s0, s10, $0xb8;
	[tilespmem:$0xD800] =	vst v63  }
0x2a: {  	_ =	swait.ge @!p0 [sflag:s2], $0x2800  }
0x2b: {  	s29 =	simm.s32 @!p0 $0x0;
	s0 =	simm.s32 @!p0 $0x3800;
	[sflag:s2] =	ssyncset.done @!p0 $0x0  }
0x2c: {  	s28 =	sadd.s32 @!p0 $0xFFFFFB00, s6;
	[sflag:s2] =	ssyncadd.s32 @!p0 $0xFFFFD800;
	s2 =	simm.s32 @!p0 $0x7  }
0x2d: {  	[hbm4b:s28+s29] =	stream.linear.scatter @!p0 [tilespmem:s0], [sflag:$0x7], $0x2800, $0x38;
	[tilespmem:$0xD800] =	vst v63  }
0x2e: {  	_ =	swait.ge @!p0 [sflag:s2], $0x2800  }
0x2f: {  	[sflag:s2] =	ssyncset.done @!p0 $0x0  }
0x30: {  	s28 =	simm.s32 @!p0 $0x300;
	[sflag:s2] =	ssyncadd.s32 @!p0 $0xFFFFD800  }
0x31: {  	[tilespmem:s0], [sflag:$0x2] =	stream.indirect.gather @!p0 [hbm4b:s1+s10], $0x80, s28, s10, $0xb8;
	[tilespmem:$0xD800] =	vst v63  }
0x32: {  	_ =	swait.ge [sflag:s18], $0x2800  }
0x33: {  	[sflag:s18] =	ssyncset.done $0x0  }
0x34: {  	s0 =	simm.s32 @p0 $0x4;
	[sflag:s18] =	ssyncadd.s32 $0xFFFFD800  }
0x35: {  	[hbm4b:s6+s3] =	stream.linear.scatter [tilespmem:s13], [sflag:$0x8], $0x2800, $0x38;
	[tilespmem:$0xD800] =	vst v63  }
0x36: {  	_ =	swait.ge @p0 [sflag:s0], $0x2800  }
0x37: {  	s2 =	sadd.s32 @p0 $0x500, s6;
	[sflag:s0] =	ssyncset.done @p0 $0x0  }
0x38: {  	s28 =	simm.s32 @p0 $0x8800;
	[sflag:s0] =	ssyncadd.s32 @p0 $0xFFFFD800;
	s0 =	simm.s32 @!p0 $0x8  }
0x39: {  	[hbm4b:s2+s26] =	stream.linear.scatter @p0 [tilespmem:s28], [sflag:$0x9], $0x2800, $0x38;
	[tilespmem:$0xD800] =	vst v63  }
0x3a: {  	_ =	swait.ge @!p0 [sflag:s0], $0x2800  }
0x3b: {  	s2 =	simm.s32 @!p0 $0x380;
	[sflag:s0] =	ssyncset.done @!p0 $0x0  }
0x3c: {  	s26 =	simm.s32 @!p0 $0x6000;
	[sflag:s0] =	ssyncadd.s32 @!p0 $0xFFFFD800;
	s0 =	simm.s32 @!p0 $0x4  }
0x3d: {  	[tilespmem:s26], [sflag:$0x3] =	stream.indirect.gather @!p0 [hbm4b:s1+s10], $0x80, s2, s10, $0xb8;
	[tilespmem:$0xD800] =	vst v63  }
0x3e: {  	_ =	swait.ge @!p0 [sflag:s0], $0x2800  }
0x3f: {  	s2 =	sadd.s32 @!p0 $0x500, s6;
	[sflag:s0] =	ssyncset.done @!p0 $0x0  }
0x40: {  	s26 =	simm.s32 @!p0 $0x8800;
	[sflag:s0] =	ssyncadd.s32 @!p0 $0xFFFFD800;
	s0 =	simm.s32 @!p0 $0x9  }
0x41: {  	[hbm4b:s2+s29] =	stream.linear.scatter @!p0 [tilespmem:s26], [sflag:$0x9], $0x2800, $0x38;
	[tilespmem:$0xD800] =	vst v63  }
0x42: {  	s30 =	sadd.s32 $0xA00, s6;
	s31 =	simm.s32 $0x1400;
	_ =	swait.ge @!p0 [sflag:s0], $0x2800  }
0x43: {  	p1 =	por $0x0, $0x0;
	s28 =	sadd.s32 $0x1900, s6;
	[sflag:s0] =	ssyncset.done @!p0 $0x0  }
0x44: {  	s29 =	simm.s32 $0xA00;
	s2 =	simm.s32 @!p0 $0x400;
	[sflag:s0] =	ssyncadd.s32 @!p0 $0xFFFFD800  }
0x45: {  	[tilespmem:s26], [sflag:$0x4] =	stream.indirect.gather @!p0 [hbm4b:s1+s10], $0x80, s2, s10, $0xb8;
	[tilespmem:$0xD800] =	vst v63  }
0x46: {  	s0 =	sadd.s32 $0x1900, s28;
	s26 =	sadd.s32 $0xA00, s28;
	_ =	swait.ge [sflag:s19], $0x2800  }
.LBB2_2:
0x47: {  	s2 =	simm.s32 @!p1 $0xA  }
0x48: {  	[sflag:s19] =	ssyncset.done $0x0;
	s11 =	smov.u32 s31;
	s31 =	sadd.s32 $0xA00, s31  }
0x49: {  	s10 =	sadd.s32 $0xA00, s0;
	p0 =	sne.s32 s31, $0x3200;
	[sflag:s19] =	ssyncadd.s32 $0xFFFFD800  }
0x4a: {  	[hbm4b:s30+s3] =	stream.linear.scatter [tilespmem:s16], [sflag:$0xA], $0x2800, $0x38;
	[tilespmem:$0xD800] =	vst v63  }
0x4b: {  	s12 =	sshra.s32 s29, $0x2;
	s30 =	smov.u32 s26;
	_ =	swait.ge @!p1 [sflag:s2], $0x2800  }
0x4c: {  	s12 =	sadd.s32 $0x200, s12;
	s26 =	smov.u32 s10;
	[sflag:s2] =	ssyncset.done @!p1 $0x0  }
0x4d: {  	[sflag:s2] =	ssyncadd.s32 @!p1 $0xFFFFD800  }
0x4e: {  	[tilespmem:s16], [sflag:$0x5] =	stream.indirect.gather [hbm4b:s1+s8], $0x80, s12, s8, $0xb8;
	[tilespmem:$0xD800] =	vst v63  }
0x4f: {  	_ =	swait.ge [sflag:s17], $0x2800  }
0x50: {  	s2 =	sadd.s32 $0xFFFFF600, s28;
	p1 =	seq.s32 s29, $0x2800;
	[sflag:s17] =	ssyncset.done $0x0  }
0x51: {  	s10 =	simm.s32 @p1 $0x2;
	s12 =	sshra.s32 @!p1 s29, $0x2;
	[sflag:s17] =	ssyncadd.s32 $0xFFFFD800  }
0x52: {  	[hbm4b:s2+s3] =	stream.linear.scatter [tilespmem:s9], [sflag:$0x6], $0x2800, $0x38;
	[tilespmem:$0xD800] =	vst v63  }
0x53: {  	s14 =	sadd.s32 @!p1 $0x280, s12;
	s2 =	simm.s32 @p1 $0x3800;
	_ =	swait.ge @p1 [sflag:s10], $0x2800  }
0x54: {  	s29 =	sadd.s32 @p1 $0xFFFFFB00, s28;
	s15 =	simm.s32 @p1 $0x0;
	[sflag:s10] =	ssyncset.done @p1 $0x0  }
0x55: {  	s4 =	simm.s32 @!p1 $0x6;
	s5 =	sadd.s32 @!p1 $0x300, s12;
	[sflag:s10] =	ssyncadd.s32 @p1 $0xFFFFD800  }
0x56: {  	[hbm4b:s29+s15] =	stream.linear.scatter @p1 [tilespmem:s2], [sflag:$0x7], $0x2800, $0x38;
	[tilespmem:$0xD800] =	vst v63  }
0x57: {  	s7 =	sadd.s32 @!p1 $0x380, s12;
	s2 =	sadd.s32 @!p1 $0x400, s12;
	_ =	swait.ge @!p1 [sflag:s4], $0x2800  }
0x58: {  	s10 =	simm.s32 @!p1 $0x50;
	s12 =	simm.s32 @!p1 $0x1000;
	[sflag:s4] =	ssyncset.done @!p1 $0x0  }
0x59: {  	s29 =	smov.u32 s11;
	[sflag:s4] =	ssyncadd.s32 @!p1 $0xFFFFD800;
	s4 =	simm.s32 @!p1 $0x2  }
0x5a: {  	[tilespmem:s12], [sflag:$0x1] =	stream.indirect.gather @!p1 [hbm4b:s1+s10], $0x80, s14, s10, $0xb8;
	[tilespmem:$0xD800] =	vst v63  }
0x5b: {  	s11 =	simm.s32 @!p1 $0x3800;
	_ =	swait.ge @!p1 [sflag:s4], $0x2800  }
0x5c: {  	s12 =	sadd.s32 @!p1 $0xFFFFFB00, s28;
	s14 =	simm.s32 @!p1 $0x0;
	[sflag:s4] =	ssyncset.done @!p1 $0x0  }
0x5d: {  	[sflag:s4] =	ssyncadd.s32 @!p1 $0xFFFFD800;
	s4 =	simm.s32 @!p1 $0x7  }
0x5e: {  	[hbm4b:s12+s14] =	stream.linear.scatter @!p1 [tilespmem:s11], [sflag:$0x7], $0x2800, $0x38;
	[tilespmem:$0xD800] =	vst v63  }
0x5f: {  	_ =	swait.ge @!p1 [sflag:s4], $0x2800  }
0x60: {  	[sflag:s4] =	ssyncset.done @!p1 $0x0  }
0x61: {  	[sflag:s4] =	ssyncadd.s32 @!p1 $0xFFFFD800  }
0x62: {  	[tilespmem:s11], [sflag:$0x2] =	stream.indirect.gather @!p1 [hbm4b:s1+s10], $0x80, s5, s10, $0xb8;
	[tilespmem:$0xD800] =	vst v63  }
0x63: {  	_ =	swait.ge [sflag:s18], $0x2800  }
0x64: {  	[sflag:s18] =	ssyncset.done $0x0  }
0x65: {  	s4 =	simm.s32 @p1 $0x4;
	[sflag:s18] =	ssyncadd.s32 $0xFFFFD800  }
0x66: {  	[hbm4b:s28+s3] =	stream.linear.scatter [tilespmem:s13], [sflag:$0x8], $0x2800, $0x38;
	[tilespmem:$0xD800] =	vst v63  }
0x67: {  	_ =	swait.ge @p1 [sflag:s4], $0x2800  }
0x68: {  	s5 =	sadd.s32 @p1 $0x500, s28;
	s11 =	simm.s32 @p1 $0x8800;
	[sflag:s4] =	ssyncset.done @p1 $0x0  }
0x69: {  	[sflag:s4] =	ssyncadd.s32 @p1 $0xFFFFD800;
	s4 =	simm.s32 @!p1 $0x8  }
0x6a: {  	[hbm4b:s5+s15] =	stream.linear.scatter @p1 [tilespmem:s11], [sflag:$0x9], $0x2800, $0x38;
	[tilespmem:$0xD800] =	vst v63  }
0x6b: {  	_ =	swait.ge @!p1 [sflag:s4], $0x2800  }
0x6c: {  	s5 =	simm.s32 @!p1 $0x6000;
	[sflag:s4] =	ssyncset.done @!p1 $0x0  }
0x6d: {  	[sflag:s4] =	ssyncadd.s32 @!p1 $0xFFFFD800;
	s4 =	simm.s32 @!p1 $0x4  }
0x6e: {  	[tilespmem:s5], [sflag:$0x3] =	stream.indirect.gather @!p1 [hbm4b:s1+s10], $0x80, s7, s10, $0xb8;
	[tilespmem:$0xD800] =	vst v63  }
0x6f: {  	_ =	swait.ge @!p1 [sflag:s4], $0x2800  }
0x70: {  	s5 =	sadd.s32 @!p1 $0x500, s28;
	s7 =	simm.s32 @!p1 $0x8800;
	[sflag:s4] =	ssyncset.done @!p1 $0x0  }
0x71: {  	s28 =	smov.u32 s0;
	[sflag:s4] =	ssyncadd.s32 @!p1 $0xFFFFD800;
	s4 =	simm.s32 @!p1 $0x9  }
0x72: {  	[hbm4b:s5+s14] =	stream.linear.scatter @!p1 [tilespmem:s7], [sflag:$0x9], $0x2800, $0x38;
	[tilespmem:$0xD800] =	vst v63  }
.Ltmp0:
0x73: {  	_ =	swait.ge @!p1 [sflag:s4], $0x2800;
	(pc) =	sbr.rel @p0 .LBB2_2-.Ltmp0, $4  }
0x74: {  	[sflag:s4] =	ssyncset.done @!p1 $0x0  }
0x75: {  	[sflag:s4] =	ssyncadd.s32 @!p1 $0xFFFFD800  }
0x76: {  	[tilespmem:s7], [sflag:$0x4] =	stream.indirect.gather @!p1 [hbm4b:s1+s10], $0x80, s2, s10, $0xb8;
	[tilespmem:$0xD800] =	vst v63  }
0x77: {  	s0 =	sadd.s32 $0x1900, s0;
	p1 =	seq.s32 s29, $0x0;
	_ =	swait.ge [sflag:s19], $0x2800  }
0x78: {  	[sflag:s19] =	ssyncset.done $0x0  }
0x79: {  	s0 =	simm.s32 @!p1 $0xA;
	[sflag:s19] =	ssyncadd.s32 $0xFFFFD800  }
0x7a: {  	[hbm4b:s30+s3] =	stream.linear.scatter [tilespmem:s16], [sflag:$0xA], $0x2800, $0x38;
	[tilespmem:$0xD800] =	vst v63  }
0x7b: {  	_ =	swait.ge @!p1 [sflag:s0], $0x2800  }
0x7c: {  	s2 =	sshra.s32 s29, $0x2;
	[sflag:s0] =	ssyncset.done @!p1 $0x0  }
0x7d: {  	s2 =	sadd.s32 $0x200, s2;
	[sflag:s0] =	ssyncadd.s32 @!p1 $0xFFFFD800  }
0x7e: {  	[tilespmem:s16], [sflag:$0x5] =	stream.indirect.gather [hbm4b:s1+s8], $0x80, s2, s8, $0xb8;
	[tilespmem:$0xD800] =	vst v63  }
0x7f: {  	_ =	swait.ge [sflag:s17], $0x2800  }
0x80: {  	p0 =	seq.s32 s29, $0x2800;
	[sflag:s17] =	ssyncset.done $0x0  }
0x81: {  	s30 =	sadd.s32 $0xFFFFF600, s28;
	s2 =	simm.s32 @p0 $0x2;
	[sflag:s17] =	ssyncadd.s32 $0xFFFFD800  }
0x82: {  	[hbm4b:s30+s3] =	stream.linear.scatter [tilespmem:s9], [sflag:$0x6], $0x2800, $0x38;
	[tilespmem:$0xD800] =	vst v63  }
0x83: {  	_ =	swait.ge @p0 [sflag:s2], $0x2800  }
0x84: {  	s4 =	sadd.s32 @p0 $0xFFFFFB00, s28;
	s5 =	simm.s32 @p0 $0x0;
	[sflag:s2] =	ssyncset.done @p0 $0x0  }
0x85: {  	s0 =	simm.s32 @p0 $0x3800;
	[sflag:s2] =	ssyncadd.s32 @p0 $0xFFFFD800;
	s2 =	simm.s32 @!p0 $0x6  }
0x86: {  	[hbm4b:s4+s5] =	stream.linear.scatter @p0 [tilespmem:s0], [sflag:$0x7], $0x2800, $0x38;
	[tilespmem:$0xD800] =	vst v63  }
0x87: {  	s7 =	simm.s32 @!p0 $0x50;
	_ =	swait.ge @!p0 [sflag:s2], $0x2800  }
0x88: {  	s10 =	simm.s32 @!p0 $0x1000;
	s0 =	sshra.s32 @!p0 s29, $0x2;
	[sflag:s2] =	ssyncset.done @!p0 $0x0  }
0x89: {  	s4 =	sadd.s32 @!p0 $0x280, s0;
	[sflag:s2] =	ssyncadd.s32 @!p0 $0xFFFFD800;
	s2 =	simm.s32 @!p0 $0x2  }
0x8a: {  	[tilespmem:s10], [sflag:$0x1] =	stream.indirect.gather @!p0 [hbm4b:s1+s7], $0x80, s4, s7, $0xb8;
	[tilespmem:$0xD800] =	vst v63  }
0x8b: {  	_ =	swait.ge @!p0 [sflag:s2], $0x2800  }
0x8c: {  	s4 =	simm.s32 @!p0 $0x3800;
	[sflag:s2] =	ssyncset.done @!p0 $0x0  }
0x8d: {  	s10 =	sadd.s32 @!p0 $0xFFFFFB00, s28;
	[sflag:s2] =	ssyncadd.s32 @!p0 $0xFFFFD800;
	s2 =	simm.s32 @!p0 $0x0  }
0x8e: {  	[hbm4b:s10+s2] =	stream.linear.scatter @!p0 [tilespmem:s4], [sflag:$0x7], $0x2800, $0x38;
	[tilespmem:$0xD800] =	vst v63  }
0x8f: {  	s10 =	simm.s32 @!p0 $0x7  }
0x90: {  	_ =	swait.ge @!p0 [sflag:s10], $0x2800  }
0x91: {  	[sflag:s10] =	ssyncset.done @!p0 $0x0  }
0x92: {  	[sflag:s10] =	ssyncadd.s32 @!p0 $0xFFFFD800;
	s10 =	sadd.s32 @!p0 $0x300, s0  }
0x93: {  	[tilespmem:s4], [sflag:$0x2] =	stream.indirect.gather @!p0 [hbm4b:s1+s7], $0x80, s10, s7, $0xb8;
	[tilespmem:$0xD800] =	vst v63  }
0x94: {  	_ =	swait.ge [sflag:s18], $0x2800  }
0x95: {  	[sflag:s18] =	ssyncset.done $0x0  }
0x96: {  	s4 =	simm.s32 @p0 $0x4;
	[sflag:s18] =	ssyncadd.s32 $0xFFFFD800  }
0x97: {  	[hbm4b:s28+s3] =	stream.linear.scatter [tilespmem:s13], [sflag:$0x8], $0x2800, $0x38;
	[tilespmem:$0xD800] =	vst v63  }
0x98: {  	_ =	swait.ge @p0 [sflag:s4], $0x2800  }
0x99: {  	[sflag:s4] =	ssyncset.done @p0 $0x0  }
0x9a: {  	s10 =	sadd.s32 @p0 $0x500, s28;
	[sflag:s4] =	ssyncadd.s32 @p0 $0xFFFFD800;
	s4 =	simm.s32 @p0 $0x8800  }
0x9b: {  	[hbm4b:s10+s5] =	stream.linear.scatter @p0 [tilespmem:s4], [sflag:$0x9], $0x2800, $0x38;
	[tilespmem:$0xD800] =	vst v63  }
0x9c: {  	s4 =	simm.s32 @!p0 $0x8  }
0x9d: {  	_ =	swait.ge @!p0 [sflag:s4], $0x2800  }
0x9e: {  	[sflag:s4] =	ssyncset.done @!p0 $0x0  }
0x9f: {  	s5 =	sadd.s32 @!p0 $0x380, s0;
	[sflag:s4] =	ssyncadd.s32 @!p0 $0xFFFFD800;
	s4 =	simm.s32 @!p0 $0x6000  }
0xa0: {  	[tilespmem:s4], [sflag:$0x3] =	stream.indirect.gather @!p0 [hbm4b:s1+s7], $0x80, s5, s7, $0xb8;
	[tilespmem:$0xD800] =	vst v63  }
0xa1: {  	s4 =	simm.s32 @!p0 $0x4  }
0xa2: {  	_ =	swait.ge @!p0 [sflag:s4], $0x2800  }
0xa3: {  	[sflag:s4] =	ssyncset.done @!p0 $0x0  }
0xa4: {  	s5 =	sadd.s32 @!p0 $0x500, s28;
	[sflag:s4] =	ssyncadd.s32 @!p0 $0xFFFFD800;
	s4 =	simm.s32 @!p0 $0x8800  }
0xa5: {  	[hbm4b:s5+s2] =	stream.linear.scatter @!p0 [tilespmem:s4], [sflag:$0x9], $0x2800, $0x38;
	[tilespmem:$0xD800] =	vst v63  }
0xa6: {  	s2 =	simm.s32 @!p0 $0x9  }
0xa7: {  	_ =	swait.ge @!p0 [sflag:s2], $0x2800  }
0xa8: {  	[sflag:s2] =	ssyncset.done @!p0 $0x0  }
0xa9: {  	s0 =	sadd.s32 @!p0 $0x400, s0;
	[sflag:s2] =	ssyncadd.s32 @!p0 $0xFFFFD800  }
0xaa: {  	[tilespmem:s4], [sflag:$0x4] =	stream.indirect.gather @!p0 [hbm4b:s1+s7], $0x80, s0, s7, $0xb8;
	[tilespmem:$0xD800] =	vst v63  }
0xab: {  	_ =	swait.ge [sflag:s19], $0x2800  }
0xac: {  	[sflag:s19] =	ssyncset.done $0x0  }
0xad: {  	[sflag:s19] =	ssyncadd.s32 $0xFFFFD800  }
0xae: {  	[hbm4b:s26+s3] =	stream.linear.scatter [tilespmem:s16], [sflag:$0xA], $0x2800, $0x38;
	[tilespmem:$0xD800] =	vst v63  }
0xaf: {  	_ =	swait.ge [sflag:s20], $0x2800  }
0xb0: {  	[sflag:s20] =	ssyncset.done $0x0  }
0xb1: {  	[sflag:s20] =	ssyncadd.s32 $0xFFFFD800  }
0xb2: {  	_ =	swait.ge [sflag:s21], $0x2800  }
0xb3: {  	[sflag:s21] =	ssyncset.done $0x0  }
0xb4: {  	[sflag:s21] =	ssyncadd.s32 $0xFFFFD800  }
0xb5: {  	_ =	swait.ge [sflag:s22], $0x2800  }
0xb6: {  	[sflag:s22] =	ssyncset.done $0x0  }
0xb7: {  	[sflag:s22] =	ssyncadd.s32 $0xFFFFD800  }
0xb8: {  	_ =	swait.ge [sflag:s23], $0x2800  }
0xb9: {  	[sflag:s23] =	ssyncset.done $0x0  }
0xba: {  	[sflag:s23] =	ssyncadd.s32 $0xFFFFD800  }
0xbb: {  	_ =	swait.ge [sflag:s24], $0x2800  }
0xbc: {  	s25 =	sadd.s32 $0x1, s25;
	s31 =	rddreg [dreg:$0x4]  }
0xbd: {  	p0 =	sne.s32 s25, s31  }
.Ltmp1:
0xbe: {  	_ = 	snop;
	(pc) =	sbr.rel @p0 .LBB2_1-.Ltmp1, $3  }
0xbf: {  	_ =	sdelay $0x1  }
0xc0: {  	[sflag:s24] =	ssyncset.done $0x0  }
0xc1: {  	[sflag:s24] =	ssyncadd.s32 $0xFFFFD800  }
0xc2: {  	_ =	sfence.sel $0x180000  }
0xc3: {  	[bflag:$0x0] =	sbarrier.arrive $0xFFFF  }
0xc4: {  	_ =	strace $0x90000053  }
0xc5: {  	s0 =	stileid.u32;
	[bflag:$0x2] =	sbarrier.arrive $0xFFFF  }
0xc6: {  	p0 =	sne.s32 s0, $0x0;
	s0 =	rddreg [dreg:$0x2]  }
0xc7: {  	s0 =	sadd.s32 @!p0 $0x100000, s0  }
0xc8: {  	[sflag:s0] =	ssyncadd.tile.s32 @!p0 $0x1;
	_ =	shalt  }
.Lfunc_end2:
_tile_overlayer_lowered:
.L_overlay_start_2:
0xc9: {  	(tag) =	ssettag $0x2  }
0xca: {  	s0 =	rddreg [dreg:$0x0];
	s2 =	stileid.u32  }
0xcb: {  	s1 =	rddreg [dreg:$0x1];
	p0 =	sne.s32 s2, $0x0  }
0xcc: {  	s3 =	rddreg [dreg:$0x2];
	[bflag:$0x3] =	sbarrier.arrive $0xFFFF;
	s2 =	simm.s32 @!p0 $0x1C0B  }
0xcd: {  	[timem:s3], [sflag:s2] =	dma.local @!p0 [hbm:s0], s1  }
0xce: {  	s0 =	simm.s32 @!p0 $0xB  }
0xcf: {  	_ =	swait.ge @!p0 [sflag:s0], s1  }
0xd0: {  	s1 =	ssub.s32 @!p0 $0x0, s1;
	[sflag:s0] =	ssyncset.done @!p0 $0x0  }
0xd1: {  	[sflag:s0] =	ssyncadd.s32 @!p0 s1  }
0xd2: {  	[bflag:$0x3] =	sbarrier.arrive $0xFFFF  }
0xd3: {  	_ =	shalt  }

</sc_bundles>
